<compile_context>
chip_gen: v7x
topology: tpu7x:2x2x1
jax: 0.10.2.dev20260603
libtpu: 0.0.44.dev20260713+nightly
codegen_flags: <defaults>
</compile_context>

<pallas_src>
import functools

import jax
import jax.numpy as jnp
from jax import lax
from jax.experimental import pallas as pl
from jax.experimental.pallas import tpu as pltpu
from jax.experimental.pallas import tpu_sc as plsc

NC = 2
NS = 16
NW = NC * NS
CH = 128
NBUF = 4

_f32 = jnp.float32


def _agg_call(table, ei, zrows, NP, W, C0, C1):
    rows_pt = NP // NS

    @functools.partial(
        pl.kernel,
        out_type=jax.ShapeDtypeStruct((NC, NP, W), _f32),
        mesh=plsc.VectorSubcoreMesh(core_axis_name="c", subcore_axis_name="s"),
        compiler_params=pltpu.CompilerParams(use_tc_tiling_on_sc=False),
        scratch_types=[
            pltpu.VMEM((C0, CH), jnp.int32),
            pltpu.VMEM((C0, CH), jnp.int32),
            pltpu.VMEM((NBUF, CH, W), _f32),
            pltpu.VMEM_SHARED((NP, W), _f32),
            pltpu.VMEM_SHARED((NP, W), _f32),
            pltpu.SemaphoreType.DMA,
            pltpu.SemaphoreType.DMA,
            pltpu.SemaphoreType.DMA,
            pltpu.SemaphoreType.DMA,
            pltpu.SemaphoreType.DMA,
            pltpu.SemaphoreType.DMA,
            pltpu.SemaphoreType.DMA,
            pltpu.SemaphoreType.DMA,
        ],
    )
    def agg(table_h, ei_h, z_h, out_h, src_v, dst_v, rows_v, acc,
            table_s, g0, g1, g2, g3, s0, s1, s2, s3):
        gsem = (g0, g1, g2, g3)
        ssem = (s0, s1, s2, s3)
        cid = lax.axis_index("c")
        sid = lax.axis_index("s")
        row0 = sid * rows_pt
        chunk0 = jnp.where(cid == 0, sid * C0, NS * C0 + sid * C1)
        nch = jnp.where(cid == 0, C0, C1)
        pltpu.sync_copy(z_h, acc.at[pl.ds(row0, rows_pt)])
        pltpu.sync_copy(table_h.at[pl.ds(row0, rows_pt)],
                        table_s.at[pl.ds(row0, rows_pt)])
        pltpu.sync_copy(ei_h.at[0, pl.ds(chunk0, C0)], src_v)
        pltpu.sync_copy(ei_h.at[1, pl.ds(chunk0, C0)], dst_v)
        plsc.subcore_barrier()
        for b in range(2):
            pltpu.async_copy(table_s.at[src_v.at[b]], rows_v.at[b], gsem[b])

        def step(g, carry):
            for b in range(NBUF):
                c = g * NBUF + b
                pltpu.make_async_copy(
                    table_s.at[src_v.at[c]], rows_v.at[b], gsem[b]).wait()
                pltpu.async_copy(rows_v.at[b], acc.at[dst_v.at[c]], ssem[b],
                                 add=True)
                j = c + 2
                bj = (b + 2) % NBUF

                @pl.when(j < nch)
                def _fire():
                    @pl.when(j >= NBUF)
                    def _drain():
                        pltpu.make_async_copy(
                            rows_v.at[bj], acc.at[dst_v.at[j - NBUF]],
                            ssem[bj]).wait()

                    pltpu.async_copy(
                        table_s.at[src_v.at[j]], rows_v.at[bj], gsem[bj])
            return carry

        lax.fori_loop(0, nch // NBUF, step, 0)
        for b in range(NBUF):
            c = nch - NBUF + b
            pltpu.make_async_copy(
                rows_v.at[b], acc.at[dst_v.at[c]], ssem[b]).wait()
        plsc.subcore_barrier()
        pltpu.sync_copy(acc.at[pl.ds(row0, rows_pt)],
                        out_h.at[cid, pl.ds(row0, rows_pt)])

    return agg(table, ei, zrows)


def _count_call(ei, zrows, ones_rows, NP, C0, C1):
    rows_pt = NP // NS

    @functools.partial(
        pl.kernel,
        out_type=jax.ShapeDtypeStruct((NC, NP, 8), _f32),
        mesh=plsc.VectorSubcoreMesh(core_axis_name="c", subcore_axis_name="s"),
        compiler_params=pltpu.CompilerParams(use_tc_tiling_on_sc=False),
        scratch_types=[
            pltpu.VMEM((C0, CH), jnp.int32),
            pltpu.VMEM((CH, 8), _f32),
            pltpu.VMEM_SHARED((NP, 8), _f32),
            pltpu.SemaphoreType.DMA,
            pltpu.SemaphoreType.DMA,
            pltpu.SemaphoreType.DMA,
            pltpu.SemaphoreType.DMA,
        ],
    )
    def cnt(ei_h, z_h, ones_h, out_h, dst_v, ones_v, acc, s0, s1, s2, s3):
        ssem = (s0, s1, s2, s3)
        cid = lax.axis_index("c")
        sid = lax.axis_index("s")
        row0 = sid * rows_pt
        chunk0 = jnp.where(cid == 0, sid * C0, NS * C0 + sid * C1)
        nch = jnp.where(cid == 0, C0, C1)
        pltpu.sync_copy(z_h, acc.at[pl.ds(row0, rows_pt)])
        pltpu.sync_copy(ones_h, ones_v)
        pltpu.sync_copy(ei_h.at[1, pl.ds(chunk0, C0)], dst_v)
        plsc.subcore_barrier()

        def step(g, carry):
            for b in range(NBUF):
                c = g * NBUF + b

                @pl.when(c >= NBUF)
                def _drain():
                    pltpu.make_async_copy(
                        ones_v, acc.at[dst_v.at[c - NBUF]], ssem[b]).wait()

                pltpu.async_copy(ones_v, acc.at[dst_v.at[c]], ssem[b],
                                 add=True)
            return carry

        lax.fori_loop(0, nch // NBUF, step, 0)
        for b in range(NBUF):
            c = nch - NBUF + b
            pltpu.make_async_copy(ones_v, acc.at[dst_v.at[c]], ssem[b]).wait()
        plsc.subcore_barrier()
        pltpu.sync_copy(acc.at[pl.ds(row0, rows_pt)],
                        out_h.at[cid, pl.ds(row0, rows_pt)])

    return cnt(ei, zrows, ones_rows)


_TCG = 8


def _rows(bn, w):
    return pl.BlockSpec((bn, w), lambda i: (i, 0))


def _full(s0, s1):
    return pl.BlockSpec((s0, s1), lambda i: (0, 0))


def _tc0_call(x_pad, W1, NP, D, H):
    bn = NP // _TCG

    def body(xr, w1, p_o):
        p_o[...] = jnp.dot(xr[...], w1[...], preferred_element_type=_f32)

    return pl.pallas_call(
        body,
        grid=(_TCG,),
        in_specs=[_rows(bn, D), _full(D, H)],
        out_specs=_rows(bn, H),
        out_shape=jax.ShapeDtypeStruct((NP, H), _f32),
    )(x_pad, W1)


def _part(bn, w, c):
    return pl.BlockSpec((1, bn, w), lambda i, _c=c: (_c, i, 0))


def _tc1_call(ucnt, p1, NP, H):
    bn = NP // _TCG

    def body(ca, cb, p, dinv_o, v1_o):
        dinv = lax.rsqrt(ca[0, :, 0:1] + cb[0, :, 0:1] + 1.0)
        dinv_o[...] = dinv
        v1_o[...] = p[...] * dinv

    return pl.pallas_call(
        body,
        grid=(_TCG,),
        in_specs=[_part(bn, 8, 0), _part(bn, 8, 1), _rows(bn, H)],
        out_specs=(_rows(bn, 1), _rows(bn, H)),
        out_shape=(jax.ShapeDtypeStruct((NP, 1), _f32),
                   jax.ShapeDtypeStruct((NP, H), _f32)),
    )(ucnt, ucnt, p1)


def _tc2_call(dinv, u1, v1, W2, b1, NP, H):
    def body(di, u_h, v_h, w2, b, v2_h, uv, vv, ov, sem):
        pltpu.async_copy(u_h.at[0], uv.at[0], sem).wait()
        pltpu.async_copy(u_h.at[1], uv.at[1], sem).wait()
        pltpu.async_copy(v_h, vv, sem).wait()
        h = di[...] * (uv[0] + uv[1] + vv[...]) + b[...]
        ov[...] = di[...] * jnp.dot(h, w2[...], preferred_element_type=_f32)
        pltpu.async_copy(ov, v2_h, sem).wait()

    return pl.pallas_call(
        body,
        in_specs=[pl.BlockSpec((NP, 1), lambda: (0, 0)),
                  pl.BlockSpec(memory_space=pl.ANY),
                  pl.BlockSpec(memory_space=pl.ANY),
                  pl.BlockSpec((H, H), lambda: (0, 0)),
                  pl.BlockSpec((1, H), lambda: (0, 0))],
        out_specs=pl.BlockSpec(memory_space=pl.ANY),
        out_shape=jax.ShapeDtypeStruct((NP, H), _f32),
        scratch_shapes=[pltpu.VMEM((NC, NP, H), _f32),
                        pltpu.VMEM((NP, H), _f32),
                        pltpu.VMEM((NP, H), _f32),
                        pltpu.SemaphoreType.DMA],
    )(dinv, u1, v1, W2, b1)


def _tc3_call(dinv, u2, v2, w3p, w4p, b2, NP, H):
    bn = NP // _TCG

    def body(di, ua, ub, v, w3, w4, b, v3_o):
        h2 = di[...] * (ua[0] + ub[0] + v[...]) + b[...]
        r = (jnp.dot(jnp.maximum(h2, 0.0), w3[...], preferred_element_type=_f32)
             + jnp.dot(h2, w4[...], preferred_element_type=_f32))
        v3_o[...] = di[...] * r

    return pl.pallas_call(
        body,
        grid=(_TCG,),
        in_specs=[_rows(bn, 1), _part(bn, H, 0), _part(bn, H, 1),
                  _rows(bn, H), _full(H, 8), _full(H, 8), _full(1, H)],
        out_specs=_rows(bn, 8),
        out_shape=jax.ShapeDtypeStruct((NP, 8), _f32),
    )(dinv, u2, u2, v2, w3p, w4p, b2)


def _tc4_call(dinv, u3, v3, b34, NP):
    bn = NP // _TCG

    def body(di, ua, ub, v, b, mu_o, std_o):
        od = di[...] * (ua[0] + ub[0] + v[...]) + b[...]
        mu_o[...] = od[:, 0:1]
        std_o[...] = od[:, 1:2]

    return pl.pallas_call(
        body,
        grid=(_TCG,),
        in_specs=[_rows(bn, 1), _part(bn, 8, 0), _part(bn, 8, 1),
                  _rows(bn, 8), _full(1, 8)],
        out_specs=(_rows(bn, 1), _rows(bn, 1)),
        out_shape=(jax.ShapeDtypeStruct((NP, 1), _f32),
                   jax.ShapeDtypeStruct((NP, 1), _f32)),
    )(dinv, u3, u3, v3, b34)


def kernel(x, edge_index, W1, b1, W2, b2, W3, b3, W4, b4):
    N, D = x.shape
    H = W1.shape[1]
    E = edge_index.shape[1]

    NP = pl.cdiv(N + 1, CH) * CH
    T = pl.cdiv(E, NS * CH * NBUF) * NBUF

    def _split(frac):
        c0 = min(T - NBUF, max(NBUF, int(round(frac * T / NBUF)) * NBUF))
        return c0, T - c0

    C0a, C1a = _split(0.53)
    C0b, C1b = _split(0.57)
    C0c, C1c = _split(0.60)
    tail = max(C0a - C1a, C0b - C1b, C0c - C1c, 0)
    rows_flat = NS * T + tail
    rows_pt = NP // NS

    ei = jnp.pad(edge_index, ((0, 0), (0, rows_flat * CH - E)),
                 constant_values=N).reshape(2, rows_flat, CH)
    x_pad = jnp.pad(x, ((0, NP - N), (0, 0)))
    z32 = jnp.zeros((rows_pt, H), _f32)
    z8 = jnp.zeros((rows_pt, 8), _f32)
    ones8 = jnp.ones((CH, 8), _f32)
    b1r = b1.reshape(1, H)
    b2r = b2.reshape(1, H)
    w3p = jnp.pad(W3, ((0, 0), (0, 7)))
    w4p = jnp.pad(W4, ((0, 0), (1, 6)))
    b34 = jnp.pad(b3.reshape(1, 1), ((0, 0), (0, 7))) + \
        jnp.pad(b4.reshape(1, 1), ((0, 0), (1, 6)))

    p1 = _tc0_call(x_pad, W1, NP, D, H)

    ucnt = _count_call(ei, z8, ones8, NP, C0c, C1c)

    dinv, v1 = _tc1_call(ucnt, p1, NP, H)

    u1 = _agg_call(v1, ei, z32, NP, H, C0a, C1a)
    v2 = _tc2_call(dinv, u1, v1, W2, b1r, NP, H)

    u2 = _agg_call(v2, ei, z32, NP, H, C0a, C1a)
    v3 = _tc3_call(dinv, u2, v2, w3p, w4p, b2r, NP, H)

    u3 = _agg_call(v3, ei, z8, NP, 8, C0b, C1b)
    mu_f, std_f = _tc4_call(dinv, u3, v3, b34, NP)

    return (mu_f[:N], std_f[:N])

# --- scband reference (transcript-rebuilt; emitter-appended) ---
"""Pipeline reference for scband-local-pnet-54425825575435 (READ-ONLY COPY).

The authoritative reference and input builder live on the scoring server;
editing this copy changes nothing except your own understanding.
"""

import jax, jax.numpy as jnp
import numpy as np

N = 10000
E = 320000
D = 128
H = 32


def _glorot(key, shape):
    fan_in, fan_out = shape[0], shape[1]
    lim = float(np.sqrt(6.0 / (fan_in + fan_out)))
    return jax.random.uniform(key, shape, dtype=jnp.float32, minval=-lim, maxval=lim)


def setup_inputs(seed: int = 0) -> dict:
    key = jax.random.key(seed)
    ks = jax.random.split(key, 10)
    x = jax.random.normal(ks[0], (N, D), dtype=jnp.float32)
    edge_index = jax.random.randint(ks[1], (2, E), 0, N, dtype=jnp.int32)
    W1 = _glorot(ks[2], (D, H)); b1 = jnp.zeros((H,), dtype=jnp.float32)
    W2 = _glorot(ks[3], (H, H)); b2 = jnp.zeros((H,), dtype=jnp.float32)
    W3 = _glorot(ks[4], (H, 1)); b3 = jnp.zeros((1,), dtype=jnp.float32)
    W4 = _glorot(ks[5], (H, 1)); b4 = jnp.zeros((1,), dtype=jnp.float32)
    return {"x": x, "edge_index": edge_index, "W1": W1, "b1": b1, "W2": W2, "b2": b2, "W3": W3, "b3": b3, "W4": W4, "b4": b4}


def _gcn_conv(x, src, dst, W, b):
    # PyG GCNConv: add self-loops, symmetric normalization, linear transform, scatter-add aggregate
    h = x @ W
    deg = jnp.zeros((N,), dtype=jnp.float32).at[dst].add(1.0)
    deg_inv_sqrt = jax.lax.rsqrt(jnp.maximum(deg, 1e-12))
    norm = deg_inv_sqrt[src] * deg_inv_sqrt[dst]
    msg = h[src] * norm[:, None]
    out = jnp.zeros((N, W.shape[1]), dtype=jnp.float32).at[dst].add(msg)
    return out + b


def reference(x, edge_index, W1, b1, W2, b2, W3, b3, W4, b4):
    loop = jnp.arange(N, dtype=edge_index.dtype)
    src = jnp.concatenate([edge_index[0], loop])
    dst = jnp.concatenate([edge_index[1], loop])
    h = _gcn_conv(x, src, dst, W1, b1)
    h = _gcn_conv(h, src, dst, W2, b2)
    mu = jax.nn.relu(h)
    mu = _gcn_conv(mu, src, dst, W3, b3)
    std = _gcn_conv(h, src, dst, W4, b4)
    return (mu, std)

if __name__ == "__main__":
    import jax
    _d = setup_inputs()
    print(jax.jit(kernel)(*tuple(_d.values())))

</pallas_src>

<mosaic_0001>
#map = affine_map<(d0, d1) -> (0, 0)>
#map1 = affine_map<(d0, d1) -> (0, 0, 0)>
module attributes {stable_mosaic.version = 14 : i64} {
  func.func @agg(%arg0: i32, %arg1: i32, %arg2: memref<10112x8xf32, #tpu.memory_space<hbm>>, %arg3: memref<2x2592x128xi32, #tpu.memory_space<hbm>>, %arg4: memref<632x8xf32, #tpu.memory_space<hbm>>, %arg5: memref<2x10112x8xf32, #tpu.memory_space<hbm>>, %arg6: memref<92x128xi32, #tpu.memory_space<vmem>>, %arg7: memref<92x128xi32, #tpu.memory_space<vmem>>, %arg8: memref<4x128x8xf32, #tpu.memory_space<vmem>>, %arg9: memref<10112x8xf32, #tpu.memory_space<vmem_shared>>, %arg10: memref<10112x8xf32, #tpu.memory_space<vmem_shared>>, %arg11: memref<!tpu.dma_semaphore, #tpu.memory_space<semaphore_mem>>, %arg12: memref<!tpu.dma_semaphore, #tpu.memory_space<semaphore_mem>>, %arg13: memref<!tpu.dma_semaphore, #tpu.memory_space<semaphore_mem>>, %arg14: memref<!tpu.dma_semaphore, #tpu.memory_space<semaphore_mem>>, %arg15: memref<!tpu.dma_semaphore, #tpu.memory_space<semaphore_mem>>, %arg16: memref<!tpu.dma_semaphore, #tpu.memory_space<semaphore_mem>>, %arg17: memref<!tpu.dma_semaphore, #tpu.memory_space<semaphore_mem>>, %arg18: memref<!tpu.dma_semaphore, #tpu.memory_space<semaphore_mem>>) attributes {dimension_semantics = [#tpu.dimension_semantics<core_parallel>, #tpu.dimension_semantics<subcore_parallel>], iteration_bounds = array<i64: 2, 16>, scalar_prefetch = 0 : i64, scratch_operands = 13 : i64, tpu.core_type = #tpu.core_type<sc_vector_subcore>, window_params = [{transform_indices = #map}, {transform_indices = #map1}, {transform_indices = #map}, {transform_indices = #map1}]} {
    %mul3A = arith.constant 632 : i32
    %mul3A_0 = arith.muli %arg1, %mul3A : i32
    %eq3A = arith.constant 0 : i32
    %eq3A_1 = arith.cmpi eq, %arg0, %eq3A : i32
    %mul3A_2 = arith.constant 92 : i32
    %mul3A_3 = arith.muli %arg1, %mul3A_2 : i32
    %mul3A_4 = arith.constant 68 : i32
    %mul3A_5 = arith.muli %arg1, %mul3A_4 : i32
    %add3A = arith.constant 1472 : i32
    %add3A_6 = arith.addi %add3A, %mul3A_5 : i32
    %select_n3A = arith.select %eq3A_1, %mul3A_3, %add3A_6 : i32
    %eq3A_7 = arith.constant 0 : i32
    %eq3A_8 = arith.cmpi eq, %arg0, %eq3A_7 : i32
    %jit3A = arith.constant 92 : i32
    %jit3A_9 = arith.constant 68 : i32
    %select_n3A_10 = arith.select %eq3A_8, %jit3A, %jit3A_9 : i32
    "tpu.region"() ({
      %run_scoped3A_122 = tpu.sem_alloc : memref<!tpu.dma_semaphore, #tpu.memory_space<semaphore_mem>>
      %dma_start3A_123 = arith.constant 0 : i32
      %dma_start3A_124 = tpu.memref_slice %arg9[%mul3A_0, %dma_start3A_123] : memref<10112x8xf32, #tpu.memory_space<vmem_shared>> -> memref<632x8xf32, #tpu.memory_space<vmem_shared>>
      tpu.enqueue_dma source(%arg4 : memref<632x8xf32, #tpu.memory_space<hbm>>) target(%dma_start3A_124 : memref<632x8xf32, #tpu.memory_space<vmem_shared>>) target_semaphore(%run_scoped3A_122 : memref<!tpu.dma_semaphore, #tpu.memory_space<semaphore_mem>>)
      %dma_wait3A_125 = arith.constant 0 : i32
      %dma_wait3A_126 = tpu.memref_slice %arg9[%mul3A_0, %dma_wait3A_125] : memref<10112x8xf32, #tpu.memory_space<vmem_shared>> -> memref<632x8xf32, #tpu.memory_space<vmem_shared>>
      tpu.wait_dma2 semaphore(%run_scoped3A_122 : memref<!tpu.dma_semaphore, #tpu.memory_space<semaphore_mem>>) src(%arg4 : memref<632x8xf32, #tpu.memory_space<hbm>>) dst(%dma_wait3A_126 : memref<632x8xf32, #tpu.memory_space<vmem_shared>>)
      tpu.yield
    }) : () -> ()
    "tpu.region"() ({
      %run_scoped3A_122 = tpu.sem_alloc : memref<!tpu.dma_semaphore, #tpu.memory_space<semaphore_mem>>
      %dma_start3A_123 = arith.constant 0 : i32
      %dma_start3A_124 = tpu.memref_slice %arg10[%mul3A_0, %dma_start3A_123] : memref<10112x8xf32, #tpu.memory_space<vmem_shared>> -> memref<632x8xf32, #tpu.memory_space<vmem_shared>>
      %dma_start3A_125 = arith.constant 0 : i32
      %dma_start3A_126 = tpu.memref_slice %arg2[%mul3A_0, %dma_start3A_125] : memref<10112x8xf32, #tpu.memory_space<hbm>> -> memref<632x8xf32, #tpu.memory_space<hbm>>
      tpu.enqueue_dma source(%dma_start3A_126 : memref<632x8xf32, #tpu.memory_space<hbm>>) target(%dma_start3A_124 : memref<632x8xf32, #tpu.memory_space<vmem_shared>>) target_semaphore(%run_scoped3A_122 : memref<!tpu.dma_semaphore, #tpu.memory_space<semaphore_mem>>)
      %dma_wait3A_127 = arith.constant 0 : i32
      %dma_wait3A_128 = tpu.memref_slice %arg10[%mul3A_0, %dma_wait3A_127] : memref<10112x8xf32, #tpu.memory_space<vmem_shared>> -> memref<632x8xf32, #tpu.memory_space<vmem_shared>>
      %dma_wait3A_129 = arith.constant 0 : i32
      %dma_wait3A_130 = tpu.memref_slice %arg2[%mul3A_0, %dma_wait3A_129] : memref<10112x8xf32, #tpu.memory_space<hbm>> -> memref<632x8xf32, #tpu.memory_space<hbm>>
      tpu.wait_dma2 semaphore(%run_scoped3A_122 : memref<!tpu.dma_semaphore, #tpu.memory_space<semaphore_mem>>) src(%dma_wait3A_130 : memref<632x8xf32, #tpu.memory_space<hbm>>) dst(%dma_wait3A_128 : memref<632x8xf32, #tpu.memory_space<vmem_shared>>)
      tpu.yield
    }) : () -> ()
    %run_scoped3A = arith.constant 0 : i32
    "tpu.region"() ({
      %run_scoped3A_122 = tpu.sem_alloc : memref<!tpu.dma_semaphore, #tpu.memory_space<semaphore_mem>>
      %dma_start3A_123 = arith.constant 0 : i32
      %dma_start3A_124 = tpu.memref_slice %arg3[%run_scoped3A, %select_n3A, %dma_start3A_123] : memref<2x2592x128xi32, #tpu.memory_space<hbm>> -> memref<1x92x128xi32, #tpu.memory_space<hbm>>
      %dma_start3A_125 = tpu.memref_squeeze %dma_start3A_124 : memref<1x92x128xi32, #tpu.memory_space<hbm>> -> memref<92x128xi32, #tpu.memory_space<hbm>>
      %dma_start3A_126 = arith.constant 0 : i32
      %dma_start3A_127 = tpu.memref_slice %arg3[%run_scoped3A, %select_n3A, %dma_start3A_126] : memref<2x2592x128xi32, #tpu.memory_space<hbm>> -> memref<1x92x128xi32, #tpu.memory_space<hbm>>
      %dma_start3A_128 = tpu.memref_squeeze %dma_start3A_127 : memref<1x92x128xi32, #tpu.memory_space<hbm>> -> memref<92x128xi32, #tpu.memory_space<hbm>>
      tpu.enqueue_dma source(%dma_start3A_128 : memref<92x128xi32, #tpu.memory_space<hbm>>) target(%arg6 : memref<92x128xi32, #tpu.memory_space<vmem>>) target_semaphore(%run_scoped3A_122 : memref<!tpu.dma_semaphore, #tpu.memory_space<semaphore_mem>>)
      %dma_wait3A_129 = arith.constant 0 : i32
      %dma_wait3A_130 = tpu.memref_slice %arg3[%run_scoped3A, %select_n3A, %dma_wait3A_129] : memref<2x2592x128xi32, #tpu.memory_space<hbm>> -> memref<1x92x128xi32, #tpu.memory_space<hbm>>
      %dma_wait3A_131 = tpu.memref_squeeze %dma_wait3A_130 : memref<1x92x128xi32, #tpu.memory_space<hbm>> -> memref<92x128xi32, #tpu.memory_space<hbm>>
      %dma_wait3A_132 = arith.constant 0 : i32
      %dma_wait3A_133 = tpu.memref_slice %arg3[%run_scoped3A, %select_n3A, %dma_wait3A_132] : memref<2x2592x128xi32, #tpu.memory_space<hbm>> -> memref<1x92x128xi32, #tpu.memory_space<hbm>>
      %dma_wait3A_134 = tpu.memref_squeeze %dma_wait3A_133 : memref<1x92x128xi32, #tpu.memory_space<hbm>> -> memref<92x128xi32, #tpu.memory_space<hbm>>
      tpu.wait_dma2 semaphore(%run_scoped3A_122 : memref<!tpu.dma_semaphore, #tpu.memory_space<semaphore_mem>>) src(%dma_wait3A_134 : memref<92x128xi32, #tpu.memory_space<hbm>>) dst(%arg6 : memref<92x128xi32, #tpu.memory_space<vmem>>)
      tpu.yield
    }) : () -> ()
    %run_scoped3A_11 = arith.constant 1 : i32
    "tpu.region"() ({
      %run_scoped3A_122 = tpu.sem_alloc : memref<!tpu.dma_semaphore, #tpu.memory_space<semaphore_mem>>
      %dma_start3A_123 = arith.constant 0 : i32
      %dma_start3A_124 = tpu.memref_slice %arg3[%run_scoped3A_11, %select_n3A, %dma_start3A_123] : memref<2x2592x128xi32, #tpu.memory_space<hbm>> -> memref<1x92x128xi32, #tpu.memory_space<hbm>>
      %dma_start3A_125 = tpu.memref_squeeze %dma_start3A_124 : memref<1x92x128xi32, #tpu.memory_space<hbm>> -> memref<92x128xi32, #tpu.memory_space<hbm>>
      %dma_start3A_126 = arith.constant 0 : i32
      %dma_start3A_127 = tpu.memref_slice %arg3[%run_scoped3A_11, %select_n3A, %dma_start3A_126] : memref<2x2592x128xi32, #tpu.memory_space<hbm>> -> memref<1x92x128xi32, #tpu.memory_space<hbm>>
      %dma_start3A_128 = tpu.memref_squeeze %dma_start3A_127 : memref<1x92x128xi32, #tpu.memory_space<hbm>> -> memref<92x128xi32, #tpu.memory_space<hbm>>
      tpu.enqueue_dma source(%dma_start3A_128 : memref<92x128xi32, #tpu.memory_space<hbm>>) target(%arg7 : memref<92x128xi32, #tpu.memory_space<vmem>>) target_semaphore(%run_scoped3A_122 : memref<!tpu.dma_semaphore, #tpu.memory_space<semaphore_mem>>)
      %dma_wait3A_129 = arith.constant 0 : i32
      %dma_wait3A_130 = tpu.memref_slice %arg3[%run_scoped3A_11, %select_n3A, %dma_wait3A_129] : memref<2x2592x128xi32, #tpu.memory_space<hbm>> -> memref<1x92x128xi32, #tpu.memory_space<hbm>>
      %dma_wait3A_131 = tpu.memref_squeeze %dma_wait3A_130 : memref<1x92x128xi32, #tpu.memory_space<hbm>> -> memref<92x128xi32, #tpu.memory_space<hbm>>
      %dma_wait3A_132 = arith.constant 0 : i32
      %dma_wait3A_133 = tpu.memref_slice %arg3[%run_scoped3A_11, %select_n3A, %dma_wait3A_132] : memref<2x2592x128xi32, #tpu.memory_space<hbm>> -> memref<1x92x128xi32, #tpu.memory_space<hbm>>
      %dma_wait3A_134 = tpu.memref_squeeze %dma_wait3A_133 : memref<1x92x128xi32, #tpu.memory_space<hbm>> -> memref<92x128xi32, #tpu.memory_space<hbm>>
      tpu.wait_dma2 semaphore(%run_scoped3A_122 : memref<!tpu.dma_semaphore, #tpu.memory_space<semaphore_mem>>) src(%dma_wait3A_134 : memref<92x128xi32, #tpu.memory_space<hbm>>) dst(%arg7 : memref<92x128xi32, #tpu.memory_space<vmem>>)
      tpu.yield
    }) : () -> ()
    %barrier3A = arith.constant 0 : index
    tpu.barrier barrier_id(%barrier3A)
    %dma_start3A = arith.constant 0 : i32
    %dma_start3A_12 = arith.constant 0 : i32
    %dma_start3A_13 = arith.constant 0 : i32
    %dma_start3A_14 = arith.constant 0 : i32
    %dma_start3A_15 = tpu.memref_slice %arg8[%dma_start3A_12, %dma_start3A_13, %dma_start3A_14] : memref<4x128x8xf32, #tpu.memory_space<vmem>> -> memref<1x128x8xf32, #tpu.memory_space<vmem>>
    %dma_start3A_16 = tpu.memref_squeeze %dma_start3A_15 : memref<1x128x8xf32, #tpu.memory_space<vmem>> -> memref<128x8xf32, #tpu.memory_space<vmem>>
    %dma_start3A_17 = arith.constant 0 : i32
    %dma_start3A_18 = tpu.memref_slice %arg6[%dma_start3A, %dma_start3A_17] : memref<92x128xi32, #tpu.memory_space<vmem>> -> memref<1x128xi32, #tpu.memory_space<vmem>>
    %dma_start3A_19 = tpu.memref_squeeze %dma_start3A_18 : memref<1x128xi32, #tpu.memory_space<vmem>> -> memref<128xi32, #tpu.memory_space<vmem>>
    %dma_start3A_20 = arith.constant 0 : i32
    %dma_start3A_21 = arith.constant 0 : i32
    %dma_start3A_22 = tpu.memref_slice %arg10[%dma_start3A_20, %dma_start3A_21] : memref<10112x8xf32, #tpu.memory_space<vmem_shared>> -> memref<10112x8xf32, #tpu.memory_space<vmem_shared>>
    tpu.enqueue_indirect_dma source(%dma_start3A_22 : memref<10112x8xf32, #tpu.memory_space<vmem_shared>>) target(%dma_start3A_16 : memref<128x8xf32, #tpu.memory_space<vmem>>) offsets(%dma_start3A_19 : memref<128xi32, #tpu.memory_space<vmem>>) semaphore(%arg11 : memref<!tpu.dma_semaphore, #tpu.memory_space<semaphore_mem>>)
    %dma_start3A_23 = arith.constant 1 : i32
    %dma_start3A_24 = arith.constant 1 : i32
    %dma_start3A_25 = arith.constant 0 : i32
    %dma_start3A_26 = arith.constant 0 : i32
    %dma_start3A_27 = tpu.memref_slice %arg8[%dma_start3A_24, %dma_start3A_25, %dma_start3A_26] : memref<4x128x8xf32, #tpu.memory_space<vmem>> -> memref<1x128x8xf32, #tpu.memory_space<vmem>>
    %dma_start3A_28 = tpu.memref_squeeze %dma_start3A_27 : memref<1x128x8xf32, #tpu.memory_space<vmem>> -> memref<128x8xf32, #tpu.memory_space<vmem>>
    %dma_start3A_29 = arith.constant 0 : i32
    %dma_start3A_30 = tpu.memref_slice %arg6[%dma_start3A_23, %dma_start3A_29] : memref<92x128xi32, #tpu.memory_space<vmem>> -> memref<1x128xi32, #tpu.memory_space<vmem>>
    %dma_start3A_31 = tpu.memref_squeeze %dma_start3A_30 : memref<1x128xi32, #tpu.memory_space<vmem>> -> memref<128xi32, #tpu.memory_space<vmem>>
    %dma_start3A_32 = arith.constant 0 : i32
    %dma_start3A_33 = arith.constant 0 : i32
    %dma_start3A_34 = tpu.memref_slice %arg10[%dma_start3A_32, %dma_start3A_33] : memref<10112x8xf32, #tpu.memory_space<vmem_shared>> -> memref<10112x8xf32, #tpu.memory_space<vmem_shared>>
    tpu.enqueue_indirect_dma source(%dma_start3A_34 : memref<10112x8xf32, #tpu.memory_space<vmem_shared>>) target(%dma_start3A_28 : memref<128x8xf32, #tpu.memory_space<vmem>>) offsets(%dma_start3A_31 : memref<128xi32, #tpu.memory_space<vmem>>) semaphore(%arg12 : memref<!tpu.dma_semaphore, #tpu.memory_space<semaphore_mem>>)
    %jit3A_35 = arith.constant 4 : i32
    %div3A = arith.divsi %select_n3A_10, %jit3A_35 : i32
    %sign3A = arith.constant 0 : i32
    %sign3A_36 = arith.cmpi sgt, %select_n3A_10, %sign3A : i32
    %sign3A_37 = arith.extui %sign3A_36 : i1 to i32
    %sign3A_38 = arith.constant 0 : i32
    %sign3A_39 = arith.cmpi slt, %select_n3A_10, %sign3A_38 : i32
    %sign3A_40 = arith.extui %sign3A_39 : i1 to i32
    %sign3A_41 = arith.subi %sign3A_37, %sign3A_40 : i32
    %sign3A_42 = arith.constant 0 : i32
    %sign3A_43 = arith.cmpi sgt, %jit3A_35, %sign3A_42 : i32
    %sign3A_44 = arith.extui %sign3A_43 : i1 to i32
    %sign3A_45 = arith.constant 0 : i32
    %sign3A_46 = arith.cmpi slt, %jit3A_35, %sign3A_45 : i32
    %sign3A_47 = arith.extui %sign3A_46 : i1 to i32
    %sign3A_48 = arith.subi %sign3A_44, %sign3A_47 : i32
    %ne3A = arith.cmpi ne, %sign3A_41, %sign3A_48 : i32
    %rem3A = arith.remsi %select_n3A_10, %jit3A_35 : i32
    %ne3A_49 = arith.constant 0 : i32
    %ne3A_50 = arith.cmpi ne, %rem3A, %ne3A_49 : i32
    %and3A = arith.andi %ne3A, %ne3A_50 : i1
    %sub3A = arith.constant 1 : i32
    %sub3A_51 = arith.subi %div3A, %sub3A : i32
    %select_n3A_52 = arith.select %and3A, %sub3A_51, %div3A : i32
    %while3A = arith.constant 0 : i32
    %while3A_53 = arith.constant 0 : i32
    %while3A_54 = arith.subi %select_n3A_52, %while3A_53 : i32
    %while3A_55 = arith.addi %while3A_53, %while3A_54 : i32
    %while3A_56 = arith.constant 1 : i32
    %while3A_57 = arith.divsi %while3A_54, %while3A_56 : i32
    %while3A_58 = arith.muli %while3A_57, %while3A_56 : i32
    %while3A_59 = arith.addi %while3A_53, %while3A_58 : i32
    %while3A_60 = arith.constant 1 : i32
    scf.for %while3A_122 = %while3A_53 to %while3A_59 step %while3A_60  : i32 {
      %mul3A_123 = arith.constant 4 : i32
      %mul3A_124 = arith.muli %while3A_122, %mul3A_123 : i32
      %add3A_125 = arith.constant 0 : i32
      %add3A_126 = arith.addi %mul3A_124, %add3A_125 : i32
      %dma_wait3A_127 = arith.constant 0 : i32
      %dma_wait3A_128 = arith.constant 0 : i32
      %dma_wait3A_129 = arith.constant 0 : i32
      %dma_wait3A_130 = tpu.memref_slice %arg8[%dma_wait3A_127, %dma_wait3A_128, %dma_wait3A_129] : memref<4x128x8xf32, #tpu.memory_space<vmem>> -> memref<1x128x8xf32, #tpu.memory_space<vmem>>
      %dma_wait3A_131 = tpu.memref_squeeze %dma_wait3A_130 : memref<1x128x8xf32, #tpu.memory_space<vmem>> -> memref<128x8xf32, #tpu.memory_space<vmem>>
      %dma_wait3A_132 = arith.constant 0 : i32
      %dma_wait3A_133 = tpu.memref_slice %arg6[%add3A_126, %dma_wait3A_132] : memref<92x128xi32, #tpu.memory_space<vmem>> -> memref<1x128xi32, #tpu.memory_space<vmem>>
      %dma_wait3A_134 = tpu.memref_squeeze %dma_wait3A_133 : memref<1x128xi32, #tpu.memory_space<vmem>> -> memref<128xi32, #tpu.memory_space<vmem>>
      %dma_wait3A_135 = arith.constant 0 : i32
      %dma_wait3A_136 = arith.constant 0 : i32
      %dma_wait3A_137 = tpu.memref_slice %arg10[%dma_wait3A_135, %dma_wait3A_136] : memref<10112x8xf32, #tpu.memory_space<vmem_shared>> -> memref<10112x8xf32, #tpu.memory_space<vmem_shared>>
      tpu.wait_indirect_dma semaphore(%arg11 : memref<!tpu.dma_semaphore, #tpu.memory_space<semaphore_mem>>) src(%dma_wait3A_137 : memref<10112x8xf32, #tpu.memory_space<vmem_shared>>) dst(%dma_wait3A_131 : memref<128x8xf32, #tpu.memory_space<vmem>>)
      %dma_start3A_138 = arith.constant 0 : i32
      %dma_start3A_139 = arith.constant 0 : i32
      %dma_start3A_140 = arith.constant 0 : i32
      %dma_start3A_141 = tpu.memref_slice %arg8[%dma_start3A_138, %dma_start3A_139, %dma_start3A_140] : memref<4x128x8xf32, #tpu.memory_space<vmem>> -> memref<1x128x8xf32, #tpu.memory_space<vmem>>
      %dma_start3A_142 = tpu.memref_squeeze %dma_start3A_141 : memref<1x128x8xf32, #tpu.memory_space<vmem>> -> memref<128x8xf32, #tpu.memory_space<vmem>>
      %dma_start3A_143 = arith.constant 0 : i32
      %dma_start3A_144 = tpu.memref_slice %arg7[%add3A_126, %dma_start3A_143] : memref<92x128xi32, #tpu.memory_space<vmem>> -> memref<1x128xi32, #tpu.memory_space<vmem>>
      %dma_start3A_145 = tpu.memref_squeeze %dma_start3A_144 : memref<1x128xi32, #tpu.memory_space<vmem>> -> memref<128xi32, #tpu.memory_space<vmem>>
      %dma_start3A_146 = arith.constant 0 : i32
      %dma_start3A_147 = arith.constant 0 : i32
      %dma_start3A_148 = tpu.memref_slice %arg9[%dma_start3A_146, %dma_start3A_147] : memref<10112x8xf32, #tpu.memory_space<vmem_shared>> -> memref<10112x8xf32, #tpu.memory_space<vmem_shared>>
      tpu.enqueue_indirect_dma source(%dma_start3A_142 : memref<128x8xf32, #tpu.memory_space<vmem>>) target(%dma_start3A_148 : memref<10112x8xf32, #tpu.memory_space<vmem_shared>>) offsets(%dma_start3A_145 : memref<128xi32, #tpu.memory_space<vmem>>) semaphore(%arg15 : memref<!tpu.dma_semaphore, #tpu.memory_space<semaphore_mem>>) {add = true}
      %add3A_149 = arith.constant 2 : i32
      %add3A_150 = arith.addi %add3A_126, %add3A_149 : i32
      %lt3A = arith.cmpi slt, %add3A_150, %select_n3A_10 : i32
      %convert_element_type3A = arith.extui %lt3A : i1 to i32
      %cond3A = arith.constant 0 : i32
      %cond3A_151 = arith.cmpi ne, %convert_element_type3A, %cond3A : i32
      scf.if %cond3A_151 {
        %ge3A = arith.constant 4 : i32
        %ge3A_248 = arith.cmpi sge, %add3A_150, %ge3A : i32
        %convert_element_type3A_249 = arith.extui %ge3A_248 : i1 to i32
        %cond3A_250 = arith.constant 0 : i32
        %cond3A_251 = arith.cmpi ne, %convert_element_type3A_249, %cond3A_250 : i32
        scf.if %cond3A_251 {
          %sub3A_263 = arith.constant 4 : i32
          %sub3A_264 = arith.subi %add3A_150, %sub3A_263 : i32
          %dma_wait3A_265 = arith.constant 2 : i32
          %dma_wait3A_266 = arith.constant 0 : i32
          %dma_wait3A_267 = arith.constant 0 : i32
          %dma_wait3A_268 = tpu.memref_slice %arg8[%dma_wait3A_265, %dma_wait3A_266, %dma_wait3A_267] : memref<4x128x8xf32, #tpu.memory_space<vmem>> -> memref<1x128x8xf32, #tpu.memory_space<vmem>>
          %dma_wait3A_269 = tpu.memref_squeeze %dma_wait3A_268 : memref<1x128x8xf32, #tpu.memory_space<vmem>> -> memref<128x8xf32, #tpu.memory_space<vmem>>
          %dma_wait3A_270 = arith.constant 0 : i32
          %dma_wait3A_271 = tpu.memref_slice %arg7[%sub3A_264, %dma_wait3A_270] : memref<92x128xi32, #tpu.memory_space<vmem>> -> memref<1x128xi32, #tpu.memory_space<vmem>>
          %dma_wait3A_272 = tpu.memref_squeeze %dma_wait3A_271 : memref<1x128xi32, #tpu.memory_space<vmem>> -> memref<128xi32, #tpu.memory_space<vmem>>
          %dma_wait3A_273 = arith.constant 0 : i32
          %dma_wait3A_274 = arith.constant 0 : i32
          %dma_wait3A_275 = tpu.memref_slice %arg9[%dma_wait3A_273, %dma_wait3A_274] : memref<10112x8xf32, #tpu.memory_space<vmem_shared>> -> memref<10112x8xf32, #tpu.memory_space<vmem_shared>>
          tpu.wait_indirect_dma semaphore(%arg17 : memref<!tpu.dma_semaphore, #tpu.memory_space<semaphore_mem>>) src(%dma_wait3A_269 : memref<128x8xf32, #tpu.memory_space<vmem>>) dst(%dma_wait3A_275 : memref<10112x8xf32, #tpu.memory_space<vmem_shared>>)
        } else {
        }
        %dma_start3A_252 = arith.constant 2 : i32
        %dma_start3A_253 = arith.constant 0 : i32
        %dma_start3A_254 = arith.constant 0 : i32
        %dma_start3A_255 = tpu.memref_slice %arg8[%dma_start3A_252, %dma_start3A_253, %dma_start3A_254] : memref<4x128x8xf32, #tpu.memory_space<vmem>> -> memref<1x128x8xf32, #tpu.memory_space<vmem>>
        %dma_start3A_256 = tpu.memref_squeeze %dma_start3A_255 : memref<1x128x8xf32, #tpu.memory_space<vmem>> -> memref<128x8xf32, #tpu.memory_space<vmem>>
        %dma_start3A_257 = arith.constant 0 : i32
        %dma_start3A_258 = tpu.memref_slice %arg6[%add3A_150, %dma_start3A_257] : memref<92x128xi32, #tpu.memory_space<vmem>> -> memref<1x128xi32, #tpu.memory_space<vmem>>
        %dma_start3A_259 = tpu.memref_squeeze %dma_start3A_258 : memref<1x128xi32, #tpu.memory_space<vmem>> -> memref<128xi32, #tpu.memory_space<vmem>>
        %dma_start3A_260 = arith.constant 0 : i32
        %dma_start3A_261 = arith.constant 0 : i32
        %dma_start3A_262 = tpu.memref_slice %arg10[%dma_start3A_260, %dma_start3A_261] : memref<10112x8xf32, #tpu.memory_space<vmem_shared>> -> memref<10112x8xf32, #tpu.memory_space<vmem_shared>>
        tpu.enqueue_indirect_dma source(%dma_start3A_262 : memref<10112x8xf32, #tpu.memory_space<vmem_shared>>) target(%dma_start3A_256 : memref<128x8xf32, #tpu.memory_space<vmem>>) offsets(%dma_start3A_259 : memref<128xi32, #tpu.memory_space<vmem>>) semaphore(%arg13 : memref<!tpu.dma_semaphore, #tpu.memory_space<semaphore_mem>>)
      } else {
      }
      %mul3A_152 = arith.constant 4 : i32
      %mul3A_153 = arith.muli %while3A_122, %mul3A_152 : i32
      %add3A_154 = arith.constant 1 : i32
      %add3A_155 = arith.addi %mul3A_153, %add3A_154 : i32
      %dma_wait3A_156 = arith.constant 1 : i32
      %dma_wait3A_157 = arith.constant 0 : i32
      %dma_wait3A_158 = arith.constant 0 : i32
      %dma_wait3A_159 = tpu.memref_slice %arg8[%dma_wait3A_156, %dma_wait3A_157, %dma_wait3A_158] : memref<4x128x8xf32, #tpu.memory_space<vmem>> -> memref<1x128x8xf32, #tpu.memory_space<vmem>>
      %dma_wait3A_160 = tpu.memref_squeeze %dma_wait3A_159 : memref<1x128x8xf32, #tpu.memory_space<vmem>> -> memref<128x8xf32, #tpu.memory_space<vmem>>
      %dma_wait3A_161 = arith.constant 0 : i32
      %dma_wait3A_162 = tpu.memref_slice %arg6[%add3A_155, %dma_wait3A_161] : memref<92x128xi32, #tpu.memory_space<vmem>> -> memref<1x128xi32, #tpu.memory_space<vmem>>
      %dma_wait3A_163 = tpu.memref_squeeze %dma_wait3A_162 : memref<1x128xi32, #tpu.memory_space<vmem>> -> memref<128xi32, #tpu.memory_space<vmem>>
      %dma_wait3A_164 = arith.constant 0 : i32
      %dma_wait3A_165 = arith.constant 0 : i32
      %dma_wait3A_166 = tpu.memref_slice %arg10[%dma_wait3A_164, %dma_wait3A_165] : memref<10112x8xf32, #tpu.memory_space<vmem_shared>> -> memref<10112x8xf32, #tpu.memory_space<vmem_shared>>
      tpu.wait_indirect_dma semaphore(%arg12 : memref<!tpu.dma_semaphore, #tpu.memory_space<semaphore_mem>>) src(%dma_wait3A_166 : memref<10112x8xf32, #tpu.memory_space<vmem_shared>>) dst(%dma_wait3A_160 : memref<128x8xf32, #tpu.memory_space<vmem>>)
      %dma_start3A_167 = arith.constant 1 : i32
      %dma_start3A_168 = arith.constant 0 : i32
      %dma_start3A_169 = arith.constant 0 : i32
      %dma_start3A_170 = tpu.memref_slice %arg8[%dma_start3A_167, %dma_start3A_168, %dma_start3A_169] : memref<4x128x8xf32, #tpu.memory_space<vmem>> -> memref<1x128x8xf32, #tpu.memory_space<vmem>>
      %dma_start3A_171 = tpu.memref_squeeze %dma_start3A_170 : memref<1x128x8xf32, #tpu.memory_space<vmem>> -> memref<128x8xf32, #tpu.memory_space<vmem>>
      %dma_start3A_172 = arith.constant 0 : i32
      %dma_start3A_173 = tpu.memref_slice %arg7[%add3A_155, %dma_start3A_172] : memref<92x128xi32, #tpu.memory_space<vmem>> -> memref<1x128xi32, #tpu.memory_space<vmem>>
      %dma_start3A_174 = tpu.memref_squeeze %dma_start3A_173 : memref<1x128xi32, #tpu.memory_space<vmem>> -> memref<128xi32, #tpu.memory_space<vmem>>
      %dma_start3A_175 = arith.constant 0 : i32
      %dma_start3A_176 = arith.constant 0 : i32
      %dma_start3A_177 = tpu.memref_slice %arg9[%dma_start3A_175, %dma_start3A_176] : memref<10112x8xf32, #tpu.memory_space<vmem_shared>> -> memref<10112x8xf32, #tpu.memory_space<vmem_shared>>
      tpu.enqueue_indirect_dma source(%dma_start3A_171 : memref<128x8xf32, #tpu.memory_space<vmem>>) target(%dma_start3A_177 : memref<10112x8xf32, #tpu.memory_space<vmem_shared>>) offsets(%dma_start3A_174 : memref<128xi32, #tpu.memory_space<vmem>>) semaphore(%arg16 : memref<!tpu.dma_semaphore, #tpu.memory_space<semaphore_mem>>) {add = true}
      %add3A_178 = arith.constant 2 : i32
      %add3A_179 = arith.addi %add3A_155, %add3A_178 : i32
      %lt3A_180 = arith.cmpi slt, %add3A_179, %select_n3A_10 : i32
      %convert_element_type3A_181 = arith.extui %lt3A_180 : i1 to i32
      %cond3A_182 = arith.constant 0 : i32
      %cond3A_183 = arith.cmpi ne, %convert_element_type3A_181, %cond3A_182 : i32
      scf.if %cond3A_183 {
        %ge3A = arith.constant 4 : i32
        %ge3A_248 = arith.cmpi sge, %add3A_179, %ge3A : i32
        %convert_element_type3A_249 = arith.extui %ge3A_248 : i1 to i32
        %cond3A_250 = arith.constant 0 : i32
        %cond3A_251 = arith.cmpi ne, %convert_element_type3A_249, %cond3A_250 : i32
        scf.if %cond3A_251 {
          %sub3A_263 = arith.constant 4 : i32
          %sub3A_264 = arith.subi %add3A_179, %sub3A_263 : i32
          %dma_wait3A_265 = arith.constant 3 : i32
          %dma_wait3A_266 = arith.constant 0 : i32
          %dma_wait3A_267 = arith.constant 0 : i32
          %dma_wait3A_268 = tpu.memref_slice %arg8[%dma_wait3A_265, %dma_wait3A_266, %dma_wait3A_267] : memref<4x128x8xf32, #tpu.memory_space<vmem>> -> memref<1x128x8xf32, #tpu.memory_space<vmem>>
          %dma_wait3A_269 = tpu.memref_squeeze %dma_wait3A_268 : memref<1x128x8xf32, #tpu.memory_space<vmem>> -> memref<128x8xf32, #tpu.memory_space<vmem>>
          %dma_wait3A_270 = arith.constant 0 : i32
          %dma_wait3A_271 = tpu.memref_slice %arg7[%sub3A_264, %dma_wait3A_270] : memref<92x128xi32, #tpu.memory_space<vmem>> -> memref<1x128xi32, #tpu.memory_space<vmem>>
          %dma_wait3A_272 = tpu.memref_squeeze %dma_wait3A_271 : memref<1x128xi32, #tpu.memory_space<vmem>> -> memref<128xi32, #tpu.memory_space<vmem>>
          %dma_wait3A_273 = arith.constant 0 : i32
          %dma_wait3A_274 = arith.constant 0 : i32
          %dma_wait3A_275 = tpu.memref_slice %arg9[%dma_wait3A_273, %dma_wait3A_274] : memref<10112x8xf32, #tpu.memory_space<vmem_shared>> -> memref<10112x8xf32, #tpu.memory_space<vmem_shared>>
          tpu.wait_indirect_dma semaphore(%arg18 : memref<!tpu.dma_semaphore, #tpu.memory_space<semaphore_mem>>) src(%dma_wait3A_269 : memref<128x8xf32, #tpu.memory_space<vmem>>) dst(%dma_wait3A_275 : memref<10112x8xf32, #tpu.memory_space<vmem_shared>>)
        } else {
        }
        %dma_start3A_252 = arith.constant 3 : i32
        %dma_start3A_253 = arith.constant 0 : i32
        %dma_start3A_254 = arith.constant 0 : i32
        %dma_start3A_255 = tpu.memref_slice %arg8[%dma_start3A_252, %dma_start3A_253, %dma_start3A_254] : memref<4x128x8xf32, #tpu.memory_space<vmem>> -> memref<1x128x8xf32, #tpu.memory_space<vmem>>
        %dma_start3A_256 = tpu.memref_squeeze %dma_start3A_255 : memref<1x128x8xf32, #tpu.memory_space<vmem>> -> memref<128x8xf32, #tpu.memory_space<vmem>>
        %dma_start3A_257 = arith.constant 0 : i32
        %dma_start3A_258 = tpu.memref_slice %arg6[%add3A_179, %dma_start3A_257] : memref<92x128xi32, #tpu.memory_space<vmem>> -> memref<1x128xi32, #tpu.memory_space<vmem>>
        %dma_start3A_259 = tpu.memref_squeeze %dma_start3A_258 : memref<1x128xi32, #tpu.memory_space<vmem>> -> memref<128xi32, #tpu.memory_space<vmem>>
        %dma_start3A_260 = arith.constant 0 : i32
        %dma_start3A_261 = arith.constant 0 : i32
        %dma_start3A_262 = tpu.memref_slice %arg10[%dma_start3A_260, %dma_start3A_261] : memref<10112x8xf32, #tpu.memory_space<vmem_shared>> -> memref<10112x8xf32, #tpu.memory_space<vmem_shared>>
        tpu.enqueue_indirect_dma source(%dma_start3A_262 : memref<10112x8xf32, #tpu.memory_space<vmem_shared>>) target(%dma_start3A_256 : memref<128x8xf32, #tpu.memory_space<vmem>>) offsets(%dma_start3A_259 : memref<128xi32, #tpu.memory_space<vmem>>) semaphore(%arg14 : memref<!tpu.dma_semaphore, #tpu.memory_space<semaphore_mem>>)
      } else {
      }
      %mul3A_184 = arith.constant 4 : i32
      %mul3A_185 = arith.muli %while3A_122, %mul3A_184 : i32
      %add3A_186 = arith.constant 2 : i32
      %add3A_187 = arith.addi %mul3A_185, %add3A_186 : i32
      %dma_wait3A_188 = arith.constant 2 : i32
      %dma_wait3A_189 = arith.constant 0 : i32
      %dma_wait3A_190 = arith.constant 0 : i32
      %dma_wait3A_191 = tpu.memref_slice %arg8[%dma_wait3A_188, %dma_wait3A_189, %dma_wait3A_190] : memref<4x128x8xf32, #tpu.memory_space<vmem>> -> memref<1x128x8xf32, #tpu.memory_space<vmem>>
      %dma_wait3A_192 = tpu.memref_squeeze %dma_wait3A_191 : memref<1x128x8xf32, #tpu.memory_space<vmem>> -> memref<128x8xf32, #tpu.memory_space<vmem>>
      %dma_wait3A_193 = arith.constant 0 : i32
      %dma_wait3A_194 = tpu.memref_slice %arg6[%add3A_187, %dma_wait3A_193] : memref<92x128xi32, #tpu.memory_space<vmem>> -> memref<1x128xi32, #tpu.memory_space<vmem>>
      %dma_wait3A_195 = tpu.memref_squeeze %dma_wait3A_194 : memref<1x128xi32, #tpu.memory_space<vmem>> -> memref<128xi32, #tpu.memory_space<vmem>>
      %dma_wait3A_196 = arith.constant 0 : i32
      %dma_wait3A_197 = arith.constant 0 : i32
      %dma_wait3A_198 = tpu.memref_slice %arg10[%dma_wait3A_196, %dma_wait3A_197] : memref<10112x8xf32, #tpu.memory_space<vmem_shared>> -> memref<10112x8xf32, #tpu.memory_space<vmem_shared>>
      tpu.wait_indirect_dma semaphore(%arg13 : memref<!tpu.dma_semaphore, #tpu.memory_space<semaphore_mem>>) src(%dma_wait3A_198 : memref<10112x8xf32, #tpu.memory_space<vmem_shared>>) dst(%dma_wait3A_192 : memref<128x8xf32, #tpu.memory_space<vmem>>)
      %dma_start3A_199 = arith.constant 2 : i32
      %dma_start3A_200 = arith.constant 0 : i32
      %dma_start3A_201 = arith.constant 0 : i32
      %dma_start3A_202 = tpu.memref_slice %arg8[%dma_start3A_199, %dma_start3A_200, %dma_start3A_201] : memref<4x128x8xf32, #tpu.memory_space<vmem>> -> memref<1x128x8xf32, #tpu.memory_space<vmem>>
      %dma_start3A_203 = tpu.memref_squeeze %dma_start3A_202 : memref<1x128x8xf32, #tpu.memory_space<vmem>> -> memref<128x8xf32, #tpu.memory_space<vmem>>
      %dma_start3A_204 = arith.constant 0 : i32
      %dma_start3A_205 = tpu.memref_slice %arg7[%add3A_187, %dma_start3A_204] : memref<92x128xi32, #tpu.memory_space<vmem>> -> memref<1x128xi32, #tpu.memory_space<vmem>>
      %dma_start3A_206 = tpu.memref_squeeze %dma_start3A_205 : memref<1x128xi32, #tpu.memory_space<vmem>> -> memref<128xi32, #tpu.memory_space<vmem>>
      %dma_start3A_207 = arith.constant 0 : i32
      %dma_start3A_208 = arith.constant 0 : i32
      %dma_start3A_209 = tpu.memref_slice %arg9[%dma_start3A_207, %dma_start3A_208] : memref<10112x8xf32, #tpu.memory_space<vmem_shared>> -> memref<10112x8xf32, #tpu.memory_space<vmem_shared>>
      tpu.enqueue_indirect_dma source(%dma_start3A_203 : memref<128x8xf32, #tpu.memory_space<vmem>>) target(%dma_start3A_209 : memref<10112x8xf32, #tpu.memory_space<vmem_shared>>) offsets(%dma_start3A_206 : memref<128xi32, #tpu.memory_space<vmem>>) semaphore(%arg17 : memref<!tpu.dma_semaphore, #tpu.memory_space<semaphore_mem>>) {add = true}
      %add3A_210 = arith.constant 2 : i32
      %add3A_211 = arith.addi %add3A_187, %add3A_210 : i32
      %lt3A_212 = arith.cmpi slt, %add3A_211, %select_n3A_10 : i32
      %convert_element_type3A_213 = arith.extui %lt3A_212 : i1 to i32
      %cond3A_214 = arith.constant 0 : i32
      %cond3A_215 = arith.cmpi ne, %convert_element_type3A_213, %cond3A_214 : i32
      scf.if %cond3A_215 {
        %ge3A = arith.constant 4 : i32
        %ge3A_248 = arith.cmpi sge, %add3A_211, %ge3A : i32
        %convert_element_type3A_249 = arith.extui %ge3A_248 : i1 to i32
        %cond3A_250 = arith.constant 0 : i32
        %cond3A_251 = arith.cmpi ne, %convert_element_type3A_249, %cond3A_250 : i32
        scf.if %cond3A_251 {
          %sub3A_263 = arith.constant 4 : i32
          %sub3A_264 = arith.subi %add3A_211, %sub3A_263 : i32
          %dma_wait3A_265 = arith.constant 0 : i32
          %dma_wait3A_266 = arith.constant 0 : i32
          %dma_wait3A_267 = arith.constant 0 : i32
          %dma_wait3A_268 = tpu.memref_slice %arg8[%dma_wait3A_265, %dma_wait3A_266, %dma_wait3A_267] : memref<4x128x8xf32, #tpu.memory_space<vmem>> -> memref<1x128x8xf32, #tpu.memory_space<vmem>>
          %dma_wait3A_269 = tpu.memref_squeeze %dma_wait3A_268 : memref<1x128x8xf32, #tpu.memory_space<vmem>> -> memref<128x8xf32, #tpu.memory_space<vmem>>
          %dma_wait3A_270 = arith.constant 0 : i32
          %dma_wait3A_271 = tpu.memref_slice %arg7[%sub3A_264, %dma_wait3A_270] : memref<92x128xi32, #tpu.memory_space<vmem>> -> memref<1x128xi32, #tpu.memory_space<vmem>>
          %dma_wait3A_272 = tpu.memref_squeeze %dma_wait3A_271 : memref<1x128xi32, #tpu.memory_space<vmem>> -> memref<128xi32, #tpu.memory_space<vmem>>
          %dma_wait3A_273 = arith.constant 0 : i32
          %dma_wait3A_274 = arith.constant 0 : i32
          %dma_wait3A_275 = tpu.memref_slice %arg9[%dma_wait3A_273, %dma_wait3A_274] : memref<10112x8xf32, #tpu.memory_space<vmem_shared>> -> memref<10112x8xf32, #tpu.memory_space<vmem_shared>>
          tpu.wait_indirect_dma semaphore(%arg15 : memref<!tpu.dma_semaphore, #tpu.memory_space<semaphore_mem>>) src(%dma_wait3A_269 : memref<128x8xf32, #tpu.memory_space<vmem>>) dst(%dma_wait3A_275 : memref<10112x8xf32, #tpu.memory_space<vmem_shared>>)
        } else {
        }
        %dma_start3A_252 = arith.constant 0 : i32
        %dma_start3A_253 = arith.constant 0 : i32
        %dma_start3A_254 = arith.constant 0 : i32
        %dma_start3A_255 = tpu.memref_slice %arg8[%dma_start3A_252, %dma_start3A_253, %dma_start3A_254] : memref<4x128x8xf32, #tpu.memory_space<vmem>> -> memref<1x128x8xf32, #tpu.memory_space<vmem>>
        %dma_start3A_256 = tpu.memref_squeeze %dma_start3A_255 : memref<1x128x8xf32, #tpu.memory_space<vmem>> -> memref<128x8xf32, #tpu.memory_space<vmem>>
        %dma_start3A_257 = arith.constant 0 : i32
        %dma_start3A_258 = tpu.memref_slice %arg6[%add3A_211, %dma_start3A_257] : memref<92x128xi32, #tpu.memory_space<vmem>> -> memref<1x128xi32, #tpu.memory_space<vmem>>
        %dma_start3A_259 = tpu.memref_squeeze %dma_start3A_258 : memref<1x128xi32, #tpu.memory_space<vmem>> -> memref<128xi32, #tpu.memory_space<vmem>>
        %dma_start3A_260 = arith.constant 0 : i32
        %dma_start3A_261 = arith.constant 0 : i32
        %dma_start3A_262 = tpu.memref_slice %arg10[%dma_start3A_260, %dma_start3A_261] : memref<10112x8xf32, #tpu.memory_space<vmem_shared>> -> memref<10112x8xf32, #tpu.memory_space<vmem_shared>>
        tpu.enqueue_indirect_dma source(%dma_start3A_262 : memref<10112x8xf32, #tpu.memory_space<vmem_shared>>) target(%dma_start3A_256 : memref<128x8xf32, #tpu.memory_space<vmem>>) offsets(%dma_start3A_259 : memref<128xi32, #tpu.memory_space<vmem>>) semaphore(%arg11 : memref<!tpu.dma_semaphore, #tpu.memory_space<semaphore_mem>>)
      } else {
      }
      %mul3A_216 = arith.constant 4 : i32
      %mul3A_217 = arith.muli %while3A_122, %mul3A_216 : i32
      %add3A_218 = arith.constant 3 : i32
      %add3A_219 = arith.addi %mul3A_217, %add3A_218 : i32
      %dma_wait3A_220 = arith.constant 3 : i32
      %dma_wait3A_221 = arith.constant 0 : i32
      %dma_wait3A_222 = arith.constant 0 : i32
      %dma_wait3A_223 = tpu.memref_slice %arg8[%dma_wait3A_220, %dma_wait3A_221, %dma_wait3A_222] : memref<4x128x8xf32, #tpu.memory_space<vmem>> -> memref<1x128x8xf32, #tpu.memory_space<vmem>>
      %dma_wait3A_224 = tpu.memref_squeeze %dma_wait3A_223 : memref<1x128x8xf32, #tpu.memory_space<vmem>> -> memref<128x8xf32, #tpu.memory_space<vmem>>
      %dma_wait3A_225 = arith.constant 0 : i32
      %dma_wait3A_226 = tpu.memref_slice %arg6[%add3A_219, %dma_wait3A_225] : memref<92x128xi32, #tpu.memory_space<vmem>> -> memref<1x128xi32, #tpu.memory_space<vmem>>
      %dma_wait3A_227 = tpu.memref_squeeze %dma_wait3A_226 : memref<1x128xi32, #tpu.memory_space<vmem>> -> memref<128xi32, #tpu.memory_space<vmem>>
      %dma_wait3A_228 = arith.constant 0 : i32
      %dma_wait3A_229 = arith.constant 0 : i32
      %dma_wait3A_230 = tpu.memref_slice %arg10[%dma_wait3A_228, %dma_wait3A_229] : memref<10112x8xf32, #tpu.memory_space<vmem_shared>> -> memref<10112x8xf32, #tpu.memory_space<vmem_shared>>
      tpu.wait_indirect_dma semaphore(%arg14 : memref<!tpu.dma_semaphore, #tpu.memory_space<semaphore_mem>>) src(%dma_wait3A_230 : memref<10112x8xf32, #tpu.memory_space<vmem_shared>>) dst(%dma_wait3A_224 : memref<128x8xf32, #tpu.memory_space<vmem>>)
      %dma_start3A_231 = arith.constant 3 : i32
      %dma_start3A_232 = arith.constant 0 : i32
      %dma_start3A_233 = arith.constant 0 : i32
      %dma_start3A_234 = tpu.memref_slice %arg8[%dma_start3A_231, %dma_start3A_232, %dma_start3A_233] : memref<4x128x8xf32, #tpu.memory_space<vmem>> -> memref<1x128x8xf32, #tpu.memory_space<vmem>>
      %dma_start3A_235 = tpu.memref_squeeze %dma_start3A_234 : memref<1x128x8xf32, #tpu.memory_space<vmem>> -> memref<128x8xf32, #tpu.memory_space<vmem>>
      %dma_start3A_236 = arith.constant 0 : i32
      %dma_start3A_237 = tpu.memref_slice %arg7[%add3A_219, %dma_start3A_236] : memref<92x128xi32, #tpu.memory_space<vmem>> -> memref<1x128xi32, #tpu.memory_space<vmem>>
      %dma_start3A_238 = tpu.memref_squeeze %dma_start3A_237 : memref<1x128xi32, #tpu.memory_space<vmem>> -> memref<128xi32, #tpu.memory_space<vmem>>
      %dma_start3A_239 = arith.constant 0 : i32
      %dma_start3A_240 = arith.constant 0 : i32
      %dma_start3A_241 = tpu.memref_slice %arg9[%dma_start3A_239, %dma_start3A_240] : memref<10112x8xf32, #tpu.memory_space<vmem_shared>> -> memref<10112x8xf32, #tpu.memory_space<vmem_shared>>
      tpu.enqueue_indirect_dma source(%dma_start3A_235 : memref<128x8xf32, #tpu.memory_space<vmem>>) target(%dma_start3A_241 : memref<10112x8xf32, #tpu.memory_space<vmem_shared>>) offsets(%dma_start3A_238 : memref<128xi32, #tpu.memory_space<vmem>>) semaphore(%arg18 : memref<!tpu.dma_semaphore, #tpu.memory_space<semaphore_mem>>) {add = true}
      %add3A_242 = arith.constant 2 : i32
      %add3A_243 = arith.addi %add3A_219, %add3A_242 : i32
      %lt3A_244 = arith.cmpi slt, %add3A_243, %select_n3A_10 : i32
      %convert_element_type3A_245 = arith.extui %lt3A_244 : i1 to i32
      %cond3A_246 = arith.constant 0 : i32
      %cond3A_247 = arith.cmpi ne, %convert_element_type3A_245, %cond3A_246 : i32
      scf.if %cond3A_247 {
        %ge3A = arith.constant 4 : i32
        %ge3A_248 = arith.cmpi sge, %add3A_243, %ge3A : i32
        %convert_element_type3A_249 = arith.extui %ge3A_248 : i1 to i32
        %cond3A_250 = arith.constant 0 : i32
        %cond3A_251 = arith.cmpi ne, %convert_element_type3A_249, %cond3A_250 : i32
        scf.if %cond3A_251 {
          %sub3A_263 = arith.constant 4 : i32
          %sub3A_264 = arith.subi %add3A_243, %sub3A_263 : i32
          %dma_wait3A_265 = arith.constant 1 : i32
          %dma_wait3A_266 = arith.constant 0 : i32
          %dma_wait3A_267 = arith.constant 0 : i32
          %dma_wait3A_268 = tpu.memref_slice %arg8[%dma_wait3A_265, %dma_wait3A_266, %dma_wait3A_267] : memref<4x128x8xf32, #tpu.memory_space<vmem>> -> memref<1x128x8xf32, #tpu.memory_space<vmem>>
          %dma_wait3A_269 = tpu.memref_squeeze %dma_wait3A_268 : memref<1x128x8xf32, #tpu.memory_space<vmem>> -> memref<128x8xf32, #tpu.memory_space<vmem>>
          %dma_wait3A_270 = arith.constant 0 : i32
          %dma_wait3A_271 = tpu.memref_slice %arg7[%sub3A_264, %dma_wait3A_270] : memref<92x128xi32, #tpu.memory_space<vmem>> -> memref<1x128xi32, #tpu.memory_space<vmem>>
          %dma_wait3A_272 = tpu.memref_squeeze %dma_wait3A_271 : memref<1x128xi32, #tpu.memory_space<vmem>> -> memref<128xi32, #tpu.memory_space<vmem>>
          %dma_wait3A_273 = arith.constant 0 : i32
          %dma_wait3A_274 = arith.constant 0 : i32
          %dma_wait3A_275 = tpu.memref_slice %arg9[%dma_wait3A_273, %dma_wait3A_274] : memref<10112x8xf32, #tpu.memory_space<vmem_shared>> -> memref<10112x8xf32, #tpu.memory_space<vmem_shared>>
          tpu.wait_indirect_dma semaphore(%arg16 : memref<!tpu.dma_semaphore, #tpu.memory_space<semaphore_mem>>) src(%dma_wait3A_269 : memref<128x8xf32, #tpu.memory_space<vmem>>) dst(%dma_wait3A_275 : memref<10112x8xf32, #tpu.memory_space<vmem_shared>>)
        } else {
        }
        %dma_start3A_252 = arith.constant 1 : i32
        %dma_start3A_253 = arith.constant 0 : i32
        %dma_start3A_254 = arith.constant 0 : i32
        %dma_start3A_255 = tpu.memref_slice %arg8[%dma_start3A_252, %dma_start3A_253, %dma_start3A_254] : memref<4x128x8xf32, #tpu.memory_space<vmem>> -> memref<1x128x8xf32, #tpu.memory_space<vmem>>
        %dma_start3A_256 = tpu.memref_squeeze %dma_start3A_255 : memref<1x128x8xf32, #tpu.memory_space<vmem>> -> memref<128x8xf32, #tpu.memory_space<vmem>>
        %dma_start3A_257 = arith.constant 0 : i32
        %dma_start3A_258 = tpu.memref_slice %arg6[%add3A_243, %dma_start3A_257] : memref<92x128xi32, #tpu.memory_space<vmem>> -> memref<1x128xi32, #tpu.memory_space<vmem>>
        %dma_start3A_259 = tpu.memref_squeeze %dma_start3A_258 : memref<1x128xi32, #tpu.memory_space<vmem>> -> memref<128xi32, #tpu.memory_space<vmem>>
        %dma_start3A_260 = arith.constant 0 : i32
        %dma_start3A_261 = arith.constant 0 : i32
        %dma_start3A_262 = tpu.memref_slice %arg10[%dma_start3A_260, %dma_start3A_261] : memref<10112x8xf32, #tpu.memory_space<vmem_shared>> -> memref<10112x8xf32, #tpu.memory_space<vmem_shared>>
        tpu.enqueue_indirect_dma source(%dma_start3A_262 : memref<10112x8xf32, #tpu.memory_space<vmem_shared>>) target(%dma_start3A_256 : memref<128x8xf32, #tpu.memory_space<vmem>>) offsets(%dma_start3A_259 : memref<128xi32, #tpu.memory_space<vmem>>) semaphore(%arg12 : memref<!tpu.dma_semaphore, #tpu.memory_space<semaphore_mem>>)
      } else {
      }
    }
    %while3A_61 = arith.constant 1 : i32
    scf.for %while3A_122 = %while3A_59 to %while3A_55 step %while3A_61  : i32 {
      %mul3A_123 = arith.constant 4 : i32
      %mul3A_124 = arith.muli %while3A_122, %mul3A_123 : i32
      %add3A_125 = arith.constant 0 : i32
      %add3A_126 = arith.addi %mul3A_124, %add3A_125 : i32
      %dma_wait3A_127 = arith.constant 0 : i32
      %dma_wait3A_128 = arith.constant 0 : i32
      %dma_wait3A_129 = arith.constant 0 : i32
      %dma_wait3A_130 = tpu.memref_slice %arg8[%dma_wait3A_127, %dma_wait3A_128, %dma_wait3A_129] : memref<4x128x8xf32, #tpu.memory_space<vmem>> -> memref<1x128x8xf32, #tpu.memory_space<vmem>>
      %dma_wait3A_131 = tpu.memref_squeeze %dma_wait3A_130 : memref<1x128x8xf32, #tpu.memory_space<vmem>> -> memref<128x8xf32, #tpu.memory_space<vmem>>
      %dma_wait3A_132 = arith.constant 0 : i32
      %dma_wait3A_133 = tpu.memref_slice %arg6[%add3A_126, %dma_wait3A_132] : memref<92x128xi32, #tpu.memory_space<vmem>> -> memref<1x128xi32, #tpu.memory_space<vmem>>
      %dma_wait3A_134 = tpu.memref_squeeze %dma_wait3A_133 : memref<1x128xi32, #tpu.memory_space<vmem>> -> memref<128xi32, #tpu.memory_space<vmem>>
      %dma_wait3A_135 = arith.constant 0 : i32
      %dma_wait3A_136 = arith.constant 0 : i32
      %dma_wait3A_137 = tpu.memref_slice %arg10[%dma_wait3A_135, %dma_wait3A_136] : memref<10112x8xf32, #tpu.memory_space<vmem_shared>> -> memref<10112x8xf32, #tpu.memory_space<vmem_shared>>
      tpu.wait_indirect_dma semaphore(%arg11 : memref<!tpu.dma_semaphore, #tpu.memory_space<semaphore_mem>>) src(%dma_wait3A_137 : memref<10112x8xf32, #tpu.memory_space<vmem_shared>>) dst(%dma_wait3A_131 : memref<128x8xf32, #tpu.memory_space<vmem>>)
      %dma_start3A_138 = arith.constant 0 : i32
      %dma_start3A_139 = arith.constant 0 : i32
      %dma_start3A_140 = arith.constant 0 : i32
      %dma_start3A_141 = tpu.memref_slice %arg8[%dma_start3A_138, %dma_start3A_139, %dma_start3A_140] : memref<4x128x8xf32, #tpu.memory_space<vmem>> -> memref<1x128x8xf32, #tpu.memory_space<vmem>>
      %dma_start3A_142 = tpu.memref_squeeze %dma_start3A_141 : memref<1x128x8xf32, #tpu.memory_space<vmem>> -> memref<128x8xf32, #tpu.memory_space<vmem>>
      %dma_start3A_143 = arith.constant 0 : i32
      %dma_start3A_144 = tpu.memref_slice %arg7[%add3A_126, %dma_start3A_143] : memref<92x128xi32, #tpu.memory_space<vmem>> -> memref<1x128xi32, #tpu.memory_space<vmem>>
      %dma_start3A_145 = tpu.memref_squeeze %dma_start3A_144 : memref<1x128xi32, #tpu.memory_space<vmem>> -> memref<128xi32, #tpu.memory_space<vmem>>
      %dma_start3A_146 = arith.constant 0 : i32
      %dma_start3A_147 = arith.constant 0 : i32
      %dma_start3A_148 = tpu.memref_slice %arg9[%dma_start3A_146, %dma_start3A_147] : memref<10112x8xf32, #tpu.memory_space<vmem_shared>> -> memref<10112x8xf32, #tpu.memory_space<vmem_shared>>
      tpu.enqueue_indirect_dma source(%dma_start3A_142 : memref<128x8xf32, #tpu.memory_space<vmem>>) target(%dma_start3A_148 : memref<10112x8xf32, #tpu.memory_space<vmem_shared>>) offsets(%dma_start3A_145 : memref<128xi32, #tpu.memory_space<vmem>>) semaphore(%arg15 : memref<!tpu.dma_semaphore, #tpu.memory_space<semaphore_mem>>) {add = true}
      %add3A_149 = arith.constant 2 : i32
      %add3A_150 = arith.addi %add3A_126, %add3A_149 : i32
      %lt3A = arith.cmpi slt, %add3A_150, %select_n3A_10 : i32
      %convert_element_type3A = arith.extui %lt3A : i1 to i32
      %cond3A = arith.constant 0 : i32
      %cond3A_151 = arith.cmpi ne, %convert_element_type3A, %cond3A : i32
      scf.if %cond3A_151 {
        %ge3A = arith.constant 4 : i32
        %ge3A_248 = arith.cmpi sge, %add3A_150, %ge3A : i32
        %convert_element_type3A_249 = arith.extui %ge3A_248 : i1 to i32
        %cond3A_250 = arith.constant 0 : i32
        %cond3A_251 = arith.cmpi ne, %convert_element_type3A_249, %cond3A_250 : i32
        scf.if %cond3A_251 {
          %sub3A_263 = arith.constant 4 : i32
          %sub3A_264 = arith.subi %add3A_150, %sub3A_263 : i32
          %dma_wait3A_265 = arith.constant 2 : i32
          %dma_wait3A_266 = arith.constant 0 : i32
          %dma_wait3A_267 = arith.constant 0 : i32
          %dma_wait3A_268 = tpu.memref_slice %arg8[%dma_wait3A_265, %dma_wait3A_266, %dma_wait3A_267] : memref<4x128x8xf32, #tpu.memory_space<vmem>> -> memref<1x128x8xf32, #tpu.memory_space<vmem>>
          %dma_wait3A_269 = tpu.memref_squeeze %dma_wait3A_268 : memref<1x128x8xf32, #tpu.memory_space<vmem>> -> memref<128x8xf32, #tpu.memory_space<vmem>>
          %dma_wait3A_270 = arith.constant 0 : i32
          %dma_wait3A_271 = tpu.memref_slice %arg7[%sub3A_264, %dma_wait3A_270] : memref<92x128xi32, #tpu.memory_space<vmem>> -> memref<1x128xi32, #tpu.memory_space<vmem>>
          %dma_wait3A_272 = tpu.memref_squeeze %dma_wait3A_271 : memref<1x128xi32, #tpu.memory_space<vmem>> -> memref<128xi32, #tpu.memory_space<vmem>>
          %dma_wait3A_273 = arith.constant 0 : i32
          %dma_wait3A_274 = arith.constant 0 : i32
          %dma_wait3A_275 = tpu.memref_slice %arg9[%dma_wait3A_273, %dma_wait3A_274] : memref<10112x8xf32, #tpu.memory_space<vmem_shared>> -> memref<10112x8xf32, #tpu.memory_space<vmem_shared>>
          tpu.wait_indirect_dma semaphore(%arg17 : memref<!tpu.dma_semaphore, #tpu.memory_space<semaphore_mem>>) src(%dma_wait3A_269 : memref<128x8xf32, #tpu.memory_space<vmem>>) dst(%dma_wait3A_275 : memref<10112x8xf32, #tpu.memory_space<vmem_shared>>)
        } else {
        }
        %dma_start3A_252 = arith.constant 2 : i32
        %dma_start3A_253 = arith.constant 0 : i32
        %dma_start3A_254 = arith.constant 0 : i32
        %dma_start3A_255 = tpu.memref_slice %arg8[%dma_start3A_252, %dma_start3A_253, %dma_start3A_254] : memref<4x128x8xf32, #tpu.memory_space<vmem>> -> memref<1x128x8xf32, #tpu.memory_space<vmem>>
        %dma_start3A_256 = tpu.memref_squeeze %dma_start3A_255 : memref<1x128x8xf32, #tpu.memory_space<vmem>> -> memref<128x8xf32, #tpu.memory_space<vmem>>
        %dma_start3A_257 = arith.constant 0 : i32
        %dma_start3A_258 = tpu.memref_slice %arg6[%add3A_150, %dma_start3A_257] : memref<92x128xi32, #tpu.memory_space<vmem>> -> memref<1x128xi32, #tpu.memory_space<vmem>>
        %dma_start3A_259 = tpu.memref_squeeze %dma_start3A_258 : memref<1x128xi32, #tpu.memory_space<vmem>> -> memref<128xi32, #tpu.memory_space<vmem>>
        %dma_start3A_260 = arith.constant 0 : i32
        %dma_start3A_261 = arith.constant 0 : i32
        %dma_start3A_262 = tpu.memref_slice %arg10[%dma_start3A_260, %dma_start3A_261] : memref<10112x8xf32, #tpu.memory_space<vmem_shared>> -> memref<10112x8xf32, #tpu.memory_space<vmem_shared>>
        tpu.enqueue_indirect_dma source(%dma_start3A_262 : memref<10112x8xf32, #tpu.memory_space<vmem_shared>>) target(%dma_start3A_256 : memref<128x8xf32, #tpu.memory_space<vmem>>) offsets(%dma_start3A_259 : memref<128xi32, #tpu.memory_space<vmem>>) semaphore(%arg13 : memref<!tpu.dma_semaphore, #tpu.memory_space<semaphore_mem>>)
      } else {
      }
      %mul3A_152 = arith.constant 4 : i32
      %mul3A_153 = arith.muli %while3A_122, %mul3A_152 : i32
      %add3A_154 = arith.constant 1 : i32
      %add3A_155 = arith.addi %mul3A_153, %add3A_154 : i32
      %dma_wait3A_156 = arith.constant 1 : i32
      %dma_wait3A_157 = arith.constant 0 : i32
      %dma_wait3A_158 = arith.constant 0 : i32
      %dma_wait3A_159 = tpu.memref_slice %arg8[%dma_wait3A_156, %dma_wait3A_157, %dma_wait3A_158] : memref<4x128x8xf32, #tpu.memory_space<vmem>> -> memref<1x128x8xf32, #tpu.memory_space<vmem>>
      %dma_wait3A_160 = tpu.memref_squeeze %dma_wait3A_159 : memref<1x128x8xf32, #tpu.memory_space<vmem>> -> memref<128x8xf32, #tpu.memory_space<vmem>>
      %dma_wait3A_161 = arith.constant 0 : i32
      %dma_wait3A_162 = tpu.memref_slice %arg6[%add3A_155, %dma_wait3A_161] : memref<92x128xi32, #tpu.memory_space<vmem>> -> memref<1x128xi32, #tpu.memory_space<vmem>>
      %dma_wait3A_163 = tpu.memref_squeeze %dma_wait3A_162 : memref<1x128xi32, #tpu.memory_space<vmem>> -> memref<128xi32, #tpu.memory_space<vmem>>
      %dma_wait3A_164 = arith.constant 0 : i32
      %dma_wait3A_165 = arith.constant 0 : i32
      %dma_wait3A_166 = tpu.memref_slice %arg10[%dma_wait3A_164, %dma_wait3A_165] : memref<10112x8xf32, #tpu.memory_space<vmem_shared>> -> memref<10112x8xf32, #tpu.memory_space<vmem_shared>>
      tpu.wait_indirect_dma semaphore(%arg12 : memref<!tpu.dma_semaphore, #tpu.memory_space<semaphore_mem>>) src(%dma_wait3A_166 : memref<10112x8xf32, #tpu.memory_space<vmem_shared>>) dst(%dma_wait3A_160 : memref<128x8xf32, #tpu.memory_space<vmem>>)
      %dma_start3A_167 = arith.constant 1 : i32
      %dma_start3A_168 = arith.constant 0 : i32
      %dma_start3A_169 = arith.constant 0 : i32
      %dma_start3A_170 = tpu.memref_slice %arg8[%dma_start3A_167, %dma_start3A_168, %dma_start3A_169] : memref<4x128x8xf32, #tpu.memory_space<vmem>> -> memref<1x128x8xf32, #tpu.memory_space<vmem>>
      %dma_start3A_171 = tpu.memref_squeeze %dma_start3A_170 : memref<1x128x8xf32, #tpu.memory_space<vmem>> -> memref<128x8xf32, #tpu.memory_space<vmem>>
      %dma_start3A_172 = arith.constant 0 : i32
      %dma_start3A_173 = tpu.memref_slice %arg7[%add3A_155, %dma_start3A_172] : memref<92x128xi32, #tpu.memory_space<vmem>> -> memref<1x128xi32, #tpu.memory_space<vmem>>
      %dma_start3A_174 = tpu.memref_squeeze %dma_start3A_173 : memref<1x128xi32, #tpu.memory_space<vmem>> -> memref<128xi32, #tpu.memory_space<vmem>>
      %dma_start3A_175 = arith.constant 0 : i32
      %dma_start3A_176 = arith.constant 0 : i32
      %dma_start3A_177 = tpu.memref_slice %arg9[%dma_start3A_175, %dma_start3A_176] : memref<10112x8xf32, #tpu.memory_space<vmem_shared>> -> memref<10112x8xf32, #tpu.memory_space<vmem_shared>>
      tpu.enqueue_indirect_dma source(%dma_start3A_171 : memref<128x8xf32, #tpu.memory_space<vmem>>) target(%dma_start3A_177 : memref<10112x8xf32, #tpu.memory_space<vmem_shared>>) offsets(%dma_start3A_174 : memref<128xi32, #tpu.memory_space<vmem>>) semaphore(%arg16 : memref<!tpu.dma_semaphore, #tpu.memory_space<semaphore_mem>>) {add = true}
      %add3A_178 = arith.constant 2 : i32
      %add3A_179 = arith.addi %add3A_155, %add3A_178 : i32
      %lt3A_180 = arith.cmpi slt, %add3A_179, %select_n3A_10 : i32
      %convert_element_type3A_181 = arith.extui %lt3A_180 : i1 to i32
      %cond3A_182 = arith.constant 0 : i32
      %cond3A_183 = arith.cmpi ne, %convert_element_type3A_181, %cond3A_182 : i32
      scf.if %cond3A_183 {
        %ge3A = arith.constant 4 : i32
        %ge3A_248 = arith.cmpi sge, %add3A_179, %ge3A : i32
        %convert_element_type3A_249 = arith.extui %ge3A_248 : i1 to i32
        %cond3A_250 = arith.constant 0 : i32
        %cond3A_251 = arith.cmpi ne, %convert_element_type3A_249, %cond3A_250 : i32
        scf.if %cond3A_251 {
          %sub3A_263 = arith.constant 4 : i32
          %sub3A_264 = arith.subi %add3A_179, %sub3A_263 : i32
          %dma_wait3A_265 = arith.constant 3 : i32
          %dma_wait3A_266 = arith.constant 0 : i32
          %dma_wait3A_267 = arith.constant 0 : i32
          %dma_wait3A_268 = tpu.memref_slice %arg8[%dma_wait3A_265, %dma_wait3A_266, %dma_wait3A_267] : memref<4x128x8xf32, #tpu.memory_space<vmem>> -> memref<1x128x8xf32, #tpu.memory_space<vmem>>
          %dma_wait3A_269 = tpu.memref_squeeze %dma_wait3A_268 : memref<1x128x8xf32, #tpu.memory_space<vmem>> -> memref<128x8xf32, #tpu.memory_space<vmem>>
          %dma_wait3A_270 = arith.constant 0 : i32
          %dma_wait3A_271 = tpu.memref_slice %arg7[%sub3A_264, %dma_wait3A_270] : memref<92x128xi32, #tpu.memory_space<vmem>> -> memref<1x128xi32, #tpu.memory_space<vmem>>
          %dma_wait3A_272 = tpu.memref_squeeze %dma_wait3A_271 : memref<1x128xi32, #tpu.memory_space<vmem>> -> memref<128xi32, #tpu.memory_space<vmem>>
          %dma_wait3A_273 = arith.constant 0 : i32
          %dma_wait3A_274 = arith.constant 0 : i32
          %dma_wait3A_275 = tpu.memref_slice %arg9[%dma_wait3A_273, %dma_wait3A_274] : memref<10112x8xf32, #tpu.memory_space<vmem_shared>> -> memref<10112x8xf32, #tpu.memory_space<vmem_shared>>
          tpu.wait_indirect_dma semaphore(%arg18 : memref<!tpu.dma_semaphore, #tpu.memory_space<semaphore_mem>>) src(%dma_wait3A_269 : memref<128x8xf32, #tpu.memory_space<vmem>>) dst(%dma_wait3A_275 : memref<10112x8xf32, #tpu.memory_space<vmem_shared>>)
        } else {
        }
        %dma_start3A_252 = arith.constant 3 : i32
        %dma_start3A_253 = arith.constant 0 : i32
        %dma_start3A_254 = arith.constant 0 : i32
        %dma_start3A_255 = tpu.memref_slice %arg8[%dma_start3A_252, %dma_start3A_253, %dma_start3A_254] : memref<4x128x8xf32, #tpu.memory_space<vmem>> -> memref<1x128x8xf32, #tpu.memory_space<vmem>>
        %dma_start3A_256 = tpu.memref_squeeze %dma_start3A_255 : memref<1x128x8xf32, #tpu.memory_space<vmem>> -> memref<128x8xf32, #tpu.memory_space<vmem>>
        %dma_start3A_257 = arith.constant 0 : i32
        %dma_start3A_258 = tpu.memref_slice %arg6[%add3A_179, %dma_start3A_257] : memref<92x128xi32, #tpu.memory_space<vmem>> -> memref<1x128xi32, #tpu.memory_space<vmem>>
        %dma_start3A_259 = tpu.memref_squeeze %dma_start3A_258 : memref<1x128xi32, #tpu.memory_space<vmem>> -> memref<128xi32, #tpu.memory_space<vmem>>
        %dma_start3A_260 = arith.constant 0 : i32
        %dma_start3A_261 = arith.constant 0 : i32
        %dma_start3A_262 = tpu.memref_slice %arg10[%dma_start3A_260, %dma_start3A_261] : memref<10112x8xf32, #tpu.memory_space<vmem_shared>> -> memref<10112x8xf32, #tpu.memory_space<vmem_shared>>
        tpu.enqueue_indirect_dma source(%dma_start3A_262 : memref<10112x8xf32, #tpu.memory_space<vmem_shared>>) target(%dma_start3A_256 : memref<128x8xf32, #tpu.memory_space<vmem>>) offsets(%dma_start3A_259 : memref<128xi32, #tpu.memory_space<vmem>>) semaphore(%arg14 : memref<!tpu.dma_semaphore, #tpu.memory_space<semaphore_mem>>)
      } else {
      }
      %mul3A_184 = arith.constant 4 : i32
      %mul3A_185 = arith.muli %while3A_122, %mul3A_184 : i32
      %add3A_186 = arith.constant 2 : i32
      %add3A_187 = arith.addi %mul3A_185, %add3A_186 : i32
      %dma_wait3A_188 = arith.constant 2 : i32
      %dma_wait3A_189 = arith.constant 0 : i32
      %dma_wait3A_190 = arith.constant 0 : i32
      %dma_wait3A_191 = tpu.memref_slice %arg8[%dma_wait3A_188, %dma_wait3A_189, %dma_wait3A_190] : memref<4x128x8xf32, #tpu.memory_space<vmem>> -> memref<1x128x8xf32, #tpu.memory_space<vmem>>
      %dma_wait3A_192 = tpu.memref_squeeze %dma_wait3A_191 : memref<1x128x8xf32, #tpu.memory_space<vmem>> -> memref<128x8xf32, #tpu.memory_space<vmem>>
      %dma_wait3A_193 = arith.constant 0 : i32
      %dma_wait3A_194 = tpu.memref_slice %arg6[%add3A_187, %dma_wait3A_193] : memref<92x128xi32, #tpu.memory_space<vmem>> -> memref<1x128xi32, #tpu.memory_space<vmem>>
      %dma_wait3A_195 = tpu.memref_squeeze %dma_wait3A_194 : memref<1x128xi32, #tpu.memory_space<vmem>> -> memref<128xi32, #tpu.memory_space<vmem>>
      %dma_wait3A_196 = arith.constant 0 : i32
      %dma_wait3A_197 = arith.constant 0 : i32
      %dma_wait3A_198 = tpu.memref_slice %arg10[%dma_wait3A_196, %dma_wait3A_197] : memref<10112x8xf32, #tpu.memory_space<vmem_shared>> -> memref<10112x8xf32, #tpu.memory_space<vmem_shared>>
      tpu.wait_indirect_dma semaphore(%arg13 : memref<!tpu.dma_semaphore, #tpu.memory_space<semaphore_mem>>) src(%dma_wait3A_198 : memref<10112x8xf32, #tpu.memory_space<vmem_shared>>) dst(%dma_wait3A_192 : memref<128x8xf32, #tpu.memory_space<vmem>>)
      %dma_start3A_199 = arith.constant 2 : i32
      %dma_start3A_200 = arith.constant 0 : i32
      %dma_start3A_201 = arith.constant 0 : i32
      %dma_start3A_202 = tpu.memref_slice %arg8[%dma_start3A_199, %dma_start3A_200, %dma_start3A_201] : memref<4x128x8xf32, #tpu.memory_space<vmem>> -> memref<1x128x8xf32, #tpu.memory_space<vmem>>
      %dma_start3A_203 = tpu.memref_squeeze %dma_start3A_202 : memref<1x128x8xf32, #tpu.memory_space<vmem>> -> memref<128x8xf32, #tpu.memory_space<vmem>>
      %dma_start3A_204 = arith.constant 0 : i32
      %dma_start3A_205 = tpu.memref_slice %arg7[%add3A_187, %dma_start3A_204] : memref<92x128xi32, #tpu.memory_space<vmem>> -> memref<1x128xi32, #tpu.memory_space<vmem>>
      %dma_start3A_206 = tpu.memref_squeeze %dma_start3A_205 : memref<1x128xi32, #tpu.memory_space<vmem>> -> memref<128xi32, #tpu.memory_space<vmem>>
      %dma_start3A_207 = arith.constant 0 : i32
      %dma_start3A_208 = arith.constant 0 : i32
      %dma_start3A_209 = tpu.memref_slice %arg9[%dma_start3A_207, %dma_start3A_208] : memref<10112x8xf32, #tpu.memory_space<vmem_shared>> -> memref<10112x8xf32, #tpu.memory_space<vmem_shared>>
      tpu.enqueue_indirect_dma source(%dma_start3A_203 : memref<128x8xf32, #tpu.memory_space<vmem>>) target(%dma_start3A_209 : memref<10112x8xf32, #tpu.memory_space<vmem_shared>>) offsets(%dma_start3A_206 : memref<128xi32, #tpu.memory_space<vmem>>) semaphore(%arg17 : memref<!tpu.dma_semaphore, #tpu.memory_space<semaphore_mem>>) {add = true}
      %add3A_210 = arith.constant 2 : i32
      %add3A_211 = arith.addi %add3A_187, %add3A_210 : i32
      %lt3A_212 = arith.cmpi slt, %add3A_211, %select_n3A_10 : i32
      %convert_element_type3A_213 = arith.extui %lt3A_212 : i1 to i32
      %cond3A_214 = arith.constant 0 : i32
      %cond3A_215 = arith.cmpi ne, %convert_element_type3A_213, %cond3A_214 : i32
      scf.if %cond3A_215 {
        %ge3A = arith.constant 4 : i32
        %ge3A_248 = arith.cmpi sge, %add3A_211, %ge3A : i32
        %convert_element_type3A_249 = arith.extui %ge3A_248 : i1 to i32
        %cond3A_250 = arith.constant 0 : i32
        %cond3A_251 = arith.cmpi ne, %convert_element_type3A_249, %cond3A_250 : i32
        scf.if %cond3A_251 {
          %sub3A_263 = arith.constant 4 : i32
          %sub3A_264 = arith.subi %add3A_211, %sub3A_263 : i32
          %dma_wait3A_265 = arith.constant 0 : i32
          %dma_wait3A_266 = arith.constant 0 : i32
          %dma_wait3A_267 = arith.constant 0 : i32
          %dma_wait3A_268 = tpu.memref_slice %arg8[%dma_wait3A_265, %dma_wait3A_266, %dma_wait3A_267] : memref<4x128x8xf32, #tpu.memory_space<vmem>> -> memref<1x128x8xf32, #tpu.memory_space<vmem>>
          %dma_wait3A_269 = tpu.memref_squeeze %dma_wait3A_268 : memref<1x128x8xf32, #tpu.memory_space<vmem>> -> memref<128x8xf32, #tpu.memory_space<vmem>>
          %dma_wait3A_270 = arith.constant 0 : i32
          %dma_wait3A_271 = tpu.memref_slice %arg7[%sub3A_264, %dma_wait3A_270] : memref<92x128xi32, #tpu.memory_space<vmem>> -> memref<1x128xi32, #tpu.memory_space<vmem>>
          %dma_wait3A_272 = tpu.memref_squeeze %dma_wait3A_271 : memref<1x128xi32, #tpu.memory_space<vmem>> -> memref<128xi32, #tpu.memory_space<vmem>>
          %dma_wait3A_273 = arith.constant 0 : i32
          %dma_wait3A_274 = arith.constant 0 : i32
          %dma_wait3A_275 = tpu.memref_slice %arg9[%dma_wait3A_273, %dma_wait3A_274] : memref<10112x8xf32, #tpu.memory_space<vmem_shared>> -> memref<10112x8xf32, #tpu.memory_space<vmem_shared>>
          tpu.wait_indirect_dma semaphore(%arg15 : memref<!tpu.dma_semaphore, #tpu.memory_space<semaphore_mem>>) src(%dma_wait3A_269 : memref<128x8xf32, #tpu.memory_space<vmem>>) dst(%dma_wait3A_275 : memref<10112x8xf32, #tpu.memory_space<vmem_shared>>)
        } else {
        }
        %dma_start3A_252 = arith.constant 0 : i32
        %dma_start3A_253 = arith.constant 0 : i32
        %dma_start3A_254 = arith.constant 0 : i32
        %dma_start3A_255 = tpu.memref_slice %arg8[%dma_start3A_252, %dma_start3A_253, %dma_start3A_254] : memref<4x128x8xf32, #tpu.memory_space<vmem>> -> memref<1x128x8xf32, #tpu.memory_space<vmem>>
        %dma_start3A_256 = tpu.memref_squeeze %dma_start3A_255 : memref<1x128x8xf32, #tpu.memory_space<vmem>> -> memref<128x8xf32, #tpu.memory_space<vmem>>
        %dma_start3A_257 = arith.constant 0 : i32
        %dma_start3A_258 = tpu.memref_slice %arg6[%add3A_211, %dma_start3A_257] : memref<92x128xi32, #tpu.memory_space<vmem>> -> memref<1x128xi32, #tpu.memory_space<vmem>>
        %dma_start3A_259 = tpu.memref_squeeze %dma_start3A_258 : memref<1x128xi32, #tpu.memory_space<vmem>> -> memref<128xi32, #tpu.memory_space<vmem>>
        %dma_start3A_260 = arith.constant 0 : i32
        %dma_start3A_261 = arith.constant 0 : i32
        %dma_start3A_262 = tpu.memref_slice %arg10[%dma_start3A_260, %dma_start3A_261] : memref<10112x8xf32, #tpu.memory_space<vmem_shared>> -> memref<10112x8xf32, #tpu.memory_space<vmem_shared>>
        tpu.enqueue_indirect_dma source(%dma_start3A_262 : memref<10112x8xf32, #tpu.memory_space<vmem_shared>>) target(%dma_start3A_256 : memref<128x8xf32, #tpu.memory_space<vmem>>) offsets(%dma_start3A_259 : memref<128xi32, #tpu.memory_space<vmem>>) semaphore(%arg11 : memref<!tpu.dma_semaphore, #tpu.memory_space<semaphore_mem>>)
      } else {
      }
      %mul3A_216 = arith.constant 4 : i32
      %mul3A_217 = arith.muli %while3A_122, %mul3A_216 : i32
      %add3A_218 = arith.constant 3 : i32
      %add3A_219 = arith.addi %mul3A_217, %add3A_218 : i32
      %dma_wait3A_220 = arith.constant 3 : i32
      %dma_wait3A_221 = arith.constant 0 : i32
      %dma_wait3A_222 = arith.constant 0 : i32
      %dma_wait3A_223 = tpu.memref_slice %arg8[%dma_wait3A_220, %dma_wait3A_221, %dma_wait3A_222] : memref<4x128x8xf32, #tpu.memory_space<vmem>> -> memref<1x128x8xf32, #tpu.memory_space<vmem>>
      %dma_wait3A_224 = tpu.memref_squeeze %dma_wait3A_223 : memref<1x128x8xf32, #tpu.memory_space<vmem>> -> memref<128x8xf32, #tpu.memory_space<vmem>>
      %dma_wait3A_225 = arith.constant 0 : i32
      %dma_wait3A_226 = tpu.memref_slice %arg6[%add3A_219, %dma_wait3A_225] : memref<92x128xi32, #tpu.memory_space<vmem>> -> memref<1x128xi32, #tpu.memory_space<vmem>>
      %dma_wait3A_227 = tpu.memref_squeeze %dma_wait3A_226 : memref<1x128xi32, #tpu.memory_space<vmem>> -> memref<128xi32, #tpu.memory_space<vmem>>
      %dma_wait3A_228 = arith.constant 0 : i32
      %dma_wait3A_229 = arith.constant 0 : i32
      %dma_wait3A_230 = tpu.memref_slice %arg10[%dma_wait3A_228, %dma_wait3A_229] : memref<10112x8xf32, #tpu.memory_space<vmem_shared>> -> memref<10112x8xf32, #tpu.memory_space<vmem_shared>>
      tpu.wait_indirect_dma semaphore(%arg14 : memref<!tpu.dma_semaphore, #tpu.memory_space<semaphore_mem>>) src(%dma_wait3A_230 : memref<10112x8xf32, #tpu.memory_space<vmem_shared>>) dst(%dma_wait3A_224 : memref<128x8xf32, #tpu.memory_space<vmem>>)
      %dma_start3A_231 = arith.constant 3 : i32
      %dma_start3A_232 = arith.constant 0 : i32
      %dma_start3A_233 = arith.constant 0 : i32
      %dma_start3A_234 = tpu.memref_slice %arg8[%dma_start3A_231, %dma_start3A_232, %dma_start3A_233] : memref<4x128x8xf32, #tpu.memory_space<vmem>> -> memref<1x128x8xf32, #tpu.memory_space<vmem>>
      %dma_start3A_235 = tpu.memref_squeeze %dma_start3A_234 : memref<1x128x8xf32, #tpu.memory_space<vmem>> -> memref<128x8xf32, #tpu.memory_space<vmem>>
      %dma_start3A_236 = arith.constant 0 : i32
      %dma_start3A_237 = tpu.memref_slice %arg7[%add3A_219, %dma_start3A_236] : memref<92x128xi32, #tpu.memory_space<vmem>> -> memref<1x128xi32, #tpu.memory_space<vmem>>
      %dma_start3A_238 = tpu.memref_squeeze %dma_start3A_237 : memref<1x128xi32, #tpu.memory_space<vmem>> -> memref<128xi32, #tpu.memory_space<vmem>>
      %dma_start3A_239 = arith.constant 0 : i32
      %dma_start3A_240 = arith.constant 0 : i32
      %dma_start3A_241 = tpu.memref_slice %arg9[%dma_start3A_239, %dma_start3A_240] : memref<10112x8xf32, #tpu.memory_space<vmem_shared>> -> memref<10112x8xf32, #tpu.memory_space<vmem_shared>>
      tpu.enqueue_indirect_dma source(%dma_start3A_235 : memref<128x8xf32, #tpu.memory_space<vmem>>) target(%dma_start3A_241 : memref<10112x8xf32, #tpu.memory_space<vmem_shared>>) offsets(%dma_start3A_238 : memref<128xi32, #tpu.memory_space<vmem>>) semaphore(%arg18 : memref<!tpu.dma_semaphore, #tpu.memory_space<semaphore_mem>>) {add = true}
      %add3A_242 = arith.constant 2 : i32
      %add3A_243 = arith.addi %add3A_219, %add3A_242 : i32
      %lt3A_244 = arith.cmpi slt, %add3A_243, %select_n3A_10 : i32
      %convert_element_type3A_245 = arith.extui %lt3A_244 : i1 to i32
      %cond3A_246 = arith.constant 0 : i32
      %cond3A_247 = arith.cmpi ne, %convert_element_type3A_245, %cond3A_246 : i32
      scf.if %cond3A_247 {
        %ge3A = arith.constant 4 : i32
        %ge3A_248 = arith.cmpi sge, %add3A_243, %ge3A : i32
        %convert_element_type3A_249 = arith.extui %ge3A_248 : i1 to i32
        %cond3A_250 = arith.constant 0 : i32
        %cond3A_251 = arith.cmpi ne, %convert_element_type3A_249, %cond3A_250 : i32
        scf.if %cond3A_251 {
          %sub3A_263 = arith.constant 4 : i32
          %sub3A_264 = arith.subi %add3A_243, %sub3A_263 : i32
          %dma_wait3A_265 = arith.constant 1 : i32
          %dma_wait3A_266 = arith.constant 0 : i32
          %dma_wait3A_267 = arith.constant 0 : i32
          %dma_wait3A_268 = tpu.memref_slice %arg8[%dma_wait3A_265, %dma_wait3A_266, %dma_wait3A_267] : memref<4x128x8xf32, #tpu.memory_space<vmem>> -> memref<1x128x8xf32, #tpu.memory_space<vmem>>
          %dma_wait3A_269 = tpu.memref_squeeze %dma_wait3A_268 : memref<1x128x8xf32, #tpu.memory_space<vmem>> -> memref<128x8xf32, #tpu.memory_space<vmem>>
          %dma_wait3A_270 = arith.constant 0 : i32
          %dma_wait3A_271 = tpu.memref_slice %arg7[%sub3A_264, %dma_wait3A_270] : memref<92x128xi32, #tpu.memory_space<vmem>> -> memref<1x128xi32, #tpu.memory_space<vmem>>
          %dma_wait3A_272 = tpu.memref_squeeze %dma_wait3A_271 : memref<1x128xi32, #tpu.memory_space<vmem>> -> memref<128xi32, #tpu.memory_space<vmem>>
          %dma_wait3A_273 = arith.constant 0 : i32
          %dma_wait3A_274 = arith.constant 0 : i32
          %dma_wait3A_275 = tpu.memref_slice %arg9[%dma_wait3A_273, %dma_wait3A_274] : memref<10112x8xf32, #tpu.memory_space<vmem_shared>> -> memref<10112x8xf32, #tpu.memory_space<vmem_shared>>
          tpu.wait_indirect_dma semaphore(%arg16 : memref<!tpu.dma_semaphore, #tpu.memory_space<semaphore_mem>>) src(%dma_wait3A_269 : memref<128x8xf32, #tpu.memory_space<vmem>>) dst(%dma_wait3A_275 : memref<10112x8xf32, #tpu.memory_space<vmem_shared>>)
        } else {
        }
        %dma_start3A_252 = arith.constant 1 : i32
        %dma_start3A_253 = arith.constant 0 : i32
        %dma_start3A_254 = arith.constant 0 : i32
        %dma_start3A_255 = tpu.memref_slice %arg8[%dma_start3A_252, %dma_start3A_253, %dma_start3A_254] : memref<4x128x8xf32, #tpu.memory_space<vmem>> -> memref<1x128x8xf32, #tpu.memory_space<vmem>>
        %dma_start3A_256 = tpu.memref_squeeze %dma_start3A_255 : memref<1x128x8xf32, #tpu.memory_space<vmem>> -> memref<128x8xf32, #tpu.memory_space<vmem>>
        %dma_start3A_257 = arith.constant 0 : i32
        %dma_start3A_258 = tpu.memref_slice %arg6[%add3A_243, %dma_start3A_257] : memref<92x128xi32, #tpu.memory_space<vmem>> -> memref<1x128xi32, #tpu.memory_space<vmem>>
        %dma_start3A_259 = tpu.memref_squeeze %dma_start3A_258 : memref<1x128xi32, #tpu.memory_space<vmem>> -> memref<128xi32, #tpu.memory_space<vmem>>
        %dma_start3A_260 = arith.constant 0 : i32
        %dma_start3A_261 = arith.constant 0 : i32
        %dma_start3A_262 = tpu.memref_slice %arg10[%dma_start3A_260, %dma_start3A_261] : memref<10112x8xf32, #tpu.memory_space<vmem_shared>> -> memref<10112x8xf32, #tpu.memory_space<vmem_shared>>
        tpu.enqueue_indirect_dma source(%dma_start3A_262 : memref<10112x8xf32, #tpu.memory_space<vmem_shared>>) target(%dma_start3A_256 : memref<128x8xf32, #tpu.memory_space<vmem>>) offsets(%dma_start3A_259 : memref<128xi32, #tpu.memory_space<vmem>>) semaphore(%arg12 : memref<!tpu.dma_semaphore, #tpu.memory_space<semaphore_mem>>)
      } else {
      }
    }
    %sub3A_62 = arith.constant 4 : i32
    %sub3A_63 = arith.subi %select_n3A_10, %sub3A_62 : i32
    %add3A_64 = arith.constant 0 : i32
    %add3A_65 = arith.addi %sub3A_63, %add3A_64 : i32
    %dma_wait3A = arith.constant 0 : i32
    %dma_wait3A_66 = arith.constant 0 : i32
    %dma_wait3A_67 = arith.constant 0 : i32
    %dma_wait3A_68 = tpu.memref_slice %arg8[%dma_wait3A, %dma_wait3A_66, %dma_wait3A_67] : memref<4x128x8xf32, #tpu.memory_space<vmem>> -> memref<1x128x8xf32, #tpu.memory_space<vmem>>
    %dma_wait3A_69 = tpu.memref_squeeze %dma_wait3A_68 : memref<1x128x8xf32, #tpu.memory_space<vmem>> -> memref<128x8xf32, #tpu.memory_space<vmem>>
    %dma_wait3A_70 = arith.constant 0 : i32
    %dma_wait3A_71 = tpu.memref_slice %arg7[%add3A_65, %dma_wait3A_70] : memref<92x128xi32, #tpu.memory_space<vmem>> -> memref<1x128xi32, #tpu.memory_space<vmem>>
    %dma_wait3A_72 = tpu.memref_squeeze %dma_wait3A_71 : memref<1x128xi32, #tpu.memory_space<vmem>> -> memref<128xi32, #tpu.memory_space<vmem>>
    %dma_wait3A_73 = arith.constant 0 : i32
    %dma_wait3A_74 = arith.constant 0 : i32
    %dma_wait3A_75 = tpu.memref_slice %arg9[%dma_wait3A_73, %dma_wait3A_74] : memref<10112x8xf32, #tpu.memory_space<vmem_shared>> -> memref<10112x8xf32, #tpu.memory_space<vmem_shared>>
    tpu.wait_indirect_dma semaphore(%arg15 : memref<!tpu.dma_semaphore, #tpu.memory_space<semaphore_mem>>) src(%dma_wait3A_69 : memref<128x8xf32, #tpu.memory_space<vmem>>) dst(%dma_wait3A_75 : memref<10112x8xf32, #tpu.memory_space<vmem_shared>>)
    %sub3A_76 = arith.constant 4 : i32
    %sub3A_77 = arith.subi %select_n3A_10, %sub3A_76 : i32
    %add3A_78 = arith.constant 1 : i32
    %add3A_79 = arith.addi %sub3A_77, %add3A_78 : i32
    %dma_wait3A_80 = arith.constant 1 : i32
    %dma_wait3A_81 = arith.constant 0 : i32
    %dma_wait3A_82 = arith.constant 0 : i32
    %dma_wait3A_83 = tpu.memref_slice %arg8[%dma_wait3A_80, %dma_wait3A_81, %dma_wait3A_82] : memref<4x128x8xf32, #tpu.memory_space<vmem>> -> memref<1x128x8xf32, #tpu.memory_space<vmem>>
    %dma_wait3A_84 = tpu.memref_squeeze %dma_wait3A_83 : memref<1x128x8xf32, #tpu.memory_space<vmem>> -> memref<128x8xf32, #tpu.memory_space<vmem>>
    %dma_wait3A_85 = arith.constant 0 : i32
    %dma_wait3A_86 = tpu.memref_slice %arg7[%add3A_79, %dma_wait3A_85] : memref<92x128xi32, #tpu.memory_space<vmem>> -> memref<1x128xi32, #tpu.memory_space<vmem>>
    %dma_wait3A_87 = tpu.memref_squeeze %dma_wait3A_86 : memref<1x128xi32, #tpu.memory_space<vmem>> -> memref<128xi32, #tpu.memory_space<vmem>>
    %dma_wait3A_88 = arith.constant 0 : i32
    %dma_wait3A_89 = arith.constant 0 : i32
    %dma_wait3A_90 = tpu.memref_slice %arg9[%dma_wait3A_88, %dma_wait3A_89] : memref<10112x8xf32, #tpu.memory_space<vmem_shared>> -> memref<10112x8xf32, #tpu.memory_space<vmem_shared>>
    tpu.wait_indirect_dma semaphore(%arg16 : memref<!tpu.dma_semaphore, #tpu.memory_space<semaphore_mem>>) src(%dma_wait3A_84 : memref<128x8xf32, #tpu.memory_space<vmem>>) dst(%dma_wait3A_90 : memref<10112x8xf32, #tpu.memory_space<vmem_shared>>)
    %sub3A_91 = arith.constant 4 : i32
    %sub3A_92 = arith.subi %select_n3A_10, %sub3A_91 : i32
    %add3A_93 = arith.constant 2 : i32
    %add3A_94 = arith.addi %sub3A_92, %add3A_93 : i32
    %dma_wait3A_95 = arith.constant 2 : i32
    %dma_wait3A_96 = arith.constant 0 : i32
    %dma_wait3A_97 = arith.constant 0 : i32
    %dma_wait3A_98 = tpu.memref_slice %arg8[%dma_wait3A_95, %dma_wait3A_96, %dma_wait3A_97] : memref<4x128x8xf32, #tpu.memory_space<vmem>> -> memref<1x128x8xf32, #tpu.memory_space<vmem>>
    %dma_wait3A_99 = tpu.memref_squeeze %dma_wait3A_98 : memref<1x128x8xf32, #tpu.memory_space<vmem>> -> memref<128x8xf32, #tpu.memory_space<vmem>>
    %dma_wait3A_100 = arith.constant 0 : i32
    %dma_wait3A_101 = tpu.memref_slice %arg7[%add3A_94, %dma_wait3A_100] : memref<92x128xi32, #tpu.memory_space<vmem>> -> memref<1x128xi32, #tpu.memory_space<vmem>>
    %dma_wait3A_102 = tpu.memref_squeeze %dma_wait3A_101 : memref<1x128xi32, #tpu.memory_space<vmem>> -> memref<128xi32, #tpu.memory_space<vmem>>
    %dma_wait3A_103 = arith.constant 0 : i32
    %dma_wait3A_104 = arith.constant 0 : i32
    %dma_wait3A_105 = tpu.memref_slice %arg9[%dma_wait3A_103, %dma_wait3A_104] : memref<10112x8xf32, #tpu.memory_space<vmem_shared>> -> memref<10112x8xf32, #tpu.memory_space<vmem_shared>>
    tpu.wait_indirect_dma semaphore(%arg17 : memref<!tpu.dma_semaphore, #tpu.memory_space<semaphore_mem>>) src(%dma_wait3A_99 : memref<128x8xf32, #tpu.memory_space<vmem>>) dst(%dma_wait3A_105 : memref<10112x8xf32, #tpu.memory_space<vmem_shared>>)
    %sub3A_106 = arith.constant 4 : i32
    %sub3A_107 = arith.subi %select_n3A_10, %sub3A_106 : i32
    %add3A_108 = arith.constant 3 : i32
    %add3A_109 = arith.addi %sub3A_107, %add3A_108 : i32
    %dma_wait3A_110 = arith.constant 3 : i32
    %dma_wait3A_111 = arith.constant 0 : i32
    %dma_wait3A_112 = arith.constant 0 : i32
    %dma_wait3A_113 = tpu.memref_slice %arg8[%dma_wait3A_110, %dma_wait3A_111, %dma_wait3A_112] : memref<4x128x8xf32, #tpu.memory_space<vmem>> -> memref<1x128x8xf32, #tpu.memory_space<vmem>>
    %dma_wait3A_114 = tpu.memref_squeeze %dma_wait3A_113 : memref<1x128x8xf32, #tpu.memory_space<vmem>> -> memref<128x8xf32, #tpu.memory_space<vmem>>
    %dma_wait3A_115 = arith.constant 0 : i32
    %dma_wait3A_116 = tpu.memref_slice %arg7[%add3A_109, %dma_wait3A_115] : memref<92x128xi32, #tpu.memory_space<vmem>> -> memref<1x128xi32, #tpu.memory_space<vmem>>
    %dma_wait3A_117 = tpu.memref_squeeze %dma_wait3A_116 : memref<1x128xi32, #tpu.memory_space<vmem>> -> memref<128xi32, #tpu.memory_space<vmem>>
    %dma_wait3A_118 = arith.constant 0 : i32
    %dma_wait3A_119 = arith.constant 0 : i32
    %dma_wait3A_120 = tpu.memref_slice %arg9[%dma_wait3A_118, %dma_wait3A_119] : memref<10112x8xf32, #tpu.memory_space<vmem_shared>> -> memref<10112x8xf32, #tpu.memory_space<vmem_shared>>
    tpu.wait_indirect_dma semaphore(%arg18 : memref<!tpu.dma_semaphore, #tpu.memory_space<semaphore_mem>>) src(%dma_wait3A_114 : memref<128x8xf32, #tpu.memory_space<vmem>>) dst(%dma_wait3A_120 : memref<10112x8xf32, #tpu.memory_space<vmem_shared>>)
    %barrier3A_121 = arith.constant 0 : index
    tpu.barrier barrier_id(%barrier3A_121)
    "tpu.region"() ({
      %run_scoped3A_122 = tpu.sem_alloc : memref<!tpu.dma_semaphore, #tpu.memory_space<semaphore_mem>>
      %dma_start3A_123 = arith.constant 0 : i32
      %dma_start3A_124 = tpu.memref_slice %arg5[%arg0, %mul3A_0, %dma_start3A_123] : memref<2x10112x8xf32, #tpu.memory_space<hbm>> -> memref<1x632x8xf32, #tpu.memory_space<hbm>>
      %dma_start3A_125 = tpu.memref_squeeze %dma_start3A_124 : memref<1x632x8xf32, #tpu.memory_space<hbm>> -> memref<632x8xf32, #tpu.memory_space<hbm>>
      %dma_start3A_126 = arith.constant 0 : i32
      %dma_start3A_127 = tpu.memref_slice %arg9[%mul3A_0, %dma_start3A_126] : memref<10112x8xf32, #tpu.memory_space<vmem_shared>> -> memref<632x8xf32, #tpu.memory_space<vmem_shared>>
      tpu.enqueue_dma source(%dma_start3A_127 : memref<632x8xf32, #tpu.memory_space<vmem_shared>>) target(%dma_start3A_125 : memref<632x8xf32, #tpu.memory_space<hbm>>) target_semaphore(%run_scoped3A_122 : memref<!tpu.dma_semaphore, #tpu.memory_space<semaphore_mem>>)
      %dma_wait3A_128 = arith.constant 0 : i32
      %dma_wait3A_129 = tpu.memref_slice %arg5[%arg0, %mul3A_0, %dma_wait3A_128] : memref<2x10112x8xf32, #tpu.memory_space<hbm>> -> memref<1x632x8xf32, #tpu.memory_space<hbm>>
      %dma_wait3A_130 = tpu.memref_squeeze %dma_wait3A_129 : memref<1x632x8xf32, #tpu.memory_space<hbm>> -> memref<632x8xf32, #tpu.memory_space<hbm>>
      %dma_wait3A_131 = arith.constant 0 : i32
      %dma_wait3A_132 = tpu.memref_slice %arg9[%mul3A_0, %dma_wait3A_131] : memref<10112x8xf32, #tpu.memory_space<vmem_shared>> -> memref<632x8xf32, #tpu.memory_space<vmem_shared>>
      tpu.wait_dma2 semaphore(%run_scoped3A_122 : memref<!tpu.dma_semaphore, #tpu.memory_space<semaphore_mem>>) src(%dma_wait3A_132 : memref<632x8xf32, #tpu.memory_space<vmem_shared>>) dst(%dma_wait3A_130 : memref<632x8xf32, #tpu.memory_space<hbm>>)
      tpu.yield
    }) : () -> ()
    return
  }
}

#map = affine_map<(d0, d1) -> (0, 0, 0)>
#map1 = affine_map<(d0, d1) -> (0, 0)>
module attributes {stable_mosaic.version = 14 : i64} {
  func.func @cnt(%arg0: i32, %arg1: i32, %arg2: memref<2x2592x128xi32, #tpu.memory_space<hbm>>, %arg3: memref<632x8xf32, #tpu.memory_space<hbm>>, %arg4: memref<128x8xf32, #tpu.memory_space<hbm>>, %arg5: memref<2x10112x8xf32, #tpu.memory_space<hbm>>, %arg6: memref<96x128xi32, #tpu.memory_space<vmem>>, %arg7: memref<128x8xf32, #tpu.memory_space<vmem>>, %arg8: memref<10112x8xf32, #tpu.memory_space<vmem_shared>>, %arg9: memref<!tpu.dma_semaphore, #tpu.memory_space<semaphore_mem>>, %arg10: memref<!tpu.dma_semaphore, #tpu.memory_space<semaphore_mem>>, %arg11: memref<!tpu.dma_semaphore, #tpu.memory_space<semaphore_mem>>, %arg12: memref<!tpu.dma_semaphore, #tpu.memory_space<semaphore_mem>>) attributes {dimension_semantics = [#tpu.dimension_semantics<core_parallel>, #tpu.dimension_semantics<subcore_parallel>], iteration_bounds = array<i64: 2, 16>, scalar_prefetch = 0 : i64, scratch_operands = 7 : i64, tpu.core_type = #tpu.core_type<sc_vector_subcore>, window_params = [{transform_indices = #map}, {transform_indices = #map1}, {transform_indices = #map1}, {transform_indices = #map}]} {
    %mul3A = arith.constant 632 : i32
    %mul3A_0 = arith.muli %arg1, %mul3A : i32
    %eq3A = arith.constant 0 : i32
    %eq3A_1 = arith.cmpi eq, %arg0, %eq3A : i32
    %mul3A_2 = arith.constant 96 : i32
    %mul3A_3 = arith.muli %arg1, %mul3A_2 : i32
    %mul3A_4 = arith.constant 64 : i32
    %mul3A_5 = arith.muli %arg1, %mul3A_4 : i32
    %add3A = arith.constant 1536 : i32
    %add3A_6 = arith.addi %add3A, %mul3A_5 : i32
    %select_n3A = arith.select %eq3A_1, %mul3A_3, %add3A_6 : i32
    %eq3A_7 = arith.constant 0 : i32
    %eq3A_8 = arith.cmpi eq, %arg0, %eq3A_7 : i32
    %jit3A = arith.constant 96 : i32
    %jit3A_9 = arith.constant 64 : i32
    %select_n3A_10 = arith.select %eq3A_8, %jit3A, %jit3A_9 : i32
    "tpu.region"() ({
      %run_scoped3A_78 = tpu.sem_alloc : memref<!tpu.dma_semaphore, #tpu.memory_space<semaphore_mem>>
      %dma_start3A = arith.constant 0 : i32
      %dma_start3A_79 = tpu.memref_slice %arg8[%mul3A_0, %dma_start3A] : memref<10112x8xf32, #tpu.memory_space<vmem_shared>> -> memref<632x8xf32, #tpu.memory_space<vmem_shared>>
      tpu.enqueue_dma source(%arg3 : memref<632x8xf32, #tpu.memory_space<hbm>>) target(%dma_start3A_79 : memref<632x8xf32, #tpu.memory_space<vmem_shared>>) target_semaphore(%run_scoped3A_78 : memref<!tpu.dma_semaphore, #tpu.memory_space<semaphore_mem>>)
      %dma_wait3A_80 = arith.constant 0 : i32
      %dma_wait3A_81 = tpu.memref_slice %arg8[%mul3A_0, %dma_wait3A_80] : memref<10112x8xf32, #tpu.memory_space<vmem_shared>> -> memref<632x8xf32, #tpu.memory_space<vmem_shared>>
      tpu.wait_dma2 semaphore(%run_scoped3A_78 : memref<!tpu.dma_semaphore, #tpu.memory_space<semaphore_mem>>) src(%arg3 : memref<632x8xf32, #tpu.memory_space<hbm>>) dst(%dma_wait3A_81 : memref<632x8xf32, #tpu.memory_space<vmem_shared>>)
      tpu.yield
    }) : () -> ()
    "tpu.region"() ({
      %run_scoped3A_78 = tpu.sem_alloc : memref<!tpu.dma_semaphore, #tpu.memory_space<semaphore_mem>>
      tpu.enqueue_dma source(%arg4 : memref<128x8xf32, #tpu.memory_space<hbm>>) target(%arg7 : memref<128x8xf32, #tpu.memory_space<vmem>>) target_semaphore(%run_scoped3A_78 : memref<!tpu.dma_semaphore, #tpu.memory_space<semaphore_mem>>)
      tpu.wait_dma2 semaphore(%run_scoped3A_78 : memref<!tpu.dma_semaphore, #tpu.memory_space<semaphore_mem>>) src(%arg4 : memref<128x8xf32, #tpu.memory_space<hbm>>) dst(%arg7 : memref<128x8xf32, #tpu.memory_space<vmem>>)
      tpu.yield
    }) : () -> ()
    %run_scoped3A = arith.constant 1 : i32
    "tpu.region"() ({
      %run_scoped3A_78 = tpu.sem_alloc : memref<!tpu.dma_semaphore, #tpu.memory_space<semaphore_mem>>
      %dma_start3A = arith.constant 0 : i32
      %dma_start3A_79 = tpu.memref_slice %arg2[%run_scoped3A, %select_n3A, %dma_start3A] : memref<2x2592x128xi32, #tpu.memory_space<hbm>> -> memref<1x96x128xi32, #tpu.memory_space<hbm>>
      %dma_start3A_80 = tpu.memref_squeeze %dma_start3A_79 : memref<1x96x128xi32, #tpu.memory_space<hbm>> -> memref<96x128xi32, #tpu.memory_space<hbm>>
      %dma_start3A_81 = arith.constant 0 : i32
      %dma_start3A_82 = tpu.memref_slice %arg2[%run_scoped3A, %select_n3A, %dma_start3A_81] : memref<2x2592x128xi32, #tpu.memory_space<hbm>> -> memref<1x96x128xi32, #tpu.memory_space<hbm>>
      %dma_start3A_83 = tpu.memref_squeeze %dma_start3A_82 : memref<1x96x128xi32, #tpu.memory_space<hbm>> -> memref<96x128xi32, #tpu.memory_space<hbm>>
      tpu.enqueue_dma source(%dma_start3A_83 : memref<96x128xi32, #tpu.memory_space<hbm>>) target(%arg6 : memref<96x128xi32, #tpu.memory_space<vmem>>) target_semaphore(%run_scoped3A_78 : memref<!tpu.dma_semaphore, #tpu.memory_space<semaphore_mem>>)
      %dma_wait3A_84 = arith.constant 0 : i32
      %dma_wait3A_85 = tpu.memref_slice %arg2[%run_scoped3A, %select_n3A, %dma_wait3A_84] : memref<2x2592x128xi32, #tpu.memory_space<hbm>> -> memref<1x96x128xi32, #tpu.memory_space<hbm>>
      %dma_wait3A_86 = tpu.memref_squeeze %dma_wait3A_85 : memref<1x96x128xi32, #tpu.memory_space<hbm>> -> memref<96x128xi32, #tpu.memory_space<hbm>>
      %dma_wait3A_87 = arith.constant 0 : i32
      %dma_wait3A_88 = tpu.memref_slice %arg2[%run_scoped3A, %select_n3A, %dma_wait3A_87] : memref<2x2592x128xi32, #tpu.memory_space<hbm>> -> memref<1x96x128xi32, #tpu.memory_space<hbm>>
      %dma_wait3A_89 = tpu.memref_squeeze %dma_wait3A_88 : memref<1x96x128xi32, #tpu.memory_space<hbm>> -> memref<96x128xi32, #tpu.memory_space<hbm>>
      tpu.wait_dma2 semaphore(%run_scoped3A_78 : memref<!tpu.dma_semaphore, #tpu.memory_space<semaphore_mem>>) src(%dma_wait3A_89 : memref<96x128xi32, #tpu.memory_space<hbm>>) dst(%arg6 : memref<96x128xi32, #tpu.memory_space<vmem>>)
      tpu.yield
    }) : () -> ()
    %barrier3A = arith.constant 0 : index
    tpu.barrier barrier_id(%barrier3A)
    %jit3A_11 = arith.constant 4 : i32
    %div3A = arith.divsi %select_n3A_10, %jit3A_11 : i32
    %sign3A = arith.constant 0 : i32
    %sign3A_12 = arith.cmpi sgt, %select_n3A_10, %sign3A : i32
    %sign3A_13 = arith.extui %sign3A_12 : i1 to i32
    %sign3A_14 = arith.constant 0 : i32
    %sign3A_15 = arith.cmpi slt, %select_n3A_10, %sign3A_14 : i32
    %sign3A_16 = arith.extui %sign3A_15 : i1 to i32
    %sign3A_17 = arith.subi %sign3A_13, %sign3A_16 : i32
    %sign3A_18 = arith.constant 0 : i32
    %sign3A_19 = arith.cmpi sgt, %jit3A_11, %sign3A_18 : i32
    %sign3A_20 = arith.extui %sign3A_19 : i1 to i32
    %sign3A_21 = arith.constant 0 : i32
    %sign3A_22 = arith.cmpi slt, %jit3A_11, %sign3A_21 : i32
    %sign3A_23 = arith.extui %sign3A_22 : i1 to i32
    %sign3A_24 = arith.subi %sign3A_20, %sign3A_23 : i32
    %ne3A = arith.cmpi ne, %sign3A_17, %sign3A_24 : i32
    %rem3A = arith.remsi %select_n3A_10, %jit3A_11 : i32
    %ne3A_25 = arith.constant 0 : i32
    %ne3A_26 = arith.cmpi ne, %rem3A, %ne3A_25 : i32
    %and3A = arith.andi %ne3A, %ne3A_26 : i1
    %sub3A = arith.constant 1 : i32
    %sub3A_27 = arith.subi %div3A, %sub3A : i32
    %select_n3A_28 = arith.select %and3A, %sub3A_27, %div3A : i32
    %while3A = arith.constant 0 : i32
    %while3A_29 = arith.constant 0 : i32
    %while3A_30 = arith.subi %select_n3A_28, %while3A_29 : i32
    %while3A_31 = arith.addi %while3A_29, %while3A_30 : i32
    %while3A_32 = arith.constant 1 : i32
    %while3A_33 = arith.divsi %while3A_30, %while3A_32 : i32
    %while3A_34 = arith.muli %while3A_33, %while3A_32 : i32
    %while3A_35 = arith.addi %while3A_29, %while3A_34 : i32
    %while3A_36 = arith.constant 1 : i32
    scf.for %while3A_78 = %while3A_29 to %while3A_35 step %while3A_36  : i32 {
      %mul3A_79 = arith.constant 4 : i32
      %mul3A_80 = arith.muli %while3A_78, %mul3A_79 : i32
      %add3A_81 = arith.constant 0 : i32
      %add3A_82 = arith.addi %mul3A_80, %add3A_81 : i32
      %ge3A = arith.constant 4 : i32
      %ge3A_83 = arith.cmpi sge, %add3A_82, %ge3A : i32
      %convert_element_type3A = arith.extui %ge3A_83 : i1 to i32
      %cond3A = arith.constant 0 : i32
      %cond3A_84 = arith.cmpi ne, %convert_element_type3A, %cond3A : i32
      scf.if %cond3A_84 {
        %sub3A_135 = arith.constant 4 : i32
        %sub3A_136 = arith.subi %add3A_82, %sub3A_135 : i32
        %dma_wait3A_137 = arith.constant 0 : i32
        %dma_wait3A_138 = tpu.memref_slice %arg6[%sub3A_136, %dma_wait3A_137] : memref<96x128xi32, #tpu.memory_space<vmem>> -> memref<1x128xi32, #tpu.memory_space<vmem>>
        %dma_wait3A_139 = tpu.memref_squeeze %dma_wait3A_138 : memref<1x128xi32, #tpu.memory_space<vmem>> -> memref<128xi32, #tpu.memory_space<vmem>>
        %dma_wait3A_140 = arith.constant 0 : i32
        %dma_wait3A_141 = arith.constant 0 : i32
        %dma_wait3A_142 = tpu.memref_slice %arg8[%dma_wait3A_140, %dma_wait3A_141] : memref<10112x8xf32, #tpu.memory_space<vmem_shared>> -> memref<10112x8xf32, #tpu.memory_space<vmem_shared>>
        tpu.wait_indirect_dma semaphore(%arg9 : memref<!tpu.dma_semaphore, #tpu.memory_space<semaphore_mem>>) src(%arg7 : memref<128x8xf32, #tpu.memory_space<vmem>>) dst(%dma_wait3A_142 : memref<10112x8xf32, #tpu.memory_space<vmem_shared>>)
      } else {
      }
      %dma_start3A = arith.constant 0 : i32
      %dma_start3A_85 = tpu.memref_slice %arg6[%add3A_82, %dma_start3A] : memref<96x128xi32, #tpu.memory_space<vmem>> -> memref<1x128xi32, #tpu.memory_space<vmem>>
      %dma_start3A_86 = tpu.memref_squeeze %dma_start3A_85 : memref<1x128xi32, #tpu.memory_space<vmem>> -> memref<128xi32, #tpu.memory_space<vmem>>
      %dma_start3A_87 = arith.constant 0 : i32
      %dma_start3A_88 = arith.constant 0 : i32
      %dma_start3A_89 = tpu.memref_slice %arg8[%dma_start3A_87, %dma_start3A_88] : memref<10112x8xf32, #tpu.memory_space<vmem_shared>> -> memref<10112x8xf32, #tpu.memory_space<vmem_shared>>
      tpu.enqueue_indirect_dma source(%arg7 : memref<128x8xf32, #tpu.memory_space<vmem>>) target(%dma_start3A_89 : memref<10112x8xf32, #tpu.memory_space<vmem_shared>>) offsets(%dma_start3A_86 : memref<128xi32, #tpu.memory_space<vmem>>) semaphore(%arg9 : memref<!tpu.dma_semaphore, #tpu.memory_space<semaphore_mem>>) {add = true}
      %mul3A_90 = arith.constant 4 : i32
      %mul3A_91 = arith.muli %while3A_78, %mul3A_90 : i32
      %add3A_92 = arith.constant 1 : i32
      %add3A_93 = arith.addi %mul3A_91, %add3A_92 : i32
      %ge3A_94 = arith.constant 4 : i32
      %ge3A_95 = arith.cmpi sge, %add3A_93, %ge3A_94 : i32
      %convert_element_type3A_96 = arith.extui %ge3A_95 : i1 to i32
      %cond3A_97 = arith.constant 0 : i32
      %cond3A_98 = arith.cmpi ne, %convert_element_type3A_96, %cond3A_97 : i32
      scf.if %cond3A_98 {
        %sub3A_135 = arith.constant 4 : i32
        %sub3A_136 = arith.subi %add3A_93, %sub3A_135 : i32
        %dma_wait3A_137 = arith.constant 0 : i32
        %dma_wait3A_138 = tpu.memref_slice %arg6[%sub3A_136, %dma_wait3A_137] : memref<96x128xi32, #tpu.memory_space<vmem>> -> memref<1x128xi32, #tpu.memory_space<vmem>>
        %dma_wait3A_139 = tpu.memref_squeeze %dma_wait3A_138 : memref<1x128xi32, #tpu.memory_space<vmem>> -> memref<128xi32, #tpu.memory_space<vmem>>
        %dma_wait3A_140 = arith.constant 0 : i32
        %dma_wait3A_141 = arith.constant 0 : i32
        %dma_wait3A_142 = tpu.memref_slice %arg8[%dma_wait3A_140, %dma_wait3A_141] : memref<10112x8xf32, #tpu.memory_space<vmem_shared>> -> memref<10112x8xf32, #tpu.memory_space<vmem_shared>>
        tpu.wait_indirect_dma semaphore(%arg10 : memref<!tpu.dma_semaphore, #tpu.memory_space<semaphore_mem>>) src(%arg7 : memref<128x8xf32, #tpu.memory_space<vmem>>) dst(%dma_wait3A_142 : memref<10112x8xf32, #tpu.memory_space<vmem_shared>>)
      } else {
      }
      %dma_start3A_99 = arith.constant 0 : i32
      %dma_start3A_100 = tpu.memref_slice %arg6[%add3A_93, %dma_start3A_99] : memref<96x128xi32, #tpu.memory_space<vmem>> -> memref<1x128xi32, #tpu.memory_space<vmem>>
      %dma_start3A_101 = tpu.memref_squeeze %dma_start3A_100 : memref<1x128xi32, #tpu.memory_space<vmem>> -> memref<128xi32, #tpu.memory_space<vmem>>
      %dma_start3A_102 = arith.constant 0 : i32
      %dma_start3A_103 = arith.constant 0 : i32
      %dma_start3A_104 = tpu.memref_slice %arg8[%dma_start3A_102, %dma_start3A_103] : memref<10112x8xf32, #tpu.memory_space<vmem_shared>> -> memref<10112x8xf32, #tpu.memory_space<vmem_shared>>
      tpu.enqueue_indirect_dma source(%arg7 : memref<128x8xf32, #tpu.memory_space<vmem>>) target(%dma_start3A_104 : memref<10112x8xf32, #tpu.memory_space<vmem_shared>>) offsets(%dma_start3A_101 : memref<128xi32, #tpu.memory_space<vmem>>) semaphore(%arg10 : memref<!tpu.dma_semaphore, #tpu.memory_space<semaphore_mem>>) {add = true}
      %mul3A_105 = arith.constant 4 : i32
      %mul3A_106 = arith.muli %while3A_78, %mul3A_105 : i32
      %add3A_107 = arith.constant 2 : i32
      %add3A_108 = arith.addi %mul3A_106, %add3A_107 : i32
      %ge3A_109 = arith.constant 4 : i32
      %ge3A_110 = arith.cmpi sge, %add3A_108, %ge3A_109 : i32
      %convert_element_type3A_111 = arith.extui %ge3A_110 : i1 to i32
      %cond3A_112 = arith.constant 0 : i32
      %cond3A_113 = arith.cmpi ne, %convert_element_type3A_111, %cond3A_112 : i32
      scf.if %cond3A_113 {
        %sub3A_135 = arith.constant 4 : i32
        %sub3A_136 = arith.subi %add3A_108, %sub3A_135 : i32
        %dma_wait3A_137 = arith.constant 0 : i32
        %dma_wait3A_138 = tpu.memref_slice %arg6[%sub3A_136, %dma_wait3A_137] : memref<96x128xi32, #tpu.memory_space<vmem>> -> memref<1x128xi32, #tpu.memory_space<vmem>>
        %dma_wait3A_139 = tpu.memref_squeeze %dma_wait3A_138 : memref<1x128xi32, #tpu.memory_space<vmem>> -> memref<128xi32, #tpu.memory_space<vmem>>
        %dma_wait3A_140 = arith.constant 0 : i32
        %dma_wait3A_141 = arith.constant 0 : i32
        %dma_wait3A_142 = tpu.memref_slice %arg8[%dma_wait3A_140, %dma_wait3A_141] : memref<10112x8xf32, #tpu.memory_space<vmem_shared>> -> memref<10112x8xf32, #tpu.memory_space<vmem_shared>>
        tpu.wait_indirect_dma semaphore(%arg11 : memref<!tpu.dma_semaphore, #tpu.memory_space<semaphore_mem>>) src(%arg7 : memref<128x8xf32, #tpu.memory_space<vmem>>) dst(%dma_wait3A_142 : memref<10112x8xf32, #tpu.memory_space<vmem_shared>>)
      } else {
      }
      %dma_start3A_114 = arith.constant 0 : i32
      %dma_start3A_115 = tpu.memref_slice %arg6[%add3A_108, %dma_start3A_114] : memref<96x128xi32, #tpu.memory_space<vmem>> -> memref<1x128xi32, #tpu.memory_space<vmem>>
      %dma_start3A_116 = tpu.memref_squeeze %dma_start3A_115 : memref<1x128xi32, #tpu.memory_space<vmem>> -> memref<128xi32, #tpu.memory_space<vmem>>
      %dma_start3A_117 = arith.constant 0 : i32
      %dma_start3A_118 = arith.constant 0 : i32
      %dma_start3A_119 = tpu.memref_slice %arg8[%dma_start3A_117, %dma_start3A_118] : memref<10112x8xf32, #tpu.memory_space<vmem_shared>> -> memref<10112x8xf32, #tpu.memory_space<vmem_shared>>
      tpu.enqueue_indirect_dma source(%arg7 : memref<128x8xf32, #tpu.memory_space<vmem>>) target(%dma_start3A_119 : memref<10112x8xf32, #tpu.memory_space<vmem_shared>>) offsets(%dma_start3A_116 : memref<128xi32, #tpu.memory_space<vmem>>) semaphore(%arg11 : memref<!tpu.dma_semaphore, #tpu.memory_space<semaphore_mem>>) {add = true}
      %mul3A_120 = arith.constant 4 : i32
      %mul3A_121 = arith.muli %while3A_78, %mul3A_120 : i32
      %add3A_122 = arith.constant 3 : i32
      %add3A_123 = arith.addi %mul3A_121, %add3A_122 : i32
      %ge3A_124 = arith.constant 4 : i32
      %ge3A_125 = arith.cmpi sge, %add3A_123, %ge3A_124 : i32
      %convert_element_type3A_126 = arith.extui %ge3A_125 : i1 to i32
      %cond3A_127 = arith.constant 0 : i32
      %cond3A_128 = arith.cmpi ne, %convert_element_type3A_126, %cond3A_127 : i32
      scf.if %cond3A_128 {
        %sub3A_135 = arith.constant 4 : i32
        %sub3A_136 = arith.subi %add3A_123, %sub3A_135 : i32
        %dma_wait3A_137 = arith.constant 0 : i32
        %dma_wait3A_138 = tpu.memref_slice %arg6[%sub3A_136, %dma_wait3A_137] : memref<96x128xi32, #tpu.memory_space<vmem>> -> memref<1x128xi32, #tpu.memory_space<vmem>>
        %dma_wait3A_139 = tpu.memref_squeeze %dma_wait3A_138 : memref<1x128xi32, #tpu.memory_space<vmem>> -> memref<128xi32, #tpu.memory_space<vmem>>
        %dma_wait3A_140 = arith.constant 0 : i32
        %dma_wait3A_141 = arith.constant 0 : i32
        %dma_wait3A_142 = tpu.memref_slice %arg8[%dma_wait3A_140, %dma_wait3A_141] : memref<10112x8xf32, #tpu.memory_space<vmem_shared>> -> memref<10112x8xf32, #tpu.memory_space<vmem_shared>>
        tpu.wait_indirect_dma semaphore(%arg12 : memref<!tpu.dma_semaphore, #tpu.memory_space<semaphore_mem>>) src(%arg7 : memref<128x8xf32, #tpu.memory_space<vmem>>) dst(%dma_wait3A_142 : memref<10112x8xf32, #tpu.memory_space<vmem_shared>>)
      } else {
      }
      %dma_start3A_129 = arith.constant 0 : i32
      %dma_start3A_130 = tpu.memref_slice %arg6[%add3A_123, %dma_start3A_129] : memref<96x128xi32, #tpu.memory_space<vmem>> -> memref<1x128xi32, #tpu.memory_space<vmem>>
      %dma_start3A_131 = tpu.memref_squeeze %dma_start3A_130 : memref<1x128xi32, #tpu.memory_space<vmem>> -> memref<128xi32, #tpu.memory_space<vmem>>
      %dma_start3A_132 = arith.constant 0 : i32
      %dma_start3A_133 = arith.constant 0 : i32
      %dma_start3A_134 = tpu.memref_slice %arg8[%dma_start3A_132, %dma_start3A_133] : memref<10112x8xf32, #tpu.memory_space<vmem_shared>> -> memref<10112x8xf32, #tpu.memory_space<vmem_shared>>
      tpu.enqueue_indirect_dma source(%arg7 : memref<128x8xf32, #tpu.memory_space<vmem>>) target(%dma_start3A_134 : memref<10112x8xf32, #tpu.memory_space<vmem_shared>>) offsets(%dma_start3A_131 : memref<128xi32, #tpu.memory_space<vmem>>) semaphore(%arg12 : memref<!tpu.dma_semaphore, #tpu.memory_space<semaphore_mem>>) {add = true}
    }
    %while3A_37 = arith.constant 1 : i32
    scf.for %while3A_78 = %while3A_35 to %while3A_31 step %while3A_37  : i32 {
      %mul3A_79 = arith.constant 4 : i32
      %mul3A_80 = arith.muli %while3A_78, %mul3A_79 : i32
      %add3A_81 = arith.constant 0 : i32
      %add3A_82 = arith.addi %mul3A_80, %add3A_81 : i32
      %ge3A = arith.constant 4 : i32
      %ge3A_83 = arith.cmpi sge, %add3A_82, %ge3A : i32
      %convert_element_type3A = arith.extui %ge3A_83 : i1 to i32
      %cond3A = arith.constant 0 : i32
      %cond3A_84 = arith.cmpi ne, %convert_element_type3A, %cond3A : i32
      scf.if %cond3A_84 {
        %sub3A_135 = arith.constant 4 : i32
        %sub3A_136 = arith.subi %add3A_82, %sub3A_135 : i32
        %dma_wait3A_137 = arith.constant 0 : i32
        %dma_wait3A_138 = tpu.memref_slice %arg6[%sub3A_136, %dma_wait3A_137] : memref<96x128xi32, #tpu.memory_space<vmem>> -> memref<1x128xi32, #tpu.memory_space<vmem>>
        %dma_wait3A_139 = tpu.memref_squeeze %dma_wait3A_138 : memref<1x128xi32, #tpu.memory_space<vmem>> -> memref<128xi32, #tpu.memory_space<vmem>>
        %dma_wait3A_140 = arith.constant 0 : i32
        %dma_wait3A_141 = arith.constant 0 : i32
        %dma_wait3A_142 = tpu.memref_slice %arg8[%dma_wait3A_140, %dma_wait3A_141] : memref<10112x8xf32, #tpu.memory_space<vmem_shared>> -> memref<10112x8xf32, #tpu.memory_space<vmem_shared>>
        tpu.wait_indirect_dma semaphore(%arg9 : memref<!tpu.dma_semaphore, #tpu.memory_space<semaphore_mem>>) src(%arg7 : memref<128x8xf32, #tpu.memory_space<vmem>>) dst(%dma_wait3A_142 : memref<10112x8xf32, #tpu.memory_space<vmem_shared>>)
      } else {
      }
      %dma_start3A = arith.constant 0 : i32
      %dma_start3A_85 = tpu.memref_slice %arg6[%add3A_82, %dma_start3A] : memref<96x128xi32, #tpu.memory_space<vmem>> -> memref<1x128xi32, #tpu.memory_space<vmem>>
      %dma_start3A_86 = tpu.memref_squeeze %dma_start3A_85 : memref<1x128xi32, #tpu.memory_space<vmem>> -> memref<128xi32, #tpu.memory_space<vmem>>
      %dma_start3A_87 = arith.constant 0 : i32
      %dma_start3A_88 = arith.constant 0 : i32
      %dma_start3A_89 = tpu.memref_slice %arg8[%dma_start3A_87, %dma_start3A_88] : memref<10112x8xf32, #tpu.memory_space<vmem_shared>> -> memref<10112x8xf32, #tpu.memory_space<vmem_shared>>
      tpu.enqueue_indirect_dma source(%arg7 : memref<128x8xf32, #tpu.memory_space<vmem>>) target(%dma_start3A_89 : memref<10112x8xf32, #tpu.memory_space<vmem_shared>>) offsets(%dma_start3A_86 : memref<128xi32, #tpu.memory_space<vmem>>) semaphore(%arg9 : memref<!tpu.dma_semaphore, #tpu.memory_space<semaphore_mem>>) {add = true}
      %mul3A_90 = arith.constant 4 : i32
      %mul3A_91 = arith.muli %while3A_78, %mul3A_90 : i32
      %add3A_92 = arith.constant 1 : i32
      %add3A_93 = arith.addi %mul3A_91, %add3A_92 : i32
      %ge3A_94 = arith.constant 4 : i32
      %ge3A_95 = arith.cmpi sge, %add3A_93, %ge3A_94 : i32
      %convert_element_type3A_96 = arith.extui %ge3A_95 : i1 to i32
      %cond3A_97 = arith.constant 0 : i32
      %cond3A_98 = arith.cmpi ne, %convert_element_type3A_96, %cond3A_97 : i32
      scf.if %cond3A_98 {
        %sub3A_135 = arith.constant 4 : i32
        %sub3A_136 = arith.subi %add3A_93, %sub3A_135 : i32
        %dma_wait3A_137 = arith.constant 0 : i32
        %dma_wait3A_138 = tpu.memref_slice %arg6[%sub3A_136, %dma_wait3A_137] : memref<96x128xi32, #tpu.memory_space<vmem>> -> memref<1x128xi32, #tpu.memory_space<vmem>>
        %dma_wait3A_139 = tpu.memref_squeeze %dma_wait3A_138 : memref<1x128xi32, #tpu.memory_space<vmem>> -> memref<128xi32, #tpu.memory_space<vmem>>
        %dma_wait3A_140 = arith.constant 0 : i32
        %dma_wait3A_141 = arith.constant 0 : i32
        %dma_wait3A_142 = tpu.memref_slice %arg8[%dma_wait3A_140, %dma_wait3A_141] : memref<10112x8xf32, #tpu.memory_space<vmem_shared>> -> memref<10112x8xf32, #tpu.memory_space<vmem_shared>>
        tpu.wait_indirect_dma semaphore(%arg10 : memref<!tpu.dma_semaphore, #tpu.memory_space<semaphore_mem>>) src(%arg7 : memref<128x8xf32, #tpu.memory_space<vmem>>) dst(%dma_wait3A_142 : memref<10112x8xf32, #tpu.memory_space<vmem_shared>>)
      } else {
      }
      %dma_start3A_99 = arith.constant 0 : i32
      %dma_start3A_100 = tpu.memref_slice %arg6[%add3A_93, %dma_start3A_99] : memref<96x128xi32, #tpu.memory_space<vmem>> -> memref<1x128xi32, #tpu.memory_space<vmem>>
      %dma_start3A_101 = tpu.memref_squeeze %dma_start3A_100 : memref<1x128xi32, #tpu.memory_space<vmem>> -> memref<128xi32, #tpu.memory_space<vmem>>
      %dma_start3A_102 = arith.constant 0 : i32
      %dma_start3A_103 = arith.constant 0 : i32
      %dma_start3A_104 = tpu.memref_slice %arg8[%dma_start3A_102, %dma_start3A_103] : memref<10112x8xf32, #tpu.memory_space<vmem_shared>> -> memref<10112x8xf32, #tpu.memory_space<vmem_shared>>
      tpu.enqueue_indirect_dma source(%arg7 : memref<128x8xf32, #tpu.memory_space<vmem>>) target(%dma_start3A_104 : memref<10112x8xf32, #tpu.memory_space<vmem_shared>>) offsets(%dma_start3A_101 : memref<128xi32, #tpu.memory_space<vmem>>) semaphore(%arg10 : memref<!tpu.dma_semaphore, #tpu.memory_space<semaphore_mem>>) {add = true}
      %mul3A_105 = arith.constant 4 : i32
      %mul3A_106 = arith.muli %while3A_78, %mul3A_105 : i32
      %add3A_107 = arith.constant 2 : i32
      %add3A_108 = arith.addi %mul3A_106, %add3A_107 : i32
      %ge3A_109 = arith.constant 4 : i32
      %ge3A_110 = arith.cmpi sge, %add3A_108, %ge3A_109 : i32
      %convert_element_type3A_111 = arith.extui %ge3A_110 : i1 to i32
      %cond3A_112 = arith.constant 0 : i32
      %cond3A_113 = arith.cmpi ne, %convert_element_type3A_111, %cond3A_112 : i32
      scf.if %cond3A_113 {
        %sub3A_135 = arith.constant 4 : i32
        %sub3A_136 = arith.subi %add3A_108, %sub3A_135 : i32
        %dma_wait3A_137 = arith.constant 0 : i32
        %dma_wait3A_138 = tpu.memref_slice %arg6[%sub3A_136, %dma_wait3A_137] : memref<96x128xi32, #tpu.memory_space<vmem>> -> memref<1x128xi32, #tpu.memory_space<vmem>>
        %dma_wait3A_139 = tpu.memref_squeeze %dma_wait3A_138 : memref<1x128xi32, #tpu.memory_space<vmem>> -> memref<128xi32, #tpu.memory_space<vmem>>
        %dma_wait3A_140 = arith.constant 0 : i32
        %dma_wait3A_141 = arith.constant 0 : i32
        %dma_wait3A_142 = tpu.memref_slice %arg8[%dma_wait3A_140, %dma_wait3A_141] : memref<10112x8xf32, #tpu.memory_space<vmem_shared>> -> memref<10112x8xf32, #tpu.memory_space<vmem_shared>>
        tpu.wait_indirect_dma semaphore(%arg11 : memref<!tpu.dma_semaphore, #tpu.memory_space<semaphore_mem>>) src(%arg7 : memref<128x8xf32, #tpu.memory_space<vmem>>) dst(%dma_wait3A_142 : memref<10112x8xf32, #tpu.memory_space<vmem_shared>>)
      } else {
      }
      %dma_start3A_114 = arith.constant 0 : i32
      %dma_start3A_115 = tpu.memref_slice %arg6[%add3A_108, %dma_start3A_114] : memref<96x128xi32, #tpu.memory_space<vmem>> -> memref<1x128xi32, #tpu.memory_space<vmem>>
      %dma_start3A_116 = tpu.memref_squeeze %dma_start3A_115 : memref<1x128xi32, #tpu.memory_space<vmem>> -> memref<128xi32, #tpu.memory_space<vmem>>
      %dma_start3A_117 = arith.constant 0 : i32
      %dma_start3A_118 = arith.constant 0 : i32
      %dma_start3A_119 = tpu.memref_slice %arg8[%dma_start3A_117, %dma_start3A_118] : memref<10112x8xf32, #tpu.memory_space<vmem_shared>> -> memref<10112x8xf32, #tpu.memory_space<vmem_shared>>
      tpu.enqueue_indirect_dma source(%arg7 : memref<128x8xf32, #tpu.memory_space<vmem>>) target(%dma_start3A_119 : memref<10112x8xf32, #tpu.memory_space<vmem_shared>>) offsets(%dma_start3A_116 : memref<128xi32, #tpu.memory_space<vmem>>) semaphore(%arg11 : memref<!tpu.dma_semaphore, #tpu.memory_space<semaphore_mem>>) {add = true}
      %mul3A_120 = arith.constant 4 : i32
      %mul3A_121 = arith.muli %while3A_78, %mul3A_120 : i32
      %add3A_122 = arith.constant 3 : i32
      %add3A_123 = arith.addi %mul3A_121, %add3A_122 : i32
      %ge3A_124 = arith.constant 4 : i32
      %ge3A_125 = arith.cmpi sge, %add3A_123, %ge3A_124 : i32
      %convert_element_type3A_126 = arith.extui %ge3A_125 : i1 to i32
      %cond3A_127 = arith.constant 0 : i32
      %cond3A_128 = arith.cmpi ne, %convert_element_type3A_126, %cond3A_127 : i32
      scf.if %cond3A_128 {
        %sub3A_135 = arith.constant 4 : i32
        %sub3A_136 = arith.subi %add3A_123, %sub3A_135 : i32
        %dma_wait3A_137 = arith.constant 0 : i32
        %dma_wait3A_138 = tpu.memref_slice %arg6[%sub3A_136, %dma_wait3A_137] : memref<96x128xi32, #tpu.memory_space<vmem>> -> memref<1x128xi32, #tpu.memory_space<vmem>>
        %dma_wait3A_139 = tpu.memref_squeeze %dma_wait3A_138 : memref<1x128xi32, #tpu.memory_space<vmem>> -> memref<128xi32, #tpu.memory_space<vmem>>
        %dma_wait3A_140 = arith.constant 0 : i32
        %dma_wait3A_141 = arith.constant 0 : i32
        %dma_wait3A_142 = tpu.memref_slice %arg8[%dma_wait3A_140, %dma_wait3A_141] : memref<10112x8xf32, #tpu.memory_space<vmem_shared>> -> memref<10112x8xf32, #tpu.memory_space<vmem_shared>>
        tpu.wait_indirect_dma semaphore(%arg12 : memref<!tpu.dma_semaphore, #tpu.memory_space<semaphore_mem>>) src(%arg7 : memref<128x8xf32, #tpu.memory_space<vmem>>) dst(%dma_wait3A_142 : memref<10112x8xf32, #tpu.memory_space<vmem_shared>>)
      } else {
      }
      %dma_start3A_129 = arith.constant 0 : i32
      %dma_start3A_130 = tpu.memref_slice %arg6[%add3A_123, %dma_start3A_129] : memref<96x128xi32, #tpu.memory_space<vmem>> -> memref<1x128xi32, #tpu.memory_space<vmem>>
      %dma_start3A_131 = tpu.memref_squeeze %dma_start3A_130 : memref<1x128xi32, #tpu.memory_space<vmem>> -> memref<128xi32, #tpu.memory_space<vmem>>
      %dma_start3A_132 = arith.constant 0 : i32
      %dma_start3A_133 = arith.constant 0 : i32
      %dma_start3A_134 = tpu.memref_slice %arg8[%dma_start3A_132, %dma_start3A_133] : memref<10112x8xf32, #tpu.memory_space<vmem_shared>> -> memref<10112x8xf32, #tpu.memory_space<vmem_shared>>
      tpu.enqueue_indirect_dma source(%arg7 : memref<128x8xf32, #tpu.memory_space<vmem>>) target(%dma_start3A_134 : memref<10112x8xf32, #tpu.memory_space<vmem_shared>>) offsets(%dma_start3A_131 : memref<128xi32, #tpu.memory_space<vmem>>) semaphore(%arg12 : memref<!tpu.dma_semaphore, #tpu.memory_space<semaphore_mem>>) {add = true}
    }
    %sub3A_38 = arith.constant 4 : i32
    %sub3A_39 = arith.subi %select_n3A_10, %sub3A_38 : i32
    %add3A_40 = arith.constant 0 : i32
    %add3A_41 = arith.addi %sub3A_39, %add3A_40 : i32
    %dma_wait3A = arith.constant 0 : i32
    %dma_wait3A_42 = tpu.memref_slice %arg6[%add3A_41, %dma_wait3A] : memref<96x128xi32, #tpu.memory_space<vmem>> -> memref<1x128xi32, #tpu.memory_space<vmem>>
    %dma_wait3A_43 = tpu.memref_squeeze %dma_wait3A_42 : memref<1x128xi32, #tpu.memory_space<vmem>> -> memref<128xi32, #tpu.memory_space<vmem>>
    %dma_wait3A_44 = arith.constant 0 : i32
    %dma_wait3A_45 = arith.constant 0 : i32
    %dma_wait3A_46 = tpu.memref_slice %arg8[%dma_wait3A_44, %dma_wait3A_45] : memref<10112x8xf32, #tpu.memory_space<vmem_shared>> -> memref<10112x8xf32, #tpu.memory_space<vmem_shared>>
    tpu.wait_indirect_dma semaphore(%arg9 : memref<!tpu.dma_semaphore, #tpu.memory_space<semaphore_mem>>) src(%arg7 : memref<128x8xf32, #tpu.memory_space<vmem>>) dst(%dma_wait3A_46 : memref<10112x8xf32, #tpu.memory_space<vmem_shared>>)
    %sub3A_47 = arith.constant 4 : i32
    %sub3A_48 = arith.subi %select_n3A_10, %sub3A_47 : i32
    %add3A_49 = arith.constant 1 : i32
    %add3A_50 = arith.addi %sub3A_48, %add3A_49 : i32
    %dma_wait3A_51 = arith.constant 0 : i32
    %dma_wait3A_52 = tpu.memref_slice %arg6[%add3A_50, %dma_wait3A_51] : memref<96x128xi32, #tpu.memory_space<vmem>> -> memref<1x128xi32, #tpu.memory_space<vmem>>
    %dma_wait3A_53 = tpu.memref_squeeze %dma_wait3A_52 : memref<1x128xi32, #tpu.memory_space<vmem>> -> memref<128xi32, #tpu.memory_space<vmem>>
    %dma_wait3A_54 = arith.constant 0 : i32
    %dma_wait3A_55 = arith.constant 0 : i32
    %dma_wait3A_56 = tpu.memref_slice %arg8[%dma_wait3A_54, %dma_wait3A_55] : memref<10112x8xf32, #tpu.memory_space<vmem_shared>> -> memref<10112x8xf32, #tpu.memory_space<vmem_shared>>
    tpu.wait_indirect_dma semaphore(%arg10 : memref<!tpu.dma_semaphore, #tpu.memory_space<semaphore_mem>>) src(%arg7 : memref<128x8xf32, #tpu.memory_space<vmem>>) dst(%dma_wait3A_56 : memref<10112x8xf32, #tpu.memory_space<vmem_shared>>)
    %sub3A_57 = arith.constant 4 : i32
    %sub3A_58 = arith.subi %select_n3A_10, %sub3A_57 : i32
    %add3A_59 = arith.constant 2 : i32
    %add3A_60 = arith.addi %sub3A_58, %add3A_59 : i32
    %dma_wait3A_61 = arith.constant 0 : i32
    %dma_wait3A_62 = tpu.memref_slice %arg6[%add3A_60, %dma_wait3A_61] : memref<96x128xi32, #tpu.memory_space<vmem>> -> memref<1x128xi32, #tpu.memory_space<vmem>>
    %dma_wait3A_63 = tpu.memref_squeeze %dma_wait3A_62 : memref<1x128xi32, #tpu.memory_space<vmem>> -> memref<128xi32, #tpu.memory_space<vmem>>
    %dma_wait3A_64 = arith.constant 0 : i32
    %dma_wait3A_65 = arith.constant 0 : i32
    %dma_wait3A_66 = tpu.memref_slice %arg8[%dma_wait3A_64, %dma_wait3A_65] : memref<10112x8xf32, #tpu.memory_space<vmem_shared>> -> memref<10112x8xf32, #tpu.memory_space<vmem_shared>>
    tpu.wait_indirect_dma semaphore(%arg11 : memref<!tpu.dma_semaphore, #tpu.memory_space<semaphore_mem>>) src(%arg7 : memref<128x8xf32, #tpu.memory_space<vmem>>) dst(%dma_wait3A_66 : memref<10112x8xf32, #tpu.memory_space<vmem_shared>>)
    %sub3A_67 = arith.constant 4 : i32
    %sub3A_68 = arith.subi %select_n3A_10, %sub3A_67 : i32
    %add3A_69 = arith.constant 3 : i32
    %add3A_70 = arith.addi %sub3A_68, %add3A_69 : i32
    %dma_wait3A_71 = arith.constant 0 : i32
    %dma_wait3A_72 = tpu.memref_slice %arg6[%add3A_70, %dma_wait3A_71] : memref<96x128xi32, #tpu.memory_space<vmem>> -> memref<1x128xi32, #tpu.memory_space<vmem>>
    %dma_wait3A_73 = tpu.memref_squeeze %dma_wait3A_72 : memref<1x128xi32, #tpu.memory_space<vmem>> -> memref<128xi32, #tpu.memory_space<vmem>>
    %dma_wait3A_74 = arith.constant 0 : i32
    %dma_wait3A_75 = arith.constant 0 : i32
    %dma_wait3A_76 = tpu.memref_slice %arg8[%dma_wait3A_74, %dma_wait3A_75] : memref<10112x8xf32, #tpu.memory_space<vmem_shared>> -> memref<10112x8xf32, #tpu.memory_space<vmem_shared>>
    tpu.wait_indirect_dma semaphore(%arg12 : memref<!tpu.dma_semaphore, #tpu.memory_space<semaphore_mem>>) src(%arg7 : memref<128x8xf32, #tpu.memory_space<vmem>>) dst(%dma_wait3A_76 : memref<10112x8xf32, #tpu.memory_space<vmem_shared>>)
    %barrier3A_77 = arith.constant 0 : index
    tpu.barrier barrier_id(%barrier3A_77)
    "tpu.region"() ({
      %run_scoped3A_78 = tpu.sem_alloc : memref<!tpu.dma_semaphore, #tpu.memory_space<semaphore_mem>>
      %dma_start3A = arith.constant 0 : i32
      %dma_start3A_79 = tpu.memref_slice %arg5[%arg0, %mul3A_0, %dma_start3A] : memref<2x10112x8xf32, #tpu.memory_space<hbm>> -> memref<1x632x8xf32, #tpu.memory_space<hbm>>
      %dma_start3A_80 = tpu.memref_squeeze %dma_start3A_79 : memref<1x632x8xf32, #tpu.memory_space<hbm>> -> memref<632x8xf32, #tpu.memory_space<hbm>>
      %dma_start3A_81 = arith.constant 0 : i32
      %dma_start3A_82 = tpu.memref_slice %arg8[%mul3A_0, %dma_start3A_81] : memref<10112x8xf32, #tpu.memory_space<vmem_shared>> -> memref<632x8xf32, #tpu.memory_space<vmem_shared>>
      tpu.enqueue_dma source(%dma_start3A_82 : memref<632x8xf32, #tpu.memory_space<vmem_shared>>) target(%dma_start3A_80 : memref<632x8xf32, #tpu.memory_space<hbm>>) target_semaphore(%run_scoped3A_78 : memref<!tpu.dma_semaphore, #tpu.memory_space<semaphore_mem>>)
      %dma_wait3A_83 = arith.constant 0 : i32
      %dma_wait3A_84 = tpu.memref_slice %arg5[%arg0, %mul3A_0, %dma_wait3A_83] : memref<2x10112x8xf32, #tpu.memory_space<hbm>> -> memref<1x632x8xf32, #tpu.memory_space<hbm>>
      %dma_wait3A_85 = tpu.memref_squeeze %dma_wait3A_84 : memref<1x632x8xf32, #tpu.memory_space<hbm>> -> memref<632x8xf32, #tpu.memory_space<hbm>>
      %dma_wait3A_86 = arith.constant 0 : i32
      %dma_wait3A_87 = tpu.memref_slice %arg8[%mul3A_0, %dma_wait3A_86] : memref<10112x8xf32, #tpu.memory_space<vmem_shared>> -> memref<632x8xf32, #tpu.memory_space<vmem_shared>>
      tpu.wait_dma2 semaphore(%run_scoped3A_78 : memref<!tpu.dma_semaphore, #tpu.memory_space<semaphore_mem>>) src(%dma_wait3A_87 : memref<632x8xf32, #tpu.memory_space<vmem_shared>>) dst(%dma_wait3A_85 : memref<632x8xf32, #tpu.memory_space<hbm>>)
      tpu.yield
    }) : () -> ()
    return
  }
}

#map = affine_map<(d0, d1) -> (0, 0)>
#map1 = affine_map<(d0, d1) -> (0, 0, 0)>
module attributes {stable_mosaic.version = 14 : i64} {
  func.func @agg(%arg0: i32, %arg1: i32, %arg2: memref<10112x32xf32, #tpu.memory_space<hbm>>, %arg3: memref<2x2592x128xi32, #tpu.memory_space<hbm>>, %arg4: memref<632x32xf32, #tpu.memory_space<hbm>>, %arg5: memref<2x10112x32xf32, #tpu.memory_space<hbm>>, %arg6: memref<84x128xi32, #tpu.memory_space<vmem>>, %arg7: memref<84x128xi32, #tpu.memory_space<vmem>>, %arg8: memref<4x128x32xf32, #tpu.memory_space<vmem>>, %arg9: memref<10112x32xf32, #tpu.memory_space<vmem_shared>>, %arg10: memref<10112x32xf32, #tpu.memory_space<vmem_shared>>, %arg11: memref<!tpu.dma_semaphore, #tpu.memory_space<semaphore_mem>>, %arg12: memref<!tpu.dma_semaphore, #tpu.memory_space<semaphore_mem>>, %arg13: memref<!tpu.dma_semaphore, #tpu.memory_space<semaphore_mem>>, %arg14: memref<!tpu.dma_semaphore, #tpu.memory_space<semaphore_mem>>, %arg15: memref<!tpu.dma_semaphore, #tpu.memory_space<semaphore_mem>>, %arg16: memref<!tpu.dma_semaphore, #tpu.memory_space<semaphore_mem>>, %arg17: memref<!tpu.dma_semaphore, #tpu.memory_space<semaphore_mem>>, %arg18: memref<!tpu.dma_semaphore, #tpu.memory_space<semaphore_mem>>) attributes {dimension_semantics = [#tpu.dimension_semantics<core_parallel>, #tpu.dimension_semantics<subcore_parallel>], iteration_bounds = array<i64: 2, 16>, scalar_prefetch = 0 : i64, scratch_operands = 13 : i64, tpu.core_type = #tpu.core_type<sc_vector_subcore>, window_params = [{transform_indices = #map}, {transform_indices = #map1}, {transform_indices = #map}, {transform_indices = #map1}]} {
    %mul3A = arith.constant 632 : i32
    %mul3A_0 = arith.muli %arg1, %mul3A : i32
    %eq3A = arith.constant 0 : i32
    %eq3A_1 = arith.cmpi eq, %arg0, %eq3A : i32
    %mul3A_2 = arith.constant 84 : i32
    %mul3A_3 = arith.muli %arg1, %mul3A_2 : i32
    %mul3A_4 = arith.constant 76 : i32
    %mul3A_5 = arith.muli %arg1, %mul3A_4 : i32
    %add3A = arith.constant 1344 : i32
    %add3A_6 = arith.addi %add3A, %mul3A_5 : i32
    %select_n3A = arith.select %eq3A_1, %mul3A_3, %add3A_6 : i32
    %eq3A_7 = arith.constant 0 : i32
    %eq3A_8 = arith.cmpi eq, %arg0, %eq3A_7 : i32
    %jit3A = arith.constant 84 : i32
    %jit3A_9 = arith.constant 76 : i32
    %select_n3A_10 = arith.select %eq3A_8, %jit3A, %jit3A_9 : i32
    "tpu.region"() ({
      %run_scoped3A_122 = tpu.sem_alloc : memref<!tpu.dma_semaphore, #tpu.memory_space<semaphore_mem>>
      %dma_start3A_123 = arith.constant 0 : i32
      %dma_start3A_124 = tpu.memref_slice %arg9[%mul3A_0, %dma_start3A_123] : memref<10112x32xf32, #tpu.memory_space<vmem_shared>> -> memref<632x32xf32, #tpu.memory_space<vmem_shared>>
      tpu.enqueue_dma source(%arg4 : memref<632x32xf32, #tpu.memory_space<hbm>>) target(%dma_start3A_124 : memref<632x32xf32, #tpu.memory_space<vmem_shared>>) target_semaphore(%run_scoped3A_122 : memref<!tpu.dma_semaphore, #tpu.memory_space<semaphore_mem>>)
      %dma_wait3A_125 = arith.constant 0 : i32
      %dma_wait3A_126 = tpu.memref_slice %arg9[%mul3A_0, %dma_wait3A_125] : memref<10112x32xf32, #tpu.memory_space<vmem_shared>> -> memref<632x32xf32, #tpu.memory_space<vmem_shared>>
      tpu.wait_dma2 semaphore(%run_scoped3A_122 : memref<!tpu.dma_semaphore, #tpu.memory_space<semaphore_mem>>) src(%arg4 : memref<632x32xf32, #tpu.memory_space<hbm>>) dst(%dma_wait3A_126 : memref<632x32xf32, #tpu.memory_space<vmem_shared>>)
      tpu.yield
    }) : () -> ()
    "tpu.region"() ({
      %run_scoped3A_122 = tpu.sem_alloc : memref<!tpu.dma_semaphore, #tpu.memory_space<semaphore_mem>>
      %dma_start3A_123 = arith.constant 0 : i32
      %dma_start3A_124 = tpu.memref_slice %arg10[%mul3A_0, %dma_start3A_123] : memref<10112x32xf32, #tpu.memory_space<vmem_shared>> -> memref<632x32xf32, #tpu.memory_space<vmem_shared>>
      %dma_start3A_125 = arith.constant 0 : i32
      %dma_start3A_126 = tpu.memref_slice %arg2[%mul3A_0, %dma_start3A_125] : memref<10112x32xf32, #tpu.memory_space<hbm>> -> memref<632x32xf32, #tpu.memory_space<hbm>>
      tpu.enqueue_dma source(%dma_start3A_126 : memref<632x32xf32, #tpu.memory_space<hbm>>) target(%dma_start3A_124 : memref<632x32xf32, #tpu.memory_space<vmem_shared>>) target_semaphore(%run_scoped3A_122 : memref<!tpu.dma_semaphore, #tpu.memory_space<semaphore_mem>>)
      %dma_wait3A_127 = arith.constant 0 : i32
      %dma_wait3A_128 = tpu.memref_slice %arg10[%mul3A_0, %dma_wait3A_127] : memref<10112x32xf32, #tpu.memory_space<vmem_shared>> -> memref<632x32xf32, #tpu.memory_space<vmem_shared>>
      %dma_wait3A_129 = arith.constant 0 : i32
      %dma_wait3A_130 = tpu.memref_slice %arg2[%mul3A_0, %dma_wait3A_129] : memref<10112x32xf32, #tpu.memory_space<hbm>> -> memref<632x32xf32, #tpu.memory_space<hbm>>
      tpu.wait_dma2 semaphore(%run_scoped3A_122 : memref<!tpu.dma_semaphore, #tpu.memory_space<semaphore_mem>>) src(%dma_wait3A_130 : memref<632x32xf32, #tpu.memory_space<hbm>>) dst(%dma_wait3A_128 : memref<632x32xf32, #tpu.memory_space<vmem_shared>>)
      tpu.yield
    }) : () -> ()
    %run_scoped3A = arith.constant 0 : i32
    "tpu.region"() ({
      %run_scoped3A_122 = tpu.sem_alloc : memref<!tpu.dma_semaphore, #tpu.memory_space<semaphore_mem>>
      %dma_start3A_123 = arith.constant 0 : i32
      %dma_start3A_124 = tpu.memref_slice %arg3[%run_scoped3A, %select_n3A, %dma_start3A_123] : memref<2x2592x128xi32, #tpu.memory_space<hbm>> -> memref<1x84x128xi32, #tpu.memory_space<hbm>>
      %dma_start3A_125 = tpu.memref_squeeze %dma_start3A_124 : memref<1x84x128xi32, #tpu.memory_space<hbm>> -> memref<84x128xi32, #tpu.memory_space<hbm>>
      %dma_start3A_126 = arith.constant 0 : i32
      %dma_start3A_127 = tpu.memref_slice %arg3[%run_scoped3A, %select_n3A, %dma_start3A_126] : memref<2x2592x128xi32, #tpu.memory_space<hbm>> -> memref<1x84x128xi32, #tpu.memory_space<hbm>>
      %dma_start3A_128 = tpu.memref_squeeze %dma_start3A_127 : memref<1x84x128xi32, #tpu.memory_space<hbm>> -> memref<84x128xi32, #tpu.memory_space<hbm>>
      tpu.enqueue_dma source(%dma_start3A_128 : memref<84x128xi32, #tpu.memory_space<hbm>>) target(%arg6 : memref<84x128xi32, #tpu.memory_space<vmem>>) target_semaphore(%run_scoped3A_122 : memref<!tpu.dma_semaphore, #tpu.memory_space<semaphore_mem>>)
      %dma_wait3A_129 = arith.constant 0 : i32
      %dma_wait3A_130 = tpu.memref_slice %arg3[%run_scoped3A, %select_n3A, %dma_wait3A_129] : memref<2x2592x128xi32, #tpu.memory_space<hbm>> -> memref<1x84x128xi32, #tpu.memory_space<hbm>>
      %dma_wait3A_131 = tpu.memref_squeeze %dma_wait3A_130 : memref<1x84x128xi32, #tpu.memory_space<hbm>> -> memref<84x128xi32, #tpu.memory_space<hbm>>
      %dma_wait3A_132 = arith.constant 0 : i32
      %dma_wait3A_133 = tpu.memref_slice %arg3[%run_scoped3A, %select_n3A, %dma_wait3A_132] : memref<2x2592x128xi32, #tpu.memory_space<hbm>> -> memref<1x84x128xi32, #tpu.memory_space<hbm>>
      %dma_wait3A_134 = tpu.memref_squeeze %dma_wait3A_133 : memref<1x84x128xi32, #tpu.memory_space<hbm>> -> memref<84x128xi32, #tpu.memory_space<hbm>>
      tpu.wait_dma2 semaphore(%run_scoped3A_122 : memref<!tpu.dma_semaphore, #tpu.memory_space<semaphore_mem>>) src(%dma_wait3A_134 : memref<84x128xi32, #tpu.memory_space<hbm>>) dst(%arg6 : memref<84x128xi32, #tpu.memory_space<vmem>>)
      tpu.yield
    }) : () -> ()
    %run_scoped3A_11 = arith.constant 1 : i32
    "tpu.region"() ({
      %run_scoped3A_122 = tpu.sem_alloc : memref<!tpu.dma_semaphore, #tpu.memory_space<semaphore_mem>>
      %dma_start3A_123 = arith.constant 0 : i32
      %dma_start3A_124 = tpu.memref_slice %arg3[%run_scoped3A_11, %select_n3A, %dma_start3A_123] : memref<2x2592x128xi32, #tpu.memory_space<hbm>> -> memref<1x84x128xi32, #tpu.memory_space<hbm>>
      %dma_start3A_125 = tpu.memref_squeeze %dma_start3A_124 : memref<1x84x128xi32, #tpu.memory_space<hbm>> -> memref<84x128xi32, #tpu.memory_space<hbm>>
      %dma_start3A_126 = arith.constant 0 : i32
      %dma_start3A_127 = tpu.memref_slice %arg3[%run_scoped3A_11, %select_n3A, %dma_start3A_126] : memref<2x2592x128xi32, #tpu.memory_space<hbm>> -> memref<1x84x128xi32, #tpu.memory_space<hbm>>
      %dma_start3A_128 = tpu.memref_squeeze %dma_start3A_127 : memref<1x84x128xi32, #tpu.memory_space<hbm>> -> memref<84x128xi32, #tpu.memory_space<hbm>>
      tpu.enqueue_dma source(%dma_start3A_128 : memref<84x128xi32, #tpu.memory_space<hbm>>) target(%arg7 : memref<84x128xi32, #tpu.memory_space<vmem>>) target_semaphore(%run_scoped3A_122 : memref<!tpu.dma_semaphore, #tpu.memory_space<semaphore_mem>>)
      %dma_wait3A_129 = arith.constant 0 : i32
      %dma_wait3A_130 = tpu.memref_slice %arg3[%run_scoped3A_11, %select_n3A, %dma_wait3A_129] : memref<2x2592x128xi32, #tpu.memory_space<hbm>> -> memref<1x84x128xi32, #tpu.memory_space<hbm>>
      %dma_wait3A_131 = tpu.memref_squeeze %dma_wait3A_130 : memref<1x84x128xi32, #tpu.memory_space<hbm>> -> memref<84x128xi32, #tpu.memory_space<hbm>>
      %dma_wait3A_132 = arith.constant 0 : i32
      %dma_wait3A_133 = tpu.memref_slice %arg3[%run_scoped3A_11, %select_n3A, %dma_wait3A_132] : memref<2x2592x128xi32, #tpu.memory_space<hbm>> -> memref<1x84x128xi32, #tpu.memory_space<hbm>>
      %dma_wait3A_134 = tpu.memref_squeeze %dma_wait3A_133 : memref<1x84x128xi32, #tpu.memory_space<hbm>> -> memref<84x128xi32, #tpu.memory_space<hbm>>
      tpu.wait_dma2 semaphore(%run_scoped3A_122 : memref<!tpu.dma_semaphore, #tpu.memory_space<semaphore_mem>>) src(%dma_wait3A_134 : memref<84x128xi32, #tpu.memory_space<hbm>>) dst(%arg7 : memref<84x128xi32, #tpu.memory_space<vmem>>)
      tpu.yield
    }) : () -> ()
    %barrier3A = arith.constant 0 : index
    tpu.barrier barrier_id(%barrier3A)
    %dma_start3A = arith.constant 0 : i32
    %dma_start3A_12 = arith.constant 0 : i32
    %dma_start3A_13 = arith.constant 0 : i32
    %dma_start3A_14 = arith.constant 0 : i32
    %dma_start3A_15 = tpu.memref_slice %arg8[%dma_start3A_12, %dma_start3A_13, %dma_start3A_14] : memref<4x128x32xf32, #tpu.memory_space<vmem>> -> memref<1x128x32xf32, #tpu.memory_space<vmem>>
    %dma_start3A_16 = tpu.memref_squeeze %dma_start3A_15 : memref<1x128x32xf32, #tpu.memory_space<vmem>> -> memref<128x32xf32, #tpu.memory_space<vmem>>
    %dma_start3A_17 = arith.constant 0 : i32
    %dma_start3A_18 = tpu.memref_slice %arg6[%dma_start3A, %dma_start3A_17] : memref<84x128xi32, #tpu.memory_space<vmem>> -> memref<1x128xi32, #tpu.memory_space<vmem>>
    %dma_start3A_19 = tpu.memref_squeeze %dma_start3A_18 : memref<1x128xi32, #tpu.memory_space<vmem>> -> memref<128xi32, #tpu.memory_space<vmem>>
    %dma_start3A_20 = arith.constant 0 : i32
    %dma_start3A_21 = arith.constant 0 : i32
    %dma_start3A_22 = tpu.memref_slice %arg10[%dma_start3A_20, %dma_start3A_21] : memref<10112x32xf32, #tpu.memory_space<vmem_shared>> -> memref<10112x32xf32, #tpu.memory_space<vmem_shared>>
    tpu.enqueue_indirect_dma source(%dma_start3A_22 : memref<10112x32xf32, #tpu.memory_space<vmem_shared>>) target(%dma_start3A_16 : memref<128x32xf32, #tpu.memory_space<vmem>>) offsets(%dma_start3A_19 : memref<128xi32, #tpu.memory_space<vmem>>) semaphore(%arg11 : memref<!tpu.dma_semaphore, #tpu.memory_space<semaphore_mem>>)
    %dma_start3A_23 = arith.constant 1 : i32
    %dma_start3A_24 = arith.constant 1 : i32
    %dma_start3A_25 = arith.constant 0 : i32
    %dma_start3A_26 = arith.constant 0 : i32
    %dma_start3A_27 = tpu.memref_slice %arg8[%dma_start3A_24, %dma_start3A_25, %dma_start3A_26] : memref<4x128x32xf32, #tpu.memory_space<vmem>> -> memref<1x128x32xf32, #tpu.memory_space<vmem>>
    %dma_start3A_28 = tpu.memref_squeeze %dma_start3A_27 : memref<1x128x32xf32, #tpu.memory_space<vmem>> -> memref<128x32xf32, #tpu.memory_space<vmem>>
    %dma_start3A_29 = arith.constant 0 : i32
    %dma_start3A_30 = tpu.memref_slice %arg6[%dma_start3A_23, %dma_start3A_29] : memref<84x128xi32, #tpu.memory_space<vmem>> -> memref<1x128xi32, #tpu.memory_space<vmem>>
    %dma_start3A_31 = tpu.memref_squeeze %dma_start3A_30 : memref<1x128xi32, #tpu.memory_space<vmem>> -> memref<128xi32, #tpu.memory_space<vmem>>
    %dma_start3A_32 = arith.constant 0 : i32
    %dma_start3A_33 = arith.constant 0 : i32
    %dma_start3A_34 = tpu.memref_slice %arg10[%dma_start3A_32, %dma_start3A_33] : memref<10112x32xf32, #tpu.memory_space<vmem_shared>> -> memref<10112x32xf32, #tpu.memory_space<vmem_shared>>
    tpu.enqueue_indirect_dma source(%dma_start3A_34 : memref<10112x32xf32, #tpu.memory_space<vmem_shared>>) target(%dma_start3A_28 : memref<128x32xf32, #tpu.memory_space<vmem>>) offsets(%dma_start3A_31 : memref<128xi32, #tpu.memory_space<vmem>>) semaphore(%arg12 : memref<!tpu.dma_semaphore, #tpu.memory_space<semaphore_mem>>)
    %jit3A_35 = arith.constant 4 : i32
    %div3A = arith.divsi %select_n3A_10, %jit3A_35 : i32
    %sign3A = arith.constant 0 : i32
    %sign3A_36 = arith.cmpi sgt, %select_n3A_10, %sign3A : i32
    %sign3A_37 = arith.extui %sign3A_36 : i1 to i32
    %sign3A_38 = arith.constant 0 : i32
    %sign3A_39 = arith.cmpi slt, %select_n3A_10, %sign3A_38 : i32
    %sign3A_40 = arith.extui %sign3A_39 : i1 to i32
    %sign3A_41 = arith.subi %sign3A_37, %sign3A_40 : i32
    %sign3A_42 = arith.constant 0 : i32
    %sign3A_43 = arith.cmpi sgt, %jit3A_35, %sign3A_42 : i32
    %sign3A_44 = arith.extui %sign3A_43 : i1 to i32
    %sign3A_45 = arith.constant 0 : i32
    %sign3A_46 = arith.cmpi slt, %jit3A_35, %sign3A_45 : i32
    %sign3A_47 = arith.extui %sign3A_46 : i1 to i32
    %sign3A_48 = arith.subi %sign3A_44, %sign3A_47 : i32
    %ne3A = arith.cmpi ne, %sign3A_41, %sign3A_48 : i32
    %rem3A = arith.remsi %select_n3A_10, %jit3A_35 : i32
    %ne3A_49 = arith.constant 0 : i32
    %ne3A_50 = arith.cmpi ne, %rem3A, %ne3A_49 : i32
    %and3A = arith.andi %ne3A, %ne3A_50 : i1
    %sub3A = arith.constant 1 : i32
    %sub3A_51 = arith.subi %div3A, %sub3A : i32
    %select_n3A_52 = arith.select %and3A, %sub3A_51, %div3A : i32
    %while3A = arith.constant 0 : i32
    %while3A_53 = arith.constant 0 : i32
    %while3A_54 = arith.subi %select_n3A_52, %while3A_53 : i32
    %while3A_55 = arith.addi %while3A_53, %while3A_54 : i32
    %while3A_56 = arith.constant 1 : i32
    %while3A_57 = arith.divsi %while3A_54, %while3A_56 : i32
    %while3A_58 = arith.muli %while3A_57, %while3A_56 : i32
    %while3A_59 = arith.addi %while3A_53, %while3A_58 : i32
    %while3A_60 = arith.constant 1 : i32
    scf.for %while3A_122 = %while3A_53 to %while3A_59 step %while3A_60  : i32 {
      %mul3A_123 = arith.constant 4 : i32
      %mul3A_124 = arith.muli %while3A_122, %mul3A_123 : i32
      %add3A_125 = arith.constant 0 : i32
      %add3A_126 = arith.addi %mul3A_124, %add3A_125 : i32
      %dma_wait3A_127 = arith.constant 0 : i32
      %dma_wait3A_128 = arith.constant 0 : i32
      %dma_wait3A_129 = arith.constant 0 : i32
      %dma_wait3A_130 = tpu.memref_slice %arg8[%dma_wait3A_127, %dma_wait3A_128, %dma_wait3A_129] : memref<4x128x32xf32, #tpu.memory_space<vmem>> -> memref<1x128x32xf32, #tpu.memory_space<vmem>>
      %dma_wait3A_131 = tpu.memref_squeeze %dma_wait3A_130 : memref<1x128x32xf32, #tpu.memory_space<vmem>> -> memref<128x32xf32, #tpu.memory_space<vmem>>
      %dma_wait3A_132 = arith.constant 0 : i32
      %dma_wait3A_133 = tpu.memref_slice %arg6[%add3A_126, %dma_wait3A_132] : memref<84x128xi32, #tpu.memory_space<vmem>> -> memref<1x128xi32, #tpu.memory_space<vmem>>
      %dma_wait3A_134 = tpu.memref_squeeze %dma_wait3A_133 : memref<1x128xi32, #tpu.memory_space<vmem>> -> memref<128xi32, #tpu.memory_space<vmem>>
      %dma_wait3A_135 = arith.constant 0 : i32
      %dma_wait3A_136 = arith.constant 0 : i32
      %dma_wait3A_137 = tpu.memref_slice %arg10[%dma_wait3A_135, %dma_wait3A_136] : memref<10112x32xf32, #tpu.memory_space<vmem_shared>> -> memref<10112x32xf32, #tpu.memory_space<vmem_shared>>
      tpu.wait_indirect_dma semaphore(%arg11 : memref<!tpu.dma_semaphore, #tpu.memory_space<semaphore_mem>>) src(%dma_wait3A_137 : memref<10112x32xf32, #tpu.memory_space<vmem_shared>>) dst(%dma_wait3A_131 : memref<128x32xf32, #tpu.memory_space<vmem>>)
      %dma_start3A_138 = arith.constant 0 : i32
      %dma_start3A_139 = arith.constant 0 : i32
      %dma_start3A_140 = arith.constant 0 : i32
      %dma_start3A_141 = tpu.memref_slice %arg8[%dma_start3A_138, %dma_start3A_139, %dma_start3A_140] : memref<4x128x32xf32, #tpu.memory_space<vmem>> -> memref<1x128x32xf32, #tpu.memory_space<vmem>>
      %dma_start3A_142 = tpu.memref_squeeze %dma_start3A_141 : memref<1x128x32xf32, #tpu.memory_space<vmem>> -> memref<128x32xf32, #tpu.memory_space<vmem>>
      %dma_start3A_143 = arith.constant 0 : i32
      %dma_start3A_144 = tpu.memref_slice %arg7[%add3A_126, %dma_start3A_143] : memref<84x128xi32, #tpu.memory_space<vmem>> -> memref<1x128xi32, #tpu.memory_space<vmem>>
      %dma_start3A_145 = tpu.memref_squeeze %dma_start3A_144 : memref<1x128xi32, #tpu.memory_space<vmem>> -> memref<128xi32, #tpu.memory_space<vmem>>
      %dma_start3A_146 = arith.constant 0 : i32
      %dma_start3A_147 = arith.constant 0 : i32
      %dma_start3A_148 = tpu.memref_slice %arg9[%dma_start3A_146, %dma_start3A_147] : memref<10112x32xf32, #tpu.memory_space<vmem_shared>> -> memref<10112x32xf32, #tpu.memory_space<vmem_shared>>
      tpu.enqueue_indirect_dma source(%dma_start3A_142 : memref<128x32xf32, #tpu.memory_space<vmem>>) target(%dma_start3A_148 : memref<10112x32xf32, #tpu.memory_space<vmem_shared>>) offsets(%dma_start3A_145 : memref<128xi32, #tpu.memory_space<vmem>>) semaphore(%arg15 : memref<!tpu.dma_semaphore, #tpu.memory_space<semaphore_mem>>) {add = true}
      %add3A_149 = arith.constant 2 : i32
      %add3A_150 = arith.addi %add3A_126, %add3A_149 : i32
      %lt3A = arith.cmpi slt, %add3A_150, %select_n3A_10 : i32
      %convert_element_type3A = arith.extui %lt3A : i1 to i32
      %cond3A = arith.constant 0 : i32
      %cond3A_151 = arith.cmpi ne, %convert_element_type3A, %cond3A : i32
      scf.if %cond3A_151 {
        %ge3A = arith.constant 4 : i32
        %ge3A_248 = arith.cmpi sge, %add3A_150, %ge3A : i32
        %convert_element_type3A_249 = arith.extui %ge3A_248 : i1 to i32
        %cond3A_250 = arith.constant 0 : i32
        %cond3A_251 = arith.cmpi ne, %convert_element_type3A_249, %cond3A_250 : i32
        scf.if %cond3A_251 {
          %sub3A_263 = arith.constant 4 : i32
          %sub3A_264 = arith.subi %add3A_150, %sub3A_263 : i32
          %dma_wait3A_265 = arith.constant 2 : i32
          %dma_wait3A_266 = arith.constant 0 : i32
          %dma_wait3A_267 = arith.constant 0 : i32
          %dma_wait3A_268 = tpu.memref_slice %arg8[%dma_wait3A_265, %dma_wait3A_266, %dma_wait3A_267] : memref<4x128x32xf32, #tpu.memory_space<vmem>> -> memref<1x128x32xf32, #tpu.memory_space<vmem>>
          %dma_wait3A_269 = tpu.memref_squeeze %dma_wait3A_268 : memref<1x128x32xf32, #tpu.memory_space<vmem>> -> memref<128x32xf32, #tpu.memory_space<vmem>>
          %dma_wait3A_270 = arith.constant 0 : i32
          %dma_wait3A_271 = tpu.memref_slice %arg7[%sub3A_264, %dma_wait3A_270] : memref<84x128xi32, #tpu.memory_space<vmem>> -> memref<1x128xi32, #tpu.memory_space<vmem>>
          %dma_wait3A_272 = tpu.memref_squeeze %dma_wait3A_271 : memref<1x128xi32, #tpu.memory_space<vmem>> -> memref<128xi32, #tpu.memory_space<vmem>>
          %dma_wait3A_273 = arith.constant 0 : i32
          %dma_wait3A_274 = arith.constant 0 : i32
          %dma_wait3A_275 = tpu.memref_slice %arg9[%dma_wait3A_273, %dma_wait3A_274] : memref<10112x32xf32, #tpu.memory_space<vmem_shared>> -> memref<10112x32xf32, #tpu.memory_space<vmem_shared>>
          tpu.wait_indirect_dma semaphore(%arg17 : memref<!tpu.dma_semaphore, #tpu.memory_space<semaphore_mem>>) src(%dma_wait3A_269 : memref<128x32xf32, #tpu.memory_space<vmem>>) dst(%dma_wait3A_275 : memref<10112x32xf32, #tpu.memory_space<vmem_shared>>)
        } else {
        }
        %dma_start3A_252 = arith.constant 2 : i32
        %dma_start3A_253 = arith.constant 0 : i32
        %dma_start3A_254 = arith.constant 0 : i32
        %dma_start3A_255 = tpu.memref_slice %arg8[%dma_start3A_252, %dma_start3A_253, %dma_start3A_254] : memref<4x128x32xf32, #tpu.memory_space<vmem>> -> memref<1x128x32xf32, #tpu.memory_space<vmem>>
        %dma_start3A_256 = tpu.memref_squeeze %dma_start3A_255 : memref<1x128x32xf32, #tpu.memory_space<vmem>> -> memref<128x32xf32, #tpu.memory_space<vmem>>
        %dma_start3A_257 = arith.constant 0 : i32
        %dma_start3A_258 = tpu.memref_slice %arg6[%add3A_150, %dma_start3A_257] : memref<84x128xi32, #tpu.memory_space<vmem>> -> memref<1x128xi32, #tpu.memory_space<vmem>>
        %dma_start3A_259 = tpu.memref_squeeze %dma_start3A_258 : memref<1x128xi32, #tpu.memory_space<vmem>> -> memref<128xi32, #tpu.memory_space<vmem>>
        %dma_start3A_260 = arith.constant 0 : i32
        %dma_start3A_261 = arith.constant 0 : i32
        %dma_start3A_262 = tpu.memref_slice %arg10[%dma_start3A_260, %dma_start3A_261] : memref<10112x32xf32, #tpu.memory_space<vmem_shared>> -> memref<10112x32xf32, #tpu.memory_space<vmem_shared>>
        tpu.enqueue_indirect_dma source(%dma_start3A_262 : memref<10112x32xf32, #tpu.memory_space<vmem_shared>>) target(%dma_start3A_256 : memref<128x32xf32, #tpu.memory_space<vmem>>) offsets(%dma_start3A_259 : memref<128xi32, #tpu.memory_space<vmem>>) semaphore(%arg13 : memref<!tpu.dma_semaphore, #tpu.memory_space<semaphore_mem>>)
      } else {
      }
      %mul3A_152 = arith.constant 4 : i32
      %mul3A_153 = arith.muli %while3A_122, %mul3A_152 : i32
      %add3A_154 = arith.constant 1 : i32
      %add3A_155 = arith.addi %mul3A_153, %add3A_154 : i32
      %dma_wait3A_156 = arith.constant 1 : i32
      %dma_wait3A_157 = arith.constant 0 : i32
      %dma_wait3A_158 = arith.constant 0 : i32
      %dma_wait3A_159 = tpu.memref_slice %arg8[%dma_wait3A_156, %dma_wait3A_157, %dma_wait3A_158] : memref<4x128x32xf32, #tpu.memory_space<vmem>> -> memref<1x128x32xf32, #tpu.memory_space<vmem>>
      %dma_wait3A_160 = tpu.memref_squeeze %dma_wait3A_159 : memref<1x128x32xf32, #tpu.memory_space<vmem>> -> memref<128x32xf32, #tpu.memory_space<vmem>>
      %dma_wait3A_161 = arith.constant 0 : i32
      %dma_wait3A_162 = tpu.memref_slice %arg6[%add3A_155, %dma_wait3A_161] : memref<84x128xi32, #tpu.memory_space<vmem>> -> memref<1x128xi32, #tpu.memory_space<vmem>>
      %dma_wait3A_163 = tpu.memref_squeeze %dma_wait3A_162 : memref<1x128xi32, #tpu.memory_space<vmem>> -> memref<128xi32, #tpu.memory_space<vmem>>
      %dma_wait3A_164 = arith.constant 0 : i32
      %dma_wait3A_165 = arith.constant 0 : i32
      %dma_wait3A_166 = tpu.memref_slice %arg10[%dma_wait3A_164, %dma_wait3A_165] : memref<10112x32xf32, #tpu.memory_space<vmem_shared>> -> memref<10112x32xf32, #tpu.memory_space<vmem_shared>>
      tpu.wait_indirect_dma semaphore(%arg12 : memref<!tpu.dma_semaphore, #tpu.memory_space<semaphore_mem>>) src(%dma_wait3A_166 : memref<10112x32xf32, #tpu.memory_space<vmem_shared>>) dst(%dma_wait3A_160 : memref<128x32xf32, #tpu.memory_space<vmem>>)
      %dma_start3A_167 = arith.constant 1 : i32
      %dma_start3A_168 = arith.constant 0 : i32
      %dma_start3A_169 = arith.constant 0 : i32
      %dma_start3A_170 = tpu.memref_slice %arg8[%dma_start3A_167, %dma_start3A_168, %dma_start3A_169] : memref<4x128x32xf32, #tpu.memory_space<vmem>> -> memref<1x128x32xf32, #tpu.memory_space<vmem>>
      %dma_start3A_171 = tpu.memref_squeeze %dma_start3A_170 : memref<1x128x32xf32, #tpu.memory_space<vmem>> -> memref<128x32xf32, #tpu.memory_space<vmem>>
      %dma_start3A_172 = arith.constant 0 : i32
      %dma_start3A_173 = tpu.memref_slice %arg7[%add3A_155, %dma_start3A_172] : memref<84x128xi32, #tpu.memory_space<vmem>> -> memref<1x128xi32, #tpu.memory_space<vmem>>
      %dma_start3A_174 = tpu.memref_squeeze %dma_start3A_173 : memref<1x128xi32, #tpu.memory_space<vmem>> -> memref<128xi32, #tpu.memory_space<vmem>>
      %dma_start3A_175 = arith.constant 0 : i32
      %dma_start3A_176 = arith.constant 0 : i32
      %dma_start3A_177 = tpu.memref_slice %arg9[%dma_start3A_175, %dma_start3A_176] : memref<10112x32xf32, #tpu.memory_space<vmem_shared>> -> memref<10112x32xf32, #tpu.memory_space<vmem_shared>>
      tpu.enqueue_indirect_dma source(%dma_start3A_171 : memref<128x32xf32, #tpu.memory_space<vmem>>) target(%dma_start3A_177 : memref<10112x32xf32, #tpu.memory_space<vmem_shared>>) offsets(%dma_start3A_174 : memref<128xi32, #tpu.memory_space<vmem>>) semaphore(%arg16 : memref<!tpu.dma_semaphore, #tpu.memory_space<semaphore_mem>>) {add = true}
      %add3A_178 = arith.constant 2 : i32
      %add3A_179 = arith.addi %add3A_155, %add3A_178 : i32
      %lt3A_180 = arith.cmpi slt, %add3A_179, %select_n3A_10 : i32
      %convert_element_type3A_181 = arith.extui %lt3A_180 : i1 to i32
      %cond3A_182 = arith.constant 0 : i32
      %cond3A_183 = arith.cmpi ne, %convert_element_type3A_181, %cond3A_182 : i32
      scf.if %cond3A_183 {
        %ge3A = arith.constant 4 : i32
        %ge3A_248 = arith.cmpi sge, %add3A_179, %ge3A : i32
        %convert_element_type3A_249 = arith.extui %ge3A_248 : i1 to i32
        %cond3A_250 = arith.constant 0 : i32
        %cond3A_251 = arith.cmpi ne, %convert_element_type3A_249, %cond3A_250 : i32
        scf.if %cond3A_251 {
          %sub3A_263 = arith.constant 4 : i32
          %sub3A_264 = arith.subi %add3A_179, %sub3A_263 : i32
          %dma_wait3A_265 = arith.constant 3 : i32
          %dma_wait3A_266 = arith.constant 0 : i32
          %dma_wait3A_267 = arith.constant 0 : i32
          %dma_wait3A_268 = tpu.memref_slice %arg8[%dma_wait3A_265, %dma_wait3A_266, %dma_wait3A_267] : memref<4x128x32xf32, #tpu.memory_space<vmem>> -> memref<1x128x32xf32, #tpu.memory_space<vmem>>
          %dma_wait3A_269 = tpu.memref_squeeze %dma_wait3A_268 : memref<1x128x32xf32, #tpu.memory_space<vmem>> -> memref<128x32xf32, #tpu.memory_space<vmem>>
          %dma_wait3A_270 = arith.constant 0 : i32
          %dma_wait3A_271 = tpu.memref_slice %arg7[%sub3A_264, %dma_wait3A_270] : memref<84x128xi32, #tpu.memory_space<vmem>> -> memref<1x128xi32, #tpu.memory_space<vmem>>
          %dma_wait3A_272 = tpu.memref_squeeze %dma_wait3A_271 : memref<1x128xi32, #tpu.memory_space<vmem>> -> memref<128xi32, #tpu.memory_space<vmem>>
          %dma_wait3A_273 = arith.constant 0 : i32
          %dma_wait3A_274 = arith.constant 0 : i32
          %dma_wait3A_275 = tpu.memref_slice %arg9[%dma_wait3A_273, %dma_wait3A_274] : memref<10112x32xf32, #tpu.memory_space<vmem_shared>> -> memref<10112x32xf32, #tpu.memory_space<vmem_shared>>
          tpu.wait_indirect_dma semaphore(%arg18 : memref<!tpu.dma_semaphore, #tpu.memory_space<semaphore_mem>>) src(%dma_wait3A_269 : memref<128x32xf32, #tpu.memory_space<vmem>>) dst(%dma_wait3A_275 : memref<10112x32xf32, #tpu.memory_space<vmem_shared>>)
        } else {
        }
        %dma_start3A_252 = arith.constant 3 : i32
        %dma_start3A_253 = arith.constant 0 : i32
        %dma_start3A_254 = arith.constant 0 : i32
        %dma_start3A_255 = tpu.memref_slice %arg8[%dma_start3A_252, %dma_start3A_253, %dma_start3A_254] : memref<4x128x32xf32, #tpu.memory_space<vmem>> -> memref<1x128x32xf32, #tpu.memory_space<vmem>>
        %dma_start3A_256 = tpu.memref_squeeze %dma_start3A_255 : memref<1x128x32xf32, #tpu.memory_space<vmem>> -> memref<128x32xf32, #tpu.memory_space<vmem>>
        %dma_start3A_257 = arith.constant 0 : i32
        %dma_start3A_258 = tpu.memref_slice %arg6[%add3A_179, %dma_start3A_257] : memref<84x128xi32, #tpu.memory_space<vmem>> -> memref<1x128xi32, #tpu.memory_space<vmem>>
        %dma_start3A_259 = tpu.memref_squeeze %dma_start3A_258 : memref<1x128xi32, #tpu.memory_space<vmem>> -> memref<128xi32, #tpu.memory_space<vmem>>
        %dma_start3A_260 = arith.constant 0 : i32
        %dma_start3A_261 = arith.constant 0 : i32
        %dma_start3A_262 = tpu.memref_slice %arg10[%dma_start3A_260, %dma_start3A_261] : memref<10112x32xf32, #tpu.memory_space<vmem_shared>> -> memref<10112x32xf32, #tpu.memory_space<vmem_shared>>
        tpu.enqueue_indirect_dma source(%dma_start3A_262 : memref<10112x32xf32, #tpu.memory_space<vmem_shared>>) target(%dma_start3A_256 : memref<128x32xf32, #tpu.memory_space<vmem>>) offsets(%dma_start3A_259 : memref<128xi32, #tpu.memory_space<vmem>>) semaphore(%arg14 : memref<!tpu.dma_semaphore, #tpu.memory_space<semaphore_mem>>)
      } else {
      }
      %mul3A_184 = arith.constant 4 : i32
      %mul3A_185 = arith.muli %while3A_122, %mul3A_184 : i32
      %add3A_186 = arith.constant 2 : i32
      %add3A_187 = arith.addi %mul3A_185, %add3A_186 : i32
      %dma_wait3A_188 = arith.constant 2 : i32
      %dma_wait3A_189 = arith.constant 0 : i32
      %dma_wait3A_190 = arith.constant 0 : i32
      %dma_wait3A_191 = tpu.memref_slice %arg8[%dma_wait3A_188, %dma_wait3A_189, %dma_wait3A_190] : memref<4x128x32xf32, #tpu.memory_space<vmem>> -> memref<1x128x32xf32, #tpu.memory_space<vmem>>
      %dma_wait3A_192 = tpu.memref_squeeze %dma_wait3A_191 : memref<1x128x32xf32, #tpu.memory_space<vmem>> -> memref<128x32xf32, #tpu.memory_space<vmem>>
      %dma_wait3A_193 = arith.constant 0 : i32
      %dma_wait3A_194 = tpu.memref_slice %arg6[%add3A_187, %dma_wait3A_193] : memref<84x128xi32, #tpu.memory_space<vmem>> -> memref<1x128xi32, #tpu.memory_space<vmem>>
      %dma_wait3A_195 = tpu.memref_squeeze %dma_wait3A_194 : memref<1x128xi32, #tpu.memory_space<vmem>> -> memref<128xi32, #tpu.memory_space<vmem>>
      %dma_wait3A_196 = arith.constant 0 : i32
      %dma_wait3A_197 = arith.constant 0 : i32
      %dma_wait3A_198 = tpu.memref_slice %arg10[%dma_wait3A_196, %dma_wait3A_197] : memref<10112x32xf32, #tpu.memory_space<vmem_shared>> -> memref<10112x32xf32, #tpu.memory_space<vmem_shared>>
      tpu.wait_indirect_dma semaphore(%arg13 : memref<!tpu.dma_semaphore, #tpu.memory_space<semaphore_mem>>) src(%dma_wait3A_198 : memref<10112x32xf32, #tpu.memory_space<vmem_shared>>) dst(%dma_wait3A_192 : memref<128x32xf32, #tpu.memory_space<vmem>>)
      %dma_start3A_199 = arith.constant 2 : i32
      %dma_start3A_200 = arith.constant 0 : i32
      %dma_start3A_201 = arith.constant 0 : i32
      %dma_start3A_202 = tpu.memref_slice %arg8[%dma_start3A_199, %dma_start3A_200, %dma_start3A_201] : memref<4x128x32xf32, #tpu.memory_space<vmem>> -> memref<1x128x32xf32, #tpu.memory_space<vmem>>
      %dma_start3A_203 = tpu.memref_squeeze %dma_start3A_202 : memref<1x128x32xf32, #tpu.memory_space<vmem>> -> memref<128x32xf32, #tpu.memory_space<vmem>>
      %dma_start3A_204 = arith.constant 0 : i32
      %dma_start3A_205 = tpu.memref_slice %arg7[%add3A_187, %dma_start3A_204] : memref<84x128xi32, #tpu.memory_space<vmem>> -> memref<1x128xi32, #tpu.memory_space<vmem>>
      %dma_start3A_206 = tpu.memref_squeeze %dma_start3A_205 : memref<1x128xi32, #tpu.memory_space<vmem>> -> memref<128xi32, #tpu.memory_space<vmem>>
      %dma_start3A_207 = arith.constant 0 : i32
      %dma_start3A_208 = arith.constant 0 : i32
      %dma_start3A_209 = tpu.memref_slice %arg9[%dma_start3A_207, %dma_start3A_208] : memref<10112x32xf32, #tpu.memory_space<vmem_shared>> -> memref<10112x32xf32, #tpu.memory_space<vmem_shared>>
      tpu.enqueue_indirect_dma source(%dma_start3A_203 : memref<128x32xf32, #tpu.memory_space<vmem>>) target(%dma_start3A_209 : memref<10112x32xf32, #tpu.memory_space<vmem_shared>>) offsets(%dma_start3A_206 : memref<128xi32, #tpu.memory_space<vmem>>) semaphore(%arg17 : memref<!tpu.dma_semaphore, #tpu.memory_space<semaphore_mem>>) {add = true}
      %add3A_210 = arith.constant 2 : i32
      %add3A_211 = arith.addi %add3A_187, %add3A_210 : i32
      %lt3A_212 = arith.cmpi slt, %add3A_211, %select_n3A_10 : i32
      %convert_element_type3A_213 = arith.extui %lt3A_212 : i1 to i32
      %cond3A_214 = arith.constant 0 : i32
      %cond3A_215 = arith.cmpi ne, %convert_element_type3A_213, %cond3A_214 : i32
      scf.if %cond3A_215 {
        %ge3A = arith.constant 4 : i32
        %ge3A_248 = arith.cmpi sge, %add3A_211, %ge3A : i32
        %convert_element_type3A_249 = arith.extui %ge3A_248 : i1 to i32
        %cond3A_250 = arith.constant 0 : i32
        %cond3A_251 = arith.cmpi ne, %convert_element_type3A_249, %cond3A_250 : i32
        scf.if %cond3A_251 {
          %sub3A_263 = arith.constant 4 : i32
          %sub3A_264 = arith.subi %add3A_211, %sub3A_263 : i32
          %dma_wait3A_265 = arith.constant 0 : i32
          %dma_wait3A_266 = arith.constant 0 : i32
          %dma_wait3A_267 = arith.constant 0 : i32
          %dma_wait3A_268 = tpu.memref_slice %arg8[%dma_wait3A_265, %dma_wait3A_266, %dma_wait3A_267] : memref<4x128x32xf32, #tpu.memory_space<vmem>> -> memref<1x128x32xf32, #tpu.memory_space<vmem>>
          %dma_wait3A_269 = tpu.memref_squeeze %dma_wait3A_268 : memref<1x128x32xf32, #tpu.memory_space<vmem>> -> memref<128x32xf32, #tpu.memory_space<vmem>>
          %dma_wait3A_270 = arith.constant 0 : i32
          %dma_wait3A_271 = tpu.memref_slice %arg7[%sub3A_264, %dma_wait3A_270] : memref<84x128xi32, #tpu.memory_space<vmem>> -> memref<1x128xi32, #tpu.memory_space<vmem>>
          %dma_wait3A_272 = tpu.memref_squeeze %dma_wait3A_271 : memref<1x128xi32, #tpu.memory_space<vmem>> -> memref<128xi32, #tpu.memory_space<vmem>>
          %dma_wait3A_273 = arith.constant 0 : i32
          %dma_wait3A_274 = arith.constant 0 : i32
          %dma_wait3A_275 = tpu.memref_slice %arg9[%dma_wait3A_273, %dma_wait3A_274] : memref<10112x32xf32, #tpu.memory_space<vmem_shared>> -> memref<10112x32xf32, #tpu.memory_space<vmem_shared>>
          tpu.wait_indirect_dma semaphore(%arg15 : memref<!tpu.dma_semaphore, #tpu.memory_space<semaphore_mem>>) src(%dma_wait3A_269 : memref<128x32xf32, #tpu.memory_space<vmem>>) dst(%dma_wait3A_275 : memref<10112x32xf32, #tpu.memory_space<vmem_shared>>)
        } else {
        }
        %dma_start3A_252 = arith.constant 0 : i32
        %dma_start3A_253 = arith.constant 0 : i32
        %dma_start3A_254 = arith.constant 0 : i32
        %dma_start3A_255 = tpu.memref_slice %arg8[%dma_start3A_252, %dma_start3A_253, %dma_start3A_254] : memref<4x128x32xf32, #tpu.memory_space<vmem>> -> memref<1x128x32xf32, #tpu.memory_space<vmem>>
        %dma_start3A_256 = tpu.memref_squeeze %dma_start3A_255 : memref<1x128x32xf32, #tpu.memory_space<vmem>> -> memref<128x32xf32, #tpu.memory_space<vmem>>
        %dma_start3A_257 = arith.constant 0 : i32
        %dma_start3A_258 = tpu.memref_slice %arg6[%add3A_211, %dma_start3A_257] : memref<84x128xi32, #tpu.memory_space<vmem>> -> memref<1x128xi32, #tpu.memory_space<vmem>>
        %dma_start3A_259 = tpu.memref_squeeze %dma_start3A_258 : memref<1x128xi32, #tpu.memory_space<vmem>> -> memref<128xi32, #tpu.memory_space<vmem>>
        %dma_start3A_260 = arith.constant 0 : i32
        %dma_start3A_261 = arith.constant 0 : i32
        %dma_start3A_262 = tpu.memref_slice %arg10[%dma_start3A_260, %dma_start3A_261] : memref<10112x32xf32, #tpu.memory_space<vmem_shared>> -> memref<10112x32xf32, #tpu.memory_space<vmem_shared>>
        tpu.enqueue_indirect_dma source(%dma_start3A_262 : memref<10112x32xf32, #tpu.memory_space<vmem_shared>>) target(%dma_start3A_256 : memref<128x32xf32, #tpu.memory_space<vmem>>) offsets(%dma_start3A_259 : memref<128xi32, #tpu.memory_space<vmem>>) semaphore(%arg11 : memref<!tpu.dma_semaphore, #tpu.memory_space<semaphore_mem>>)
      } else {
      }
      %mul3A_216 = arith.constant 4 : i32
      %mul3A_217 = arith.muli %while3A_122, %mul3A_216 : i32
      %add3A_218 = arith.constant 3 : i32
      %add3A_219 = arith.addi %mul3A_217, %add3A_218 : i32
      %dma_wait3A_220 = arith.constant 3 : i32
      %dma_wait3A_221 = arith.constant 0 : i32
      %dma_wait3A_222 = arith.constant 0 : i32
      %dma_wait3A_223 = tpu.memref_slice %arg8[%dma_wait3A_220, %dma_wait3A_221, %dma_wait3A_222] : memref<4x128x32xf32, #tpu.memory_space<vmem>> -> memref<1x128x32xf32, #tpu.memory_space<vmem>>
      %dma_wait3A_224 = tpu.memref_squeeze %dma_wait3A_223 : memref<1x128x32xf32, #tpu.memory_space<vmem>> -> memref<128x32xf32, #tpu.memory_space<vmem>>
      %dma_wait3A_225 = arith.constant 0 : i32
      %dma_wait3A_226 = tpu.memref_slice %arg6[%add3A_219, %dma_wait3A_225] : memref<84x128xi32, #tpu.memory_space<vmem>> -> memref<1x128xi32, #tpu.memory_space<vmem>>
      %dma_wait3A_227 = tpu.memref_squeeze %dma_wait3A_226 : memref<1x128xi32, #tpu.memory_space<vmem>> -> memref<128xi32, #tpu.memory_space<vmem>>
      %dma_wait3A_228 = arith.constant 0 : i32
      %dma_wait3A_229 = arith.constant 0 : i32
      %dma_wait3A_230 = tpu.memref_slice %arg10[%dma_wait3A_228, %dma_wait3A_229] : memref<10112x32xf32, #tpu.memory_space<vmem_shared>> -> memref<10112x32xf32, #tpu.memory_space<vmem_shared>>
      tpu.wait_indirect_dma semaphore(%arg14 : memref<!tpu.dma_semaphore, #tpu.memory_space<semaphore_mem>>) src(%dma_wait3A_230 : memref<10112x32xf32, #tpu.memory_space<vmem_shared>>) dst(%dma_wait3A_224 : memref<128x32xf32, #tpu.memory_space<vmem>>)
      %dma_start3A_231 = arith.constant 3 : i32
      %dma_start3A_232 = arith.constant 0 : i32
      %dma_start3A_233 = arith.constant 0 : i32
      %dma_start3A_234 = tpu.memref_slice %arg8[%dma_start3A_231, %dma_start3A_232, %dma_start3A_233] : memref<4x128x32xf32, #tpu.memory_space<vmem>> -> memref<1x128x32xf32, #tpu.memory_space<vmem>>
      %dma_start3A_235 = tpu.memref_squeeze %dma_start3A_234 : memref<1x128x32xf32, #tpu.memory_space<vmem>> -> memref<128x32xf32, #tpu.memory_space<vmem>>
      %dma_start3A_236 = arith.constant 0 : i32
      %dma_start3A_237 = tpu.memref_slice %arg7[%add3A_219, %dma_start3A_236] : memref<84x128xi32, #tpu.memory_space<vmem>> -> memref<1x128xi32, #tpu.memory_space<vmem>>
      %dma_start3A_238 = tpu.memref_squeeze %dma_start3A_237 : memref<1x128xi32, #tpu.memory_space<vmem>> -> memref<128xi32, #tpu.memory_space<vmem>>
      %dma_start3A_239 = arith.constant 0 : i32
      %dma_start3A_240 = arith.constant 0 : i32
      %dma_start3A_241 = tpu.memref_slice %arg9[%dma_start3A_239, %dma_start3A_240] : memref<10112x32xf32, #tpu.memory_space<vmem_shared>> -> memref<10112x32xf32, #tpu.memory_space<vmem_shared>>
      tpu.enqueue_indirect_dma source(%dma_start3A_235 : memref<128x32xf32, #tpu.memory_space<vmem>>) target(%dma_start3A_241 : memref<10112x32xf32, #tpu.memory_space<vmem_shared>>) offsets(%dma_start3A_238 : memref<128xi32, #tpu.memory_space<vmem>>) semaphore(%arg18 : memref<!tpu.dma_semaphore, #tpu.memory_space<semaphore_mem>>) {add = true}
      %add3A_242 = arith.constant 2 : i32
      %add3A_243 = arith.addi %add3A_219, %add3A_242 : i32
      %lt3A_244 = arith.cmpi slt, %add3A_243, %select_n3A_10 : i32
      %convert_element_type3A_245 = arith.extui %lt3A_244 : i1 to i32
      %cond3A_246 = arith.constant 0 : i32
      %cond3A_247 = arith.cmpi ne, %convert_element_type3A_245, %cond3A_246 : i32
      scf.if %cond3A_247 {
        %ge3A = arith.constant 4 : i32
        %ge3A_248 = arith.cmpi sge, %add3A_243, %ge3A : i32
        %convert_element_type3A_249 = arith.extui %ge3A_248 : i1 to i32
        %cond3A_250 = arith.constant 0 : i32
        %cond3A_251 = arith.cmpi ne, %convert_element_type3A_249, %cond3A_250 : i32
        scf.if %cond3A_251 {
          %sub3A_263 = arith.constant 4 : i32
          %sub3A_264 = arith.subi %add3A_243, %sub3A_263 : i32
          %dma_wait3A_265 = arith.constant 1 : i32
          %dma_wait3A_266 = arith.constant 0 : i32
          %dma_wait3A_267 = arith.constant 0 : i32
          %dma_wait3A_268 = tpu.memref_slice %arg8[%dma_wait3A_265, %dma_wait3A_266, %dma_wait3A_267] : memref<4x128x32xf32, #tpu.memory_space<vmem>> -> memref<1x128x32xf32, #tpu.memory_space<vmem>>
          %dma_wait3A_269 = tpu.memref_squeeze %dma_wait3A_268 : memref<1x128x32xf32, #tpu.memory_space<vmem>> -> memref<128x32xf32, #tpu.memory_space<vmem>>
          %dma_wait3A_270 = arith.constant 0 : i32
          %dma_wait3A_271 = tpu.memref_slice %arg7[%sub3A_264, %dma_wait3A_270] : memref<84x128xi32, #tpu.memory_space<vmem>> -> memref<1x128xi32, #tpu.memory_space<vmem>>
          %dma_wait3A_272 = tpu.memref_squeeze %dma_wait3A_271 : memref<1x128xi32, #tpu.memory_space<vmem>> -> memref<128xi32, #tpu.memory_space<vmem>>
          %dma_wait3A_273 = arith.constant 0 : i32
          %dma_wait3A_274 = arith.constant 0 : i32
          %dma_wait3A_275 = tpu.memref_slice %arg9[%dma_wait3A_273, %dma_wait3A_274] : memref<10112x32xf32, #tpu.memory_space<vmem_shared>> -> memref<10112x32xf32, #tpu.memory_space<vmem_shared>>
          tpu.wait_indirect_dma semaphore(%arg16 : memref<!tpu.dma_semaphore, #tpu.memory_space<semaphore_mem>>) src(%dma_wait3A_269 : memref<128x32xf32, #tpu.memory_space<vmem>>) dst(%dma_wait3A_275 : memref<10112x32xf32, #tpu.memory_space<vmem_shared>>)
        } else {
        }
        %dma_start3A_252 = arith.constant 1 : i32
        %dma_start3A_253 = arith.constant 0 : i32
        %dma_start3A_254 = arith.constant 0 : i32
        %dma_start3A_255 = tpu.memref_slice %arg8[%dma_start3A_252, %dma_start3A_253, %dma_start3A_254] : memref<4x128x32xf32, #tpu.memory_space<vmem>> -> memref<1x128x32xf32, #tpu.memory_space<vmem>>
        %dma_start3A_256 = tpu.memref_squeeze %dma_start3A_255 : memref<1x128x32xf32, #tpu.memory_space<vmem>> -> memref<128x32xf32, #tpu.memory_space<vmem>>
        %dma_start3A_257 = arith.constant 0 : i32
        %dma_start3A_258 = tpu.memref_slice %arg6[%add3A_243, %dma_start3A_257] : memref<84x128xi32, #tpu.memory_space<vmem>> -> memref<1x128xi32, #tpu.memory_space<vmem>>
        %dma_start3A_259 = tpu.memref_squeeze %dma_start3A_258 : memref<1x128xi32, #tpu.memory_space<vmem>> -> memref<128xi32, #tpu.memory_space<vmem>>
        %dma_start3A_260 = arith.constant 0 : i32
        %dma_start3A_261 = arith.constant 0 : i32
        %dma_start3A_262 = tpu.memref_slice %arg10[%dma_start3A_260, %dma_start3A_261] : memref<10112x32xf32, #tpu.memory_space<vmem_shared>> -> memref<10112x32xf32, #tpu.memory_space<vmem_shared>>
        tpu.enqueue_indirect_dma source(%dma_start3A_262 : memref<10112x32xf32, #tpu.memory_space<vmem_shared>>) target(%dma_start3A_256 : memref<128x32xf32, #tpu.memory_space<vmem>>) offsets(%dma_start3A_259 : memref<128xi32, #tpu.memory_space<vmem>>) semaphore(%arg12 : memref<!tpu.dma_semaphore, #tpu.memory_space<semaphore_mem>>)
      } else {
      }
    }
    %while3A_61 = arith.constant 1 : i32
    scf.for %while3A_122 = %while3A_59 to %while3A_55 step %while3A_61  : i32 {
      %mul3A_123 = arith.constant 4 : i32
      %mul3A_124 = arith.muli %while3A_122, %mul3A_123 : i32
      %add3A_125 = arith.constant 0 : i32
      %add3A_126 = arith.addi %mul3A_124, %add3A_125 : i32
      %dma_wait3A_127 = arith.constant 0 : i32
      %dma_wait3A_128 = arith.constant 0 : i32
      %dma_wait3A_129 = arith.constant 0 : i32
      %dma_wait3A_130 = tpu.memref_slice %arg8[%dma_wait3A_127, %dma_wait3A_128, %dma_wait3A_129] : memref<4x128x32xf32, #tpu.memory_space<vmem>> -> memref<1x128x32xf32, #tpu.memory_space<vmem>>
      %dma_wait3A_131 = tpu.memref_squeeze %dma_wait3A_130 : memref<1x128x32xf32, #tpu.memory_space<vmem>> -> memref<128x32xf32, #tpu.memory_space<vmem>>
      %dma_wait3A_132 = arith.constant 0 : i32
      %dma_wait3A_133 = tpu.memref_slice %arg6[%add3A_126, %dma_wait3A_132] : memref<84x128xi32, #tpu.memory_space<vmem>> -> memref<1x128xi32, #tpu.memory_space<vmem>>
      %dma_wait3A_134 = tpu.memref_squeeze %dma_wait3A_133 : memref<1x128xi32, #tpu.memory_space<vmem>> -> memref<128xi32, #tpu.memory_space<vmem>>
      %dma_wait3A_135 = arith.constant 0 : i32
      %dma_wait3A_136 = arith.constant 0 : i32
      %dma_wait3A_137 = tpu.memref_slice %arg10[%dma_wait3A_135, %dma_wait3A_136] : memref<10112x32xf32, #tpu.memory_space<vmem_shared>> -> memref<10112x32xf32, #tpu.memory_space<vmem_shared>>
      tpu.wait_indirect_dma semaphore(%arg11 : memref<!tpu.dma_semaphore, #tpu.memory_space<semaphore_mem>>) src(%dma_wait3A_137 : memref<10112x32xf32, #tpu.memory_space<vmem_shared>>) dst(%dma_wait3A_131 : memref<128x32xf32, #tpu.memory_space<vmem>>)
      %dma_start3A_138 = arith.constant 0 : i32
      %dma_start3A_139 = arith.constant 0 : i32
      %dma_start3A_140 = arith.constant 0 : i32
      %dma_start3A_141 = tpu.memref_slice %arg8[%dma_start3A_138, %dma_start3A_139, %dma_start3A_140] : memref<4x128x32xf32, #tpu.memory_space<vmem>> -> memref<1x128x32xf32, #tpu.memory_space<vmem>>
      %dma_start3A_142 = tpu.memref_squeeze %dma_start3A_141 : memref<1x128x32xf32, #tpu.memory_space<vmem>> -> memref<128x32xf32, #tpu.memory_space<vmem>>
      %dma_start3A_143 = arith.constant 0 : i32
      %dma_start3A_144 = tpu.memref_slice %arg7[%add3A_126, %dma_start3A_143] : memref<84x128xi32, #tpu.memory_space<vmem>> -> memref<1x128xi32, #tpu.memory_space<vmem>>
      %dma_start3A_145 = tpu.memref_squeeze %dma_start3A_144 : memref<1x128xi32, #tpu.memory_space<vmem>> -> memref<128xi32, #tpu.memory_space<vmem>>
      %dma_start3A_146 = arith.constant 0 : i32
      %dma_start3A_147 = arith.constant 0 : i32
      %dma_start3A_148 = tpu.memref_slice %arg9[%dma_start3A_146, %dma_start3A_147] : memref<10112x32xf32, #tpu.memory_space<vmem_shared>> -> memref<10112x32xf32, #tpu.memory_space<vmem_shared>>
      tpu.enqueue_indirect_dma source(%dma_start3A_142 : memref<128x32xf32, #tpu.memory_space<vmem>>) target(%dma_start3A_148 : memref<10112x32xf32, #tpu.memory_space<vmem_shared>>) offsets(%dma_start3A_145 : memref<128xi32, #tpu.memory_space<vmem>>) semaphore(%arg15 : memref<!tpu.dma_semaphore, #tpu.memory_space<semaphore_mem>>) {add = true}
      %add3A_149 = arith.constant 2 : i32
      %add3A_150 = arith.addi %add3A_126, %add3A_149 : i32
      %lt3A = arith.cmpi slt, %add3A_150, %select_n3A_10 : i32
      %convert_element_type3A = arith.extui %lt3A : i1 to i32
      %cond3A = arith.constant 0 : i32
      %cond3A_151 = arith.cmpi ne, %convert_element_type3A, %cond3A : i32
      scf.if %cond3A_151 {
        %ge3A = arith.constant 4 : i32
        %ge3A_248 = arith.cmpi sge, %add3A_150, %ge3A : i32
        %convert_element_type3A_249 = arith.extui %ge3A_248 : i1 to i32
        %cond3A_250 = arith.constant 0 : i32
        %cond3A_251 = arith.cmpi ne, %convert_element_type3A_249, %cond3A_250 : i32
        scf.if %cond3A_251 {
          %sub3A_263 = arith.constant 4 : i32
          %sub3A_264 = arith.subi %add3A_150, %sub3A_263 : i32
          %dma_wait3A_265 = arith.constant 2 : i32
          %dma_wait3A_266 = arith.constant 0 : i32
          %dma_wait3A_267 = arith.constant 0 : i32
          %dma_wait3A_268 = tpu.memref_slice %arg8[%dma_wait3A_265, %dma_wait3A_266, %dma_wait3A_267] : memref<4x128x32xf32, #tpu.memory_space<vmem>> -> memref<1x128x32xf32, #tpu.memory_space<vmem>>
          %dma_wait3A_269 = tpu.memref_squeeze %dma_wait3A_268 : memref<1x128x32xf32, #tpu.memory_space<vmem>> -> memref<128x32xf32, #tpu.memory_space<vmem>>
          %dma_wait3A_270 = arith.constant 0 : i32
          %dma_wait3A_271 = tpu.memref_slice %arg7[%sub3A_264, %dma_wait3A_270] : memref<84x128xi32, #tpu.memory_space<vmem>> -> memref<1x128xi32, #tpu.memory_space<vmem>>
          %dma_wait3A_272 = tpu.memref_squeeze %dma_wait3A_271 : memref<1x128xi32, #tpu.memory_space<vmem>> -> memref<128xi32, #tpu.memory_space<vmem>>
          %dma_wait3A_273 = arith.constant 0 : i32
          %dma_wait3A_274 = arith.constant 0 : i32
          %dma_wait3A_275 = tpu.memref_slice %arg9[%dma_wait3A_273, %dma_wait3A_274] : memref<10112x32xf32, #tpu.memory_space<vmem_shared>> -> memref<10112x32xf32, #tpu.memory_space<vmem_shared>>
          tpu.wait_indirect_dma semaphore(%arg17 : memref<!tpu.dma_semaphore, #tpu.memory_space<semaphore_mem>>) src(%dma_wait3A_269 : memref<128x32xf32, #tpu.memory_space<vmem>>) dst(%dma_wait3A_275 : memref<10112x32xf32, #tpu.memory_space<vmem_shared>>)
        } else {
        }
        %dma_start3A_252 = arith.constant 2 : i32
        %dma_start3A_253 = arith.constant 0 : i32
        %dma_start3A_254 = arith.constant 0 : i32
        %dma_start3A_255 = tpu.memref_slice %arg8[%dma_start3A_252, %dma_start3A_253, %dma_start3A_254] : memref<4x128x32xf32, #tpu.memory_space<vmem>> -> memref<1x128x32xf32, #tpu.memory_space<vmem>>
        %dma_start3A_256 = tpu.memref_squeeze %dma_start3A_255 : memref<1x128x32xf32, #tpu.memory_space<vmem>> -> memref<128x32xf32, #tpu.memory_space<vmem>>
        %dma_start3A_257 = arith.constant 0 : i32
        %dma_start3A_258 = tpu.memref_slice %arg6[%add3A_150, %dma_start3A_257] : memref<84x128xi32, #tpu.memory_space<vmem>> -> memref<1x128xi32, #tpu.memory_space<vmem>>
        %dma_start3A_259 = tpu.memref_squeeze %dma_start3A_258 : memref<1x128xi32, #tpu.memory_space<vmem>> -> memref<128xi32, #tpu.memory_space<vmem>>
        %dma_start3A_260 = arith.constant 0 : i32
        %dma_start3A_261 = arith.constant 0 : i32
        %dma_start3A_262 = tpu.memref_slice %arg10[%dma_start3A_260, %dma_start3A_261] : memref<10112x32xf32, #tpu.memory_space<vmem_shared>> -> memref<10112x32xf32, #tpu.memory_space<vmem_shared>>
        tpu.enqueue_indirect_dma source(%dma_start3A_262 : memref<10112x32xf32, #tpu.memory_space<vmem_shared>>) target(%dma_start3A_256 : memref<128x32xf32, #tpu.memory_space<vmem>>) offsets(%dma_start3A_259 : memref<128xi32, #tpu.memory_space<vmem>>) semaphore(%arg13 : memref<!tpu.dma_semaphore, #tpu.memory_space<semaphore_mem>>)
      } else {
      }
      %mul3A_152 = arith.constant 4 : i32
      %mul3A_153 = arith.muli %while3A_122, %mul3A_152 : i32
      %add3A_154 = arith.constant 1 : i32
      %add3A_155 = arith.addi %mul3A_153, %add3A_154 : i32
      %dma_wait3A_156 = arith.constant 1 : i32
      %dma_wait3A_157 = arith.constant 0 : i32
      %dma_wait3A_158 = arith.constant 0 : i32
      %dma_wait3A_159 = tpu.memref_slice %arg8[%dma_wait3A_156, %dma_wait3A_157, %dma_wait3A_158] : memref<4x128x32xf32, #tpu.memory_space<vmem>> -> memref<1x128x32xf32, #tpu.memory_space<vmem>>
      %dma_wait3A_160 = tpu.memref_squeeze %dma_wait3A_159 : memref<1x128x32xf32, #tpu.memory_space<vmem>> -> memref<128x32xf32, #tpu.memory_space<vmem>>
      %dma_wait3A_161 = arith.constant 0 : i32
      %dma_wait3A_162 = tpu.memref_slice %arg6[%add3A_155, %dma_wait3A_161] : memref<84x128xi32, #tpu.memory_space<vmem>> -> memref<1x128xi32, #tpu.memory_space<vmem>>
      %dma_wait3A_163 = tpu.memref_squeeze %dma_wait3A_162 : memref<1x128xi32, #tpu.memory_space<vmem>> -> memref<128xi32, #tpu.memory_space<vmem>>
      %dma_wait3A_164 = arith.constant 0 : i32
      %dma_wait3A_165 = arith.constant 0 : i32
      %dma_wait3A_166 = tpu.memref_slice %arg10[%dma_wait3A_164, %dma_wait3A_165] : memref<10112x32xf32, #tpu.memory_space<vmem_shared>> -> memref<10112x32xf32, #tpu.memory_space<vmem_shared>>
      tpu.wait_indirect_dma semaphore(%arg12 : memref<!tpu.dma_semaphore, #tpu.memory_space<semaphore_mem>>) src(%dma_wait3A_166 : memref<10112x32xf32, #tpu.memory_space<vmem_shared>>) dst(%dma_wait3A_160 : memref<128x32xf32, #tpu.memory_space<vmem>>)
      %dma_start3A_167 = arith.constant 1 : i32
      %dma_start3A_168 = arith.constant 0 : i32
      %dma_start3A_169 = arith.constant 0 : i32
      %dma_start3A_170 = tpu.memref_slice %arg8[%dma_start3A_167, %dma_start3A_168, %dma_start3A_169] : memref<4x128x32xf32, #tpu.memory_space<vmem>> -> memref<1x128x32xf32, #tpu.memory_space<vmem>>
      %dma_start3A_171 = tpu.memref_squeeze %dma_start3A_170 : memref<1x128x32xf32, #tpu.memory_space<vmem>> -> memref<128x32xf32, #tpu.memory_space<vmem>>
      %dma_start3A_172 = arith.constant 0 : i32
      %dma_start3A_173 = tpu.memref_slice %arg7[%add3A_155, %dma_start3A_172] : memref<84x128xi32, #tpu.memory_space<vmem>> -> memref<1x128xi32, #tpu.memory_space<vmem>>
      %dma_start3A_174 = tpu.memref_squeeze %dma_start3A_173 : memref<1x128xi32, #tpu.memory_space<vmem>> -> memref<128xi32, #tpu.memory_space<vmem>>
      %dma_start3A_175 = arith.constant 0 : i32
      %dma_start3A_176 = arith.constant 0 : i32
      %dma_start3A_177 = tpu.memref_slice %arg9[%dma_start3A_175, %dma_start3A_176] : memref<10112x32xf32, #tpu.memory_space<vmem_shared>> -> memref<10112x32xf32, #tpu.memory_space<vmem_shared>>
      tpu.enqueue_indirect_dma source(%dma_start3A_171 : memref<128x32xf32, #tpu.memory_space<vmem>>) target(%dma_start3A_177 : memref<10112x32xf32, #tpu.memory_space<vmem_shared>>) offsets(%dma_start3A_174 : memref<128xi32, #tpu.memory_space<vmem>>) semaphore(%arg16 : memref<!tpu.dma_semaphore, #tpu.memory_space<semaphore_mem>>) {add = true}
      %add3A_178 = arith.constant 2 : i32
      %add3A_179 = arith.addi %add3A_155, %add3A_178 : i32
      %lt3A_180 = arith.cmpi slt, %add3A_179, %select_n3A_10 : i32
      %convert_element_type3A_181 = arith.extui %lt3A_180 : i1 to i32
      %cond3A_182 = arith.constant 0 : i32
      %cond3A_183 = arith.cmpi ne, %convert_element_type3A_181, %cond3A_182 : i32
      scf.if %cond3A_183 {
        %ge3A = arith.constant 4 : i32
        %ge3A_248 = arith.cmpi sge, %add3A_179, %ge3A : i32
        %convert_element_type3A_249 = arith.extui %ge3A_248 : i1 to i32
        %cond3A_250 = arith.constant 0 : i32
        %cond3A_251 = arith.cmpi ne, %convert_element_type3A_249, %cond3A_250 : i32
        scf.if %cond3A_251 {
          %sub3A_263 = arith.constant 4 : i32
          %sub3A_264 = arith.subi %add3A_179, %sub3A_263 : i32
          %dma_wait3A_265 = arith.constant 3 : i32
          %dma_wait3A_266 = arith.constant 0 : i32
          %dma_wait3A_267 = arith.constant 0 : i32
          %dma_wait3A_268 = tpu.memref_slice %arg8[%dma_wait3A_265, %dma_wait3A_266, %dma_wait3A_267] : memref<4x128x32xf32, #tpu.memory_space<vmem>> -> memref<1x128x32xf32, #tpu.memory_space<vmem>>
          %dma_wait3A_269 = tpu.memref_squeeze %dma_wait3A_268 : memref<1x128x32xf32, #tpu.memory_space<vmem>> -> memref<128x32xf32, #tpu.memory_space<vmem>>
          %dma_wait3A_270 = arith.constant 0 : i32
          %dma_wait3A_271 = tpu.memref_slice %arg7[%sub3A_264, %dma_wait3A_270] : memref<84x128xi32, #tpu.memory_space<vmem>> -> memref<1x128xi32, #tpu.memory_space<vmem>>
          %dma_wait3A_272 = tpu.memref_squeeze %dma_wait3A_271 : memref<1x128xi32, #tpu.memory_space<vmem>> -> memref<128xi32, #tpu.memory_space<vmem>>
          %dma_wait3A_273 = arith.constant 0 : i32
          %dma_wait3A_274 = arith.constant 0 : i32
          %dma_wait3A_275 = tpu.memref_slice %arg9[%dma_wait3A_273, %dma_wait3A_274] : memref<10112x32xf32, #tpu.memory_space<vmem_shared>> -> memref<10112x32xf32, #tpu.memory_space<vmem_shared>>
          tpu.wait_indirect_dma semaphore(%arg18 : memref<!tpu.dma_semaphore, #tpu.memory_space<semaphore_mem>>) src(%dma_wait3A_269 : memref<128x32xf32, #tpu.memory_space<vmem>>) dst(%dma_wait3A_275 : memref<10112x32xf32, #tpu.memory_space<vmem_shared>>)
        } else {
        }
        %dma_start3A_252 = arith.constant 3 : i32
        %dma_start3A_253 = arith.constant 0 : i32
        %dma_start3A_254 = arith.constant 0 : i32
        %dma_start3A_255 = tpu.memref_slice %arg8[%dma_start3A_252, %dma_start3A_253, %dma_start3A_254] : memref<4x128x32xf32, #tpu.memory_space<vmem>> -> memref<1x128x32xf32, #tpu.memory_space<vmem>>
        %dma_start3A_256 = tpu.memref_squeeze %dma_start3A_255 : memref<1x128x32xf32, #tpu.memory_space<vmem>> -> memref<128x32xf32, #tpu.memory_space<vmem>>
        %dma_start3A_257 = arith.constant 0 : i32
        %dma_start3A_258 = tpu.memref_slice %arg6[%add3A_179, %dma_start3A_257] : memref<84x128xi32, #tpu.memory_space<vmem>> -> memref<1x128xi32, #tpu.memory_space<vmem>>
        %dma_start3A_259 = tpu.memref_squeeze %dma_start3A_258 : memref<1x128xi32, #tpu.memory_space<vmem>> -> memref<128xi32, #tpu.memory_space<vmem>>
        %dma_start3A_260 = arith.constant 0 : i32
        %dma_start3A_261 = arith.constant 0 : i32
        %dma_start3A_262 = tpu.memref_slice %arg10[%dma_start3A_260, %dma_start3A_261] : memref<10112x32xf32, #tpu.memory_space<vmem_shared>> -> memref<10112x32xf32, #tpu.memory_space<vmem_shared>>
        tpu.enqueue_indirect_dma source(%dma_start3A_262 : memref<10112x32xf32, #tpu.memory_space<vmem_shared>>) target(%dma_start3A_256 : memref<128x32xf32, #tpu.memory_space<vmem>>) offsets(%dma_start3A_259 : memref<128xi32, #tpu.memory_space<vmem>>) semaphore(%arg14 : memref<!tpu.dma_semaphore, #tpu.memory_space<semaphore_mem>>)
      } else {
      }
      %mul3A_184 = arith.constant 4 : i32
      %mul3A_185 = arith.muli %while3A_122, %mul3A_184 : i32
      %add3A_186 = arith.constant 2 : i32
      %add3A_187 = arith.addi %mul3A_185, %add3A_186 : i32
      %dma_wait3A_188 = arith.constant 2 : i32
      %dma_wait3A_189 = arith.constant 0 : i32
      %dma_wait3A_190 = arith.constant 0 : i32
      %dma_wait3A_191 = tpu.memref_slice %arg8[%dma_wait3A_188, %dma_wait3A_189, %dma_wait3A_190] : memref<4x128x32xf32, #tpu.memory_space<vmem>> -> memref<1x128x32xf32, #tpu.memory_space<vmem>>
      %dma_wait3A_192 = tpu.memref_squeeze %dma_wait3A_191 : memref<1x128x32xf32, #tpu.memory_space<vmem>> -> memref<128x32xf32, #tpu.memory_space<vmem>>
      %dma_wait3A_193 = arith.constant 0 : i32
      %dma_wait3A_194 = tpu.memref_slice %arg6[%add3A_187, %dma_wait3A_193] : memref<84x128xi32, #tpu.memory_space<vmem>> -> memref<1x128xi32, #tpu.memory_space<vmem>>
      %dma_wait3A_195 = tpu.memref_squeeze %dma_wait3A_194 : memref<1x128xi32, #tpu.memory_space<vmem>> -> memref<128xi32, #tpu.memory_space<vmem>>
      %dma_wait3A_196 = arith.constant 0 : i32
      %dma_wait3A_197 = arith.constant 0 : i32
      %dma_wait3A_198 = tpu.memref_slice %arg10[%dma_wait3A_196, %dma_wait3A_197] : memref<10112x32xf32, #tpu.memory_space<vmem_shared>> -> memref<10112x32xf32, #tpu.memory_space<vmem_shared>>
      tpu.wait_indirect_dma semaphore(%arg13 : memref<!tpu.dma_semaphore, #tpu.memory_space<semaphore_mem>>) src(%dma_wait3A_198 : memref<10112x32xf32, #tpu.memory_space<vmem_shared>>) dst(%dma_wait3A_192 : memref<128x32xf32, #tpu.memory_space<vmem>>)
      %dma_start3A_199 = arith.constant 2 : i32
      %dma_start3A_200 = arith.constant 0 : i32
      %dma_start3A_201 = arith.constant 0 : i32
      %dma_start3A_202 = tpu.memref_slice %arg8[%dma_start3A_199, %dma_start3A_200, %dma_start3A_201] : memref<4x128x32xf32, #tpu.memory_space<vmem>> -> memref<1x128x32xf32, #tpu.memory_space<vmem>>
      %dma_start3A_203 = tpu.memref_squeeze %dma_start3A_202 : memref<1x128x32xf32, #tpu.memory_space<vmem>> -> memref<128x32xf32, #tpu.memory_space<vmem>>
      %dma_start3A_204 = arith.constant 0 : i32
      %dma_start3A_205 = tpu.memref_slice %arg7[%add3A_187, %dma_start3A_204] : memref<84x128xi32, #tpu.memory_space<vmem>> -> memref<1x128xi32, #tpu.memory_space<vmem>>
      %dma_start3A_206 = tpu.memref_squeeze %dma_start3A_205 : memref<1x128xi32, #tpu.memory_space<vmem>> -> memref<128xi32, #tpu.memory_space<vmem>>
      %dma_start3A_207 = arith.constant 0 : i32
      %dma_start3A_208 = arith.constant 0 : i32
      %dma_start3A_209 = tpu.memref_slice %arg9[%dma_start3A_207, %dma_start3A_208] : memref<10112x32xf32, #tpu.memory_space<vmem_shared>> -> memref<10112x32xf32, #tpu.memory_space<vmem_shared>>
      tpu.enqueue_indirect_dma source(%dma_start3A_203 : memref<128x32xf32, #tpu.memory_space<vmem>>) target(%dma_start3A_209 : memref<10112x32xf32, #tpu.memory_space<vmem_shared>>) offsets(%dma_start3A_206 : memref<128xi32, #tpu.memory_space<vmem>>) semaphore(%arg17 : memref<!tpu.dma_semaphore, #tpu.memory_space<semaphore_mem>>) {add = true}
      %add3A_210 = arith.constant 2 : i32
      %add3A_211 = arith.addi %add3A_187, %add3A_210 : i32
      %lt3A_212 = arith.cmpi slt, %add3A_211, %select_n3A_10 : i32
      %convert_element_type3A_213 = arith.extui %lt3A_212 : i1 to i32
      %cond3A_214 = arith.constant 0 : i32
      %cond3A_215 = arith.cmpi ne, %convert_element_type3A_213, %cond3A_214 : i32
      scf.if %cond3A_215 {
        %ge3A = arith.constant 4 : i32
        %ge3A_248 = arith.cmpi sge, %add3A_211, %ge3A : i32
        %convert_element_type3A_249 = arith.extui %ge3A_248 : i1 to i32
        %cond3A_250 = arith.constant 0 : i32
        %cond3A_251 = arith.cmpi ne, %convert_element_type3A_249, %cond3A_250 : i32
        scf.if %cond3A_251 {
          %sub3A_263 = arith.constant 4 : i32
          %sub3A_264 = arith.subi %add3A_211, %sub3A_263 : i32
          %dma_wait3A_265 = arith.constant 0 : i32
          %dma_wait3A_266 = arith.constant 0 : i32
          %dma_wait3A_267 = arith.constant 0 : i32
          %dma_wait3A_268 = tpu.memref_slice %arg8[%dma_wait3A_265, %dma_wait3A_266, %dma_wait3A_267] : memref<4x128x32xf32, #tpu.memory_space<vmem>> -> memref<1x128x32xf32, #tpu.memory_space<vmem>>
          %dma_wait3A_269 = tpu.memref_squeeze %dma_wait3A_268 : memref<1x128x32xf32, #tpu.memory_space<vmem>> -> memref<128x32xf32, #tpu.memory_space<vmem>>
          %dma_wait3A_270 = arith.constant 0 : i32
          %dma_wait3A_271 = tpu.memref_slice %arg7[%sub3A_264, %dma_wait3A_270] : memref<84x128xi32, #tpu.memory_space<vmem>> -> memref<1x128xi32, #tpu.memory_space<vmem>>
          %dma_wait3A_272 = tpu.memref_squeeze %dma_wait3A_271 : memref<1x128xi32, #tpu.memory_space<vmem>> -> memref<128xi32, #tpu.memory_space<vmem>>
          %dma_wait3A_273 = arith.constant 0 : i32
          %dma_wait3A_274 = arith.constant 0 : i32
          %dma_wait3A_275 = tpu.memref_slice %arg9[%dma_wait3A_273, %dma_wait3A_274] : memref<10112x32xf32, #tpu.memory_space<vmem_shared>> -> memref<10112x32xf32, #tpu.memory_space<vmem_shared>>
          tpu.wait_indirect_dma semaphore(%arg15 : memref<!tpu.dma_semaphore, #tpu.memory_space<semaphore_mem>>) src(%dma_wait3A_269 : memref<128x32xf32, #tpu.memory_space<vmem>>) dst(%dma_wait3A_275 : memref<10112x32xf32, #tpu.memory_space<vmem_shared>>)
        } else {
        }
        %dma_start3A_252 = arith.constant 0 : i32
        %dma_start3A_253 = arith.constant 0 : i32
        %dma_start3A_254 = arith.constant 0 : i32
        %dma_start3A_255 = tpu.memref_slice %arg8[%dma_start3A_252, %dma_start3A_253, %dma_start3A_254] : memref<4x128x32xf32, #tpu.memory_space<vmem>> -> memref<1x128x32xf32, #tpu.memory_space<vmem>>
        %dma_start3A_256 = tpu.memref_squeeze %dma_start3A_255 : memref<1x128x32xf32, #tpu.memory_space<vmem>> -> memref<128x32xf32, #tpu.memory_space<vmem>>
        %dma_start3A_257 = arith.constant 0 : i32
        %dma_start3A_258 = tpu.memref_slice %arg6[%add3A_211, %dma_start3A_257] : memref<84x128xi32, #tpu.memory_space<vmem>> -> memref<1x128xi32, #tpu.memory_space<vmem>>
        %dma_start3A_259 = tpu.memref_squeeze %dma_start3A_258 : memref<1x128xi32, #tpu.memory_space<vmem>> -> memref<128xi32, #tpu.memory_space<vmem>>
        %dma_start3A_260 = arith.constant 0 : i32
        %dma_start3A_261 = arith.constant 0 : i32
        %dma_start3A_262 = tpu.memref_slice %arg10[%dma_start3A_260, %dma_start3A_261] : memref<10112x32xf32, #tpu.memory_space<vmem_shared>> -> memref<10112x32xf32, #tpu.memory_space<vmem_shared>>
        tpu.enqueue_indirect_dma source(%dma_start3A_262 : memref<10112x32xf32, #tpu.memory_space<vmem_shared>>) target(%dma_start3A_256 : memref<128x32xf32, #tpu.memory_space<vmem>>) offsets(%dma_start3A_259 : memref<128xi32, #tpu.memory_space<vmem>>) semaphore(%arg11 : memref<!tpu.dma_semaphore, #tpu.memory_space<semaphore_mem>>)
      } else {
      }
      %mul3A_216 = arith.constant 4 : i32
      %mul3A_217 = arith.muli %while3A_122, %mul3A_216 : i32
      %add3A_218 = arith.constant 3 : i32
      %add3A_219 = arith.addi %mul3A_217, %add3A_218 : i32
      %dma_wait3A_220 = arith.constant 3 : i32
      %dma_wait3A_221 = arith.constant 0 : i32
      %dma_wait3A_222 = arith.constant 0 : i32
      %dma_wait3A_223 = tpu.memref_slice %arg8[%dma_wait3A_220, %dma_wait3A_221, %dma_wait3A_222] : memref<4x128x32xf32, #tpu.memory_space<vmem>> -> memref<1x128x32xf32, #tpu.memory_space<vmem>>
      %dma_wait3A_224 = tpu.memref_squeeze %dma_wait3A_223 : memref<1x128x32xf32, #tpu.memory_space<vmem>> -> memref<128x32xf32, #tpu.memory_space<vmem>>
      %dma_wait3A_225 = arith.constant 0 : i32
      %dma_wait3A_226 = tpu.memref_slice %arg6[%add3A_219, %dma_wait3A_225] : memref<84x128xi32, #tpu.memory_space<vmem>> -> memref<1x128xi32, #tpu.memory_space<vmem>>
      %dma_wait3A_227 = tpu.memref_squeeze %dma_wait3A_226 : memref<1x128xi32, #tpu.memory_space<vmem>> -> memref<128xi32, #tpu.memory_space<vmem>>
      %dma_wait3A_228 = arith.constant 0 : i32
      %dma_wait3A_229 = arith.constant 0 : i32
      %dma_wait3A_230 = tpu.memref_slice %arg10[%dma_wait3A_228, %dma_wait3A_229] : memref<10112x32xf32, #tpu.memory_space<vmem_shared>> -> memref<10112x32xf32, #tpu.memory_space<vmem_shared>>
      tpu.wait_indirect_dma semaphore(%arg14 : memref<!tpu.dma_semaphore, #tpu.memory_space<semaphore_mem>>) src(%dma_wait3A_230 : memref<10112x32xf32, #tpu.memory_space<vmem_shared>>) dst(%dma_wait3A_224 : memref<128x32xf32, #tpu.memory_space<vmem>>)
      %dma_start3A_231 = arith.constant 3 : i32
      %dma_start3A_232 = arith.constant 0 : i32
      %dma_start3A_233 = arith.constant 0 : i32
      %dma_start3A_234 = tpu.memref_slice %arg8[%dma_start3A_231, %dma_start3A_232, %dma_start3A_233] : memref<4x128x32xf32, #tpu.memory_space<vmem>> -> memref<1x128x32xf32, #tpu.memory_space<vmem>>
      %dma_start3A_235 = tpu.memref_squeeze %dma_start3A_234 : memref<1x128x32xf32, #tpu.memory_space<vmem>> -> memref<128x32xf32, #tpu.memory_space<vmem>>
      %dma_start3A_236 = arith.constant 0 : i32
      %dma_start3A_237 = tpu.memref_slice %arg7[%add3A_219, %dma_start3A_236] : memref<84x128xi32, #tpu.memory_space<vmem>> -> memref<1x128xi32, #tpu.memory_space<vmem>>
      %dma_start3A_238 = tpu.memref_squeeze %dma_start3A_237 : memref<1x128xi32, #tpu.memory_space<vmem>> -> memref<128xi32, #tpu.memory_space<vmem>>
      %dma_start3A_239 = arith.constant 0 : i32
      %dma_start3A_240 = arith.constant 0 : i32
      %dma_start3A_241 = tpu.memref_slice %arg9[%dma_start3A_239, %dma_start3A_240] : memref<10112x32xf32, #tpu.memory_space<vmem_shared>> -> memref<10112x32xf32, #tpu.memory_space<vmem_shared>>
      tpu.enqueue_indirect_dma source(%dma_start3A_235 : memref<128x32xf32, #tpu.memory_space<vmem>>) target(%dma_start3A_241 : memref<10112x32xf32, #tpu.memory_space<vmem_shared>>) offsets(%dma_start3A_238 : memref<128xi32, #tpu.memory_space<vmem>>) semaphore(%arg18 : memref<!tpu.dma_semaphore, #tpu.memory_space<semaphore_mem>>) {add = true}
      %add3A_242 = arith.constant 2 : i32
      %add3A_243 = arith.addi %add3A_219, %add3A_242 : i32
      %lt3A_244 = arith.cmpi slt, %add3A_243, %select_n3A_10 : i32
      %convert_element_type3A_245 = arith.extui %lt3A_244 : i1 to i32
      %cond3A_246 = arith.constant 0 : i32
      %cond3A_247 = arith.cmpi ne, %convert_element_type3A_245, %cond3A_246 : i32
      scf.if %cond3A_247 {
        %ge3A = arith.constant 4 : i32
        %ge3A_248 = arith.cmpi sge, %add3A_243, %ge3A : i32
        %convert_element_type3A_249 = arith.extui %ge3A_248 : i1 to i32
        %cond3A_250 = arith.constant 0 : i32
        %cond3A_251 = arith.cmpi ne, %convert_element_type3A_249, %cond3A_250 : i32
        scf.if %cond3A_251 {
          %sub3A_263 = arith.constant 4 : i32
          %sub3A_264 = arith.subi %add3A_243, %sub3A_263 : i32
          %dma_wait3A_265 = arith.constant 1 : i32
          %dma_wait3A_266 = arith.constant 0 : i32
          %dma_wait3A_267 = arith.constant 0 : i32
          %dma_wait3A_268 = tpu.memref_slice %arg8[%dma_wait3A_265, %dma_wait3A_266, %dma_wait3A_267] : memref<4x128x32xf32, #tpu.memory_space<vmem>> -> memref<1x128x32xf32, #tpu.memory_space<vmem>>
          %dma_wait3A_269 = tpu.memref_squeeze %dma_wait3A_268 : memref<1x128x32xf32, #tpu.memory_space<vmem>> -> memref<128x32xf32, #tpu.memory_space<vmem>>
          %dma_wait3A_270 = arith.constant 0 : i32
          %dma_wait3A_271 = tpu.memref_slice %arg7[%sub3A_264, %dma_wait3A_270] : memref<84x128xi32, #tpu.memory_space<vmem>> -> memref<1x128xi32, #tpu.memory_space<vmem>>
          %dma_wait3A_272 = tpu.memref_squeeze %dma_wait3A_271 : memref<1x128xi32, #tpu.memory_space<vmem>> -> memref<128xi32, #tpu.memory_space<vmem>>
          %dma_wait3A_273 = arith.constant 0 : i32
          %dma_wait3A_274 = arith.constant 0 : i32
          %dma_wait3A_275 = tpu.memref_slice %arg9[%dma_wait3A_273, %dma_wait3A_274] : memref<10112x32xf32, #tpu.memory_space<vmem_shared>> -> memref<10112x32xf32, #tpu.memory_space<vmem_shared>>
          tpu.wait_indirect_dma semaphore(%arg16 : memref<!tpu.dma_semaphore, #tpu.memory_space<semaphore_mem>>) src(%dma_wait3A_269 : memref<128x32xf32, #tpu.memory_space<vmem>>) dst(%dma_wait3A_275 : memref<10112x32xf32, #tpu.memory_space<vmem_shared>>)
        } else {
        }
        %dma_start3A_252 = arith.constant 1 : i32
        %dma_start3A_253 = arith.constant 0 : i32
        %dma_start3A_254 = arith.constant 0 : i32
        %dma_start3A_255 = tpu.memref_slice %arg8[%dma_start3A_252, %dma_start3A_253, %dma_start3A_254] : memref<4x128x32xf32, #tpu.memory_space<vmem>> -> memref<1x128x32xf32, #tpu.memory_space<vmem>>
        %dma_start3A_256 = tpu.memref_squeeze %dma_start3A_255 : memref<1x128x32xf32, #tpu.memory_space<vmem>> -> memref<128x32xf32, #tpu.memory_space<vmem>>
        %dma_start3A_257 = arith.constant 0 : i32
        %dma_start3A_258 = tpu.memref_slice %arg6[%add3A_243, %dma_start3A_257] : memref<84x128xi32, #tpu.memory_space<vmem>> -> memref<1x128xi32, #tpu.memory_space<vmem>>
        %dma_start3A_259 = tpu.memref_squeeze %dma_start3A_258 : memref<1x128xi32, #tpu.memory_space<vmem>> -> memref<128xi32, #tpu.memory_space<vmem>>
        %dma_start3A_260 = arith.constant 0 : i32
        %dma_start3A_261 = arith.constant 0 : i32
        %dma_start3A_262 = tpu.memref_slice %arg10[%dma_start3A_260, %dma_start3A_261] : memref<10112x32xf32, #tpu.memory_space<vmem_shared>> -> memref<10112x32xf32, #tpu.memory_space<vmem_shared>>
        tpu.enqueue_indirect_dma source(%dma_start3A_262 : memref<10112x32xf32, #tpu.memory_space<vmem_shared>>) target(%dma_start3A_256 : memref<128x32xf32, #tpu.memory_space<vmem>>) offsets(%dma_start3A_259 : memref<128xi32, #tpu.memory_space<vmem>>) semaphore(%arg12 : memref<!tpu.dma_semaphore, #tpu.memory_space<semaphore_mem>>)
      } else {
      }
    }
    %sub3A_62 = arith.constant 4 : i32
    %sub3A_63 = arith.subi %select_n3A_10, %sub3A_62 : i32
    %add3A_64 = arith.constant 0 : i32
    %add3A_65 = arith.addi %sub3A_63, %add3A_64 : i32
    %dma_wait3A = arith.constant 0 : i32
    %dma_wait3A_66 = arith.constant 0 : i32
    %dma_wait3A_67 = arith.constant 0 : i32
    %dma_wait3A_68 = tpu.memref_slice %arg8[%dma_wait3A, %dma_wait3A_66, %dma_wait3A_67] : memref<4x128x32xf32, #tpu.memory_space<vmem>> -> memref<1x128x32xf32, #tpu.memory_space<vmem>>
    %dma_wait3A_69 = tpu.memref_squeeze %dma_wait3A_68 : memref<1x128x32xf32, #tpu.memory_space<vmem>> -> memref<128x32xf32, #tpu.memory_space<vmem>>
    %dma_wait3A_70 = arith.constant 0 : i32
    %dma_wait3A_71 = tpu.memref_slice %arg7[%add3A_65, %dma_wait3A_70] : memref<84x128xi32, #tpu.memory_space<vmem>> -> memref<1x128xi32, #tpu.memory_space<vmem>>
    %dma_wait3A_72 = tpu.memref_squeeze %dma_wait3A_71 : memref<1x128xi32, #tpu.memory_space<vmem>> -> memref<128xi32, #tpu.memory_space<vmem>>
    %dma_wait3A_73 = arith.constant 0 : i32
    %dma_wait3A_74 = arith.constant 0 : i32
    %dma_wait3A_75 = tpu.memref_slice %arg9[%dma_wait3A_73, %dma_wait3A_74] : memref<10112x32xf32, #tpu.memory_space<vmem_shared>> -> memref<10112x32xf32, #tpu.memory_space<vmem_shared>>
    tpu.wait_indirect_dma semaphore(%arg15 : memref<!tpu.dma_semaphore, #tpu.memory_space<semaphore_mem>>) src(%dma_wait3A_69 : memref<128x32xf32, #tpu.memory_space<vmem>>) dst(%dma_wait3A_75 : memref<10112x32xf32, #tpu.memory_space<vmem_shared>>)
    %sub3A_76 = arith.constant 4 : i32
    %sub3A_77 = arith.subi %select_n3A_10, %sub3A_76 : i32
    %add3A_78 = arith.constant 1 : i32
    %add3A_79 = arith.addi %sub3A_77, %add3A_78 : i32
    %dma_wait3A_80 = arith.constant 1 : i32
    %dma_wait3A_81 = arith.constant 0 : i32
    %dma_wait3A_82 = arith.constant 0 : i32
    %dma_wait3A_83 = tpu.memref_slice %arg8[%dma_wait3A_80, %dma_wait3A_81, %dma_wait3A_82] : memref<4x128x32xf32, #tpu.memory_space<vmem>> -> memref<1x128x32xf32, #tpu.memory_space<vmem>>
    %dma_wait3A_84 = tpu.memref_squeeze %dma_wait3A_83 : memref<1x128x32xf32, #tpu.memory_space<vmem>> -> memref<128x32xf32, #tpu.memory_space<vmem>>
    %dma_wait3A_85 = arith.constant 0 : i32
    %dma_wait3A_86 = tpu.memref_slice %arg7[%add3A_79, %dma_wait3A_85] : memref<84x128xi32, #tpu.memory_space<vmem>> -> memref<1x128xi32, #tpu.memory_space<vmem>>
    %dma_wait3A_87 = tpu.memref_squeeze %dma_wait3A_86 : memref<1x128xi32, #tpu.memory_space<vmem>> -> memref<128xi32, #tpu.memory_space<vmem>>
    %dma_wait3A_88 = arith.constant 0 : i32
    %dma_wait3A_89 = arith.constant 0 : i32
    %dma_wait3A_90 = tpu.memref_slice %arg9[%dma_wait3A_88, %dma_wait3A_89] : memref<10112x32xf32, #tpu.memory_space<vmem_shared>> -> memref<10112x32xf32, #tpu.memory_space<vmem_shared>>
    tpu.wait_indirect_dma semaphore(%arg16 : memref<!tpu.dma_semaphore, #tpu.memory_space<semaphore_mem>>) src(%dma_wait3A_84 : memref<128x32xf32, #tpu.memory_space<vmem>>) dst(%dma_wait3A_90 : memref<10112x32xf32, #tpu.memory_space<vmem_shared>>)
    %sub3A_91 = arith.constant 4 : i32
    %sub3A_92 = arith.subi %select_n3A_10, %sub3A_91 : i32
    %add3A_93 = arith.constant 2 : i32
    %add3A_94 = arith.addi %sub3A_92, %add3A_93 : i32
    %dma_wait3A_95 = arith.constant 2 : i32
    %dma_wait3A_96 = arith.constant 0 : i32
    %dma_wait3A_97 = arith.constant 0 : i32
    %dma_wait3A_98 = tpu.memref_slice %arg8[%dma_wait3A_95, %dma_wait3A_96, %dma_wait3A_97] : memref<4x128x32xf32, #tpu.memory_space<vmem>> -> memref<1x128x32xf32, #tpu.memory_space<vmem>>
    %dma_wait3A_99 = tpu.memref_squeeze %dma_wait3A_98 : memref<1x128x32xf32, #tpu.memory_space<vmem>> -> memref<128x32xf32, #tpu.memory_space<vmem>>
    %dma_wait3A_100 = arith.constant 0 : i32
    %dma_wait3A_101 = tpu.memref_slice %arg7[%add3A_94, %dma_wait3A_100] : memref<84x128xi32, #tpu.memory_space<vmem>> -> memref<1x128xi32, #tpu.memory_space<vmem>>
    %dma_wait3A_102 = tpu.memref_squeeze %dma_wait3A_101 : memref<1x128xi32, #tpu.memory_space<vmem>> -> memref<128xi32, #tpu.memory_space<vmem>>
    %dma_wait3A_103 = arith.constant 0 : i32
    %dma_wait3A_104 = arith.constant 0 : i32
    %dma_wait3A_105 = tpu.memref_slice %arg9[%dma_wait3A_103, %dma_wait3A_104] : memref<10112x32xf32, #tpu.memory_space<vmem_shared>> -> memref<10112x32xf32, #tpu.memory_space<vmem_shared>>
    tpu.wait_indirect_dma semaphore(%arg17 : memref<!tpu.dma_semaphore, #tpu.memory_space<semaphore_mem>>) src(%dma_wait3A_99 : memref<128x32xf32, #tpu.memory_space<vmem>>) dst(%dma_wait3A_105 : memref<10112x32xf32, #tpu.memory_space<vmem_shared>>)
    %sub3A_106 = arith.constant 4 : i32
    %sub3A_107 = arith.subi %select_n3A_10, %sub3A_106 : i32
    %add3A_108 = arith.constant 3 : i32
    %add3A_109 = arith.addi %sub3A_107, %add3A_108 : i32
    %dma_wait3A_110 = arith.constant 3 : i32
    %dma_wait3A_111 = arith.constant 0 : i32
    %dma_wait3A_112 = arith.constant 0 : i32
    %dma_wait3A_113 = tpu.memref_slice %arg8[%dma_wait3A_110, %dma_wait3A_111, %dma_wait3A_112] : memref<4x128x32xf32, #tpu.memory_space<vmem>> -> memref<1x128x32xf32, #tpu.memory_space<vmem>>
    %dma_wait3A_114 = tpu.memref_squeeze %dma_wait3A_113 : memref<1x128x32xf32, #tpu.memory_space<vmem>> -> memref<128x32xf32, #tpu.memory_space<vmem>>
    %dma_wait3A_115 = arith.constant 0 : i32
    %dma_wait3A_116 = tpu.memref_slice %arg7[%add3A_109, %dma_wait3A_115] : memref<84x128xi32, #tpu.memory_space<vmem>> -> memref<1x128xi32, #tpu.memory_space<vmem>>
    %dma_wait3A_117 = tpu.memref_squeeze %dma_wait3A_116 : memref<1x128xi32, #tpu.memory_space<vmem>> -> memref<128xi32, #tpu.memory_space<vmem>>
    %dma_wait3A_118 = arith.constant 0 : i32
    %dma_wait3A_119 = arith.constant 0 : i32
    %dma_wait3A_120 = tpu.memref_slice %arg9[%dma_wait3A_118, %dma_wait3A_119] : memref<10112x32xf32, #tpu.memory_space<vmem_shared>> -> memref<10112x32xf32, #tpu.memory_space<vmem_shared>>
    tpu.wait_indirect_dma semaphore(%arg18 : memref<!tpu.dma_semaphore, #tpu.memory_space<semaphore_mem>>) src(%dma_wait3A_114 : memref<128x32xf32, #tpu.memory_space<vmem>>) dst(%dma_wait3A_120 : memref<10112x32xf32, #tpu.memory_space<vmem_shared>>)
    %barrier3A_121 = arith.constant 0 : index
    tpu.barrier barrier_id(%barrier3A_121)
    "tpu.region"() ({
      %run_scoped3A_122 = tpu.sem_alloc : memref<!tpu.dma_semaphore, #tpu.memory_space<semaphore_mem>>
      %dma_start3A_123 = arith.constant 0 : i32
      %dma_start3A_124 = tpu.memref_slice %arg5[%arg0, %mul3A_0, %dma_start3A_123] : memref<2x10112x32xf32, #tpu.memory_space<hbm>> -> memref<1x632x32xf32, #tpu.memory_space<hbm>>
      %dma_start3A_125 = tpu.memref_squeeze %dma_start3A_124 : memref<1x632x32xf32, #tpu.memory_space<hbm>> -> memref<632x32xf32, #tpu.memory_space<hbm>>
      %dma_start3A_126 = arith.constant 0 : i32
      %dma_start3A_127 = tpu.memref_slice %arg9[%mul3A_0, %dma_start3A_126] : memref<10112x32xf32, #tpu.memory_space<vmem_shared>> -> memref<632x32xf32, #tpu.memory_space<vmem_shared>>
      tpu.enqueue_dma source(%dma_start3A_127 : memref<632x32xf32, #tpu.memory_space<vmem_shared>>) target(%dma_start3A_125 : memref<632x32xf32, #tpu.memory_space<hbm>>) target_semaphore(%run_scoped3A_122 : memref<!tpu.dma_semaphore, #tpu.memory_space<semaphore_mem>>)
      %dma_wait3A_128 = arith.constant 0 : i32
      %dma_wait3A_129 = tpu.memref_slice %arg5[%arg0, %mul3A_0, %dma_wait3A_128] : memref<2x10112x32xf32, #tpu.memory_space<hbm>> -> memref<1x632x32xf32, #tpu.memory_space<hbm>>
      %dma_wait3A_130 = tpu.memref_squeeze %dma_wait3A_129 : memref<1x632x32xf32, #tpu.memory_space<hbm>> -> memref<632x32xf32, #tpu.memory_space<hbm>>
      %dma_wait3A_131 = arith.constant 0 : i32
      %dma_wait3A_132 = tpu.memref_slice %arg9[%mul3A_0, %dma_wait3A_131] : memref<10112x32xf32, #tpu.memory_space<vmem_shared>> -> memref<632x32xf32, #tpu.memory_space<vmem_shared>>
      tpu.wait_dma2 semaphore(%run_scoped3A_122 : memref<!tpu.dma_semaphore, #tpu.memory_space<semaphore_mem>>) src(%dma_wait3A_132 : memref<632x32xf32, #tpu.memory_space<vmem_shared>>) dst(%dma_wait3A_130 : memref<632x32xf32, #tpu.memory_space<hbm>>)
      tpu.yield
    }) : () -> ()
    return
  }
}

#map = affine_map<(d0, d1) -> (0, 0)>
#map1 = affine_map<(d0, d1) -> (0, 0, 0)>
module attributes {stable_mosaic.version = 14 : i64} {
  func.func @agg(%arg0: i32, %arg1: i32, %arg2: memref<10112x32xf32, #tpu.memory_space<hbm>>, %arg3: memref<2x2592x128xi32, #tpu.memory_space<hbm>>, %arg4: memref<632x32xf32, #tpu.memory_space<hbm>>, %arg5: memref<2x10112x32xf32, #tpu.memory_space<hbm>>, %arg6: memref<84x128xi32, #tpu.memory_space<vmem>>, %arg7: memref<84x128xi32, #tpu.memory_space<vmem>>, %arg8: memref<4x128x32xf32, #tpu.memory_space<vmem>>, %arg9: memref<10112x32xf32, #tpu.memory_space<vmem_shared>>, %arg10: memref<10112x32xf32, #tpu.memory_space<vmem_shared>>, %arg11: memref<!tpu.dma_semaphore, #tpu.memory_space<semaphore_mem>>, %arg12: memref<!tpu.dma_semaphore, #tpu.memory_space<semaphore_mem>>, %arg13: memref<!tpu.dma_semaphore, #tpu.memory_space<semaphore_mem>>, %arg14: memref<!tpu.dma_semaphore, #tpu.memory_space<semaphore_mem>>, %arg15: memref<!tpu.dma_semaphore, #tpu.memory_space<semaphore_mem>>, %arg16: memref<!tpu.dma_semaphore, #tpu.memory_space<semaphore_mem>>, %arg17: memref<!tpu.dma_semaphore, #tpu.memory_space<semaphore_mem>>, %arg18: memref<!tpu.dma_semaphore, #tpu.memory_space<semaphore_mem>>) attributes {dimension_semantics = [#tpu.dimension_semantics<core_parallel>, #tpu.dimension_semantics<subcore_parallel>], iteration_bounds = array<i64: 2, 16>, scalar_prefetch = 0 : i64, scratch_operands = 13 : i64, tpu.core_type = #tpu.core_type<sc_vector_subcore>, window_params = [{transform_indices = #map}, {transform_indices = #map1}, {transform_indices = #map}, {transform_indices = #map1}]} {
    %mul3A = arith.constant 632 : i32
    %mul3A_0 = arith.muli %arg1, %mul3A : i32
    %eq3A = arith.constant 0 : i32
    %eq3A_1 = arith.cmpi eq, %arg0, %eq3A : i32
    %mul3A_2 = arith.constant 84 : i32
    %mul3A_3 = arith.muli %arg1, %mul3A_2 : i32
    %mul3A_4 = arith.constant 76 : i32
    %mul3A_5 = arith.muli %arg1, %mul3A_4 : i32
    %add3A = arith.constant 1344 : i32
    %add3A_6 = arith.addi %add3A, %mul3A_5 : i32
    %select_n3A = arith.select %eq3A_1, %mul3A_3, %add3A_6 : i32
    %eq3A_7 = arith.constant 0 : i32
    %eq3A_8 = arith.cmpi eq, %arg0, %eq3A_7 : i32
    %jit3A = arith.constant 84 : i32
    %jit3A_9 = arith.constant 76 : i32
    %select_n3A_10 = arith.select %eq3A_8, %jit3A, %jit3A_9 : i32
    "tpu.region"() ({
      %run_scoped3A_122 = tpu.sem_alloc : memref<!tpu.dma_semaphore, #tpu.memory_space<semaphore_mem>>
      %dma_start3A_123 = arith.constant 0 : i32
      %dma_start3A_124 = tpu.memref_slice %arg9[%mul3A_0, %dma_start3A_123] : memref<10112x32xf32, #tpu.memory_space<vmem_shared>> -> memref<632x32xf32, #tpu.memory_space<vmem_shared>>
      tpu.enqueue_dma source(%arg4 : memref<632x32xf32, #tpu.memory_space<hbm>>) target(%dma_start3A_124 : memref<632x32xf32, #tpu.memory_space<vmem_shared>>) target_semaphore(%run_scoped3A_122 : memref<!tpu.dma_semaphore, #tpu.memory_space<semaphore_mem>>)
      %dma_wait3A_125 = arith.constant 0 : i32
      %dma_wait3A_126 = tpu.memref_slice %arg9[%mul3A_0, %dma_wait3A_125] : memref<10112x32xf32, #tpu.memory_space<vmem_shared>> -> memref<632x32xf32, #tpu.memory_space<vmem_shared>>
      tpu.wait_dma2 semaphore(%run_scoped3A_122 : memref<!tpu.dma_semaphore, #tpu.memory_space<semaphore_mem>>) src(%arg4 : memref<632x32xf32, #tpu.memory_space<hbm>>) dst(%dma_wait3A_126 : memref<632x32xf32, #tpu.memory_space<vmem_shared>>)
      tpu.yield
    }) : () -> ()
    "tpu.region"() ({
      %run_scoped3A_122 = tpu.sem_alloc : memref<!tpu.dma_semaphore, #tpu.memory_space<semaphore_mem>>
      %dma_start3A_123 = arith.constant 0 : i32
      %dma_start3A_124 = tpu.memref_slice %arg10[%mul3A_0, %dma_start3A_123] : memref<10112x32xf32, #tpu.memory_space<vmem_shared>> -> memref<632x32xf32, #tpu.memory_space<vmem_shared>>
      %dma_start3A_125 = arith.constant 0 : i32
      %dma_start3A_126 = tpu.memref_slice %arg2[%mul3A_0, %dma_start3A_125] : memref<10112x32xf32, #tpu.memory_space<hbm>> -> memref<632x32xf32, #tpu.memory_space<hbm>>
      tpu.enqueue_dma source(%dma_start3A_126 : memref<632x32xf32, #tpu.memory_space<hbm>>) target(%dma_start3A_124 : memref<632x32xf32, #tpu.memory_space<vmem_shared>>) target_semaphore(%run_scoped3A_122 : memref<!tpu.dma_semaphore, #tpu.memory_space<semaphore_mem>>)
      %dma_wait3A_127 = arith.constant 0 : i32
      %dma_wait3A_128 = tpu.memref_slice %arg10[%mul3A_0, %dma_wait3A_127] : memref<10112x32xf32, #tpu.memory_space<vmem_shared>> -> memref<632x32xf32, #tpu.memory_space<vmem_shared>>
      %dma_wait3A_129 = arith.constant 0 : i32
      %dma_wait3A_130 = tpu.memref_slice %arg2[%mul3A_0, %dma_wait3A_129] : memref<10112x32xf32, #tpu.memory_space<hbm>> -> memref<632x32xf32, #tpu.memory_space<hbm>>
      tpu.wait_dma2 semaphore(%run_scoped3A_122 : memref<!tpu.dma_semaphore, #tpu.memory_space<semaphore_mem>>) src(%dma_wait3A_130 : memref<632x32xf32, #tpu.memory_space<hbm>>) dst(%dma_wait3A_128 : memref<632x32xf32, #tpu.memory_space<vmem_shared>>)
      tpu.yield
    }) : () -> ()
    %run_scoped3A = arith.constant 0 : i32
    "tpu.region"() ({
      %run_scoped3A_122 = tpu.sem_alloc : memref<!tpu.dma_semaphore, #tpu.memory_space<semaphore_mem>>
      %dma_start3A_123 = arith.constant 0 : i32
      %dma_start3A_124 = tpu.memref_slice %arg3[%run_scoped3A, %select_n3A, %dma_start3A_123] : memref<2x2592x128xi32, #tpu.memory_space<hbm>> -> memref<1x84x128xi32, #tpu.memory_space<hbm>>
      %dma_start3A_125 = tpu.memref_squeeze %dma_start3A_124 : memref<1x84x128xi32, #tpu.memory_space<hbm>> -> memref<84x128xi32, #tpu.memory_space<hbm>>
      %dma_start3A_126 = arith.constant 0 : i32
      %dma_start3A_127 = tpu.memref_slice %arg3[%run_scoped3A, %select_n3A, %dma_start3A_126] : memref<2x2592x128xi32, #tpu.memory_space<hbm>> -> memref<1x84x128xi32, #tpu.memory_space<hbm>>
      %dma_start3A_128 = tpu.memref_squeeze %dma_start3A_127 : memref<1x84x128xi32, #tpu.memory_space<hbm>> -> memref<84x128xi32, #tpu.memory_space<hbm>>
      tpu.enqueue_dma source(%dma_start3A_128 : memref<84x128xi32, #tpu.memory_space<hbm>>) target(%arg6 : memref<84x128xi32, #tpu.memory_space<vmem>>) target_semaphore(%run_scoped3A_122 : memref<!tpu.dma_semaphore, #tpu.memory_space<semaphore_mem>>)
      %dma_wait3A_129 = arith.constant 0 : i32
      %dma_wait3A_130 = tpu.memref_slice %arg3[%run_scoped3A, %select_n3A, %dma_wait3A_129] : memref<2x2592x128xi32, #tpu.memory_space<hbm>> -> memref<1x84x128xi32, #tpu.memory_space<hbm>>
      %dma_wait3A_131 = tpu.memref_squeeze %dma_wait3A_130 : memref<1x84x128xi32, #tpu.memory_space<hbm>> -> memref<84x128xi32, #tpu.memory_space<hbm>>
      %dma_wait3A_132 = arith.constant 0 : i32
      %dma_wait3A_133 = tpu.memref_slice %arg3[%run_scoped3A, %select_n3A, %dma_wait3A_132] : memref<2x2592x128xi32, #tpu.memory_space<hbm>> -> memref<1x84x128xi32, #tpu.memory_space<hbm>>
      %dma_wait3A_134 = tpu.memref_squeeze %dma_wait3A_133 : memref<1x84x128xi32, #tpu.memory_space<hbm>> -> memref<84x128xi32, #tpu.memory_space<hbm>>
      tpu.wait_dma2 semaphore(%run_scoped3A_122 : memref<!tpu.dma_semaphore, #tpu.memory_space<semaphore_mem>>) src(%dma_wait3A_134 : memref<84x128xi32, #tpu.memory_space<hbm>>) dst(%arg6 : memref<84x128xi32, #tpu.memory_space<vmem>>)
      tpu.yield
    }) : () -> ()
    %run_scoped3A_11 = arith.constant 1 : i32
    "tpu.region"() ({
      %run_scoped3A_122 = tpu.sem_alloc : memref<!tpu.dma_semaphore, #tpu.memory_space<semaphore_mem>>
      %dma_start3A_123 = arith.constant 0 : i32
      %dma_start3A_124 = tpu.memref_slice %arg3[%run_scoped3A_11, %select_n3A, %dma_start3A_123] : memref<2x2592x128xi32, #tpu.memory_space<hbm>> -> memref<1x84x128xi32, #tpu.memory_space<hbm>>
      %dma_start3A_125 = tpu.memref_squeeze %dma_start3A_124 : memref<1x84x128xi32, #tpu.memory_space<hbm>> -> memref<84x128xi32, #tpu.memory_space<hbm>>
      %dma_start3A_126 = arith.constant 0 : i32
      %dma_start3A_127 = tpu.memref_slice %arg3[%run_scoped3A_11, %select_n3A, %dma_start3A_126] : memref<2x2592x128xi32, #tpu.memory_space<hbm>> -> memref<1x84x128xi32, #tpu.memory_space<hbm>>
      %dma_start3A_128 = tpu.memref_squeeze %dma_start3A_127 : memref<1x84x128xi32, #tpu.memory_space<hbm>> -> memref<84x128xi32, #tpu.memory_space<hbm>>
      tpu.enqueue_dma source(%dma_start3A_128 : memref<84x128xi32, #tpu.memory_space<hbm>>) target(%arg7 : memref<84x128xi32, #tpu.memory_space<vmem>>) target_semaphore(%run_scoped3A_122 : memref<!tpu.dma_semaphore, #tpu.memory_space<semaphore_mem>>)
      %dma_wait3A_129 = arith.constant 0 : i32
      %dma_wait3A_130 = tpu.memref_slice %arg3[%run_scoped3A_11, %select_n3A, %dma_wait3A_129] : memref<2x2592x128xi32, #tpu.memory_space<hbm>> -> memref<1x84x128xi32, #tpu.memory_space<hbm>>
      %dma_wait3A_131 = tpu.memref_squeeze %dma_wait3A_130 : memref<1x84x128xi32, #tpu.memory_space<hbm>> -> memref<84x128xi32, #tpu.memory_space<hbm>>
      %dma_wait3A_132 = arith.constant 0 : i32
      %dma_wait3A_133 = tpu.memref_slice %arg3[%run_scoped3A_11, %select_n3A, %dma_wait3A_132] : memref<2x2592x128xi32, #tpu.memory_space<hbm>> -> memref<1x84x128xi32, #tpu.memory_space<hbm>>
      %dma_wait3A_134 = tpu.memref_squeeze %dma_wait3A_133 : memref<1x84x128xi32, #tpu.memory_space<hbm>> -> memref<84x128xi32, #tpu.memory_space<hbm>>
      tpu.wait_dma2 semaphore(%run_scoped3A_122 : memref<!tpu.dma_semaphore, #tpu.memory_space<semaphore_mem>>) src(%dma_wait3A_134 : memref<84x128xi32, #tpu.memory_space<hbm>>) dst(%arg7 : memref<84x128xi32, #tpu.memory_space<vmem>>)
      tpu.yield
    }) : () -> ()
    %barrier3A = arith.constant 0 : index
    tpu.barrier barrier_id(%barrier3A)
    %dma_start3A = arith.constant 0 : i32
    %dma_start3A_12 = arith.constant 0 : i32
    %dma_start3A_13 = arith.constant 0 : i32
    %dma_start3A_14 = arith.constant 0 : i32
    %dma_start3A_15 = tpu.memref_slice %arg8[%dma_start3A_12, %dma_start3A_13, %dma_start3A_14] : memref<4x128x32xf32, #tpu.memory_space<vmem>> -> memref<1x128x32xf32, #tpu.memory_space<vmem>>
    %dma_start3A_16 = tpu.memref_squeeze %dma_start3A_15 : memref<1x128x32xf32, #tpu.memory_space<vmem>> -> memref<128x32xf32, #tpu.memory_space<vmem>>
    %dma_start3A_17 = arith.constant 0 : i32
    %dma_start3A_18 = tpu.memref_slice %arg6[%dma_start3A, %dma_start3A_17] : memref<84x128xi32, #tpu.memory_space<vmem>> -> memref<1x128xi32, #tpu.memory_space<vmem>>
    %dma_start3A_19 = tpu.memref_squeeze %dma_start3A_18 : memref<1x128xi32, #tpu.memory_space<vmem>> -> memref<128xi32, #tpu.memory_space<vmem>>
    %dma_start3A_20 = arith.constant 0 : i32
    %dma_start3A_21 = arith.constant 0 : i32
    %dma_start3A_22 = tpu.memref_slice %arg10[%dma_start3A_20, %dma_start3A_21] : memref<10112x32xf32, #tpu.memory_space<vmem_shared>> -> memref<10112x32xf32, #tpu.memory_space<vmem_shared>>
    tpu.enqueue_indirect_dma source(%dma_start3A_22 : memref<10112x32xf32, #tpu.memory_space<vmem_shared>>) target(%dma_start3A_16 : memref<128x32xf32, #tpu.memory_space<vmem>>) offsets(%dma_start3A_19 : memref<128xi32, #tpu.memory_space<vmem>>) semaphore(%arg11 : memref<!tpu.dma_semaphore, #tpu.memory_space<semaphore_mem>>)
    %dma_start3A_23 = arith.constant 1 : i32
    %dma_start3A_24 = arith.constant 1 : i32
    %dma_start3A_25 = arith.constant 0 : i32
    %dma_start3A_26 = arith.constant 0 : i32
    %dma_start3A_27 = tpu.memref_slice %arg8[%dma_start3A_24, %dma_start3A_25, %dma_start3A_26] : memref<4x128x32xf32, #tpu.memory_space<vmem>> -> memref<1x128x32xf32, #tpu.memory_space<vmem>>
    %dma_start3A_28 = tpu.memref_squeeze %dma_start3A_27 : memref<1x128x32xf32, #tpu.memory_space<vmem>> -> memref<128x32xf32, #tpu.memory_space<vmem>>
    %dma_start3A_29 = arith.constant 0 : i32
    %dma_start3A_30 = tpu.memref_slice %arg6[%dma_start3A_23, %dma_start3A_29] : memref<84x128xi32, #tpu.memory_space<vmem>> -> memref<1x128xi32, #tpu.memory_space<vmem>>
    %dma_start3A_31 = tpu.memref_squeeze %dma_start3A_30 : memref<1x128xi32, #tpu.memory_space<vmem>> -> memref<128xi32, #tpu.memory_space<vmem>>
    %dma_start3A_32 = arith.constant 0 : i32
    %dma_start3A_33 = arith.constant 0 : i32
    %dma_start3A_34 = tpu.memref_slice %arg10[%dma_start3A_32, %dma_start3A_33] : memref<10112x32xf32, #tpu.memory_space<vmem_shared>> -> memref<10112x32xf32, #tpu.memory_space<vmem_shared>>
    tpu.enqueue_indirect_dma source(%dma_start3A_34 : memref<10112x32xf32, #tpu.memory_space<vmem_shared>>) target(%dma_start3A_28 : memref<128x32xf32, #tpu.memory_space<vmem>>) offsets(%dma_start3A_31 : memref<128xi32, #tpu.memory_space<vmem>>) semaphore(%arg12 : memref<!tpu.dma_semaphore, #tpu.memory_space<semaphore_mem>>)
    %jit3A_35 = arith.constant 4 : i32
    %div3A = arith.divsi %select_n3A_10, %jit3A_35 : i32
    %sign3A = arith.constant 0 : i32
    %sign3A_36 = arith.cmpi sgt, %select_n3A_10, %sign3A : i32
    %sign3A_37 = arith.extui %sign3A_36 : i1 to i32
    %sign3A_38 = arith.constant 0 : i32
    %sign3A_39 = arith.cmpi slt, %select_n3A_10, %sign3A_38 : i32
    %sign3A_40 = arith.extui %sign3A_39 : i1 to i32
    %sign3A_41 = arith.subi %sign3A_37, %sign3A_40 : i32
    %sign3A_42 = arith.constant 0 : i32
    %sign3A_43 = arith.cmpi sgt, %jit3A_35, %sign3A_42 : i32
    %sign3A_44 = arith.extui %sign3A_43 : i1 to i32
    %sign3A_45 = arith.constant 0 : i32
    %sign3A_46 = arith.cmpi slt, %jit3A_35, %sign3A_45 : i32
    %sign3A_47 = arith.extui %sign3A_46 : i1 to i32
    %sign3A_48 = arith.subi %sign3A_44, %sign3A_47 : i32
    %ne3A = arith.cmpi ne, %sign3A_41, %sign3A_48 : i32
    %rem3A = arith.remsi %select_n3A_10, %jit3A_35 : i32
    %ne3A_49 = arith.constant 0 : i32
    %ne3A_50 = arith.cmpi ne, %rem3A, %ne3A_49 : i32
    %and3A = arith.andi %ne3A, %ne3A_50 : i1
    %sub3A = arith.constant 1 : i32
    %sub3A_51 = arith.subi %div3A, %sub3A : i32
    %select_n3A_52 = arith.select %and3A, %sub3A_51, %div3A : i32
    %while3A = arith.constant 0 : i32
    %while3A_53 = arith.constant 0 : i32
    %while3A_54 = arith.subi %select_n3A_52, %while3A_53 : i32
    %while3A_55 = arith.addi %while3A_53, %while3A_54 : i32
    %while3A_56 = arith.constant 1 : i32
    %while3A_57 = arith.divsi %while3A_54, %while3A_56 : i32
    %while3A_58 = arith.muli %while3A_57, %while3A_56 : i32
    %while3A_59 = arith.addi %while3A_53, %while3A_58 : i32
    %while3A_60 = arith.constant 1 : i32
    scf.for %while3A_122 = %while3A_53 to %while3A_59 step %while3A_60  : i32 {
      %mul3A_123 = arith.constant 4 : i32
      %mul3A_124 = arith.muli %while3A_122, %mul3A_123 : i32
      %add3A_125 = arith.constant 0 : i32
      %add3A_126 = arith.addi %mul3A_124, %add3A_125 : i32
      %dma_wait3A_127 = arith.constant 0 : i32
      %dma_wait3A_128 = arith.constant 0 : i32
      %dma_wait3A_129 = arith.constant 0 : i32
      %dma_wait3A_130 = tpu.memref_slice %arg8[%dma_wait3A_127, %dma_wait3A_128, %dma_wait3A_129] : memref<4x128x32xf32, #tpu.memory_space<vmem>> -> memref<1x128x32xf32, #tpu.memory_space<vmem>>
      %dma_wait3A_131 = tpu.memref_squeeze %dma_wait3A_130 : memref<1x128x32xf32, #tpu.memory_space<vmem>> -> memref<128x32xf32, #tpu.memory_space<vmem>>
      %dma_wait3A_132 = arith.constant 0 : i32
      %dma_wait3A_133 = tpu.memref_slice %arg6[%add3A_126, %dma_wait3A_132] : memref<84x128xi32, #tpu.memory_space<vmem>> -> memref<1x128xi32, #tpu.memory_space<vmem>>
      %dma_wait3A_134 = tpu.memref_squeeze %dma_wait3A_133 : memref<1x128xi32, #tpu.memory_space<vmem>> -> memref<128xi32, #tpu.memory_space<vmem>>
      %dma_wait3A_135 = arith.constant 0 : i32
      %dma_wait3A_136 = arith.constant 0 : i32
      %dma_wait3A_137 = tpu.memref_slice %arg10[%dma_wait3A_135, %dma_wait3A_136] : memref<10112x32xf32, #tpu.memory_space<vmem_shared>> -> memref<10112x32xf32, #tpu.memory_space<vmem_shared>>
      tpu.wait_indirect_dma semaphore(%arg11 : memref<!tpu.dma_semaphore, #tpu.memory_space<semaphore_mem>>) src(%dma_wait3A_137 : memref<10112x32xf32, #tpu.memory_space<vmem_shared>>) dst(%dma_wait3A_131 : memref<128x32xf32, #tpu.memory_space<vmem>>)
      %dma_start3A_138 = arith.constant 0 : i32
      %dma_start3A_139 = arith.constant 0 : i32
      %dma_start3A_140 = arith.constant 0 : i32
      %dma_start3A_141 = tpu.memref_slice %arg8[%dma_start3A_138, %dma_start3A_139, %dma_start3A_140] : memref<4x128x32xf32, #tpu.memory_space<vmem>> -> memref<1x128x32xf32, #tpu.memory_space<vmem>>
      %dma_start3A_142 = tpu.memref_squeeze %dma_start3A_141 : memref<1x128x32xf32, #tpu.memory_space<vmem>> -> memref<128x32xf32, #tpu.memory_space<vmem>>
      %dma_start3A_143 = arith.constant 0 : i32
      %dma_start3A_144 = tpu.memref_slice %arg7[%add3A_126, %dma_start3A_143] : memref<84x128xi32, #tpu.memory_space<vmem>> -> memref<1x128xi32, #tpu.memory_space<vmem>>
      %dma_start3A_145 = tpu.memref_squeeze %dma_start3A_144 : memref<1x128xi32, #tpu.memory_space<vmem>> -> memref<128xi32, #tpu.memory_space<vmem>>
      %dma_start3A_146 = arith.constant 0 : i32
      %dma_start3A_147 = arith.constant 0 : i32
      %dma_start3A_148 = tpu.memref_slice %arg9[%dma_start3A_146, %dma_start3A_147] : memref<10112x32xf32, #tpu.memory_space<vmem_shared>> -> memref<10112x32xf32, #tpu.memory_space<vmem_shared>>
      tpu.enqueue_indirect_dma source(%dma_start3A_142 : memref<128x32xf32, #tpu.memory_space<vmem>>) target(%dma_start3A_148 : memref<10112x32xf32, #tpu.memory_space<vmem_shared>>) offsets(%dma_start3A_145 : memref<128xi32, #tpu.memory_space<vmem>>) semaphore(%arg15 : memref<!tpu.dma_semaphore, #tpu.memory_space<semaphore_mem>>) {add = true}
      %add3A_149 = arith.constant 2 : i32
      %add3A_150 = arith.addi %add3A_126, %add3A_149 : i32
      %lt3A = arith.cmpi slt, %add3A_150, %select_n3A_10 : i32
      %convert_element_type3A = arith.extui %lt3A : i1 to i32
      %cond3A = arith.constant 0 : i32
      %cond3A_151 = arith.cmpi ne, %convert_element_type3A, %cond3A : i32
      scf.if %cond3A_151 {
        %ge3A = arith.constant 4 : i32
        %ge3A_248 = arith.cmpi sge, %add3A_150, %ge3A : i32
        %convert_element_type3A_249 = arith.extui %ge3A_248 : i1 to i32
        %cond3A_250 = arith.constant 0 : i32
        %cond3A_251 = arith.cmpi ne, %convert_element_type3A_249, %cond3A_250 : i32
        scf.if %cond3A_251 {
          %sub3A_263 = arith.constant 4 : i32
          %sub3A_264 = arith.subi %add3A_150, %sub3A_263 : i32
          %dma_wait3A_265 = arith.constant 2 : i32
          %dma_wait3A_266 = arith.constant 0 : i32
          %dma_wait3A_267 = arith.constant 0 : i32
          %dma_wait3A_268 = tpu.memref_slice %arg8[%dma_wait3A_265, %dma_wait3A_266, %dma_wait3A_267] : memref<4x128x32xf32, #tpu.memory_space<vmem>> -> memref<1x128x32xf32, #tpu.memory_space<vmem>>
          %dma_wait3A_269 = tpu.memref_squeeze %dma_wait3A_268 : memref<1x128x32xf32, #tpu.memory_space<vmem>> -> memref<128x32xf32, #tpu.memory_space<vmem>>
          %dma_wait3A_270 = arith.constant 0 : i32
          %dma_wait3A_271 = tpu.memref_slice %arg7[%sub3A_264, %dma_wait3A_270] : memref<84x128xi32, #tpu.memory_space<vmem>> -> memref<1x128xi32, #tpu.memory_space<vmem>>
          %dma_wait3A_272 = tpu.memref_squeeze %dma_wait3A_271 : memref<1x128xi32, #tpu.memory_space<vmem>> -> memref<128xi32, #tpu.memory_space<vmem>>
          %dma_wait3A_273 = arith.constant 0 : i32
          %dma_wait3A_274 = arith.constant 0 : i32
          %dma_wait3A_275 = tpu.memref_slice %arg9[%dma_wait3A_273, %dma_wait3A_274] : memref<10112x32xf32, #tpu.memory_space<vmem_shared>> -> memref<10112x32xf32, #tpu.memory_space<vmem_shared>>
          tpu.wait_indirect_dma semaphore(%arg17 : memref<!tpu.dma_semaphore, #tpu.memory_space<semaphore_mem>>) src(%dma_wait3A_269 : memref<128x32xf32, #tpu.memory_space<vmem>>) dst(%dma_wait3A_275 : memref<10112x32xf32, #tpu.memory_space<vmem_shared>>)
        } else {
        }
        %dma_start3A_252 = arith.constant 2 : i32
        %dma_start3A_253 = arith.constant 0 : i32
        %dma_start3A_254 = arith.constant 0 : i32
        %dma_start3A_255 = tpu.memref_slice %arg8[%dma_start3A_252, %dma_start3A_253, %dma_start3A_254] : memref<4x128x32xf32, #tpu.memory_space<vmem>> -> memref<1x128x32xf32, #tpu.memory_space<vmem>>
        %dma_start3A_256 = tpu.memref_squeeze %dma_start3A_255 : memref<1x128x32xf32, #tpu.memory_space<vmem>> -> memref<128x32xf32, #tpu.memory_space<vmem>>
        %dma_start3A_257 = arith.constant 0 : i32
        %dma_start3A_258 = tpu.memref_slice %arg6[%add3A_150, %dma_start3A_257] : memref<84x128xi32, #tpu.memory_space<vmem>> -> memref<1x128xi32, #tpu.memory_space<vmem>>
        %dma_start3A_259 = tpu.memref_squeeze %dma_start3A_258 : memref<1x128xi32, #tpu.memory_space<vmem>> -> memref<128xi32, #tpu.memory_space<vmem>>
        %dma_start3A_260 = arith.constant 0 : i32
        %dma_start3A_261 = arith.constant 0 : i32
        %dma_start3A_262 = tpu.memref_slice %arg10[%dma_start3A_260, %dma_start3A_261] : memref<10112x32xf32, #tpu.memory_space<vmem_shared>> -> memref<10112x32xf32, #tpu.memory_space<vmem_shared>>
        tpu.enqueue_indirect_dma source(%dma_start3A_262 : memref<10112x32xf32, #tpu.memory_space<vmem_shared>>) target(%dma_start3A_256 : memref<128x32xf32, #tpu.memory_space<vmem>>) offsets(%dma_start3A_259 : memref<128xi32, #tpu.memory_space<vmem>>) semaphore(%arg13 : memref<!tpu.dma_semaphore, #tpu.memory_space<semaphore_mem>>)
      } else {
      }
      %mul3A_152 = arith.constant 4 : i32
      %mul3A_153 = arith.muli %while3A_122, %mul3A_152 : i32
      %add3A_154 = arith.constant 1 : i32
      %add3A_155 = arith.addi %mul3A_153, %add3A_154 : i32
      %dma_wait3A_156 = arith.constant 1 : i32
      %dma_wait3A_157 = arith.constant 0 : i32
      %dma_wait3A_158 = arith.constant 0 : i32
      %dma_wait3A_159 = tpu.memref_slice %arg8[%dma_wait3A_156, %dma_wait3A_157, %dma_wait3A_158] : memref<4x128x32xf32, #tpu.memory_space<vmem>> -> memref<1x128x32xf32, #tpu.memory_space<vmem>>
      %dma_wait3A_160 = tpu.memref_squeeze %dma_wait3A_159 : memref<1x128x32xf32, #tpu.memory_space<vmem>> -> memref<128x32xf32, #tpu.memory_space<vmem>>
      %dma_wait3A_161 = arith.constant 0 : i32
      %dma_wait3A_162 = tpu.memref_slice %arg6[%add3A_155, %dma_wait3A_161] : memref<84x128xi32, #tpu.memory_space<vmem>> -> memref<1x128xi32, #tpu.memory_space<vmem>>
      %dma_wait3A_163 = tpu.memref_squeeze %dma_wait3A_162 : memref<1x128xi32, #tpu.memory_space<vmem>> -> memref<128xi32, #tpu.memory_space<vmem>>
      %dma_wait3A_164 = arith.constant 0 : i32
      %dma_wait3A_165 = arith.constant 0 : i32
      %dma_wait3A_166 = tpu.memref_slice %arg10[%dma_wait3A_164, %dma_wait3A_165] : memref<10112x32xf32, #tpu.memory_space<vmem_shared>> -> memref<10112x32xf32, #tpu.memory_space<vmem_shared>>
      tpu.wait_indirect_dma semaphore(%arg12 : memref<!tpu.dma_semaphore, #tpu.memory_space<semaphore_mem>>) src(%dma_wait3A_166 : memref<10112x32xf32, #tpu.memory_space<vmem_shared>>) dst(%dma_wait3A_160 : memref<128x32xf32, #tpu.memory_space<vmem>>)
      %dma_start3A_167 = arith.constant 1 : i32
      %dma_start3A_168 = arith.constant 0 : i32
      %dma_start3A_169 = arith.constant 0 : i32
      %dma_start3A_170 = tpu.memref_slice %arg8[%dma_start3A_167, %dma_start3A_168, %dma_start3A_169] : memref<4x128x32xf32, #tpu.memory_space<vmem>> -> memref<1x128x32xf32, #tpu.memory_space<vmem>>
      %dma_start3A_171 = tpu.memref_squeeze %dma_start3A_170 : memref<1x128x32xf32, #tpu.memory_space<vmem>> -> memref<128x32xf32, #tpu.memory_space<vmem>>
      %dma_start3A_172 = arith.constant 0 : i32
      %dma_start3A_173 = tpu.memref_slice %arg7[%add3A_155, %dma_start3A_172] : memref<84x128xi32, #tpu.memory_space<vmem>> -> memref<1x128xi32, #tpu.memory_space<vmem>>
      %dma_start3A_174 = tpu.memref_squeeze %dma_start3A_173 : memref<1x128xi32, #tpu.memory_space<vmem>> -> memref<128xi32, #tpu.memory_space<vmem>>
      %dma_start3A_175 = arith.constant 0 : i32
      %dma_start3A_176 = arith.constant 0 : i32
      %dma_start3A_177 = tpu.memref_slice %arg9[%dma_start3A_175, %dma_start3A_176] : memref<10112x32xf32, #tpu.memory_space<vmem_shared>> -> memref<10112x32xf32, #tpu.memory_space<vmem_shared>>
      tpu.enqueue_indirect_dma source(%dma_start3A_171 : memref<128x32xf32, #tpu.memory_space<vmem>>) target(%dma_start3A_177 : memref<10112x32xf32, #tpu.memory_space<vmem_shared>>) offsets(%dma_start3A_174 : memref<128xi32, #tpu.memory_space<vmem>>) semaphore(%arg16 : memref<!tpu.dma_semaphore, #tpu.memory_space<semaphore_mem>>) {add = true}
      %add3A_178 = arith.constant 2 : i32
      %add3A_179 = arith.addi %add3A_155, %add3A_178 : i32
      %lt3A_180 = arith.cmpi slt, %add3A_179, %select_n3A_10 : i32
      %convert_element_type3A_181 = arith.extui %lt3A_180 : i1 to i32
      %cond3A_182 = arith.constant 0 : i32
      %cond3A_183 = arith.cmpi ne, %convert_element_type3A_181, %cond3A_182 : i32
      scf.if %cond3A_183 {
        %ge3A = arith.constant 4 : i32
        %ge3A_248 = arith.cmpi sge, %add3A_179, %ge3A : i32
        %convert_element_type3A_249 = arith.extui %ge3A_248 : i1 to i32
        %cond3A_250 = arith.constant 0 : i32
        %cond3A_251 = arith.cmpi ne, %convert_element_type3A_249, %cond3A_250 : i32
        scf.if %cond3A_251 {
          %sub3A_263 = arith.constant 4 : i32
          %sub3A_264 = arith.subi %add3A_179, %sub3A_263 : i32
          %dma_wait3A_265 = arith.constant 3 : i32
          %dma_wait3A_266 = arith.constant 0 : i32
          %dma_wait3A_267 = arith.constant 0 : i32
          %dma_wait3A_268 = tpu.memref_slice %arg8[%dma_wait3A_265, %dma_wait3A_266, %dma_wait3A_267] : memref<4x128x32xf32, #tpu.memory_space<vmem>> -> memref<1x128x32xf32, #tpu.memory_space<vmem>>
          %dma_wait3A_269 = tpu.memref_squeeze %dma_wait3A_268 : memref<1x128x32xf32, #tpu.memory_space<vmem>> -> memref<128x32xf32, #tpu.memory_space<vmem>>
          %dma_wait3A_270 = arith.constant 0 : i32
          %dma_wait3A_271 = tpu.memref_slice %arg7[%sub3A_264, %dma_wait3A_270] : memref<84x128xi32, #tpu.memory_space<vmem>> -> memref<1x128xi32, #tpu.memory_space<vmem>>
          %dma_wait3A_272 = tpu.memref_squeeze %dma_wait3A_271 : memref<1x128xi32, #tpu.memory_space<vmem>> -> memref<128xi32, #tpu.memory_space<vmem>>
          %dma_wait3A_273 = arith.constant 0 : i32
          %dma_wait3A_274 = arith.constant 0 : i32
          %dma_wait3A_275 = tpu.memref_slice %arg9[%dma_wait3A_273, %dma_wait3A_274] : memref<10112x32xf32, #tpu.memory_space<vmem_shared>> -> memref<10112x32xf32, #tpu.memory_space<vmem_shared>>
          tpu.wait_indirect_dma semaphore(%arg18 : memref<!tpu.dma_semaphore, #tpu.memory_space<semaphore_mem>>) src(%dma_wait3A_269 : memref<128x32xf32, #tpu.memory_space<vmem>>) dst(%dma_wait3A_275 : memref<10112x32xf32, #tpu.memory_space<vmem_shared>>)
        } else {
        }
        %dma_start3A_252 = arith.constant 3 : i32
        %dma_start3A_253 = arith.constant 0 : i32
        %dma_start3A_254 = arith.constant 0 : i32
        %dma_start3A_255 = tpu.memref_slice %arg8[%dma_start3A_252, %dma_start3A_253, %dma_start3A_254] : memref<4x128x32xf32, #tpu.memory_space<vmem>> -> memref<1x128x32xf32, #tpu.memory_space<vmem>>
        %dma_start3A_256 = tpu.memref_squeeze %dma_start3A_255 : memref<1x128x32xf32, #tpu.memory_space<vmem>> -> memref<128x32xf32, #tpu.memory_space<vmem>>
        %dma_start3A_257 = arith.constant 0 : i32
        %dma_start3A_258 = tpu.memref_slice %arg6[%add3A_179, %dma_start3A_257] : memref<84x128xi32, #tpu.memory_space<vmem>> -> memref<1x128xi32, #tpu.memory_space<vmem>>
        %dma_start3A_259 = tpu.memref_squeeze %dma_start3A_258 : memref<1x128xi32, #tpu.memory_space<vmem>> -> memref<128xi32, #tpu.memory_space<vmem>>
        %dma_start3A_260 = arith.constant 0 : i32
        %dma_start3A_261 = arith.constant 0 : i32
        %dma_start3A_262 = tpu.memref_slice %arg10[%dma_start3A_260, %dma_start3A_261] : memref<10112x32xf32, #tpu.memory_space<vmem_shared>> -> memref<10112x32xf32, #tpu.memory_space<vmem_shared>>
        tpu.enqueue_indirect_dma source(%dma_start3A_262 : memref<10112x32xf32, #tpu.memory_space<vmem_shared>>) target(%dma_start3A_256 : memref<128x32xf32, #tpu.memory_space<vmem>>) offsets(%dma_start3A_259 : memref<128xi32, #tpu.memory_space<vmem>>) semaphore(%arg14 : memref<!tpu.dma_semaphore, #tpu.memory_space<semaphore_mem>>)
      } else {
      }
      %mul3A_184 = arith.constant 4 : i32
      %mul3A_185 = arith.muli %while3A_122, %mul3A_184 : i32
      %add3A_186 = arith.constant 2 : i32
      %add3A_187 = arith.addi %mul3A_185, %add3A_186 : i32
      %dma_wait3A_188 = arith.constant 2 : i32
      %dma_wait3A_189 = arith.constant 0 : i32
      %dma_wait3A_190 = arith.constant 0 : i32
      %dma_wait3A_191 = tpu.memref_slice %arg8[%dma_wait3A_188, %dma_wait3A_189, %dma_wait3A_190] : memref<4x128x32xf32, #tpu.memory_space<vmem>> -> memref<1x128x32xf32, #tpu.memory_space<vmem>>
      %dma_wait3A_192 = tpu.memref_squeeze %dma_wait3A_191 : memref<1x128x32xf32, #tpu.memory_space<vmem>> -> memref<128x32xf32, #tpu.memory_space<vmem>>
      %dma_wait3A_193 = arith.constant 0 : i32
      %dma_wait3A_194 = tpu.memref_slice %arg6[%add3A_187, %dma_wait3A_193] : memref<84x128xi32, #tpu.memory_space<vmem>> -> memref<1x128xi32, #tpu.memory_space<vmem>>
      %dma_wait3A_195 = tpu.memref_squeeze %dma_wait3A_194 : memref<1x128xi32, #tpu.memory_space<vmem>> -> memref<128xi32, #tpu.memory_space<vmem>>
      %dma_wait3A_196 = arith.constant 0 : i32
      %dma_wait3A_197 = arith.constant 0 : i32
      %dma_wait3A_198 = tpu.memref_slice %arg10[%dma_wait3A_196, %dma_wait3A_197] : memref<10112x32xf32, #tpu.memory_space<vmem_shared>> -> memref<10112x32xf32, #tpu.memory_space<vmem_shared>>
      tpu.wait_indirect_dma semaphore(%arg13 : memref<!tpu.dma_semaphore, #tpu.memory_space<semaphore_mem>>) src(%dma_wait3A_198 : memref<10112x32xf32, #tpu.memory_space<vmem_shared>>) dst(%dma_wait3A_192 : memref<128x32xf32, #tpu.memory_space<vmem>>)
      %dma_start3A_199 = arith.constant 2 : i32
      %dma_start3A_200 = arith.constant 0 : i32
      %dma_start3A_201 = arith.constant 0 : i32
      %dma_start3A_202 = tpu.memref_slice %arg8[%dma_start3A_199, %dma_start3A_200, %dma_start3A_201] : memref<4x128x32xf32, #tpu.memory_space<vmem>> -> memref<1x128x32xf32, #tpu.memory_space<vmem>>
      %dma_start3A_203 = tpu.memref_squeeze %dma_start3A_202 : memref<1x128x32xf32, #tpu.memory_space<vmem>> -> memref<128x32xf32, #tpu.memory_space<vmem>>
      %dma_start3A_204 = arith.constant 0 : i32
      %dma_start3A_205 = tpu.memref_slice %arg7[%add3A_187, %dma_start3A_204] : memref<84x128xi32, #tpu.memory_space<vmem>> -> memref<1x128xi32, #tpu.memory_space<vmem>>
      %dma_start3A_206 = tpu.memref_squeeze %dma_start3A_205 : memref<1x128xi32, #tpu.memory_space<vmem>> -> memref<128xi32, #tpu.memory_space<vmem>>
      %dma_start3A_207 = arith.constant 0 : i32
      %dma_start3A_208 = arith.constant 0 : i32
      %dma_start3A_209 = tpu.memref_slice %arg9[%dma_start3A_207, %dma_start3A_208] : memref<10112x32xf32, #tpu.memory_space<vmem_shared>> -> memref<10112x32xf32, #tpu.memory_space<vmem_shared>>
      tpu.enqueue_indirect_dma source(%dma_start3A_203 : memref<128x32xf32, #tpu.memory_space<vmem>>) target(%dma_start3A_209 : memref<10112x32xf32, #tpu.memory_space<vmem_shared>>) offsets(%dma_start3A_206 : memref<128xi32, #tpu.memory_space<vmem>>) semaphore(%arg17 : memref<!tpu.dma_semaphore, #tpu.memory_space<semaphore_mem>>) {add = true}
      %add3A_210 = arith.constant 2 : i32
      %add3A_211 = arith.addi %add3A_187, %add3A_210 : i32
      %lt3A_212 = arith.cmpi slt, %add3A_211, %select_n3A_10 : i32
      %convert_element_type3A_213 = arith.extui %lt3A_212 : i1 to i32
      %cond3A_214 = arith.constant 0 : i32
      %cond3A_215 = arith.cmpi ne, %convert_element_type3A_213, %cond3A_214 : i32
      scf.if %cond3A_215 {
        %ge3A = arith.constant 4 : i32
        %ge3A_248 = arith.cmpi sge, %add3A_211, %ge3A : i32
        %convert_element_type3A_249 = arith.extui %ge3A_248 : i1 to i32
        %cond3A_250 = arith.constant 0 : i32
        %cond3A_251 = arith.cmpi ne, %convert_element_type3A_249, %cond3A_250 : i32
        scf.if %cond3A_251 {
          %sub3A_263 = arith.constant 4 : i32
          %sub3A_264 = arith.subi %add3A_211, %sub3A_263 : i32
          %dma_wait3A_265 = arith.constant 0 : i32
          %dma_wait3A_266 = arith.constant 0 : i32
          %dma_wait3A_267 = arith.constant 0 : i32
          %dma_wait3A_268 = tpu.memref_slice %arg8[%dma_wait3A_265, %dma_wait3A_266, %dma_wait3A_267] : memref<4x128x32xf32, #tpu.memory_space<vmem>> -> memref<1x128x32xf32, #tpu.memory_space<vmem>>
          %dma_wait3A_269 = tpu.memref_squeeze %dma_wait3A_268 : memref<1x128x32xf32, #tpu.memory_space<vmem>> -> memref<128x32xf32, #tpu.memory_space<vmem>>
          %dma_wait3A_270 = arith.constant 0 : i32
          %dma_wait3A_271 = tpu.memref_slice %arg7[%sub3A_264, %dma_wait3A_270] : memref<84x128xi32, #tpu.memory_space<vmem>> -> memref<1x128xi32, #tpu.memory_space<vmem>>
          %dma_wait3A_272 = tpu.memref_squeeze %dma_wait3A_271 : memref<1x128xi32, #tpu.memory_space<vmem>> -> memref<128xi32, #tpu.memory_space<vmem>>
          %dma_wait3A_273 = arith.constant 0 : i32
          %dma_wait3A_274 = arith.constant 0 : i32
          %dma_wait3A_275 = tpu.memref_slice %arg9[%dma_wait3A_273, %dma_wait3A_274] : memref<10112x32xf32, #tpu.memory_space<vmem_shared>> -> memref<10112x32xf32, #tpu.memory_space<vmem_shared>>
          tpu.wait_indirect_dma semaphore(%arg15 : memref<!tpu.dma_semaphore, #tpu.memory_space<semaphore_mem>>) src(%dma_wait3A_269 : memref<128x32xf32, #tpu.memory_space<vmem>>) dst(%dma_wait3A_275 : memref<10112x32xf32, #tpu.memory_space<vmem_shared>>)
        } else {
        }
        %dma_start3A_252 = arith.constant 0 : i32
        %dma_start3A_253 = arith.constant 0 : i32
        %dma_start3A_254 = arith.constant 0 : i32
        %dma_start3A_255 = tpu.memref_slice %arg8[%dma_start3A_252, %dma_start3A_253, %dma_start3A_254] : memref<4x128x32xf32, #tpu.memory_space<vmem>> -> memref<1x128x32xf32, #tpu.memory_space<vmem>>
        %dma_start3A_256 = tpu.memref_squeeze %dma_start3A_255 : memref<1x128x32xf32, #tpu.memory_space<vmem>> -> memref<128x32xf32, #tpu.memory_space<vmem>>
        %dma_start3A_257 = arith.constant 0 : i32
        %dma_start3A_258 = tpu.memref_slice %arg6[%add3A_211, %dma_start3A_257] : memref<84x128xi32, #tpu.memory_space<vmem>> -> memref<1x128xi32, #tpu.memory_space<vmem>>
        %dma_start3A_259 = tpu.memref_squeeze %dma_start3A_258 : memref<1x128xi32, #tpu.memory_space<vmem>> -> memref<128xi32, #tpu.memory_space<vmem>>
        %dma_start3A_260 = arith.constant 0 : i32
        %dma_start3A_261 = arith.constant 0 : i32
        %dma_start3A_262 = tpu.memref_slice %arg10[%dma_start3A_260, %dma_start3A_261] : memref<10112x32xf32, #tpu.memory_space<vmem_shared>> -> memref<10112x32xf32, #tpu.memory_space<vmem_shared>>
        tpu.enqueue_indirect_dma source(%dma_start3A_262 : memref<10112x32xf32, #tpu.memory_space<vmem_shared>>) target(%dma_start3A_256 : memref<128x32xf32, #tpu.memory_space<vmem>>) offsets(%dma_start3A_259 : memref<128xi32, #tpu.memory_space<vmem>>) semaphore(%arg11 : memref<!tpu.dma_semaphore, #tpu.memory_space<semaphore_mem>>)
      } else {
      }
      %mul3A_216 = arith.constant 4 : i32
      %mul3A_217 = arith.muli %while3A_122, %mul3A_216 : i32
      %add3A_218 = arith.constant 3 : i32
      %add3A_219 = arith.addi %mul3A_217, %add3A_218 : i32
      %dma_wait3A_220 = arith.constant 3 : i32
      %dma_wait3A_221 = arith.constant 0 : i32
      %dma_wait3A_222 = arith.constant 0 : i32
      %dma_wait3A_223 = tpu.memref_slice %arg8[%dma_wait3A_220, %dma_wait3A_221, %dma_wait3A_222] : memref<4x128x32xf32, #tpu.memory_space<vmem>> -> memref<1x128x32xf32, #tpu.memory_space<vmem>>
      %dma_wait3A_224 = tpu.memref_squeeze %dma_wait3A_223 : memref<1x128x32xf32, #tpu.memory_space<vmem>> -> memref<128x32xf32, #tpu.memory_space<vmem>>
      %dma_wait3A_225 = arith.constant 0 : i32
      %dma_wait3A_226 = tpu.memref_slice %arg6[%add3A_219, %dma_wait3A_225] : memref<84x128xi32, #tpu.memory_space<vmem>> -> memref<1x128xi32, #tpu.memory_space<vmem>>
      %dma_wait3A_227 = tpu.memref_squeeze %dma_wait3A_226 : memref<1x128xi32, #tpu.memory_space<vmem>> -> memref<128xi32, #tpu.memory_space<vmem>>
      %dma_wait3A_228 = arith.constant 0 : i32
      %dma_wait3A_229 = arith.constant 0 : i32
      %dma_wait3A_230 = tpu.memref_slice %arg10[%dma_wait3A_228, %dma_wait3A_229] : memref<10112x32xf32, #tpu.memory_space<vmem_shared>> -> memref<10112x32xf32, #tpu.memory_space<vmem_shared>>
      tpu.wait_indirect_dma semaphore(%arg14 : memref<!tpu.dma_semaphore, #tpu.memory_space<semaphore_mem>>) src(%dma_wait3A_230 : memref<10112x32xf32, #tpu.memory_space<vmem_shared>>) dst(%dma_wait3A_224 : memref<128x32xf32, #tpu.memory_space<vmem>>)
      %dma_start3A_231 = arith.constant 3 : i32
      %dma_start3A_232 = arith.constant 0 : i32
      %dma_start3A_233 = arith.constant 0 : i32
      %dma_start3A_234 = tpu.memref_slice %arg8[%dma_start3A_231, %dma_start3A_232, %dma_start3A_233] : memref<4x128x32xf32, #tpu.memory_space<vmem>> -> memref<1x128x32xf32, #tpu.memory_space<vmem>>
      %dma_start3A_235 = tpu.memref_squeeze %dma_start3A_234 : memref<1x128x32xf32, #tpu.memory_space<vmem>> -> memref<128x32xf32, #tpu.memory_space<vmem>>
      %dma_start3A_236 = arith.constant 0 : i32
      %dma_start3A_237 = tpu.memref_slice %arg7[%add3A_219, %dma_start3A_236] : memref<84x128xi32, #tpu.memory_space<vmem>> -> memref<1x128xi32, #tpu.memory_space<vmem>>
      %dma_start3A_238 = tpu.memref_squeeze %dma_start3A_237 : memref<1x128xi32, #tpu.memory_space<vmem>> -> memref<128xi32, #tpu.memory_space<vmem>>
      %dma_start3A_239 = arith.constant 0 : i32
      %dma_start3A_240 = arith.constant 0 : i32
      %dma_start3A_241 = tpu.memref_slice %arg9[%dma_start3A_239, %dma_start3A_240] : memref<10112x32xf32, #tpu.memory_space<vmem_shared>> -> memref<10112x32xf32, #tpu.memory_space<vmem_shared>>
      tpu.enqueue_indirect_dma source(%dma_start3A_235 : memref<128x32xf32, #tpu.memory_space<vmem>>) target(%dma_start3A_241 : memref<10112x32xf32, #tpu.memory_space<vmem_shared>>) offsets(%dma_start3A_238 : memref<128xi32, #tpu.memory_space<vmem>>) semaphore(%arg18 : memref<!tpu.dma_semaphore, #tpu.memory_space<semaphore_mem>>) {add = true}
      %add3A_242 = arith.constant 2 : i32
      %add3A_243 = arith.addi %add3A_219, %add3A_242 : i32
      %lt3A_244 = arith.cmpi slt, %add3A_243, %select_n3A_10 : i32
      %convert_element_type3A_245 = arith.extui %lt3A_244 : i1 to i32
      %cond3A_246 = arith.constant 0 : i32
      %cond3A_247 = arith.cmpi ne, %convert_element_type3A_245, %cond3A_246 : i32
      scf.if %cond3A_247 {
        %ge3A = arith.constant 4 : i32
        %ge3A_248 = arith.cmpi sge, %add3A_243, %ge3A : i32
        %convert_element_type3A_249 = arith.extui %ge3A_248 : i1 to i32
        %cond3A_250 = arith.constant 0 : i32
        %cond3A_251 = arith.cmpi ne, %convert_element_type3A_249, %cond3A_250 : i32
        scf.if %cond3A_251 {
          %sub3A_263 = arith.constant 4 : i32
          %sub3A_264 = arith.subi %add3A_243, %sub3A_263 : i32
          %dma_wait3A_265 = arith.constant 1 : i32
          %dma_wait3A_266 = arith.constant 0 : i32
          %dma_wait3A_267 = arith.constant 0 : i32
          %dma_wait3A_268 = tpu.memref_slice %arg8[%dma_wait3A_265, %dma_wait3A_266, %dma_wait3A_267] : memref<4x128x32xf32, #tpu.memory_space<vmem>> -> memref<1x128x32xf32, #tpu.memory_space<vmem>>
          %dma_wait3A_269 = tpu.memref_squeeze %dma_wait3A_268 : memref<1x128x32xf32, #tpu.memory_space<vmem>> -> memref<128x32xf32, #tpu.memory_space<vmem>>
          %dma_wait3A_270 = arith.constant 0 : i32
          %dma_wait3A_271 = tpu.memref_slice %arg7[%sub3A_264, %dma_wait3A_270] : memref<84x128xi32, #tpu.memory_space<vmem>> -> memref<1x128xi32, #tpu.memory_space<vmem>>
          %dma_wait3A_272 = tpu.memref_squeeze %dma_wait3A_271 : memref<1x128xi32, #tpu.memory_space<vmem>> -> memref<128xi32, #tpu.memory_space<vmem>>
          %dma_wait3A_273 = arith.constant 0 : i32
          %dma_wait3A_274 = arith.constant 0 : i32
          %dma_wait3A_275 = tpu.memref_slice %arg9[%dma_wait3A_273, %dma_wait3A_274] : memref<10112x32xf32, #tpu.memory_space<vmem_shared>> -> memref<10112x32xf32, #tpu.memory_space<vmem_shared>>
          tpu.wait_indirect_dma semaphore(%arg16 : memref<!tpu.dma_semaphore, #tpu.memory_space<semaphore_mem>>) src(%dma_wait3A_269 : memref<128x32xf32, #tpu.memory_space<vmem>>) dst(%dma_wait3A_275 : memref<10112x32xf32, #tpu.memory_space<vmem_shared>>)
        } else {
        }
        %dma_start3A_252 = arith.constant 1 : i32
        %dma_start3A_253 = arith.constant 0 : i32
        %dma_start3A_254 = arith.constant 0 : i32
        %dma_start3A_255 = tpu.memref_slice %arg8[%dma_start3A_252, %dma_start3A_253, %dma_start3A_254] : memref<4x128x32xf32, #tpu.memory_space<vmem>> -> memref<1x128x32xf32, #tpu.memory_space<vmem>>
        %dma_start3A_256 = tpu.memref_squeeze %dma_start3A_255 : memref<1x128x32xf32, #tpu.memory_space<vmem>> -> memref<128x32xf32, #tpu.memory_space<vmem>>
        %dma_start3A_257 = arith.constant 0 : i32
        %dma_start3A_258 = tpu.memref_slice %arg6[%add3A_243, %dma_start3A_257] : memref<84x128xi32, #tpu.memory_space<vmem>> -> memref<1x128xi32, #tpu.memory_space<vmem>>
        %dma_start3A_259 = tpu.memref_squeeze %dma_start3A_258 : memref<1x128xi32, #tpu.memory_space<vmem>> -> memref<128xi32, #tpu.memory_space<vmem>>
        %dma_start3A_260 = arith.constant 0 : i32
        %dma_start3A_261 = arith.constant 0 : i32
        %dma_start3A_262 = tpu.memref_slice %arg10[%dma_start3A_260, %dma_start3A_261] : memref<10112x32xf32, #tpu.memory_space<vmem_shared>> -> memref<10112x32xf32, #tpu.memory_space<vmem_shared>>
        tpu.enqueue_indirect_dma source(%dma_start3A_262 : memref<10112x32xf32, #tpu.memory_space<vmem_shared>>) target(%dma_start3A_256 : memref<128x32xf32, #tpu.memory_space<vmem>>) offsets(%dma_start3A_259 : memref<128xi32, #tpu.memory_space<vmem>>) semaphore(%arg12 : memref<!tpu.dma_semaphore, #tpu.memory_space<semaphore_mem>>)
      } else {
      }
    }
    %while3A_61 = arith.constant 1 : i32
    scf.for %while3A_122 = %while3A_59 to %while3A_55 step %while3A_61  : i32 {
      %mul3A_123 = arith.constant 4 : i32
      %mul3A_124 = arith.muli %while3A_122, %mul3A_123 : i32
      %add3A_125 = arith.constant 0 : i32
      %add3A_126 = arith.addi %mul3A_124, %add3A_125 : i32
      %dma_wait3A_127 = arith.constant 0 : i32
      %dma_wait3A_128 = arith.constant 0 : i32
      %dma_wait3A_129 = arith.constant 0 : i32
      %dma_wait3A_130 = tpu.memref_slice %arg8[%dma_wait3A_127, %dma_wait3A_128, %dma_wait3A_129] : memref<4x128x32xf32, #tpu.memory_space<vmem>> -> memref<1x128x32xf32, #tpu.memory_space<vmem>>
      %dma_wait3A_131 = tpu.memref_squeeze %dma_wait3A_130 : memref<1x128x32xf32, #tpu.memory_space<vmem>> -> memref<128x32xf32, #tpu.memory_space<vmem>>
      %dma_wait3A_132 = arith.constant 0 : i32
      %dma_wait3A_133 = tpu.memref_slice %arg6[%add3A_126, %dma_wait3A_132] : memref<84x128xi32, #tpu.memory_space<vmem>> -> memref<1x128xi32, #tpu.memory_space<vmem>>
      %dma_wait3A_134 = tpu.memref_squeeze %dma_wait3A_133 : memref<1x128xi32, #tpu.memory_space<vmem>> -> memref<128xi32, #tpu.memory_space<vmem>>
      %dma_wait3A_135 = arith.constant 0 : i32
      %dma_wait3A_136 = arith.constant 0 : i32
      %dma_wait3A_137 = tpu.memref_slice %arg10[%dma_wait3A_135, %dma_wait3A_136] : memref<10112x32xf32, #tpu.memory_space<vmem_shared>> -> memref<10112x32xf32, #tpu.memory_space<vmem_shared>>
      tpu.wait_indirect_dma semaphore(%arg11 : memref<!tpu.dma_semaphore, #tpu.memory_space<semaphore_mem>>) src(%dma_wait3A_137 : memref<10112x32xf32, #tpu.memory_space<vmem_shared>>) dst(%dma_wait3A_131 : memref<128x32xf32, #tpu.memory_space<vmem>>)
      %dma_start3A_138 = arith.constant 0 : i32
      %dma_start3A_139 = arith.constant 0 : i32
      %dma_start3A_140 = arith.constant 0 : i32
      %dma_start3A_141 = tpu.memref_slice %arg8[%dma_start3A_138, %dma_start3A_139, %dma_start3A_140] : memref<4x128x32xf32, #tpu.memory_space<vmem>> -> memref<1x128x32xf32, #tpu.memory_space<vmem>>
      %dma_start3A_142 = tpu.memref_squeeze %dma_start3A_141 : memref<1x128x32xf32, #tpu.memory_space<vmem>> -> memref<128x32xf32, #tpu.memory_space<vmem>>
      %dma_start3A_143 = arith.constant 0 : i32
      %dma_start3A_144 = tpu.memref_slice %arg7[%add3A_126, %dma_start3A_143] : memref<84x128xi32, #tpu.memory_space<vmem>> -> memref<1x128xi32, #tpu.memory_space<vmem>>
      %dma_start3A_145 = tpu.memref_squeeze %dma_start3A_144 : memref<1x128xi32, #tpu.memory_space<vmem>> -> memref<128xi32, #tpu.memory_space<vmem>>
      %dma_start3A_146 = arith.constant 0 : i32
      %dma_start3A_147 = arith.constant 0 : i32
      %dma_start3A_148 = tpu.memref_slice %arg9[%dma_start3A_146, %dma_start3A_147] : memref<10112x32xf32, #tpu.memory_space<vmem_shared>> -> memref<10112x32xf32, #tpu.memory_space<vmem_shared>>
      tpu.enqueue_indirect_dma source(%dma_start3A_142 : memref<128x32xf32, #tpu.memory_space<vmem>>) target(%dma_start3A_148 : memref<10112x32xf32, #tpu.memory_space<vmem_shared>>) offsets(%dma_start3A_145 : memref<128xi32, #tpu.memory_space<vmem>>) semaphore(%arg15 : memref<!tpu.dma_semaphore, #tpu.memory_space<semaphore_mem>>) {add = true}
      %add3A_149 = arith.constant 2 : i32
      %add3A_150 = arith.addi %add3A_126, %add3A_149 : i32
      %lt3A = arith.cmpi slt, %add3A_150, %select_n3A_10 : i32
      %convert_element_type3A = arith.extui %lt3A : i1 to i32
      %cond3A = arith.constant 0 : i32
      %cond3A_151 = arith.cmpi ne, %convert_element_type3A, %cond3A : i32
      scf.if %cond3A_151 {
        %ge3A = arith.constant 4 : i32
        %ge3A_248 = arith.cmpi sge, %add3A_150, %ge3A : i32
        %convert_element_type3A_249 = arith.extui %ge3A_248 : i1 to i32
        %cond3A_250 = arith.constant 0 : i32
        %cond3A_251 = arith.cmpi ne, %convert_element_type3A_249, %cond3A_250 : i32
        scf.if %cond3A_251 {
          %sub3A_263 = arith.constant 4 : i32
          %sub3A_264 = arith.subi %add3A_150, %sub3A_263 : i32
          %dma_wait3A_265 = arith.constant 2 : i32
          %dma_wait3A_266 = arith.constant 0 : i32
          %dma_wait3A_267 = arith.constant 0 : i32
          %dma_wait3A_268 = tpu.memref_slice %arg8[%dma_wait3A_265, %dma_wait3A_266, %dma_wait3A_267] : memref<4x128x32xf32, #tpu.memory_space<vmem>> -> memref<1x128x32xf32, #tpu.memory_space<vmem>>
          %dma_wait3A_269 = tpu.memref_squeeze %dma_wait3A_268 : memref<1x128x32xf32, #tpu.memory_space<vmem>> -> memref<128x32xf32, #tpu.memory_space<vmem>>
          %dma_wait3A_270 = arith.constant 0 : i32
          %dma_wait3A_271 = tpu.memref_slice %arg7[%sub3A_264, %dma_wait3A_270] : memref<84x128xi32, #tpu.memory_space<vmem>> -> memref<1x128xi32, #tpu.memory_space<vmem>>
          %dma_wait3A_272 = tpu.memref_squeeze %dma_wait3A_271 : memref<1x128xi32, #tpu.memory_space<vmem>> -> memref<128xi32, #tpu.memory_space<vmem>>
          %dma_wait3A_273 = arith.constant 0 : i32
          %dma_wait3A_274 = arith.constant 0 : i32
          %dma_wait3A_275 = tpu.memref_slice %arg9[%dma_wait3A_273, %dma_wait3A_274] : memref<10112x32xf32, #tpu.memory_space<vmem_shared>> -> memref<10112x32xf32, #tpu.memory_space<vmem_shared>>
          tpu.wait_indirect_dma semaphore(%arg17 : memref<!tpu.dma_semaphore, #tpu.memory_space<semaphore_mem>>) src(%dma_wait3A_269 : memref<128x32xf32, #tpu.memory_space<vmem>>) dst(%dma_wait3A_275 : memref<10112x32xf32, #tpu.memory_space<vmem_shared>>)
        } else {
        }
        %dma_start3A_252 = arith.constant 2 : i32
        %dma_start3A_253 = arith.constant 0 : i32
        %dma_start3A_254 = arith.constant 0 : i32
        %dma_start3A_255 = tpu.memref_slice %arg8[%dma_start3A_252, %dma_start3A_253, %dma_start3A_254] : memref<4x128x32xf32, #tpu.memory_space<vmem>> -> memref<1x128x32xf32, #tpu.memory_space<vmem>>
        %dma_start3A_256 = tpu.memref_squeeze %dma_start3A_255 : memref<1x128x32xf32, #tpu.memory_space<vmem>> -> memref<128x32xf32, #tpu.memory_space<vmem>>
        %dma_start3A_257 = arith.constant 0 : i32
        %dma_start3A_258 = tpu.memref_slice %arg6[%add3A_150, %dma_start3A_257] : memref<84x128xi32, #tpu.memory_space<vmem>> -> memref<1x128xi32, #tpu.memory_space<vmem>>
        %dma_start3A_259 = tpu.memref_squeeze %dma_start3A_258 : memref<1x128xi32, #tpu.memory_space<vmem>> -> memref<128xi32, #tpu.memory_space<vmem>>
        %dma_start3A_260 = arith.constant 0 : i32
        %dma_start3A_261 = arith.constant 0 : i32
        %dma_start3A_262 = tpu.memref_slice %arg10[%dma_start3A_260, %dma_start3A_261] : memref<10112x32xf32, #tpu.memory_space<vmem_shared>> -> memref<10112x32xf32, #tpu.memory_space<vmem_shared>>
        tpu.enqueue_indirect_dma source(%dma_start3A_262 : memref<10112x32xf32, #tpu.memory_space<vmem_shared>>) target(%dma_start3A_256 : memref<128x32xf32, #tpu.memory_space<vmem>>) offsets(%dma_start3A_259 : memref<128xi32, #tpu.memory_space<vmem>>) semaphore(%arg13 : memref<!tpu.dma_semaphore, #tpu.memory_space<semaphore_mem>>)
      } else {
      }
      %mul3A_152 = arith.constant 4 : i32
      %mul3A_153 = arith.muli %while3A_122, %mul3A_152 : i32
      %add3A_154 = arith.constant 1 : i32
      %add3A_155 = arith.addi %mul3A_153, %add3A_154 : i32
      %dma_wait3A_156 = arith.constant 1 : i32
      %dma_wait3A_157 = arith.constant 0 : i32
      %dma_wait3A_158 = arith.constant 0 : i32
      %dma_wait3A_159 = tpu.memref_slice %arg8[%dma_wait3A_156, %dma_wait3A_157, %dma_wait3A_158] : memref<4x128x32xf32, #tpu.memory_space<vmem>> -> memref<1x128x32xf32, #tpu.memory_space<vmem>>
      %dma_wait3A_160 = tpu.memref_squeeze %dma_wait3A_159 : memref<1x128x32xf32, #tpu.memory_space<vmem>> -> memref<128x32xf32, #tpu.memory_space<vmem>>
      %dma_wait3A_161 = arith.constant 0 : i32
      %dma_wait3A_162 = tpu.memref_slice %arg6[%add3A_155, %dma_wait3A_161] : memref<84x128xi32, #tpu.memory_space<vmem>> -> memref<1x128xi32, #tpu.memory_space<vmem>>
      %dma_wait3A_163 = tpu.memref_squeeze %dma_wait3A_162 : memref<1x128xi32, #tpu.memory_space<vmem>> -> memref<128xi32, #tpu.memory_space<vmem>>
      %dma_wait3A_164 = arith.constant 0 : i32
      %dma_wait3A_165 = arith.constant 0 : i32
      %dma_wait3A_166 = tpu.memref_slice %arg10[%dma_wait3A_164, %dma_wait3A_165] : memref<10112x32xf32, #tpu.memory_space<vmem_shared>> -> memref<10112x32xf32, #tpu.memory_space<vmem_shared>>
      tpu.wait_indirect_dma semaphore(%arg12 : memref<!tpu.dma_semaphore, #tpu.memory_space<semaphore_mem>>) src(%dma_wait3A_166 : memref<10112x32xf32, #tpu.memory_space<vmem_shared>>) dst(%dma_wait3A_160 : memref<128x32xf32, #tpu.memory_space<vmem>>)
      %dma_start3A_167 = arith.constant 1 : i32
      %dma_start3A_168 = arith.constant 0 : i32
      %dma_start3A_169 = arith.constant 0 : i32
      %dma_start3A_170 = tpu.memref_slice %arg8[%dma_start3A_167, %dma_start3A_168, %dma_start3A_169] : memref<4x128x32xf32, #tpu.memory_space<vmem>> -> memref<1x128x32xf32, #tpu.memory_space<vmem>>
      %dma_start3A_171 = tpu.memref_squeeze %dma_start3A_170 : memref<1x128x32xf32, #tpu.memory_space<vmem>> -> memref<128x32xf32, #tpu.memory_space<vmem>>
      %dma_start3A_172 = arith.constant 0 : i32
      %dma_start3A_173 = tpu.memref_slice %arg7[%add3A_155, %dma_start3A_172] : memref<84x128xi32, #tpu.memory_space<vmem>> -> memref<1x128xi32, #tpu.memory_space<vmem>>
      %dma_start3A_174 = tpu.memref_squeeze %dma_start3A_173 : memref<1x128xi32, #tpu.memory_space<vmem>> -> memref<128xi32, #tpu.memory_space<vmem>>
      %dma_start3A_175 = arith.constant 0 : i32
      %dma_start3A_176 = arith.constant 0 : i32
      %dma_start3A_177 = tpu.memref_slice %arg9[%dma_start3A_175, %dma_start3A_176] : memref<10112x32xf32, #tpu.memory_space<vmem_shared>> -> memref<10112x32xf32, #tpu.memory_space<vmem_shared>>
      tpu.enqueue_indirect_dma source(%dma_start3A_171 : memref<128x32xf32, #tpu.memory_space<vmem>>) target(%dma_start3A_177 : memref<10112x32xf32, #tpu.memory_space<vmem_shared>>) offsets(%dma_start3A_174 : memref<128xi32, #tpu.memory_space<vmem>>) semaphore(%arg16 : memref<!tpu.dma_semaphore, #tpu.memory_space<semaphore_mem>>) {add = true}
      %add3A_178 = arith.constant 2 : i32
      %add3A_179 = arith.addi %add3A_155, %add3A_178 : i32
      %lt3A_180 = arith.cmpi slt, %add3A_179, %select_n3A_10 : i32
      %convert_element_type3A_181 = arith.extui %lt3A_180 : i1 to i32
      %cond3A_182 = arith.constant 0 : i32
      %cond3A_183 = arith.cmpi ne, %convert_element_type3A_181, %cond3A_182 : i32
      scf.if %cond3A_183 {
        %ge3A = arith.constant 4 : i32
        %ge3A_248 = arith.cmpi sge, %add3A_179, %ge3A : i32
        %convert_element_type3A_249 = arith.extui %ge3A_248 : i1 to i32
        %cond3A_250 = arith.constant 0 : i32
        %cond3A_251 = arith.cmpi ne, %convert_element_type3A_249, %cond3A_250 : i32
        scf.if %cond3A_251 {
          %sub3A_263 = arith.constant 4 : i32
          %sub3A_264 = arith.subi %add3A_179, %sub3A_263 : i32
          %dma_wait3A_265 = arith.constant 3 : i32
          %dma_wait3A_266 = arith.constant 0 : i32
          %dma_wait3A_267 = arith.constant 0 : i32
          %dma_wait3A_268 = tpu.memref_slice %arg8[%dma_wait3A_265, %dma_wait3A_266, %dma_wait3A_267] : memref<4x128x32xf32, #tpu.memory_space<vmem>> -> memref<1x128x32xf32, #tpu.memory_space<vmem>>
          %dma_wait3A_269 = tpu.memref_squeeze %dma_wait3A_268 : memref<1x128x32xf32, #tpu.memory_space<vmem>> -> memref<128x32xf32, #tpu.memory_space<vmem>>
          %dma_wait3A_270 = arith.constant 0 : i32
          %dma_wait3A_271 = tpu.memref_slice %arg7[%sub3A_264, %dma_wait3A_270] : memref<84x128xi32, #tpu.memory_space<vmem>> -> memref<1x128xi32, #tpu.memory_space<vmem>>
          %dma_wait3A_272 = tpu.memref_squeeze %dma_wait3A_271 : memref<1x128xi32, #tpu.memory_space<vmem>> -> memref<128xi32, #tpu.memory_space<vmem>>
          %dma_wait3A_273 = arith.constant 0 : i32
          %dma_wait3A_274 = arith.constant 0 : i32
          %dma_wait3A_275 = tpu.memref_slice %arg9[%dma_wait3A_273, %dma_wait3A_274] : memref<10112x32xf32, #tpu.memory_space<vmem_shared>> -> memref<10112x32xf32, #tpu.memory_space<vmem_shared>>
          tpu.wait_indirect_dma semaphore(%arg18 : memref<!tpu.dma_semaphore, #tpu.memory_space<semaphore_mem>>) src(%dma_wait3A_269 : memref<128x32xf32, #tpu.memory_space<vmem>>) dst(%dma_wait3A_275 : memref<10112x32xf32, #tpu.memory_space<vmem_shared>>)
        } else {
        }
        %dma_start3A_252 = arith.constant 3 : i32
        %dma_start3A_253 = arith.constant 0 : i32
        %dma_start3A_254 = arith.constant 0 : i32
        %dma_start3A_255 = tpu.memref_slice %arg8[%dma_start3A_252, %dma_start3A_253, %dma_start3A_254] : memref<4x128x32xf32, #tpu.memory_space<vmem>> -> memref<1x128x32xf32, #tpu.memory_space<vmem>>
        %dma_start3A_256 = tpu.memref_squeeze %dma_start3A_255 : memref<1x128x32xf32, #tpu.memory_space<vmem>> -> memref<128x32xf32, #tpu.memory_space<vmem>>
        %dma_start3A_257 = arith.constant 0 : i32
        %dma_start3A_258 = tpu.memref_slice %arg6[%add3A_179, %dma_start3A_257] : memref<84x128xi32, #tpu.memory_space<vmem>> -> memref<1x128xi32, #tpu.memory_space<vmem>>
        %dma_start3A_259 = tpu.memref_squeeze %dma_start3A_258 : memref<1x128xi32, #tpu.memory_space<vmem>> -> memref<128xi32, #tpu.memory_space<vmem>>
        %dma_start3A_260 = arith.constant 0 : i32
        %dma_start3A_261 = arith.constant 0 : i32
        %dma_start3A_262 = tpu.memref_slice %arg10[%dma_start3A_260, %dma_start3A_261] : memref<10112x32xf32, #tpu.memory_space<vmem_shared>> -> memref<10112x32xf32, #tpu.memory_space<vmem_shared>>
        tpu.enqueue_indirect_dma source(%dma_start3A_262 : memref<10112x32xf32, #tpu.memory_space<vmem_shared>>) target(%dma_start3A_256 : memref<128x32xf32, #tpu.memory_space<vmem>>) offsets(%dma_start3A_259 : memref<128xi32, #tpu.memory_space<vmem>>) semaphore(%arg14 : memref<!tpu.dma_semaphore, #tpu.memory_space<semaphore_mem>>)
      } else {
      }
      %mul3A_184 = arith.constant 4 : i32
      %mul3A_185 = arith.muli %while3A_122, %mul3A_184 : i32
      %add3A_186 = arith.constant 2 : i32
      %add3A_187 = arith.addi %mul3A_185, %add3A_186 : i32
      %dma_wait3A_188 = arith.constant 2 : i32
      %dma_wait3A_189 = arith.constant 0 : i32
      %dma_wait3A_190 = arith.constant 0 : i32
      %dma_wait3A_191 = tpu.memref_slice %arg8[%dma_wait3A_188, %dma_wait3A_189, %dma_wait3A_190] : memref<4x128x32xf32, #tpu.memory_space<vmem>> -> memref<1x128x32xf32, #tpu.memory_space<vmem>>
      %dma_wait3A_192 = tpu.memref_squeeze %dma_wait3A_191 : memref<1x128x32xf32, #tpu.memory_space<vmem>> -> memref<128x32xf32, #tpu.memory_space<vmem>>
      %dma_wait3A_193 = arith.constant 0 : i32
      %dma_wait3A_194 = tpu.memref_slice %arg6[%add3A_187, %dma_wait3A_193] : memref<84x128xi32, #tpu.memory_space<vmem>> -> memref<1x128xi32, #tpu.memory_space<vmem>>
      %dma_wait3A_195 = tpu.memref_squeeze %dma_wait3A_194 : memref<1x128xi32, #tpu.memory_space<vmem>> -> memref<128xi32, #tpu.memory_space<vmem>>
      %dma_wait3A_196 = arith.constant 0 : i32
      %dma_wait3A_197 = arith.constant 0 : i32
      %dma_wait3A_198 = tpu.memref_slice %arg10[%dma_wait3A_196, %dma_wait3A_197] : memref<10112x32xf32, #tpu.memory_space<vmem_shared>> -> memref<10112x32xf32, #tpu.memory_space<vmem_shared>>
      tpu.wait_indirect_dma semaphore(%arg13 : memref<!tpu.dma_semaphore, #tpu.memory_space<semaphore_mem>>) src(%dma_wait3A_198 : memref<10112x32xf32, #tpu.memory_space<vmem_shared>>) dst(%dma_wait3A_192 : memref<128x32xf32, #tpu.memory_space<vmem>>)
      %dma_start3A_199 = arith.constant 2 : i32
      %dma_start3A_200 = arith.constant 0 : i32
      %dma_start3A_201 = arith.constant 0 : i32
      %dma_start3A_202 = tpu.memref_slice %arg8[%dma_start3A_199, %dma_start3A_200, %dma_start3A_201] : memref<4x128x32xf32, #tpu.memory_space<vmem>> -> memref<1x128x32xf32, #tpu.memory_space<vmem>>
      %dma_start3A_203 = tpu.memref_squeeze %dma_start3A_202 : memref<1x128x32xf32, #tpu.memory_space<vmem>> -> memref<128x32xf32, #tpu.memory_space<vmem>>
      %dma_start3A_204 = arith.constant 0 : i32
      %dma_start3A_205 = tpu.memref_slice %arg7[%add3A_187, %dma_start3A_204] : memref<84x128xi32, #tpu.memory_space<vmem>> -> memref<1x128xi32, #tpu.memory_space<vmem>>
      %dma_start3A_206 = tpu.memref_squeeze %dma_start3A_205 : memref<1x128xi32, #tpu.memory_space<vmem>> -> memref<128xi32, #tpu.memory_space<vmem>>
      %dma_start3A_207 = arith.constant 0 : i32
      %dma_start3A_208 = arith.constant 0 : i32
      %dma_start3A_209 = tpu.memref_slice %arg9[%dma_start3A_207, %dma_start3A_208] : memref<10112x32xf32, #tpu.memory_space<vmem_shared>> -> memref<10112x32xf32, #tpu.memory_space<vmem_shared>>
      tpu.enqueue_indirect_dma source(%dma_start3A_203 : memref<128x32xf32, #tpu.memory_space<vmem>>) target(%dma_start3A_209 : memref<10112x32xf32, #tpu.memory_space<vmem_shared>>) offsets(%dma_start3A_206 : memref<128xi32, #tpu.memory_space<vmem>>) semaphore(%arg17 : memref<!tpu.dma_semaphore, #tpu.memory_space<semaphore_mem>>) {add = true}
      %add3A_210 = arith.constant 2 : i32
      %add3A_211 = arith.addi %add3A_187, %add3A_210 : i32
      %lt3A_212 = arith.cmpi slt, %add3A_211, %select_n3A_10 : i32
      %convert_element_type3A_213 = arith.extui %lt3A_212 : i1 to i32
      %cond3A_214 = arith.constant 0 : i32
      %cond3A_215 = arith.cmpi ne, %convert_element_type3A_213, %cond3A_214 : i32
      scf.if %cond3A_215 {
        %ge3A = arith.constant 4 : i32
        %ge3A_248 = arith.cmpi sge, %add3A_211, %ge3A : i32
        %convert_element_type3A_249 = arith.extui %ge3A_248 : i1 to i32
        %cond3A_250 = arith.constant 0 : i32
        %cond3A_251 = arith.cmpi ne, %convert_element_type3A_249, %cond3A_250 : i32
        scf.if %cond3A_251 {
          %sub3A_263 = arith.constant 4 : i32
          %sub3A_264 = arith.subi %add3A_211, %sub3A_263 : i32
          %dma_wait3A_265 = arith.constant 0 : i32
          %dma_wait3A_266 = arith.constant 0 : i32
          %dma_wait3A_267 = arith.constant 0 : i32
          %dma_wait3A_268 = tpu.memref_slice %arg8[%dma_wait3A_265, %dma_wait3A_266, %dma_wait3A_267] : memref<4x128x32xf32, #tpu.memory_space<vmem>> -> memref<1x128x32xf32, #tpu.memory_space<vmem>>
          %dma_wait3A_269 = tpu.memref_squeeze %dma_wait3A_268 : memref<1x128x32xf32, #tpu.memory_space<vmem>> -> memref<128x32xf32, #tpu.memory_space<vmem>>
          %dma_wait3A_270 = arith.constant 0 : i32
          %dma_wait3A_271 = tpu.memref_slice %arg7[%sub3A_264, %dma_wait3A_270] : memref<84x128xi32, #tpu.memory_space<vmem>> -> memref<1x128xi32, #tpu.memory_space<vmem>>
          %dma_wait3A_272 = tpu.memref_squeeze %dma_wait3A_271 : memref<1x128xi32, #tpu.memory_space<vmem>> -> memref<128xi32, #tpu.memory_space<vmem>>
          %dma_wait3A_273 = arith.constant 0 : i32
          %dma_wait3A_274 = arith.constant 0 : i32
          %dma_wait3A_275 = tpu.memref_slice %arg9[%dma_wait3A_273, %dma_wait3A_274] : memref<10112x32xf32, #tpu.memory_space<vmem_shared>> -> memref<10112x32xf32, #tpu.memory_space<vmem_shared>>
          tpu.wait_indirect_dma semaphore(%arg15 : memref<!tpu.dma_semaphore, #tpu.memory_space<semaphore_mem>>) src(%dma_wait3A_269 : memref<128x32xf32, #tpu.memory_space<vmem>>) dst(%dma_wait3A_275 : memref<10112x32xf32, #tpu.memory_space<vmem_shared>>)
        } else {
        }
        %dma_start3A_252 = arith.constant 0 : i32
        %dma_start3A_253 = arith.constant 0 : i32
        %dma_start3A_254 = arith.constant 0 : i32
        %dma_start3A_255 = tpu.memref_slice %arg8[%dma_start3A_252, %dma_start3A_253, %dma_start3A_254] : memref<4x128x32xf32, #tpu.memory_space<vmem>> -> memref<1x128x32xf32, #tpu.memory_space<vmem>>
        %dma_start3A_256 = tpu.memref_squeeze %dma_start3A_255 : memref<1x128x32xf32, #tpu.memory_space<vmem>> -> memref<128x32xf32, #tpu.memory_space<vmem>>
        %dma_start3A_257 = arith.constant 0 : i32
        %dma_start3A_258 = tpu.memref_slice %arg6[%add3A_211, %dma_start3A_257] : memref<84x128xi32, #tpu.memory_space<vmem>> -> memref<1x128xi32, #tpu.memory_space<vmem>>
        %dma_start3A_259 = tpu.memref_squeeze %dma_start3A_258 : memref<1x128xi32, #tpu.memory_space<vmem>> -> memref<128xi32, #tpu.memory_space<vmem>>
        %dma_start3A_260 = arith.constant 0 : i32
        %dma_start3A_261 = arith.constant 0 : i32
        %dma_start3A_262 = tpu.memref_slice %arg10[%dma_start3A_260, %dma_start3A_261] : memref<10112x32xf32, #tpu.memory_space<vmem_shared>> -> memref<10112x32xf32, #tpu.memory_space<vmem_shared>>
        tpu.enqueue_indirect_dma source(%dma_start3A_262 : memref<10112x32xf32, #tpu.memory_space<vmem_shared>>) target(%dma_start3A_256 : memref<128x32xf32, #tpu.memory_space<vmem>>) offsets(%dma_start3A_259 : memref<128xi32, #tpu.memory_space<vmem>>) semaphore(%arg11 : memref<!tpu.dma_semaphore, #tpu.memory_space<semaphore_mem>>)
      } else {
      }
      %mul3A_216 = arith.constant 4 : i32
      %mul3A_217 = arith.muli %while3A_122, %mul3A_216 : i32
      %add3A_218 = arith.constant 3 : i32
      %add3A_219 = arith.addi %mul3A_217, %add3A_218 : i32
      %dma_wait3A_220 = arith.constant 3 : i32
      %dma_wait3A_221 = arith.constant 0 : i32
      %dma_wait3A_222 = arith.constant 0 : i32
      %dma_wait3A_223 = tpu.memref_slice %arg8[%dma_wait3A_220, %dma_wait3A_221, %dma_wait3A_222] : memref<4x128x32xf32, #tpu.memory_space<vmem>> -> memref<1x128x32xf32, #tpu.memory_space<vmem>>
      %dma_wait3A_224 = tpu.memref_squeeze %dma_wait3A_223 : memref<1x128x32xf32, #tpu.memory_space<vmem>> -> memref<128x32xf32, #tpu.memory_space<vmem>>
      %dma_wait3A_225 = arith.constant 0 : i32
      %dma_wait3A_226 = tpu.memref_slice %arg6[%add3A_219, %dma_wait3A_225] : memref<84x128xi32, #tpu.memory_space<vmem>> -> memref<1x128xi32, #tpu.memory_space<vmem>>
      %dma_wait3A_227 = tpu.memref_squeeze %dma_wait3A_226 : memref<1x128xi32, #tpu.memory_space<vmem>> -> memref<128xi32, #tpu.memory_space<vmem>>
      %dma_wait3A_228 = arith.constant 0 : i32
      %dma_wait3A_229 = arith.constant 0 : i32
      %dma_wait3A_230 = tpu.memref_slice %arg10[%dma_wait3A_228, %dma_wait3A_229] : memref<10112x32xf32, #tpu.memory_space<vmem_shared>> -> memref<10112x32xf32, #tpu.memory_space<vmem_shared>>
      tpu.wait_indirect_dma semaphore(%arg14 : memref<!tpu.dma_semaphore, #tpu.memory_space<semaphore_mem>>) src(%dma_wait3A_230 : memref<10112x32xf32, #tpu.memory_space<vmem_shared>>) dst(%dma_wait3A_224 : memref<128x32xf32, #tpu.memory_space<vmem>>)
      %dma_start3A_231 = arith.constant 3 : i32
      %dma_start3A_232 = arith.constant 0 : i32
      %dma_start3A_233 = arith.constant 0 : i32
      %dma_start3A_234 = tpu.memref_slice %arg8[%dma_start3A_231, %dma_start3A_232, %dma_start3A_233] : memref<4x128x32xf32, #tpu.memory_space<vmem>> -> memref<1x128x32xf32, #tpu.memory_space<vmem>>
      %dma_start3A_235 = tpu.memref_squeeze %dma_start3A_234 : memref<1x128x32xf32, #tpu.memory_space<vmem>> -> memref<128x32xf32, #tpu.memory_space<vmem>>
      %dma_start3A_236 = arith.constant 0 : i32
      %dma_start3A_237 = tpu.memref_slice %arg7[%add3A_219, %dma_start3A_236] : memref<84x128xi32, #tpu.memory_space<vmem>> -> memref<1x128xi32, #tpu.memory_space<vmem>>
      %dma_start3A_238 = tpu.memref_squeeze %dma_start3A_237 : memref<1x128xi32, #tpu.memory_space<vmem>> -> memref<128xi32, #tpu.memory_space<vmem>>
      %dma_start3A_239 = arith.constant 0 : i32
      %dma_start3A_240 = arith.constant 0 : i32
      %dma_start3A_241 = tpu.memref_slice %arg9[%dma_start3A_239, %dma_start3A_240] : memref<10112x32xf32, #tpu.memory_space<vmem_shared>> -> memref<10112x32xf32, #tpu.memory_space<vmem_shared>>
      tpu.enqueue_indirect_dma source(%dma_start3A_235 : memref<128x32xf32, #tpu.memory_space<vmem>>) target(%dma_start3A_241 : memref<10112x32xf32, #tpu.memory_space<vmem_shared>>) offsets(%dma_start3A_238 : memref<128xi32, #tpu.memory_space<vmem>>) semaphore(%arg18 : memref<!tpu.dma_semaphore, #tpu.memory_space<semaphore_mem>>) {add = true}
      %add3A_242 = arith.constant 2 : i32
      %add3A_243 = arith.addi %add3A_219, %add3A_242 : i32
      %lt3A_244 = arith.cmpi slt, %add3A_243, %select_n3A_10 : i32
      %convert_element_type3A_245 = arith.extui %lt3A_244 : i1 to i32
      %cond3A_246 = arith.constant 0 : i32
      %cond3A_247 = arith.cmpi ne, %convert_element_type3A_245, %cond3A_246 : i32
      scf.if %cond3A_247 {
        %ge3A = arith.constant 4 : i32
        %ge3A_248 = arith.cmpi sge, %add3A_243, %ge3A : i32
        %convert_element_type3A_249 = arith.extui %ge3A_248 : i1 to i32
        %cond3A_250 = arith.constant 0 : i32
        %cond3A_251 = arith.cmpi ne, %convert_element_type3A_249, %cond3A_250 : i32
        scf.if %cond3A_251 {
          %sub3A_263 = arith.constant 4 : i32
          %sub3A_264 = arith.subi %add3A_243, %sub3A_263 : i32
          %dma_wait3A_265 = arith.constant 1 : i32
          %dma_wait3A_266 = arith.constant 0 : i32
          %dma_wait3A_267 = arith.constant 0 : i32
          %dma_wait3A_268 = tpu.memref_slice %arg8[%dma_wait3A_265, %dma_wait3A_266, %dma_wait3A_267] : memref<4x128x32xf32, #tpu.memory_space<vmem>> -> memref<1x128x32xf32, #tpu.memory_space<vmem>>
          %dma_wait3A_269 = tpu.memref_squeeze %dma_wait3A_268 : memref<1x128x32xf32, #tpu.memory_space<vmem>> -> memref<128x32xf32, #tpu.memory_space<vmem>>
          %dma_wait3A_270 = arith.constant 0 : i32
          %dma_wait3A_271 = tpu.memref_slice %arg7[%sub3A_264, %dma_wait3A_270] : memref<84x128xi32, #tpu.memory_space<vmem>> -> memref<1x128xi32, #tpu.memory_space<vmem>>
          %dma_wait3A_272 = tpu.memref_squeeze %dma_wait3A_271 : memref<1x128xi32, #tpu.memory_space<vmem>> -> memref<128xi32, #tpu.memory_space<vmem>>
          %dma_wait3A_273 = arith.constant 0 : i32
          %dma_wait3A_274 = arith.constant 0 : i32
          %dma_wait3A_275 = tpu.memref_slice %arg9[%dma_wait3A_273, %dma_wait3A_274] : memref<10112x32xf32, #tpu.memory_space<vmem_shared>> -> memref<10112x32xf32, #tpu.memory_space<vmem_shared>>
          tpu.wait_indirect_dma semaphore(%arg16 : memref<!tpu.dma_semaphore, #tpu.memory_space<semaphore_mem>>) src(%dma_wait3A_269 : memref<128x32xf32, #tpu.memory_space<vmem>>) dst(%dma_wait3A_275 : memref<10112x32xf32, #tpu.memory_space<vmem_shared>>)
        } else {
        }
        %dma_start3A_252 = arith.constant 1 : i32
        %dma_start3A_253 = arith.constant 0 : i32
        %dma_start3A_254 = arith.constant 0 : i32
        %dma_start3A_255 = tpu.memref_slice %arg8[%dma_start3A_252, %dma_start3A_253, %dma_start3A_254] : memref<4x128x32xf32, #tpu.memory_space<vmem>> -> memref<1x128x32xf32, #tpu.memory_space<vmem>>
        %dma_start3A_256 = tpu.memref_squeeze %dma_start3A_255 : memref<1x128x32xf32, #tpu.memory_space<vmem>> -> memref<128x32xf32, #tpu.memory_space<vmem>>
        %dma_start3A_257 = arith.constant 0 : i32
        %dma_start3A_258 = tpu.memref_slice %arg6[%add3A_243, %dma_start3A_257] : memref<84x128xi32, #tpu.memory_space<vmem>> -> memref<1x128xi32, #tpu.memory_space<vmem>>
        %dma_start3A_259 = tpu.memref_squeeze %dma_start3A_258 : memref<1x128xi32, #tpu.memory_space<vmem>> -> memref<128xi32, #tpu.memory_space<vmem>>
        %dma_start3A_260 = arith.constant 0 : i32
        %dma_start3A_261 = arith.constant 0 : i32
        %dma_start3A_262 = tpu.memref_slice %arg10[%dma_start3A_260, %dma_start3A_261] : memref<10112x32xf32, #tpu.memory_space<vmem_shared>> -> memref<10112x32xf32, #tpu.memory_space<vmem_shared>>
        tpu.enqueue_indirect_dma source(%dma_start3A_262 : memref<10112x32xf32, #tpu.memory_space<vmem_shared>>) target(%dma_start3A_256 : memref<128x32xf32, #tpu.memory_space<vmem>>) offsets(%dma_start3A_259 : memref<128xi32, #tpu.memory_space<vmem>>) semaphore(%arg12 : memref<!tpu.dma_semaphore, #tpu.memory_space<semaphore_mem>>)
      } else {
      }
    }
    %sub3A_62 = arith.constant 4 : i32
    %sub3A_63 = arith.subi %select_n3A_10, %sub3A_62 : i32
    %add3A_64 = arith.constant 0 : i32
    %add3A_65 = arith.addi %sub3A_63, %add3A_64 : i32
    %dma_wait3A = arith.constant 0 : i32
    %dma_wait3A_66 = arith.constant 0 : i32
    %dma_wait3A_67 = arith.constant 0 : i32
    %dma_wait3A_68 = tpu.memref_slice %arg8[%dma_wait3A, %dma_wait3A_66, %dma_wait3A_67] : memref<4x128x32xf32, #tpu.memory_space<vmem>> -> memref<1x128x32xf32, #tpu.memory_space<vmem>>
    %dma_wait3A_69 = tpu.memref_squeeze %dma_wait3A_68 : memref<1x128x32xf32, #tpu.memory_space<vmem>> -> memref<128x32xf32, #tpu.memory_space<vmem>>
    %dma_wait3A_70 = arith.constant 0 : i32
    %dma_wait3A_71 = tpu.memref_slice %arg7[%add3A_65, %dma_wait3A_70] : memref<84x128xi32, #tpu.memory_space<vmem>> -> memref<1x128xi32, #tpu.memory_space<vmem>>
    %dma_wait3A_72 = tpu.memref_squeeze %dma_wait3A_71 : memref<1x128xi32, #tpu.memory_space<vmem>> -> memref<128xi32, #tpu.memory_space<vmem>>
    %dma_wait3A_73 = arith.constant 0 : i32
    %dma_wait3A_74 = arith.constant 0 : i32
    %dma_wait3A_75 = tpu.memref_slice %arg9[%dma_wait3A_73, %dma_wait3A_74] : memref<10112x32xf32, #tpu.memory_space<vmem_shared>> -> memref<10112x32xf32, #tpu.memory_space<vmem_shared>>
    tpu.wait_indirect_dma semaphore(%arg15 : memref<!tpu.dma_semaphore, #tpu.memory_space<semaphore_mem>>) src(%dma_wait3A_69 : memref<128x32xf32, #tpu.memory_space<vmem>>) dst(%dma_wait3A_75 : memref<10112x32xf32, #tpu.memory_space<vmem_shared>>)
    %sub3A_76 = arith.constant 4 : i32
    %sub3A_77 = arith.subi %select_n3A_10, %sub3A_76 : i32
    %add3A_78 = arith.constant 1 : i32
    %add3A_79 = arith.addi %sub3A_77, %add3A_78 : i32
    %dma_wait3A_80 = arith.constant 1 : i32
    %dma_wait3A_81 = arith.constant 0 : i32
    %dma_wait3A_82 = arith.constant 0 : i32
    %dma_wait3A_83 = tpu.memref_slice %arg8[%dma_wait3A_80, %dma_wait3A_81, %dma_wait3A_82] : memref<4x128x32xf32, #tpu.memory_space<vmem>> -> memref<1x128x32xf32, #tpu.memory_space<vmem>>
    %dma_wait3A_84 = tpu.memref_squeeze %dma_wait3A_83 : memref<1x128x32xf32, #tpu.memory_space<vmem>> -> memref<128x32xf32, #tpu.memory_space<vmem>>
    %dma_wait3A_85 = arith.constant 0 : i32
    %dma_wait3A_86 = tpu.memref_slice %arg7[%add3A_79, %dma_wait3A_85] : memref<84x128xi32, #tpu.memory_space<vmem>> -> memref<1x128xi32, #tpu.memory_space<vmem>>
    %dma_wait3A_87 = tpu.memref_squeeze %dma_wait3A_86 : memref<1x128xi32, #tpu.memory_space<vmem>> -> memref<128xi32, #tpu.memory_space<vmem>>
    %dma_wait3A_88 = arith.constant 0 : i32
    %dma_wait3A_89 = arith.constant 0 : i32
    %dma_wait3A_90 = tpu.memref_slice %arg9[%dma_wait3A_88, %dma_wait3A_89] : memref<10112x32xf32, #tpu.memory_space<vmem_shared>> -> memref<10112x32xf32, #tpu.memory_space<vmem_shared>>
    tpu.wait_indirect_dma semaphore(%arg16 : memref<!tpu.dma_semaphore, #tpu.memory_space<semaphore_mem>>) src(%dma_wait3A_84 : memref<128x32xf32, #tpu.memory_space<vmem>>) dst(%dma_wait3A_90 : memref<10112x32xf32, #tpu.memory_space<vmem_shared>>)
    %sub3A_91 = arith.constant 4 : i32
    %sub3A_92 = arith.subi %select_n3A_10, %sub3A_91 : i32
    %add3A_93 = arith.constant 2 : i32
    %add3A_94 = arith.addi %sub3A_92, %add3A_93 : i32
    %dma_wait3A_95 = arith.constant 2 : i32
    %dma_wait3A_96 = arith.constant 0 : i32
    %dma_wait3A_97 = arith.constant 0 : i32
    %dma_wait3A_98 = tpu.memref_slice %arg8[%dma_wait3A_95, %dma_wait3A_96, %dma_wait3A_97] : memref<4x128x32xf32, #tpu.memory_space<vmem>> -> memref<1x128x32xf32, #tpu.memory_space<vmem>>
    %dma_wait3A_99 = tpu.memref_squeeze %dma_wait3A_98 : memref<1x128x32xf32, #tpu.memory_space<vmem>> -> memref<128x32xf32, #tpu.memory_space<vmem>>
    %dma_wait3A_100 = arith.constant 0 : i32
    %dma_wait3A_101 = tpu.memref_slice %arg7[%add3A_94, %dma_wait3A_100] : memref<84x128xi32, #tpu.memory_space<vmem>> -> memref<1x128xi32, #tpu.memory_space<vmem>>
    %dma_wait3A_102 = tpu.memref_squeeze %dma_wait3A_101 : memref<1x128xi32, #tpu.memory_space<vmem>> -> memref<128xi32, #tpu.memory_space<vmem>>
    %dma_wait3A_103 = arith.constant 0 : i32
    %dma_wait3A_104 = arith.constant 0 : i32
    %dma_wait3A_105 = tpu.memref_slice %arg9[%dma_wait3A_103, %dma_wait3A_104] : memref<10112x32xf32, #tpu.memory_space<vmem_shared>> -> memref<10112x32xf32, #tpu.memory_space<vmem_shared>>
    tpu.wait_indirect_dma semaphore(%arg17 : memref<!tpu.dma_semaphore, #tpu.memory_space<semaphore_mem>>) src(%dma_wait3A_99 : memref<128x32xf32, #tpu.memory_space<vmem>>) dst(%dma_wait3A_105 : memref<10112x32xf32, #tpu.memory_space<vmem_shared>>)
    %sub3A_106 = arith.constant 4 : i32
    %sub3A_107 = arith.subi %select_n3A_10, %sub3A_106 : i32
    %add3A_108 = arith.constant 3 : i32
    %add3A_109 = arith.addi %sub3A_107, %add3A_108 : i32
    %dma_wait3A_110 = arith.constant 3 : i32
    %dma_wait3A_111 = arith.constant 0 : i32
    %dma_wait3A_112 = arith.constant 0 : i32
    %dma_wait3A_113 = tpu.memref_slice %arg8[%dma_wait3A_110, %dma_wait3A_111, %dma_wait3A_112] : memref<4x128x32xf32, #tpu.memory_space<vmem>> -> memref<1x128x32xf32, #tpu.memory_space<vmem>>
    %dma_wait3A_114 = tpu.memref_squeeze %dma_wait3A_113 : memref<1x128x32xf32, #tpu.memory_space<vmem>> -> memref<128x32xf32, #tpu.memory_space<vmem>>
    %dma_wait3A_115 = arith.constant 0 : i32
    %dma_wait3A_116 = tpu.memref_slice %arg7[%add3A_109, %dma_wait3A_115] : memref<84x128xi32, #tpu.memory_space<vmem>> -> memref<1x128xi32, #tpu.memory_space<vmem>>
    %dma_wait3A_117 = tpu.memref_squeeze %dma_wait3A_116 : memref<1x128xi32, #tpu.memory_space<vmem>> -> memref<128xi32, #tpu.memory_space<vmem>>
    %dma_wait3A_118 = arith.constant 0 : i32
    %dma_wait3A_119 = arith.constant 0 : i32
    %dma_wait3A_120 = tpu.memref_slice %arg9[%dma_wait3A_118, %dma_wait3A_119] : memref<10112x32xf32, #tpu.memory_space<vmem_shared>> -> memref<10112x32xf32, #tpu.memory_space<vmem_shared>>
    tpu.wait_indirect_dma semaphore(%arg18 : memref<!tpu.dma_semaphore, #tpu.memory_space<semaphore_mem>>) src(%dma_wait3A_114 : memref<128x32xf32, #tpu.memory_space<vmem>>) dst(%dma_wait3A_120 : memref<10112x32xf32, #tpu.memory_space<vmem_shared>>)
    %barrier3A_121 = arith.constant 0 : index
    tpu.barrier barrier_id(%barrier3A_121)
    "tpu.region"() ({
      %run_scoped3A_122 = tpu.sem_alloc : memref<!tpu.dma_semaphore, #tpu.memory_space<semaphore_mem>>
      %dma_start3A_123 = arith.constant 0 : i32
      %dma_start3A_124 = tpu.memref_slice %arg5[%arg0, %mul3A_0, %dma_start3A_123] : memref<2x10112x32xf32, #tpu.memory_space<hbm>> -> memref<1x632x32xf32, #tpu.memory_space<hbm>>
      %dma_start3A_125 = tpu.memref_squeeze %dma_start3A_124 : memref<1x632x32xf32, #tpu.memory_space<hbm>> -> memref<632x32xf32, #tpu.memory_space<hbm>>
      %dma_start3A_126 = arith.constant 0 : i32
      %dma_start3A_127 = tpu.memref_slice %arg9[%mul3A_0, %dma_start3A_126] : memref<10112x32xf32, #tpu.memory_space<vmem_shared>> -> memref<632x32xf32, #tpu.memory_space<vmem_shared>>
      tpu.enqueue_dma source(%dma_start3A_127 : memref<632x32xf32, #tpu.memory_space<vmem_shared>>) target(%dma_start3A_125 : memref<632x32xf32, #tpu.memory_space<hbm>>) target_semaphore(%run_scoped3A_122 : memref<!tpu.dma_semaphore, #tpu.memory_space<semaphore_mem>>)
      %dma_wait3A_128 = arith.constant 0 : i32
      %dma_wait3A_129 = tpu.memref_slice %arg5[%arg0, %mul3A_0, %dma_wait3A_128] : memref<2x10112x32xf32, #tpu.memory_space<hbm>> -> memref<1x632x32xf32, #tpu.memory_space<hbm>>
      %dma_wait3A_130 = tpu.memref_squeeze %dma_wait3A_129 : memref<1x632x32xf32, #tpu.memory_space<hbm>> -> memref<632x32xf32, #tpu.memory_space<hbm>>
      %dma_wait3A_131 = arith.constant 0 : i32
      %dma_wait3A_132 = tpu.memref_slice %arg9[%mul3A_0, %dma_wait3A_131] : memref<10112x32xf32, #tpu.memory_space<vmem_shared>> -> memref<632x32xf32, #tpu.memory_space<vmem_shared>>
      tpu.wait_dma2 semaphore(%run_scoped3A_122 : memref<!tpu.dma_semaphore, #tpu.memory_space<semaphore_mem>>) src(%dma_wait3A_132 : memref<632x32xf32, #tpu.memory_space<vmem_shared>>) dst(%dma_wait3A_130 : memref<632x32xf32, #tpu.memory_space<hbm>>)
      tpu.yield
    }) : () -> ()
    return
  }
}

module attributes {stable_mosaic.version = 14 : i64} {
  func.func @body(%arg0: i32, %arg1: memref<1264x128xf32, #tpu.memory_space<vmem>>, %arg2: memref<128x32xf32, #tpu.memory_space<vmem>>, %arg3: memref<1264x32xf32, #tpu.memory_space<vmem>>) attributes {dimension_semantics = [#tpu.dimension_semantics<arbitrary>], iteration_bounds = array<i64: 8>, scalar_prefetch = 0 : i64, scratch_operands = 0 : i64, tpu.core_type = #tpu.core_type<tc>, window_params = [{transform_indices = @transform_0, window_bounds = array<i64: 1264, 128>}, {pipeline_mode = #tpu.pipeline_mode<synchronous>, transform_indices = @transform_1, window_bounds = array<i64: 128, 32>}, {transform_indices = @transform_2, window_bounds = array<i64: 1264, 32>}]} {
    %get3A = arith.constant 0 : index
    %get3A_0 = arith.constant 0 : index
    %get3A_1 = vector.load %arg1[%get3A, %get3A_0] : memref<1264x128xf32, #tpu.memory_space<vmem>>, vector<1264x128xf32>
    %get3A_2 = arith.constant 0 : index
    %get3A_3 = arith.constant 0 : index
    %get3A_4 = vector.load %arg2[%get3A_2, %get3A_3] : memref<128x32xf32, #tpu.memory_space<vmem>>, vector<128x32xf32>
    %dot_general3A = arith.constant dense<0.000000e+00> : vector<1264x32xf32>
    %dot_general3A_5 = tpu.matmul %get3A_1, %get3A_4, %dot_general3A {dimension_numbers = #tpu.dot_dimension_numbers<[1], [0], [0], [1], [0, 0, 1, 1], [], []>, transpose_lhs_hint = false} : vector<1264x128xf32>, vector<128x32xf32>, vector<1264x32xf32> -> vector<1264x32xf32>
    %swap3A = arith.constant 0 : index
    %swap3A_6 = arith.constant 0 : index
    %swap3A_7 = vector.load %arg3[%swap3A, %swap3A_6] : memref<1264x32xf32, #tpu.memory_space<vmem>>, vector<1264x32xf32>
    tpu.vector_store %arg3[%swap3A, %swap3A_6], %dot_general3A_5 {strides = array<i32>} : memref<1264x32xf32, #tpu.memory_space<vmem>>, vector<1264x32xf32>,
    return
  }
  func.func @transform_0(%arg0: i32) -> (i32, i32) {
    %c0_i32 = arith.constant 0 : i32
    %c0_i32_0 = arith.constant 0 : i32
    return %arg0, %c0_i32 : i32, i32
  }
  func.func @transform_1(%arg0: i32) -> (i32, i32) {
    %c0_i32 = arith.constant 0 : i32
    %c0_i32_0 = arith.constant 0 : i32
    %c0_i32_1 = arith.constant 0 : i32
    return %c0_i32, %c0_i32_0 : i32, i32
  }
  func.func @transform_2(%arg0: i32) -> (i32, i32) {
    %c0_i32 = arith.constant 0 : i32
    %c0_i32_0 = arith.constant 0 : i32
    return %arg0, %c0_i32 : i32, i32
  }
}

module attributes {stable_mosaic.version = 14 : i64} {
  func.func @body(%arg0: i32, %arg1: memref<1x1264x8xf32, #tpu.memory_space<vmem>>, %arg2: memref<1x1264x8xf32, #tpu.memory_space<vmem>>, %arg3: memref<1264x32xf32, #tpu.memory_space<vmem>>, %arg4: memref<1264x1xf32, #tpu.memory_space<vmem>>, %arg5: memref<1264x32xf32, #tpu.memory_space<vmem>>) attributes {dimension_semantics = [#tpu.dimension_semantics<arbitrary>], iteration_bounds = array<i64: 8>, scalar_prefetch = 0 : i64, scratch_operands = 0 : i64, tpu.core_type = #tpu.core_type<tc>, window_params = [{transform_indices = @transform_0, window_bounds = array<i64: 1, 1264, 8>}, {transform_indices = @transform_1, window_bounds = array<i64: 1, 1264, 8>}, {transform_indices = @transform_2, window_bounds = array<i64: 1264, 32>}, {transform_indices = @transform_3, window_bounds = array<i64: 1264, 1>}, {transform_indices = @transform_4, window_bounds = array<i64: 1264, 32>}]} {
    %get3A = arith.constant 0 : index
    %get3A_0 = arith.constant 0 : index
    %get3A_1 = arith.constant 0 : index
    %get3A_2 = vector.load %arg1[%get3A, %get3A_0, %get3A_1] : memref<1x1264x8xf32, #tpu.memory_space<vmem>>, vector<1x1264x1xf32>
    %get3A_3 = vector.shape_cast %get3A_2 : vector<1x1264x1xf32> to vector<1264x1xf32>
    %get3A_4 = arith.constant 0 : index
    %get3A_5 = arith.constant 0 : index
    %get3A_6 = arith.constant 0 : index
    %get3A_7 = vector.load %arg2[%get3A_4, %get3A_5, %get3A_6] : memref<1x1264x8xf32, #tpu.memory_space<vmem>>, vector<1x1264x1xf32>
    %get3A_8 = vector.shape_cast %get3A_7 : vector<1x1264x1xf32> to vector<1264x1xf32>
    %add3A = arith.addf %get3A_3, %get3A_8 : vector<1264x1xf32>
    %add3A_9 = arith.constant 1.000000e+00 : f32
    %add3A_10 = vector.broadcast %add3A_9 : f32 to vector<1264x1xf32>
    %add3A_11 = arith.addf %add3A, %add3A_10 : vector<1264x1xf32>
    %rsqrt3A = math.rsqrt %add3A_11 : vector<1264x1xf32>
    %swap3A = arith.constant 0 : index
    %swap3A_12 = arith.constant 0 : index
    %swap3A_13 = vector.load %arg4[%swap3A, %swap3A_12] : memref<1264x1xf32, #tpu.memory_space<vmem>>, vector<1264x1xf32>
    tpu.vector_store %arg4[%swap3A, %swap3A_12], %rsqrt3A {strides = array<i32>} : memref<1264x1xf32, #tpu.memory_space<vmem>>, vector<1264x1xf32>,
    %get3A_14 = arith.constant 0 : index
    %get3A_15 = arith.constant 0 : index
    %get3A_16 = vector.load %arg3[%get3A_14, %get3A_15] : memref<1264x32xf32, #tpu.memory_space<vmem>>, vector<1264x32xf32>
    %mul3A = vector.broadcast %rsqrt3A : vector<1264x1xf32> to vector<1264x32xf32>
    %mul3A_17 = arith.mulf %get3A_16, %mul3A : vector<1264x32xf32>
    %swap3A_18 = arith.constant 0 : index
    %swap3A_19 = arith.constant 0 : index
    %swap3A_20 = vector.load %arg5[%swap3A_18, %swap3A_19] : memref<1264x32xf32, #tpu.memory_space<vmem>>, vector<1264x32xf32>
    tpu.vector_store %arg5[%swap3A_18, %swap3A_19], %mul3A_17 {strides = array<i32>} : memref<1264x32xf32, #tpu.memory_space<vmem>>, vector<1264x32xf32>,
    return
  }
  func.func @transform_0(%arg0: i32) -> (i32, i32, i32) {
    %c0_i32 = arith.constant 0 : i32
    %c0_i32_0 = arith.constant 0 : i32
    %c0_i32_1 = arith.constant 0 : i32
    return %c0_i32, %arg0, %c0_i32_0 : i32, i32, i32
  }
  func.func @transform_1(%arg0: i32) -> (i32, i32, i32) {
    %c1_i32 = arith.constant 1 : i32
    %c0_i32 = arith.constant 0 : i32
    %c0_i32_0 = arith.constant 0 : i32
    return %c1_i32, %arg0, %c0_i32 : i32, i32, i32
  }
  func.func @transform_2(%arg0: i32) -> (i32, i32) {
    %c0_i32 = arith.constant 0 : i32
    %c0_i32_0 = arith.constant 0 : i32
    return %arg0, %c0_i32 : i32, i32
  }
  func.func @transform_3(%arg0: i32) -> (i32, i32) {
    %c0_i32 = arith.constant 0 : i32
    %c0_i32_0 = arith.constant 0 : i32
    return %arg0, %c0_i32 : i32, i32
  }
  func.func @transform_4(%arg0: i32) -> (i32, i32) {
    %c0_i32 = arith.constant 0 : i32
    %c0_i32_0 = arith.constant 0 : i32
    return %arg0, %c0_i32 : i32, i32
  }
}

module attributes {stable_mosaic.version = 14 : i64} {
  func.func @body(%arg0: memref<10112x1xf32, #tpu.memory_space<vmem>>, %arg1: memref<2x10112x32xf32, #tpu.memory_space<any>>, %arg2: memref<10112x32xf32, #tpu.memory_space<any>>, %arg3: memref<32x32xf32, #tpu.memory_space<vmem>>, %arg4: memref<1x32xf32, #tpu.memory_space<vmem>>, %arg5: memref<10112x32xf32, #tpu.memory_space<any>>, %arg6: memref<2x10112x32xf32, #tpu.memory_space<vmem>>, %arg7: memref<10112x32xf32, #tpu.memory_space<vmem>>, %arg8: memref<10112x32xf32, #tpu.memory_space<vmem>>, %arg9: memref<!tpu.dma_semaphore, #tpu.memory_space<semaphore_mem>>) attributes {dimension_semantics = [], scalar_prefetch = 0 : i64, scratch_operands = 4 : i64, tpu.core_type = #tpu.core_type<tc>} {
    %dma_start3A = arith.constant 0 : i32
    %dma_start3A_0 = arith.constant 0 : i32
    %dma_start3A_1 = arith.constant 0 : i32
    %dma_start3A_2 = arith.constant 0 : i32
    %dma_start3A_3 = tpu.memref_slice %arg6[%dma_start3A_0, %dma_start3A_1, %dma_start3A_2] : memref<2x10112x32xf32, #tpu.memory_space<vmem>> -> memref<1x10112x32xf32, #tpu.memory_space<vmem>>
    %dma_start3A_4 = tpu.memref_squeeze %dma_start3A_3 : memref<1x10112x32xf32, #tpu.memory_space<vmem>> -> memref<10112x32xf32, #tpu.memory_space<vmem>>
    %dma_start3A_5 = arith.constant 0 : i32
    %dma_start3A_6 = arith.constant 0 : i32
    %dma_start3A_7 = tpu.memref_slice %arg1[%dma_start3A, %dma_start3A_5, %dma_start3A_6] : memref<2x10112x32xf32, #tpu.memory_space<any>> -> memref<1x10112x32xf32, #tpu.memory_space<any>>
    %dma_start3A_8 = tpu.memref_squeeze %dma_start3A_7 : memref<1x10112x32xf32, #tpu.memory_space<any>> -> memref<10112x32xf32, #tpu.memory_space<any>>
    tpu.enqueue_dma source(%dma_start3A_8 : memref<10112x32xf32, #tpu.memory_space<any>>) target(%dma_start3A_4 : memref<10112x32xf32, #tpu.memory_space<vmem>>) target_semaphore(%arg9 : memref<!tpu.dma_semaphore, #tpu.memory_space<semaphore_mem>>)
    %dma_wait3A = arith.constant 0 : i32
    %dma_wait3A_9 = arith.constant 0 : i32
    %dma_wait3A_10 = arith.constant 0 : i32
    %dma_wait3A_11 = arith.constant 0 : i32
    %dma_wait3A_12 = tpu.memref_slice %arg6[%dma_wait3A_9, %dma_wait3A_10, %dma_wait3A_11] : memref<2x10112x32xf32, #tpu.memory_space<vmem>> -> memref<1x10112x32xf32, #tpu.memory_space<vmem>>
    %dma_wait3A_13 = tpu.memref_squeeze %dma_wait3A_12 : memref<1x10112x32xf32, #tpu.memory_space<vmem>> -> memref<10112x32xf32, #tpu.memory_space<vmem>>
    %dma_wait3A_14 = arith.constant 0 : i32
    %dma_wait3A_15 = arith.constant 0 : i32
    %dma_wait3A_16 = tpu.memref_slice %arg1[%dma_wait3A, %dma_wait3A_14, %dma_wait3A_15] : memref<2x10112x32xf32, #tpu.memory_space<any>> -> memref<1x10112x32xf32, #tpu.memory_space<any>>
    %dma_wait3A_17 = tpu.memref_squeeze %dma_wait3A_16 : memref<1x10112x32xf32, #tpu.memory_space<any>> -> memref<10112x32xf32, #tpu.memory_space<any>>
    tpu.wait_dma2 semaphore(%arg9 : memref<!tpu.dma_semaphore, #tpu.memory_space<semaphore_mem>>) src(%dma_wait3A_17 : memref<10112x32xf32, #tpu.memory_space<any>>) dst(%dma_wait3A_13 : memref<10112x32xf32, #tpu.memory_space<vmem>>)
    %dma_start3A_18 = arith.constant 1 : i32
    %dma_start3A_19 = arith.constant 1 : i32
    %dma_start3A_20 = arith.constant 0 : i32
    %dma_start3A_21 = arith.constant 0 : i32
    %dma_start3A_22 = tpu.memref_slice %arg6[%dma_start3A_19, %dma_start3A_20, %dma_start3A_21] : memref<2x10112x32xf32, #tpu.memory_space<vmem>> -> memref<1x10112x32xf32, #tpu.memory_space<vmem>>
    %dma_start3A_23 = tpu.memref_squeeze %dma_start3A_22 : memref<1x10112x32xf32, #tpu.memory_space<vmem>> -> memref<10112x32xf32, #tpu.memory_space<vmem>>
    %dma_start3A_24 = arith.constant 0 : i32
    %dma_start3A_25 = arith.constant 0 : i32
    %dma_start3A_26 = tpu.memref_slice %arg1[%dma_start3A_18, %dma_start3A_24, %dma_start3A_25] : memref<2x10112x32xf32, #tpu.memory_space<any>> -> memref<1x10112x32xf32, #tpu.memory_space<any>>
    %dma_start3A_27 = tpu.memref_squeeze %dma_start3A_26 : memref<1x10112x32xf32, #tpu.memory_space<any>> -> memref<10112x32xf32, #tpu.memory_space<any>>
    tpu.enqueue_dma source(%dma_start3A_27 : memref<10112x32xf32, #tpu.memory_space<any>>) target(%dma_start3A_23 : memref<10112x32xf32, #tpu.memory_space<vmem>>) target_semaphore(%arg9 : memref<!tpu.dma_semaphore, #tpu.memory_space<semaphore_mem>>)
    %dma_wait3A_28 = arith.constant 1 : i32
    %dma_wait3A_29 = arith.constant 1 : i32
    %dma_wait3A_30 = arith.constant 0 : i32
    %dma_wait3A_31 = arith.constant 0 : i32
    %dma_wait3A_32 = tpu.memref_slice %arg6[%dma_wait3A_29, %dma_wait3A_30, %dma_wait3A_31] : memref<2x10112x32xf32, #tpu.memory_space<vmem>> -> memref<1x10112x32xf32, #tpu.memory_space<vmem>>
    %dma_wait3A_33 = tpu.memref_squeeze %dma_wait3A_32 : memref<1x10112x32xf32, #tpu.memory_space<vmem>> -> memref<10112x32xf32, #tpu.memory_space<vmem>>
    %dma_wait3A_34 = arith.constant 0 : i32
    %dma_wait3A_35 = arith.constant 0 : i32
    %dma_wait3A_36 = tpu.memref_slice %arg1[%dma_wait3A_28, %dma_wait3A_34, %dma_wait3A_35] : memref<2x10112x32xf32, #tpu.memory_space<any>> -> memref<1x10112x32xf32, #tpu.memory_space<any>>
    %dma_wait3A_37 = tpu.memref_squeeze %dma_wait3A_36 : memref<1x10112x32xf32, #tpu.memory_space<any>> -> memref<10112x32xf32, #tpu.memory_space<any>>
    tpu.wait_dma2 semaphore(%arg9 : memref<!tpu.dma_semaphore, #tpu.memory_space<semaphore_mem>>) src(%dma_wait3A_37 : memref<10112x32xf32, #tpu.memory_space<any>>) dst(%dma_wait3A_33 : memref<10112x32xf32, #tpu.memory_space<vmem>>)
    tpu.enqueue_dma source(%arg2 : memref<10112x32xf32, #tpu.memory_space<any>>) target(%arg7 : memref<10112x32xf32, #tpu.memory_space<vmem>>) target_semaphore(%arg9 : memref<!tpu.dma_semaphore, #tpu.memory_space<semaphore_mem>>)
    tpu.wait_dma2 semaphore(%arg9 : memref<!tpu.dma_semaphore, #tpu.memory_space<semaphore_mem>>) src(%arg2 : memref<10112x32xf32, #tpu.memory_space<any>>) dst(%arg7 : memref<10112x32xf32, #tpu.memory_space<vmem>>)
    %get3A = arith.constant 0 : index
    %get3A_38 = arith.constant 0 : index
    %get3A_39 = vector.load %arg0[%get3A, %get3A_38] : memref<10112x1xf32, #tpu.memory_space<vmem>>, vector<10112x1xf32>
    %get3A_40 = arith.constant 0 : index
    %get3A_41 = arith.constant 0 : index
    %get3A_42 = arith.constant 0 : index
    %get3A_43 = vector.load %arg6[%get3A_40, %get3A_41, %get3A_42] : memref<2x10112x32xf32, #tpu.memory_space<vmem>>, vector<1x10112x32xf32>
    %get3A_44 = vector.shape_cast %get3A_43 : vector<1x10112x32xf32> to vector<10112x32xf32>
    %get3A_45 = arith.constant 1 : index
    %get3A_46 = arith.constant 0 : index
    %get3A_47 = arith.constant 0 : index
    %get3A_48 = vector.load %arg6[%get3A_45, %get3A_46, %get3A_47] : memref<2x10112x32xf32, #tpu.memory_space<vmem>>, vector<1x10112x32xf32>
    %get3A_49 = vector.shape_cast %get3A_48 : vector<1x10112x32xf32> to vector<10112x32xf32>
    %add3A = arith.addf %get3A_44, %get3A_49 : vector<10112x32xf32>
    %get3A_50 = arith.constant 0 : index
    %get3A_51 = arith.constant 0 : index
    %get3A_52 = vector.load %arg7[%get3A_50, %get3A_51] : memref<10112x32xf32, #tpu.memory_space<vmem>>, vector<10112x32xf32>
    %add3A_53 = arith.addf %add3A, %get3A_52 : vector<10112x32xf32>
    %mul3A = vector.broadcast %get3A_39 : vector<10112x1xf32> to vector<10112x32xf32>
    %mul3A_54 = arith.mulf %mul3A, %add3A_53 : vector<10112x32xf32>
    %get3A_55 = arith.constant 0 : index
    %get3A_56 = arith.constant 0 : index
    %get3A_57 = vector.load %arg4[%get3A_55, %get3A_56] : memref<1x32xf32, #tpu.memory_space<vmem>>, vector<1x32xf32>
    %add3A_58 = vector.broadcast %get3A_57 : vector<1x32xf32> to vector<10112x32xf32>
    %add3A_59 = arith.addf %mul3A_54, %add3A_58 : vector<10112x32xf32>
    %get3A_60 = arith.constant 0 : index
    %get3A_61 = arith.constant 0 : index
    %get3A_62 = vector.load %arg0[%get3A_60, %get3A_61] : memref<10112x1xf32, #tpu.memory_space<vmem>>, vector<10112x1xf32>
    %get3A_63 = arith.constant 0 : index
    %get3A_64 = arith.constant 0 : index
    %get3A_65 = vector.load %arg3[%get3A_63, %get3A_64] : memref<32x32xf32, #tpu.memory_space<vmem>>, vector<32x32xf32>
    %dot_general3A = arith.constant dense<0.000000e+00> : vector<10112x32xf32>
    %dot_general3A_66 = tpu.matmul %add3A_59, %get3A_65, %dot_general3A {dimension_numbers = #tpu.dot_dimension_numbers<[1], [0], [0], [1], [0, 0, 1, 1], [], []>, transpose_lhs_hint = false} : vector<10112x32xf32>, vector<32x32xf32>, vector<10112x32xf32> -> vector<10112x32xf32>
    %mul3A_67 = vector.broadcast %get3A_62 : vector<10112x1xf32> to vector<10112x32xf32>
    %mul3A_68 = arith.mulf %mul3A_67, %dot_general3A_66 : vector<10112x32xf32>
    %swap3A = arith.constant 0 : index
    %swap3A_69 = arith.constant 0 : index
    %swap3A_70 = vector.load %arg8[%swap3A, %swap3A_69] : memref<10112x32xf32, #tpu.memory_space<vmem>>, vector<10112x32xf32>
    tpu.vector_store %arg8[%swap3A, %swap3A_69], %mul3A_68 {strides = array<i32>} : memref<10112x32xf32, #tpu.memory_space<vmem>>, vector<10112x32xf32>,
    tpu.enqueue_dma source(%arg8 : memref<10112x32xf32, #tpu.memory_space<vmem>>) target(%arg5 : memref<10112x32xf32, #tpu.memory_space<any>>) target_semaphore(%arg9 : memref<!tpu.dma_semaphore, #tpu.memory_space<semaphore_mem>>)
    tpu.wait_dma2 semaphore(%arg9 : memref<!tpu.dma_semaphore, #tpu.memory_space<semaphore_mem>>) src(%arg8 : memref<10112x32xf32, #tpu.memory_space<vmem>>) dst(%arg5 : memref<10112x32xf32, #tpu.memory_space<any>>)
    return
  }
}

module attributes {stable_mosaic.version = 14 : i64} {
  func.func @body(%arg0: i32, %arg1: memref<1264x1xf32, #tpu.memory_space<vmem>>, %arg2: memref<1x1264x32xf32, #tpu.memory_space<vmem>>, %arg3: memref<1x1264x32xf32, #tpu.memory_space<vmem>>, %arg4: memref<1264x32xf32, #tpu.memory_space<vmem>>, %arg5: memref<32x8xf32, #tpu.memory_space<vmem>>, %arg6: memref<32x8xf32, #tpu.memory_space<vmem>>, %arg7: memref<1x32xf32, #tpu.memory_space<vmem>>, %arg8: memref<1264x8xf32, #tpu.memory_space<vmem>>) attributes {dimension_semantics = [#tpu.dimension_semantics<arbitrary>], iteration_bounds = array<i64: 8>, scalar_prefetch = 0 : i64, scratch_operands = 0 : i64, tpu.core_type = #tpu.core_type<tc>, window_params = [{transform_indices = @transform_0, window_bounds = array<i64: 1264, 1>}, {transform_indices = @transform_1, window_bounds = array<i64: 1, 1264, 32>}, {transform_indices = @transform_2, window_bounds = array<i64: 1, 1264, 32>}, {transform_indices = @transform_3, window_bounds = array<i64: 1264, 32>}, {pipeline_mode = #tpu.pipeline_mode<synchronous>, transform_indices = @transform_4, window_bounds = array<i64: 32, 8>}, {pipeline_mode = #tpu.pipeline_mode<synchronous>, transform_indices = @transform_5, window_bounds = array<i64: 32, 8>}, {pipeline_mode = #tpu.pipeline_mode<synchronous>, transform_indices = @transform_6, window_bounds = array<i64: 1, 32>}, {transform_indices = @transform_7, window_bounds = array<i64: 1264, 8>}]} {
    %get3A = arith.constant 0 : index
    %get3A_0 = arith.constant 0 : index
    %get3A_1 = vector.load %arg1[%get3A, %get3A_0] : memref<1264x1xf32, #tpu.memory_space<vmem>>, vector<1264x1xf32>
    %get3A_2 = arith.constant 0 : index
    %get3A_3 = arith.constant 0 : index
    %get3A_4 = arith.constant 0 : index
    %get3A_5 = vector.load %arg2[%get3A_2, %get3A_3, %get3A_4] : memref<1x1264x32xf32, #tpu.memory_space<vmem>>, vector<1x1264x32xf32>
    %get3A_6 = vector.shape_cast %get3A_5 : vector<1x1264x32xf32> to vector<1264x32xf32>
    %get3A_7 = arith.constant 0 : index
    %get3A_8 = arith.constant 0 : index
    %get3A_9 = arith.constant 0 : index
    %get3A_10 = vector.load %arg3[%get3A_7, %get3A_8, %get3A_9] : memref<1x1264x32xf32, #tpu.memory_space<vmem>>, vector<1x1264x32xf32>
    %get3A_11 = vector.shape_cast %get3A_10 : vector<1x1264x32xf32> to vector<1264x32xf32>
    %add3A = arith.addf %get3A_6, %get3A_11 : vector<1264x32xf32>
    %get3A_12 = arith.constant 0 : index
    %get3A_13 = arith.constant 0 : index
    %get3A_14 = vector.load %arg4[%get3A_12, %get3A_13] : memref<1264x32xf32, #tpu.memory_space<vmem>>, vector<1264x32xf32>
    %add3A_15 = arith.addf %add3A, %get3A_14 : vector<1264x32xf32>
    %mul3A = vector.broadcast %get3A_1 : vector<1264x1xf32> to vector<1264x32xf32>
    %mul3A_16 = arith.mulf %mul3A, %add3A_15 : vector<1264x32xf32>
    %get3A_17 = arith.constant 0 : index
    %get3A_18 = arith.constant 0 : index
    %get3A_19 = vector.load %arg7[%get3A_17, %get3A_18] : memref<1x32xf32, #tpu.memory_space<vmem>>, vector<1x32xf32>
    %add3A_20 = vector.broadcast %get3A_19 : vector<1x32xf32> to vector<1264x32xf32>
    %add3A_21 = arith.addf %mul3A_16, %add3A_20 : vector<1264x32xf32>
    %max3A = arith.constant 0.000000e+00 : f32
    %max3A_22 = vector.broadcast %max3A : f32 to vector<1264x32xf32>
    %max3A_23 = arith.maximumf %add3A_21, %max3A_22 : vector<1264x32xf32>
    %get3A_24 = arith.constant 0 : index
    %get3A_25 = arith.constant 0 : index
    %get3A_26 = vector.load %arg5[%get3A_24, %get3A_25] : memref<32x8xf32, #tpu.memory_space<vmem>>, vector<32x8xf32>
    %dot_general3A = arith.constant dense<0.000000e+00> : vector<1264x8xf32>
    %dot_general3A_27 = tpu.matmul %max3A_23, %get3A_26, %dot_general3A {dimension_numbers = #tpu.dot_dimension_numbers<[1], [0], [0], [1], [0, 0, 1, 1], [], []>, transpose_lhs_hint = false} : vector<1264x32xf32>, vector<32x8xf32>, vector<1264x8xf32> -> vector<1264x8xf32>
    %get3A_28 = arith.constant 0 : index
    %get3A_29 = arith.constant 0 : index
    %get3A_30 = vector.load %arg6[%get3A_28, %get3A_29] : memref<32x8xf32, #tpu.memory_space<vmem>>, vector<32x8xf32>
    %dot_general3A_31 = arith.constant dense<0.000000e+00> : vector<1264x8xf32>
    %dot_general3A_32 = tpu.matmul %add3A_21, %get3A_30, %dot_general3A_31 {dimension_numbers = #tpu.dot_dimension_numbers<[1], [0], [0], [1], [0, 0, 1, 1], [], []>, transpose_lhs_hint = false} : vector<1264x32xf32>, vector<32x8xf32>, vector<1264x8xf32> -> vector<1264x8xf32>
    %add3A_33 = arith.addf %dot_general3A_27, %dot_general3A_32 : vector<1264x8xf32>
    %get3A_34 = arith.constant 0 : index
    %get3A_35 = arith.constant 0 : index
    %get3A_36 = vector.load %arg1[%get3A_34, %get3A_35] : memref<1264x1xf32, #tpu.memory_space<vmem>>, vector<1264x1xf32>
    %mul3A_37 = vector.broadcast %get3A_36 : vector<1264x1xf32> to vector<1264x8xf32>
    %mul3A_38 = arith.mulf %mul3A_37, %add3A_33 : vector<1264x8xf32>
    %swap3A = arith.constant 0 : index
    %swap3A_39 = arith.constant 0 : index
    %swap3A_40 = vector.load %arg8[%swap3A, %swap3A_39] : memref<1264x8xf32, #tpu.memory_space<vmem>>, vector<1264x8xf32>
    tpu.vector_store %arg8[%swap3A, %swap3A_39], %mul3A_38 {strides = array<i32>} : memref<1264x8xf32, #tpu.memory_space<vmem>>, vector<1264x8xf32>,
    return
  }
  func.func @transform_0(%arg0: i32) -> (i32, i32) {
    %c0_i32 = arith.constant 0 : i32
    %c0_i32_0 = arith.constant 0 : i32
    return %arg0, %c0_i32 : i32, i32
  }
  func.func @transform_1(%arg0: i32) -> (i32, i32, i32) {
    %c0_i32 = arith.constant 0 : i32
    %c0_i32_0 = arith.constant 0 : i32
    %c0_i32_1 = arith.constant 0 : i32
    return %c0_i32, %arg0, %c0_i32_0 : i32, i32, i32
  }
  func.func @transform_2(%arg0: i32) -> (i32, i32, i32) {
    %c1_i32 = arith.constant 1 : i32
    %c0_i32 = arith.constant 0 : i32
    %c0_i32_0 = arith.constant 0 : i32
    return %c1_i32, %arg0, %c0_i32 : i32, i32, i32
  }
  func.func @transform_3(%arg0: i32) -> (i32, i32) {
    %c0_i32 = arith.constant 0 : i32
    %c0_i32_0 = arith.constant 0 : i32
    return %arg0, %c0_i32 : i32, i32
  }
  func.func @transform_4(%arg0: i32) -> (i32, i32) {
    %c0_i32 = arith.constant 0 : i32
    %c0_i32_0 = arith.constant 0 : i32
    %c0_i32_1 = arith.constant 0 : i32
    return %c0_i32, %c0_i32_0 : i32, i32
  }
  func.func @transform_5(%arg0: i32) -> (i32, i32) {
    %c0_i32 = arith.constant 0 : i32
    %c0_i32_0 = arith.constant 0 : i32
    %c0_i32_1 = arith.constant 0 : i32
    return %c0_i32, %c0_i32_0 : i32, i32
  }
  func.func @transform_6(%arg0: i32) -> (i32, i32) {
    %c0_i32 = arith.constant 0 : i32
    %c0_i32_0 = arith.constant 0 : i32
    %c0_i32_1 = arith.constant 0 : i32
    return %c0_i32, %c0_i32_0 : i32, i32
  }
  func.func @transform_7(%arg0: i32) -> (i32, i32) {
    %c0_i32 = arith.constant 0 : i32
    %c0_i32_0 = arith.constant 0 : i32
    return %arg0, %c0_i32 : i32, i32
  }
}

module attributes {stable_mosaic.version = 14 : i64} {
  func.func @body(%arg0: i32, %arg1: memref<1264x1xf32, #tpu.memory_space<vmem>>, %arg2: memref<1x1264x8xf32, #tpu.memory_space<vmem>>, %arg3: memref<1x1264x8xf32, #tpu.memory_space<vmem>>, %arg4: memref<1264x8xf32, #tpu.memory_space<vmem>>, %arg5: memref<1x8xf32, #tpu.memory_space<vmem>>, %arg6: memref<1264x1xf32, #tpu.memory_space<vmem>>, %arg7: memref<1264x1xf32, #tpu.memory_space<vmem>>) attributes {dimension_semantics = [#tpu.dimension_semantics<arbitrary>], iteration_bounds = array<i64: 8>, scalar_prefetch = 0 : i64, scratch_operands = 0 : i64, tpu.core_type = #tpu.core_type<tc>, window_params = [{transform_indices = @transform_0, window_bounds = array<i64: 1264, 1>}, {transform_indices = @transform_1, window_bounds = array<i64: 1, 1264, 8>}, {transform_indices = @transform_2, window_bounds = array<i64: 1, 1264, 8>}, {transform_indices = @transform_3, window_bounds = array<i64: 1264, 8>}, {pipeline_mode = #tpu.pipeline_mode<synchronous>, transform_indices = @transform_4, window_bounds = array<i64: 1, 8>}, {transform_indices = @transform_5, window_bounds = array<i64: 1264, 1>}, {transform_indices = @transform_6, window_bounds = array<i64: 1264, 1>}]} {
    %get3A = arith.constant 0 : index
    %get3A_0 = arith.constant 0 : index
    %get3A_1 = vector.load %arg1[%get3A, %get3A_0] : memref<1264x1xf32, #tpu.memory_space<vmem>>, vector<1264x1xf32>
    %get3A_2 = arith.constant 0 : index
    %get3A_3 = arith.constant 0 : index
    %get3A_4 = arith.constant 0 : index
    %get3A_5 = vector.load %arg2[%get3A_2, %get3A_3, %get3A_4] : memref<1x1264x8xf32, #tpu.memory_space<vmem>>, vector<1x1264x8xf32>
    %get3A_6 = vector.shape_cast %get3A_5 : vector<1x1264x8xf32> to vector<1264x8xf32>
    %get3A_7 = arith.constant 0 : index
    %get3A_8 = arith.constant 0 : index
    %get3A_9 = arith.constant 0 : index
    %get3A_10 = vector.load %arg3[%get3A_7, %get3A_8, %get3A_9] : memref<1x1264x8xf32, #tpu.memory_space<vmem>>, vector<1x1264x8xf32>
    %get3A_11 = vector.shape_cast %get3A_10 : vector<1x1264x8xf32> to vector<1264x8xf32>
    %add3A = arith.addf %get3A_6, %get3A_11 : vector<1264x8xf32>
    %get3A_12 = arith.constant 0 : index
    %get3A_13 = arith.constant 0 : index
    %get3A_14 = vector.load %arg4[%get3A_12, %get3A_13] : memref<1264x8xf32, #tpu.memory_space<vmem>>, vector<1264x8xf32>
    %add3A_15 = arith.addf %add3A, %get3A_14 : vector<1264x8xf32>
    %mul3A = vector.broadcast %get3A_1 : vector<1264x1xf32> to vector<1264x8xf32>
    %mul3A_16 = arith.mulf %mul3A, %add3A_15 : vector<1264x8xf32>
    %get3A_17 = arith.constant 0 : index
    %get3A_18 = arith.constant 0 : index
    %get3A_19 = vector.load %arg5[%get3A_17, %get3A_18] : memref<1x8xf32, #tpu.memory_space<vmem>>, vector<1x8xf32>
    %add3A_20 = vector.broadcast %get3A_19 : vector<1x8xf32> to vector<1264x8xf32>
    %add3A_21 = arith.addf %mul3A_16, %add3A_20 : vector<1264x8xf32>
    %slice3A = vector.extract_strided_slice %add3A_21 {offsets = [0, 0], sizes = [1264, 1], strides = [1, 1]} : vector<1264x8xf32> to vector<1264x1xf32>
    %swap3A = arith.constant 0 : index
    %swap3A_22 = arith.constant 0 : index
    %swap3A_23 = vector.load %arg6[%swap3A, %swap3A_22] : memref<1264x1xf32, #tpu.memory_space<vmem>>, vector<1264x1xf32>
    tpu.vector_store %arg6[%swap3A, %swap3A_22], %slice3A {strides = array<i32>} : memref<1264x1xf32, #tpu.memory_space<vmem>>, vector<1264x1xf32>,
    %slice3A_24 = vector.extract_strided_slice %add3A_21 {offsets = [0, 1], sizes = [1264, 1], strides = [1, 1]} : vector<1264x8xf32> to vector<1264x1xf32>
    %swap3A_25 = arith.constant 0 : index
    %swap3A_26 = arith.constant 0 : index
    %swap3A_27 = vector.load %arg7[%swap3A_25, %swap3A_26] : memref<1264x1xf32, #tpu.memory_space<vmem>>, vector<1264x1xf32>
    tpu.vector_store %arg7[%swap3A_25, %swap3A_26], %slice3A_24 {strides = array<i32>} : memref<1264x1xf32, #tpu.memory_space<vmem>>, vector<1264x1xf32>,
    return
  }
  func.func @transform_0(%arg0: i32) -> (i32, i32) {
    %c0_i32 = arith.constant 0 : i32
    %c0_i32_0 = arith.constant 0 : i32
    return %arg0, %c0_i32 : i32, i32
  }
  func.func @transform_1(%arg0: i32) -> (i32, i32, i32) {
    %c0_i32 = arith.constant 0 : i32
    %c0_i32_0 = arith.constant 0 : i32
    %c0_i32_1 = arith.constant 0 : i32
    return %c0_i32, %arg0, %c0_i32_0 : i32, i32, i32
  }
  func.func @transform_2(%arg0: i32) -> (i32, i32, i32) {
    %c1_i32 = arith.constant 1 : i32
    %c0_i32 = arith.constant 0 : i32
    %c0_i32_0 = arith.constant 0 : i32
    return %c1_i32, %arg0, %c0_i32 : i32, i32, i32
  }
  func.func @transform_3(%arg0: i32) -> (i32, i32) {
    %c0_i32 = arith.constant 0 : i32
    %c0_i32_0 = arith.constant 0 : i32
    return %arg0, %c0_i32 : i32, i32
  }
  func.func @transform_4(%arg0: i32) -> (i32, i32) {
    %c0_i32 = arith.constant 0 : i32
    %c0_i32_0 = arith.constant 0 : i32
    %c0_i32_1 = arith.constant 0 : i32
    return %c0_i32, %c0_i32_0 : i32, i32
  }
  func.func @transform_5(%arg0: i32) -> (i32, i32) {
    %c0_i32 = arith.constant 0 : i32
    %c0_i32_0 = arith.constant 0 : i32
    return %arg0, %c0_i32 : i32, i32
  }
  func.func @transform_6(%arg0: i32) -> (i32, i32) {
    %c0_i32 = arith.constant 0 : i32
    %c0_i32_0 = arith.constant 0 : i32
    return %arg0, %c0_i32 : i32, i32
  }
}

</mosaic_0001>

<sc_bundles>
// kernel: kernel.11.cloned.1.call-start
scs
__scs_entry_jumppad:
0x0: {  	(pc) =	sbr.rel $0x88, $3  }
0x1: {  	(tag) =	ssettag $0x0;
	lr =	simm.s32 $0x1  }
0x2: {  	[smem:$0x3F97] =	sst lr;
	_ =	strace $0xD0000000  }
0x3: {  	_ = 	snop  }
0x4: {  	_ = 	snop  }
0x5: {  	_ = 	snop  }
0x6: {  	_ = 	snop  }
0x7: {  	_ = 	snop  }
__scs_overlays_trampoline_lowered:
0x8: {  	[smem:$0x3FA6] =	sst s0  }
0x9: {  	[smem:$0x3FA7] =	sst s1  }
0xa: {  	[smem:$0x3FA8] =	sst s2  }
0xb: {  	[smem:$0x3FA9] =	sst s3  }
0xc: {  	[smem:$0x3FAA] =	sst s4  }
0xd: {  	[smem:$0x3FAB] =	sst s5  }
0xe: {  	[smem:$0x3FAC] =	sst s6  }
0xf: {  	[smem:$0x3FAD] =	sst s7  }
0x10: {  	[smem:$0x3FAE] =	sst s8  }
0x11: {  	[smem:$0x3FAF] =	sst s9;
	s0 =	simm.s32 @!p0 $0x0  }
0x12: {  	s1 =	sld [smem:$0x3F95];
	s0 =	simm.s32 @p0 $0x1  }
0x13: {  	[smem:$0x3FB0] =	sst s0;
	s0 =	simm.s32 @!p1 $0x0  }
0x14: {  	s2 =	sld [smem:$0x3F94];
	s0 =	simm.s32 @p1 $0x1  }
0x15: {  	[smem:$0x3FB1] =	sst s0;
	s0 =	simm.s32 @!p2 $0x0  }
0x16: {  	s3 =	sld [smem:$0x3FDB];
	s0 =	simm.s32 @p2 $0x1  }
0x17: {  	s4 =	simm.s32 $0x1BF5;
	[smem:$0x3FB3] =	sst s0  }
0x18: {  	s0 =	sld [smem:$0x3F96];
	_ =	swait.ge [sflag:s4], $0x0  }
0x19: {  	s7 =	sld [smem:$0x3F97]  }
0x1a: {  	s8 =	sadd.s32 $0xFFFFE003, lr  }
0x1b: {  	s9 =	sadd.s32 $0xFFFFFEF7, lr;
	s5 =	simm.s32 $0xFFFFFFFF;
	p2 =	slt.u32 s8, $0xFFFFF086  }
0x1c: {  	p1 =	slt.u32 s9, $0xF7A;
	s5 =	simm.s32 @!p2 $0x0  }
0x1d: {  	s5 =	simm.s32 @p1 $0x1;
	p0 =	seq.s32 s7, s2  }
0x1e: {  	s7 =	smul.u32 @!p0 $0xF7A, s2;
	p2 =	seq.s32 @!p0 s5, $0x0  }
0x1f: {  	s9 =	smul.u32 $0xF7A, s1;
	s8 =	simm.s32 @!p0 $0x1BF5;
	p2 =	por !p2, p0  }
0x20: {  	[sflag:s8] =	ssyncset.s32 @!p0 $0xFFFFF086;
	s6 =	sadd.s32 @!p0 s3, s7;
	s7 =	simm.s32 @!p0 $0x108  }
0x21: {  	s3 =	sadd.s32 s3, s9;
	s6 =	sadd.s32 @!p0 $0x88, s6;
	s7 =	simm.s32 @p2 $0x1082  }
0x22: {  	[simem:s7], [sflag:s8] =	dma.local @!p0 [hbm:s6], $0xF7A  }
0x23: {  	s9 =	sor.u32 $0xD0000000, s2;
	s6 =	simm.s32 $0x108;
	_ =	swait.ge @!p0 [sflag:s8], $0x0  }
0x24: {  	s3 =	sadd.s32 $0x88, s3;
	s6 =	simm.s32 @!p1 $0x1082;
	[sflag:s4] =	ssyncset.s32 $0xFFFFF086  }
0x25: {  	[simem:s6], [sflag:s4] =	dma.local [hbm:s3], $0xF7A  }
0x26: {  	[smem:$0x3F97] =	sst s1;
	(tag) =	ssettag s2;
	_ =	strace s9  }
0x27: {  	s1 =	sld [smem:$0x3FA7]  }
0x28: {  	s2 =	sld [smem:$0x3FA8]  }
0x29: {  	s4 =	sld [smem:$0x3FAA]  }
0x2a: {  	p0 =	seq.s32 s5, $0x0;
	s5 =	sld [smem:$0x3FAB]  }
0x2b: {  	s6 =	sld [smem:$0x3FAC]  }
0x2c: {  	s7 =	sld [smem:$0x3FAD]  }
0x2d: {  	s3 =	simm.s32 $0x108;
	s8 =	sld [smem:$0x3FAE]  }
0x2e: {  	s3 =	simm.s32 @!p0 $0x1082;
	s9 =	sld [smem:$0x3FAF]  }
0x2f: {  	lr =	sadd.s32 s0, s3;
	s0 =	sld [smem:$0x3FA6]  }
0x30: {  	s3 =	sld [smem:$0x3FA9]  }
0x31: {  	[smem:$0x3FB2] =	sst s10  }
0x32: {  	s10 =	sld [smem:$0x3FB0];
	_ =	sdelay $0x3  }
0x33: {  	p0 =	seq.s32 s10, $0x1;
	s10 =	sld [smem:$0x3FB2];
	_ =	sdelay $0x3  }
0x34: {  	[smem:$0x3FB2] =	sst s10  }
0x35: {  	s10 =	sld [smem:$0x3FB1];
	_ =	sdelay $0x3  }
0x36: {  	p1 =	seq.s32 s10, $0x1;
	s10 =	sld [smem:$0x3FB2];
	_ =	sdelay $0x3  }
0x37: {  	[smem:$0x3FB2] =	sst s10  }
0x38: {  	s10 =	sld [smem:$0x3FB3]  }
0x39: {  	_ = 	snop;
	(pc) =	sbr.ind lr, $3  }
0x3a: {  	_ = 	snop  }
0x3b: {  	_ = 	snop  }
0x3c: {  	p2 =	seq.s32 s10, $0x1;
	s10 =	sld [smem:$0x3FB2]  }
0x3d: {  	_ =	shalt  }
0x3e: {  	_ =	shalt  }
0x3f: {  	_ =	shalt  }
0x40: {  	_ =	shalt  }
0x41: {  	_ =	shalt  }
0x42: {  	_ =	shalt  }
0x43: {  	_ =	shalt  }
0x44: {  	_ =	shalt  }
0x45: {  	_ =	shalt  }
0x46: {  	_ =	shalt  }
0x47: {  	_ =	shalt  }
0x48: {  	_ =	shalt  }
0x49: {  	_ =	shalt  }
0x4a: {  	_ =	shalt  }
0x4b: {  	_ =	shalt  }
0x4c: {  	_ =	shalt  }
0x4d: {  	_ =	shalt  }
0x4e: {  	_ =	shalt  }
0x4f: {  	_ =	shalt  }
0x50: {  	_ =	shalt  }
0x51: {  	_ =	shalt  }
0x52: {  	_ =	shalt  }
0x53: {  	_ =	shalt  }
0x54: {  	_ =	shalt  }
0x55: {  	_ =	shalt  }
0x56: {  	_ =	shalt  }
0x57: {  	_ =	shalt  }
0x58: {  	_ =	shalt  }
0x59: {  	_ =	shalt  }
0x5a: {  	_ =	shalt  }
0x5b: {  	_ =	shalt  }
0x5c: {  	_ =	shalt  }
0x5d: {  	_ =	shalt  }
0x5e: {  	_ =	shalt  }
0x5f: {  	_ =	shalt  }
0x60: {  	_ =	shalt  }
0x61: {  	_ =	shalt  }
0x62: {  	_ =	shalt  }
0x63: {  	_ =	shalt  }
0x64: {  	_ =	shalt  }
0x65: {  	_ =	shalt  }
0x66: {  	_ =	shalt  }
0x67: {  	_ =	shalt  }
0x68: {  	_ =	shalt  }
0x69: {  	_ =	shalt  }
0x6a: {  	_ =	shalt  }
0x6b: {  	_ =	shalt  }
0x6c: {  	_ =	shalt  }
0x6d: {  	_ =	shalt  }
0x6e: {  	_ =	shalt  }
0x6f: {  	_ =	shalt  }
0x70: {  	_ =	shalt  }
0x71: {  	_ =	shalt  }
0x72: {  	_ =	shalt  }
0x73: {  	_ =	shalt  }
0x74: {  	_ =	shalt  }
0x75: {  	_ =	shalt  }
0x76: {  	_ =	shalt  }
0x77: {  	_ =	shalt  }
0x78: {  	_ =	shalt  }
0x79: {  	_ =	shalt  }
0x7a: {  	_ =	shalt  }
0x7b: {  	_ =	shalt  }
0x7c: {  	_ =	shalt  }
0x7d: {  	_ =	shalt  }
0x7e: {  	_ =	shalt  }
0x7f: {  	_ =	shalt  }
0x80: {  	_ =	shalt  }
0x81: {  	_ =	shalt  }
0x82: {  	_ =	shalt  }
0x83: {  	_ =	shalt  }
0x84: {  	_ =	shalt  }
0x85: {  	_ =	shalt  }
0x86: {  	_ =	shalt  }
0x87: {  	_ =	shalt  }
.Lfunc_end0:
.L_simem_size_0:
called_computation_lowered:
.L_overlay_start_0:
0x88: {  	s2 =	sld [smem:$0x3FD9]  }
0x89: {  	s3 =	sld [smem:$0x3FFE];
	_ =	sdelay $0x1  }
0x8a: {  	s1 =	srdreg.scid  }
0x8b: {  	s0 =	sand.u32 $0x1, s1  }
0x8c: {  	s14 =	sshll.u32 s0, $0xA;
	s2 =	sadd.s32 s3, s2  }
0x8d: {  	s2 =	sadd.s32 s2, s14  }
0x8e: {  	[smem:$0x3FBE] =	sst s2  }
0x8f: {  	_ = 	snop  }
0x90: {  	s2 =	sld [smem:$0x3FD0];
	_ =	sdelay $0x2  }
0x91: {  	s15 =	simm.s32 $0xA;
	s4 =	simm.s32 $0x10  }
0x92: {  	[smem:s4], [sflag:s15] =	dma.local [hbm:s2], $0x1  }
0x93: {  	_ =	swait.eq [sflag:s15], $0x1  }
0x94: {  	[sflag:s15] =	ssyncset.done $0x0  }
0x95: {  	s16 =	sld [smem:$0x10];
	[sflag:s15] =	ssyncadd.s32 $0xFFFFFFFF  }
0x96: {  	s17 =	sld [smem:$0x11];
	(tm) =	ssettm $0x1  }
0x97: {  	s18 =	sld [smem:$0x3FFB];
	_ =	sdelay $0x3  }
0x98: {  	_ =	strace s18  }
0x99: {  	s4 =	sld [smem:$0x3FFC];
	_ =	sdelay $0x3  }
0x9a: {  	_ =	strace s4  }
0x9b: {  	s4 =	sld [smem:$0x3FFD];
	_ =	sdelay $0x3  }
0x9c: {  	_ =	strace s4  }
0x9d: {  	_ =	strace $0x8FFFFFFF  }
0x9e: {  	s19 =	sld [smem:$0x3FDB];
	_ =	sdelay $0x1  }
0x9f: {  	s5 =	simm.s32 $_scs_section_size  }
0xa0: {  	s6 =	simm.s32 $_size__tile_overlayer_lowered;
	s7 =	simm.s32 $_tile_overlayer_lowered  }
0xa1: {  	s22 =	simm.s32 $0x1BFF;
	s21 =	sshll.u32 s7, $0x1;
	s4 =	sadd.s32 s5, s19  }
0xa2: {  	s8 =	simm.s32 $0x0;
	s20 =	sshll.u32 s6, $0x1;
	s6 =	sadd.s32 s21, s4  }
0xa3: {  	[timem:s8], [sflag:s22] =	dma.local [hbm:s6], s20  }
0xa4: {  	_ =	swait.ge [sflag:s22], s20  }
0xa5: {  	s5 =	ssub.s32 $0x0, s20;
	[sflag:s22] =	ssyncset.done $0x0  }
0xa6: {  	[sflag:s22] =	ssyncadd.s32 s5;
	_ =	sdelay $0x1  }
0xa7: {  	s23 =	simm.s32 $0x1B8B  }
0xa8: {  	_ =	swait.ge [sflag:s23], $0x1  }
0xa9: {  	[sflag:s23] =	ssyncset.done $0x0  }
0xaa: {  	s25 =	simm.s32 $0x1B8E;
	s24 =	sld [smem:$0x3FFE];
	[sflag:s23] =	ssyncadd.s32 $0xFFFFFFFF  }
0xab: {  	s26 =	simm.s32 $execute0_lowered;
	[smem:$0x3FD2] =	sst s25  }
0xac: {  	s6 =	sshll.u32 s26, $0x1;
	_ =	strace $0x80000046;
	[dreg:$0x1] =	wrdreg $0xFFFFFFFF  }
0xad: {  	s28 =	simm.s32 $_size_execute0_lowered;
	s4 =	sadd.s32 s4, s6;
	[dreg:$0x0] =	wrdreg $0x0  }
0xae: {  	s6 =	sshll.u32 s28, $0x1;
	[dreg:$0x2] =	wrdreg s4  }
0xaf: {  	[dreg:$0x3] =	wrdreg s6  }
0xb0: {  	[dreg:$0x4] =	wrdreg $0xC0  }
0xb1: {  	_ =	task [dreg:s8], $0x5FFFF  }
0xb2: {  	[dreg:$0x1] =	wrdreg $0xFFFFFFFF  }
0xb3: {  	[dreg:$0x0] =	wrdreg $0x60  }
0xb4: {  	[dreg:$0x2] =	wrdreg s24  }
0xb5: {  	[dreg:$0x3] =	wrdreg s17  }
0xb6: {  	[dreg:$0x4] =	wrdreg s16  }
0xb7: {  	[dreg:$0x5] =	wrdreg $0x34000  }
0xb8: {  	[dreg:$0x6] =	wrdreg $0x9  }
0xb9: {  	_ =	task.clear_ibuf [dreg:s8], $0x7FFFF;
	_ =	strace $0x90000046  }
0xba: {  	s29 =	simm.s32 $0x9;
	_ =	strace $0x80000048  }
0xbb: {  	_ =	swait.ge [sflag:s29], $0x1  }
0xbc: {  	[sflag:s29] =	ssyncadd.s32 $0xFFFFFFFF  }
0xbd: {  	_ =	strace $0x90000048  }
0xbe: {  	_ =	sfence  }
0xbf: {  	s30 =	sld [smem:$0x0];
	_ =	sdelay $0x2  }
0xc0: {  	s31 =	sshll.u32 s1, $0xD;
	s1 =	sshrl.u32 s1, $0x2  }
0xc1: {  	s3 =	sand.u32 $0x4000, s31;
	s1 =	sadd.s32 s1, s30  }
0xc2: {  	s0 =	sor.u32 s3, s0;
	s1 =	sshll.u32 s1, $0x11  }
0xc3: {  	s0 =	sor.u32 s1, s0  }
0xc4: {  	s0 =	sadd.s32 $0x8F2B, s0  }
0xc5: {  	[sflag:s0] =	ssyncadd.remote.s32 $0x1  }
0xc6: {  	_ =	sfence.sel $0xFFFF  }
0xc7: {  	[dreg:$0x0] =	wrdreg $0xFFFFFFFF;
	(pc) =	sbr.abs _section_cstart, $3  }
0xc8: {  	[dreg:$0x1] =	wrdreg $0xFFFFFFFF  }
0xc9: {  	_ =	task.clear_ibuf [dreg:s8], $0x2FFFF;
	_ =	strace $0x9FFFFFFF  }
0xca: {  	(tm) =	ssettm $0x7FFFFFFF  }
0xcb: {  	_ =	shalt  }
tec
execute0_lowered:
.L_overlay_start_1:
0x0: {  	(tag) =	ssettag $0x1  }
0x1: {  	s6 =	rddreg [dreg:$0x0]  }
0x2: {  	s2 =	rddreg [dreg:$0x1]  }
0x3: {  	s3 =	rddreg [dreg:$0x2]  }
0x4: {  	s4 =	rddreg [dreg:$0x3]  }
0x5: {  	s0 =	rddreg [dreg:$0x4]  }
0x6: {  	s1 =	stileid.u32;
	s7 =	srdreg.scid;
	s5 =	simm.s32 $0x0  }
0x7: {  	s15 =	simm.s32 $0x100;
	s16 =	simm.s32 $0x180;
	s17 =	simm.s32 $0x1  }
0x8: {  	s18 =	simm.s32 $0x2;
	s19 =	simm.s32 $0x3;
	s20 =	simm.s32 $0x4  }
0x9: {  	s21 =	simm.s32 $0x0;
	s8 =	smul.u32 $0x60, s1;
	s7 =	sand.u32 $0x1, s7  }
0xa: {  	s9 =	smul.u32 $0x13C0, s1;
	[smem:$0x7FF] =	sst s5;
	s10 =	sshll.u32 s1, $0x6  }
0xb: {  	s11 =	smul.u32 $0x13C00, s7;
	p0 =	seq.s32 s7, $0x0;
	s12 =	sadd.s32 $0x600, s10  }
0xc: {  	_ =	strace $0x80000047;
	s7 =	ssub.s32 $0x2, s7;
	s12 =	smov.u32 @p0 s8  }
0xd: {  	s31 =	sshrl.u32 s7, $0x1;
	s14 =	sadd.s32 s9, s4;
	s29 =	sadd.s32 s9, s11  }
0xe: {  	s30 =	sshll.u32 s12, $0x4;
	s12 =	ssub.s32 s7, s31;
	s7 =	simm.s32 $0x17  }
0xf: {  	s8 =	sshrl.u32 s29, $0x3;
	s11 =	sadd.s32 s30, s6;
	s7 =	simm.s32 @!p0 $0xF  }
0x10: {  	s13 =	sadd.s32 s8, s6;
	s6 =	sor.u32 $0x1C05, s10;
	s8 =	sadd.s32 $0xCA00, s11  }
0x11: {  	s10 =	smax.u32 s12, $0x1;
	s11 =	sshrl.u32 s14, $0x3;
	s12 =	simm.s32 $0x5  }
0x12: {  	s14 =	simm.s32 $0x80;
	s9 =	sadd.s32 $0x16C00, s13;
	s13 =	simm.s32 $0x3000  }
.LBB2_1:
0x13: {  	[spmem:s11], [sflag:s6] =	dma.local [hbm:s2], $0x278  }
0x14: {  	_ =	swait.ge [sflag:s12], $0x278  }
0x15: {  	[sflag:s12] =	ssyncset.done $0x0  }
0x16: {  	[sflag:s12] =	ssyncadd.s32 $0xFFFFFD88  }
0x17: {  	[tilespmem:s13], [sflag:$0x5] =	stream.linear.gather [hbm4b:s3+s5], $0x400, $0x38;
	[tilespmem:$0x47C0] =	vst v63  }
0x18: {  	_ =	swait.ge [sflag:s12], $0x400  }
0x19: {  	[sflag:s12] =	ssyncset.done $0x0  }
0x1a: {  	[sflag:s12] =	ssyncadd.s32 $0xFFFFFC00  }
0x1b: {  	[tilespmem:s5], [sflag:$0x5] =	stream.linear.gather [hbm4b:s8+s5], $0x3000, $0x38;
	[tilespmem:$0x47C0] =	vst v63  }
0x1c: {  	_ =	swait.ge [sflag:s12], $0x3000  }
0x1d: {  	[sflag:s12] =	ssyncset.done $0x0  }
0x1e: {  	[sflag:s12] =	ssyncadd.s32 $0xFFFFD000  }
0x1f: {  	[bflag:$0x0] =	sbarrier.arrive $0xFFFF  }
0x20: {  	[spmem:s4] =	stream.indirect.scatter.add.f32 [tilespmem:s13], [sflag:$0x1], $0x8, s5, s14, $0xb8;
	[tilespmem:$0x47C0] =	vst v63  }
0x21: {  	_ = 	snop  }
0x22: {  	[spmem:s4] =	stream.indirect.scatter.add.f32 [tilespmem:s13], [sflag:$0x2], $0x8, s14, s14, $0xb8;
	[tilespmem:$0x47C0] =	vst v63  }
0x23: {  	_ = 	snop  }
0x24: {  	[spmem:s4] =	stream.indirect.scatter.add.f32 [tilespmem:s13], [sflag:$0x3], $0x8, s15, s14, $0xb8;
	[tilespmem:$0x47C0] =	vst v63  }
0x25: {  	_ = 	snop  }
0x26: {  	[spmem:s4] =	stream.indirect.scatter.add.f32 [tilespmem:s13], [sflag:$0x4], $0x8, s16, s14, $0xb8;
	[tilespmem:$0x47C0] =	vst v63  }
0x27: {  	_ =	swait.ge [sflag:s17], $0x400  }
0x28: {  	[sflag:s17] =	ssyncset.done $0x0  }
0x29: {  	s22 =	simm.s32 $0x200;
	[sflag:s17] =	ssyncadd.s32 $0xFFFFFC00  }
0x2a: {  	[spmem:s4] =	stream.indirect.scatter.add.f32 [tilespmem:s13], [sflag:$0x1], $0x8, s22, s14, $0xb8;
	[tilespmem:$0x47C0] =	vst v63  }
0x2b: {  	_ =	swait.ge [sflag:s18], $0x400  }
0x2c: {  	[sflag:s18] =	ssyncset.done $0x0  }
0x2d: {  	s30 =	simm.s32 $0x280;
	[sflag:s18] =	ssyncadd.s32 $0xFFFFFC00  }
0x2e: {  	[spmem:s4] =	stream.indirect.scatter.add.f32 [tilespmem:s13], [sflag:$0x2], $0x8, s30, s14, $0xb8;
	[tilespmem:$0x47C0] =	vst v63  }
0x2f: {  	_ =	swait.ge [sflag:s19], $0x400  }
0x30: {  	p0 =	sne.s32 s7, $0x1;
	[sflag:s19] =	ssyncset.done $0x0  }
.Ltmp0:
0x31: {  	s31 =	simm.s32 $0x300;
	[sflag:s19] =	ssyncadd.s32 $0xFFFFFC00;
	(pc) =	sbr.rel @!p0 .LBB2_3-.Ltmp0, $4  }
0x32: {  	[spmem:s4] =	stream.indirect.scatter.add.f32 [tilespmem:s13], [sflag:$0x3], $0x8, s31, s14, $0xb8;
	[tilespmem:$0x47C0] =	vst v63  }
0x33: {  	_ =	swait.ge [sflag:s20], $0x400  }
0x34: {  	s24 =	simm.s32 $0x380;
	[sflag:s20] =	ssyncset.done $0x0  }
0x35: {  	s23 =	simm.s32 $0x580;
	s22 =	sadd.s32 $0xFFFFFFFF, s7;
	[sflag:s20] =	ssyncadd.s32 $0xFFFFFC00  }
.LBB2_2:
0x36: {  	[spmem:s4] =	stream.indirect.scatter.add.f32 [tilespmem:s13], [sflag:$0x4], $0x8, s24, s14, $0xb8;
	[tilespmem:$0x47C0] =	vst v63  }
0x37: {  	p0 =	sne.s32 s22, $0x1;
	s22 =	sadd.s32 $0xFFFFFFFF, s22;
	_ =	swait.ge [sflag:s17], $0x400  }
0x38: {  	s24 =	smov.u32 s23;
	[sflag:s17] =	ssyncset.done $0x0  }
0x39: {  	s25 =	sadd.s32 $0xFFFFFE80, s23;
	[sflag:s17] =	ssyncadd.s32 $0xFFFFFC00  }
0x3a: {  	[spmem:s4] =	stream.indirect.scatter.add.f32 [tilespmem:s13], [sflag:$0x1], $0x8, s25, s14, $0xb8;
	[tilespmem:$0x47C0] =	vst v63  }
0x3b: {  	_ =	swait.ge [sflag:s18], $0x400  }
0x3c: {  	[sflag:s18] =	ssyncset.done $0x0  }
0x3d: {  	s25 =	sadd.s32 $0xFFFFFF00, s23;
	[sflag:s18] =	ssyncadd.s32 $0xFFFFFC00  }
0x3e: {  	[spmem:s4] =	stream.indirect.scatter.add.f32 [tilespmem:s13], [sflag:$0x2], $0x8, s25, s14, $0xb8;
	[tilespmem:$0x47C0] =	vst v63  }
0x3f: {  	_ =	swait.ge [sflag:s19], $0x400  }
0x40: {  	[sflag:s19] =	ssyncset.done $0x0  }
.Ltmp1:
0x41: {  	s25 =	sadd.s32 $0xFFFFFF80, s23;
	[sflag:s19] =	ssyncadd.s32 $0xFFFFFC00;
	(pc) =	sbr.rel @p0 .LBB2_2-.Ltmp1, $4  }
0x42: {  	[spmem:s4] =	stream.indirect.scatter.add.f32 [tilespmem:s13], [sflag:$0x3], $0x8, s25, s14, $0xb8;
	[tilespmem:$0x47C0] =	vst v63  }
0x43: {  	_ =	swait.ge [sflag:s20], $0x400  }
0x44: {  	[sflag:s20] =	ssyncset.done $0x0  }
0x45: {  	s23 =	sadd.s32 $0x200, s23;
	[sflag:s20] =	ssyncadd.s32 $0xFFFFFC00  }
.LBB2_3:
0x46: {  	[spmem:s4] =	stream.indirect.scatter.add.f32 [tilespmem:s13], [sflag:$0x4], $0x8, s24, s14, $0xb8;
	[tilespmem:$0x47C0] =	vst v63  }
0x47: {  	_ =	swait.ge [sflag:s17], $0x400  }
0x48: {  	[sflag:s17] =	ssyncset.done $0x0  }
0x49: {  	[sflag:s17] =	ssyncadd.s32 $0xFFFFFC00  }
0x4a: {  	_ =	swait.ge [sflag:s18], $0x400  }
0x4b: {  	[sflag:s18] =	ssyncset.done $0x0  }
0x4c: {  	[sflag:s18] =	ssyncadd.s32 $0xFFFFFC00  }
0x4d: {  	_ =	swait.ge [sflag:s19], $0x400  }
0x4e: {  	[sflag:s19] =	ssyncset.done $0x0  }
0x4f: {  	[sflag:s19] =	ssyncadd.s32 $0xFFFFFC00  }
0x50: {  	_ =	swait.ge [sflag:s20], $0x400  }
0x51: {  	s21 =	sadd.s32 $0x1, s21;
	[sflag:s20] =	ssyncset.done $0x0  }
0x52: {  	p0 =	sne.s32 s21, s10;
	[sflag:s20] =	ssyncadd.s32 $0xFFFFFC00  }
.Ltmp2:
0x53: {  	[bflag:$0x0] =	sbarrier.arrive $0xFFFF;
	(pc) =	sbr.rel @p0 .LBB2_1-.Ltmp2, $4  }
0x54: {  	[hbm:s9], [sflag:s6] =	dma.local [spmem:s11], $0x278  }
0x55: {  	_ =	swait.ge [sflag:s12], $0x278  }
0x56: {  	[sflag:s12] =	ssyncset.done $0x0  }
0x57: {  	[sflag:s12] =	ssyncadd.s32 $0xFFFFFD88  }
0x58: {  	_ =	sfence.sel $0x180000  }
0x59: {  	[bflag:$0x0] =	sbarrier.arrive $0xFFFF  }
0x5a: {  	p0 =	sne.s32 s1, $0x0;
	_ =	strace $0x90000047  }
0x5b: {  	s0 =	sadd.s32 @!p0 $0x100000, s0;
	[bflag:$0x2] =	sbarrier.arrive $0xFFFF  }
0x5c: {  	[sflag:s0] =	ssyncadd.tile.s32 @!p0 $0x1;
	_ =	shalt  }
.Lfunc_end2:
_tile_overlayer_lowered:
.L_overlay_start_2:
0x5d: {  	(tag) =	ssettag $0x2  }
0x5e: {  	s0 =	rddreg [dreg:$0x0];
	s2 =	stileid.u32  }
0x5f: {  	s1 =	rddreg [dreg:$0x1];
	p0 =	sne.s32 s2, $0x0  }
0x60: {  	s3 =	rddreg [dreg:$0x2];
	[bflag:$0x3] =	sbarrier.arrive $0xFFFF;
	s2 =	simm.s32 @!p0 $0x1C05  }
0x61: {  	[timem:s3], [sflag:s2] =	dma.local @!p0 [hbm:s0], s1  }
0x62: {  	s0 =	simm.s32 @!p0 $0x5  }
0x63: {  	_ =	swait.ge @!p0 [sflag:s0], s1  }
0x64: {  	s1 =	ssub.s32 @!p0 $0x0, s1;
	[sflag:s0] =	ssyncset.done @!p0 $0x0  }
0x65: {  	[sflag:s0] =	ssyncadd.s32 @!p0 s1  }
0x66: {  	[bflag:$0x3] =	sbarrier.arrive $0xFFFF  }
0x67: {  	_ =	shalt  }

// kernel: kernel.14.cloned.1.call-start
scs
__scs_entry_jumppad:
0x0: {  	(pc) =	sbr.rel $0x88, $3  }
0x1: {  	(tag) =	ssettag $0x0;
	lr =	simm.s32 $0x1  }
0x2: {  	[smem:$0x3F97] =	sst lr;
	_ =	strace $0xD0000000  }
0x3: {  	_ = 	snop  }
0x4: {  	_ = 	snop  }
0x5: {  	_ = 	snop  }
0x6: {  	_ = 	snop  }
0x7: {  	_ = 	snop  }
__scs_overlays_trampoline_lowered:
0x8: {  	[smem:$0x3FA6] =	sst s0  }
0x9: {  	[smem:$0x3FA7] =	sst s1  }
0xa: {  	[smem:$0x3FA8] =	sst s2  }
0xb: {  	[smem:$0x3FA9] =	sst s3  }
0xc: {  	[smem:$0x3FAA] =	sst s4  }
0xd: {  	[smem:$0x3FAB] =	sst s5  }
0xe: {  	[smem:$0x3FAC] =	sst s6  }
0xf: {  	[smem:$0x3FAD] =	sst s7  }
0x10: {  	[smem:$0x3FAE] =	sst s8  }
0x11: {  	[smem:$0x3FAF] =	sst s9;
	s0 =	simm.s32 @!p0 $0x0  }
0x12: {  	s1 =	sld [smem:$0x3F95];
	s0 =	simm.s32 @p0 $0x1  }
0x13: {  	[smem:$0x3FB0] =	sst s0;
	s0 =	simm.s32 @!p1 $0x0  }
0x14: {  	s2 =	sld [smem:$0x3F94];
	s0 =	simm.s32 @p1 $0x1  }
0x15: {  	[smem:$0x3FB1] =	sst s0;
	s0 =	simm.s32 @!p2 $0x0  }
0x16: {  	s3 =	sld [smem:$0x3FDB];
	s0 =	simm.s32 @p2 $0x1  }
0x17: {  	s4 =	simm.s32 $0x1BF5;
	[smem:$0x3FB3] =	sst s0  }
0x18: {  	s0 =	sld [smem:$0x3F96];
	_ =	swait.ge [sflag:s4], $0x0  }
0x19: {  	s7 =	sld [smem:$0x3F97]  }
0x1a: {  	s8 =	sadd.s32 $0xFFFFE003, lr  }
0x1b: {  	s9 =	sadd.s32 $0xFFFFFEF7, lr;
	s5 =	simm.s32 $0xFFFFFFFF;
	p2 =	slt.u32 s8, $0xFFFFF086  }
0x1c: {  	p1 =	slt.u32 s9, $0xF7A;
	s5 =	simm.s32 @!p2 $0x0  }
0x1d: {  	s5 =	simm.s32 @p1 $0x1;
	p0 =	seq.s32 s7, s2  }
0x1e: {  	s7 =	smul.u32 @!p0 $0xF7A, s2;
	p2 =	seq.s32 @!p0 s5, $0x0  }
0x1f: {  	s9 =	smul.u32 $0xF7A, s1;
	s8 =	simm.s32 @!p0 $0x1BF5;
	p2 =	por !p2, p0  }
0x20: {  	[sflag:s8] =	ssyncset.s32 @!p0 $0xFFFFF086;
	s6 =	sadd.s32 @!p0 s3, s7;
	s7 =	simm.s32 @!p0 $0x108  }
0x21: {  	s3 =	sadd.s32 s3, s9;
	s6 =	sadd.s32 @!p0 $0x88, s6;
	s7 =	simm.s32 @p2 $0x1082  }
0x22: {  	[simem:s7], [sflag:s8] =	dma.local @!p0 [hbm:s6], $0xF7A  }
0x23: {  	s9 =	sor.u32 $0xD0000000, s2;
	s6 =	simm.s32 $0x108;
	_ =	swait.ge @!p0 [sflag:s8], $0x0  }
0x24: {  	s3 =	sadd.s32 $0x88, s3;
	s6 =	simm.s32 @!p1 $0x1082;
	[sflag:s4] =	ssyncset.s32 $0xFFFFF086  }
0x25: {  	[simem:s6], [sflag:s4] =	dma.local [hbm:s3], $0xF7A  }
0x26: {  	[smem:$0x3F97] =	sst s1;
	(tag) =	ssettag s2;
	_ =	strace s9  }
0x27: {  	s1 =	sld [smem:$0x3FA7]  }
0x28: {  	s2 =	sld [smem:$0x3FA8]  }
0x29: {  	s4 =	sld [smem:$0x3FAA]  }
0x2a: {  	p0 =	seq.s32 s5, $0x0;
	s5 =	sld [smem:$0x3FAB]  }
0x2b: {  	s6 =	sld [smem:$0x3FAC]  }
0x2c: {  	s7 =	sld [smem:$0x3FAD]  }
0x2d: {  	s3 =	simm.s32 $0x108;
	s8 =	sld [smem:$0x3FAE]  }
0x2e: {  	s3 =	simm.s32 @!p0 $0x1082;
	s9 =	sld [smem:$0x3FAF]  }
0x2f: {  	lr =	sadd.s32 s0, s3;
	s0 =	sld [smem:$0x3FA6]  }
0x30: {  	s3 =	sld [smem:$0x3FA9]  }
0x31: {  	[smem:$0x3FB2] =	sst s10  }
0x32: {  	s10 =	sld [smem:$0x3FB0];
	_ =	sdelay $0x3  }
0x33: {  	p0 =	seq.s32 s10, $0x1;
	s10 =	sld [smem:$0x3FB2];
	_ =	sdelay $0x3  }
0x34: {  	[smem:$0x3FB2] =	sst s10  }
0x35: {  	s10 =	sld [smem:$0x3FB1];
	_ =	sdelay $0x3  }
0x36: {  	p1 =	seq.s32 s10, $0x1;
	s10 =	sld [smem:$0x3FB2];
	_ =	sdelay $0x3  }
0x37: {  	[smem:$0x3FB2] =	sst s10  }
0x38: {  	s10 =	sld [smem:$0x3FB3]  }
0x39: {  	_ = 	snop;
	(pc) =	sbr.ind lr, $3  }
0x3a: {  	_ = 	snop  }
0x3b: {  	_ = 	snop  }
0x3c: {  	p2 =	seq.s32 s10, $0x1;
	s10 =	sld [smem:$0x3FB2]  }
0x3d: {  	_ =	shalt  }
0x3e: {  	_ =	shalt  }
0x3f: {  	_ =	shalt  }
0x40: {  	_ =	shalt  }
0x41: {  	_ =	shalt  }
0x42: {  	_ =	shalt  }
0x43: {  	_ =	shalt  }
0x44: {  	_ =	shalt  }
0x45: {  	_ =	shalt  }
0x46: {  	_ =	shalt  }
0x47: {  	_ =	shalt  }
0x48: {  	_ =	shalt  }
0x49: {  	_ =	shalt  }
0x4a: {  	_ =	shalt  }
0x4b: {  	_ =	shalt  }
0x4c: {  	_ =	shalt  }
0x4d: {  	_ =	shalt  }
0x4e: {  	_ =	shalt  }
0x4f: {  	_ =	shalt  }
0x50: {  	_ =	shalt  }
0x51: {  	_ =	shalt  }
0x52: {  	_ =	shalt  }
0x53: {  	_ =	shalt  }
0x54: {  	_ =	shalt  }
0x55: {  	_ =	shalt  }
0x56: {  	_ =	shalt  }
0x57: {  	_ =	shalt  }
0x58: {  	_ =	shalt  }
0x59: {  	_ =	shalt  }
0x5a: {  	_ =	shalt  }
0x5b: {  	_ =	shalt  }
0x5c: {  	_ =	shalt  }
0x5d: {  	_ =	shalt  }
0x5e: {  	_ =	shalt  }
0x5f: {  	_ =	shalt  }
0x60: {  	_ =	shalt  }
0x61: {  	_ =	shalt  }
0x62: {  	_ =	shalt  }
0x63: {  	_ =	shalt  }
0x64: {  	_ =	shalt  }
0x65: {  	_ =	shalt  }
0x66: {  	_ =	shalt  }
0x67: {  	_ =	shalt  }
0x68: {  	_ =	shalt  }
0x69: {  	_ =	shalt  }
0x6a: {  	_ =	shalt  }
0x6b: {  	_ =	shalt  }
0x6c: {  	_ =	shalt  }
0x6d: {  	_ =	shalt  }
0x6e: {  	_ =	shalt  }
0x6f: {  	_ =	shalt  }
0x70: {  	_ =	shalt  }
0x71: {  	_ =	shalt  }
0x72: {  	_ =	shalt  }
0x73: {  	_ =	shalt  }
0x74: {  	_ =	shalt  }
0x75: {  	_ =	shalt  }
0x76: {  	_ =	shalt  }
0x77: {  	_ =	shalt  }
0x78: {  	_ =	shalt  }
0x79: {  	_ =	shalt  }
0x7a: {  	_ =	shalt  }
0x7b: {  	_ =	shalt  }
0x7c: {  	_ =	shalt  }
0x7d: {  	_ =	shalt  }
0x7e: {  	_ =	shalt  }
0x7f: {  	_ =	shalt  }
0x80: {  	_ =	shalt  }
0x81: {  	_ =	shalt  }
0x82: {  	_ =	shalt  }
0x83: {  	_ =	shalt  }
0x84: {  	_ =	shalt  }
0x85: {  	_ =	shalt  }
0x86: {  	_ =	shalt  }
0x87: {  	_ =	shalt  }
.Lfunc_end0:
.L_simem_size_0:
called_computation.1_lowered:
.L_overlay_start_0:
0x88: {  	s2 =	sld [smem:$0x3FD9]  }
0x89: {  	s3 =	sld [smem:$0x3FFE];
	_ =	sdelay $0x1  }
0x8a: {  	s1 =	srdreg.scid  }
0x8b: {  	s0 =	sand.u32 $0x1, s1  }
0x8c: {  	s16 =	sshll.u32 s0, $0xA;
	s2 =	sadd.s32 s3, s2  }
0x8d: {  	s2 =	sadd.s32 s2, s16  }
0x8e: {  	[smem:$0x3FBE] =	sst s2  }
0x8f: {  	_ = 	snop  }
0x90: {  	(tm) =	ssettm $0x1  }
0x91: {  	s17 =	sld [smem:$0x3FFB];
	_ =	sdelay $0x3  }
0x92: {  	_ =	strace s17  }
0x93: {  	s2 =	sld [smem:$0x3FFC];
	_ =	sdelay $0x3  }
0x94: {  	_ =	strace s2  }
0x95: {  	s2 =	sld [smem:$0x3FFD];
	_ =	sdelay $0x3  }
0x96: {  	_ =	strace s2  }
0x97: {  	_ =	strace $0x8FFFFFFF  }
0x98: {  	s18 =	sld [smem:$0x3FDB];
	_ =	sdelay $0x1  }
0x99: {  	s19 =	simm.s32 $_scs_section_size  }
0x9a: {  	s4 =	simm.s32 $_size__tile_overlayer_lowered;
	s5 =	simm.s32 $_tile_overlayer_lowered  }
0x9b: {  	s22 =	simm.s32 $0x1BFF;
	s21 =	sshll.u32 s5, $0x1;
	s2 =	sadd.s32 s19, s18  }
0x9c: {  	s6 =	simm.s32 $0x0;
	s20 =	sshll.u32 s4, $0x1;
	s4 =	sadd.s32 s21, s2  }
0x9d: {  	[timem:s6], [sflag:s22] =	dma.local [hbm:s4], s20  }
0x9e: {  	_ =	swait.ge [sflag:s22], s20  }
0x9f: {  	s3 =	ssub.s32 $0x0, s20;
	[sflag:s22] =	ssyncset.done $0x0  }
0xa0: {  	[sflag:s22] =	ssyncadd.s32 s3;
	_ =	sdelay $0x1  }
0xa1: {  	s23 =	simm.s32 $0x1B8B  }
0xa2: {  	_ =	swait.ge [sflag:s23], $0x1  }
0xa3: {  	[sflag:s23] =	ssyncset.done $0x0  }
0xa4: {  	s25 =	simm.s32 $0x1B8E;
	s24 =	sld [smem:$0x3FFE];
	[sflag:s23] =	ssyncadd.s32 $0xFFFFFFFF  }
0xa5: {  	s26 =	simm.s32 $execute0_lowered;
	[smem:$0x3FD2] =	sst s25  }
0xa6: {  	s4 =	sshll.u32 s26, $0x1;
	_ =	strace $0x80000049;
	[dreg:$0x1] =	wrdreg $0xFFFFFFFF  }
0xa7: {  	s28 =	simm.s32 $_size_execute0_lowered;
	s2 =	sadd.s32 s2, s4;
	[dreg:$0x0] =	wrdreg $0x0  }
0xa8: {  	s4 =	sshll.u32 s28, $0x1;
	[dreg:$0x2] =	wrdreg s2  }
0xa9: {  	[dreg:$0x3] =	wrdreg s4  }
0xaa: {  	[dreg:$0x4] =	wrdreg $0xC0  }
0xab: {  	_ =	task [dreg:s6], $0x5FFFF  }
0xac: {  	[dreg:$0x1] =	wrdreg $0xFFFFFFFF  }
0xad: {  	[dreg:$0x0] =	wrdreg $0x60  }
0xae: {  	[dreg:$0x2] =	wrdreg s24  }
0xaf: {  	[dreg:$0x3] =	wrdreg $0x94000  }
0xb0: {  	[dreg:$0x4] =	wrdreg $0xE3000  }
0xb1: {  	[dreg:$0x5] =	wrdreg $0x9  }
0xb2: {  	_ =	task.clear_ibuf [dreg:s6], $0x6FFFF;
	_ =	strace $0x90000049  }
0xb3: {  	s29 =	simm.s32 $0x9;
	_ =	strace $0x8000004B  }
0xb4: {  	_ =	swait.ge [sflag:s29], $0x1  }
0xb5: {  	[sflag:s29] =	ssyncadd.s32 $0xFFFFFFFF  }
0xb6: {  	_ =	strace $0x9000004B  }
0xb7: {  	_ =	sfence  }
0xb8: {  	s30 =	sld [smem:$0x0];
	_ =	sdelay $0x2  }
0xb9: {  	s31 =	sshll.u32 s1, $0xD;
	s1 =	sshrl.u32 s1, $0x2  }
0xba: {  	s3 =	sand.u32 $0x4000, s31;
	s1 =	sadd.s32 s1, s30  }
0xbb: {  	s0 =	sor.u32 s3, s0;
	s1 =	sshll.u32 s1, $0x11  }
0xbc: {  	s0 =	sor.u32 s1, s0  }
0xbd: {  	s0 =	sadd.s32 $0x8F2B, s0  }
0xbe: {  	[sflag:s0] =	ssyncadd.remote.s32 $0x1  }
0xbf: {  	_ =	sfence.sel $0xFFFF  }
0xc0: {  	[dreg:$0x0] =	wrdreg $0xFFFFFFFF;
	(pc) =	sbr.abs _section_cstart, $3  }
0xc1: {  	[dreg:$0x1] =	wrdreg $0xFFFFFFFF  }
0xc2: {  	_ =	task.clear_ibuf [dreg:s6], $0x2FFFF;
	_ =	strace $0x9FFFFFFF  }
0xc3: {  	(tm) =	ssettm $0x7FFFFFFF  }
tec
execute0_lowered:
.L_overlay_start_1:
0x0: {  	(tag) =	ssettag $0x1  }
0x1: {  	s0 =	rddreg [dreg:$0x0]  }
0x2: {  	s2 =	rddreg [dreg:$0x1]  }
0x3: {  	s3 =	rddreg [dreg:$0x2]  }
0x4: {  	s11 =	stileid.u32;
	s4 =	simm.s32 $0x0;
	s1 =	srdreg.scid  }
0x5: {  	s15 =	simm.s32 $0x2A00;
	s16 =	simm.s32 $0x80;
	s17 =	simm.s32 $0x5400  }
0x6: {  	s18 =	simm.s32 $0x6400;
	s29 =	simm.s32 $0x5;
	s31 =	simm.s32 $0x4  }
0x7: {  	s28 =	simm.s32 $0x9;
	s30 =	simm.s32 $0x0;
	s5 =	smul.u32 $0x4C, s11  }
0x8: {  	[smem:$0x7FF] =	sst s4;
	s1 =	sand.u32 $0x1, s1;
	s6 =	smul.u32 $0x54, s11  }
0x9: {  	s8 =	smul.u32 $0x4F00, s11;
	s20 =	sadd.s32 $0x20A00, s0;
	s22 =	sshll.u32 s11, $0x6  }
0xa: {  	p0 =	seq.s32 s1, $0x0;
	s19 =	smul.u32 $0x4F000, s1;
	_ =	strace $0x8000004A  }
0xb: {  	[dreg:$0x5] =	wrdreg s20;
	s1 =	ssub.s32 $0x2, s1;
	s5 =	sadd.s32 $0x540, s5  }
0xc: {  	s7 =	sshrl.u32 s8, $0x3;
	s21 =	sshrl.u32 s1, $0x1;
	s13 =	sadd.s32 s8, s2  }
0xd: {  	s14 =	sadd.s32 s8, s3;
	s5 =	smov.u32 @p0 s6;
	s9 =	sadd.s32 s7, s0  }
0xe: {  	s6 =	sadd.s32 s8, s19;
	s1 =	ssub.s32 s1, s21;
	s7 =	sor.u32 $0x1C09, s22  }
0xf: {  	s13 =	sshrl.u32 s13, $0x3;
	s14 =	sshrl.u32 s14, $0x3;
	s19 =	simm.s32 $0x1  }
0x10: {  	s21 =	simm.s32 $0x7400;
	s22 =	simm.s32 $0x2;
	s5 =	sshll.u32 s5, $0x4  }
0x11: {  	s6 =	sshrl.u32 s6, $0x3;
	s23 =	sadd.s32 $0x16C00, s9;
	s10 =	sadd.s32 s5, s0  }
0x12: {  	s0 =	sadd.s32 s6, s0;
	s6 =	simm.s32 $0x54;
	[dreg:$0x6] =	wrdreg s23  }
0x13: {  	s23 =	simm.s32 $0x7;
	s6 =	simm.s32 @!p0 $0x4C;
	s24 =	sadd.s32 $0x2800, s10  }
0x14: {  	s25 =	sadd.s32 $0xCA00, s10;
	s11 =	sadd.s32 $0x21400, s0;
	[dreg:$0x7] =	wrdreg s24  }
0x15: {  	s12 =	sshll.u32 s6, $0x9;
	[dreg:$0x8] =	wrdreg s25;
	s25 =	simm.s32 $0x8400  }
0x16: {  	s24 =	simm.s32 $0x8;
	s26 =	sadd.s32 $0xFFFFF000, s12;
	s12 =	smax.u32 s1, $0x1  }
0x17: {  	s1 =	simm.s32 $0x6;
	[dreg:$0x4] =	wrdreg s26;
	s26 =	simm.s32 $0x3  }
.LBB2_1:
0x18: {  	s0 =	rddreg [dreg:$0x5]  }
0x19: {  	[spmem:s13], [sflag:s7] =	dma.local [hbm:s0], $0x9E0  }
0x1a: {  	_ =	swait.ge [sflag:s28], $0x9E0  }
0x1b: {  	[sflag:s28] =	ssyncset.done $0x0  }
0x1c: {  	s5 =	rddreg [dreg:$0x6];
	[sflag:s28] =	ssyncadd.s32 $0xFFFFF620  }
0x1d: {  	[spmem:s14], [sflag:s7] =	dma.local [hbm:s5], $0x9E0  }
0x1e: {  	_ =	swait.ge [sflag:s28], $0x9E0  }
0x1f: {  	[sflag:s28] =	ssyncset.done $0x0  }
0x20: {  	s8 =	rddreg [dreg:$0x7];
	[sflag:s28] =	ssyncadd.s32 $0xFFFFF620  }
0x21: {  	[tilespmem:s4], [sflag:$0x9] =	stream.linear.gather [hbm4b:s8+s4], $0x2A00, $0x38;
	[tilespmem:$0x13200] =	vst v63  }
0x22: {  	_ =	swait.ge [sflag:s28], $0x2A00  }
0x23: {  	[sflag:s28] =	ssyncset.done $0x0  }
0x24: {  	s9 =	rddreg [dreg:$0x8];
	[sflag:s28] =	ssyncadd.s32 $0xFFFFD600  }
0x25: {  	[tilespmem:s15], [sflag:$0x9] =	stream.linear.gather [hbm4b:s9+s4], $0x2A00, $0x38;
	[tilespmem:$0x13200] =	vst v63  }
0x26: {  	_ =	swait.ge [sflag:s28], $0x2A00  }
0x27: {  	[sflag:s28] =	ssyncset.done $0x0  }
0x28: {  	[sflag:s28] =	ssyncadd.s32 $0xFFFFD600  }
0x29: {  	[bflag:$0x0] =	sbarrier.arrive $0xFFFF  }
0x2a: {  	[tilespmem:s17], [sflag:$0x1] =	stream.indirect.gather [spmem:s3], $0x20, s4, s16, $0xb8;
	[tilespmem:$0x13200] =	vst v63  }
0x2b: {  	_ = 	snop  }
0x2c: {  	[tilespmem:s18], [sflag:$0x2] =	stream.indirect.gather [spmem:s3], $0x20, s16, s16, $0xb8;
	[tilespmem:$0x13200] =	vst v63  }
0x2d: {  	_ =	swait.ge [sflag:s19], $0x1000  }
0x2e: {  	[sflag:s19] =	ssyncset.done $0x0  }
0x2f: {  	[sflag:s19] =	ssyncadd.s32 $0xFFFFF000  }
0x30: {  	[spmem:s2] =	stream.indirect.scatter.add.f32 [tilespmem:s17], [sflag:$0x5], $0x20, s15, s16, $0xb8;
	[tilespmem:$0x13200] =	vst v63  }
0x31: {  	s10 =	simm.s32 $0x100  }
0x32: {  	[tilespmem:s21], [sflag:$0x3] =	stream.indirect.gather [spmem:s3], $0x20, s10, s16, $0xb8;
	[tilespmem:$0x13200] =	vst v63  }
0x33: {  	_ =	swait.ge [sflag:s22], $0x1000  }
0x34: {  	[sflag:s22] =	ssyncset.done $0x0  }
0x35: {  	s20 =	simm.s32 $0x2A80;
	[sflag:s22] =	ssyncadd.s32 $0xFFFFF000  }
0x36: {  	[spmem:s2] =	stream.indirect.scatter.add.f32 [tilespmem:s18], [sflag:$0x6], $0x20, s20, s16, $0xb8;
	[tilespmem:$0x13200] =	vst v63  }
0x37: {  	s5 =	simm.s32 $0x180  }
0x38: {  	[tilespmem:s25], [sflag:$0x4] =	stream.indirect.gather [spmem:s3], $0x20, s5, s16, $0xb8;
	[tilespmem:$0x13200] =	vst v63  }
0x39: {  	_ =	swait.ge [sflag:s26], $0x1000  }
0x3a: {  	[sflag:s26] =	ssyncset.done $0x0  }
0x3b: {  	s8 =	simm.s32 $0x2B00;
	[sflag:s26] =	ssyncadd.s32 $0xFFFFF000  }
0x3c: {  	[spmem:s2] =	stream.indirect.scatter.add.f32 [tilespmem:s21], [sflag:$0x7], $0x20, s8, s16, $0xb8;
	[tilespmem:$0x13200] =	vst v63  }
0x3d: {  	_ =	swait.ge [sflag:s29], $0x1000  }
0x3e: {  	[sflag:s29] =	ssyncset.done $0x0  }
0x3f: {  	s9 =	simm.s32 $0x200;
	[sflag:s29] =	ssyncadd.s32 $0xFFFFF000  }
0x40: {  	[tilespmem:s17], [sflag:$0x1] =	stream.indirect.gather [spmem:s3], $0x20, s9, s16, $0xb8;
	[tilespmem:$0x13200] =	vst v63  }
0x41: {  	_ =	swait.ge [sflag:s31], $0x1000  }
0x42: {  	[sflag:s31] =	ssyncset.done $0x0  }
0x43: {  	s10 =	simm.s32 $0x2B80;
	[sflag:s31] =	ssyncadd.s32 $0xFFFFF000  }
0x44: {  	[spmem:s2] =	stream.indirect.scatter.add.f32 [tilespmem:s25], [sflag:$0x8], $0x20, s10, s16, $0xb8;
	[tilespmem:$0x13200] =	vst v63  }
0x45: {  	_ =	swait.ge [sflag:s1], $0x1000  }
0x46: {  	[sflag:s1] =	ssyncset.done $0x0  }
0x47: {  	s20 =	simm.s32 $0x280;
	[sflag:s1] =	ssyncadd.s32 $0xFFFFF000  }
0x48: {  	[tilespmem:s18], [sflag:$0x2] =	stream.indirect.gather [spmem:s3], $0x20, s20, s16, $0xb8;
	[tilespmem:$0x13200] =	vst v63  }
0x49: {  	s0 =	simm.s32 $0x0;
	s20 =	simm.s32 $0x9  }
.LBB2_2:
0x4a: {  	_ =	swait.ge [sflag:s19], $0x1000  }
0x4b: {  	s5 =	sshra.s32 s0, $0x2;
	s10 =	sadd.s32 $0xFFFFFFFD, s20;
	[sflag:s19] =	ssyncset.done $0x0  }
0x4c: {  	s8 =	sadd.s32 $0x2C00, s5;
	p0 =	sge.u32 s10, s6;
	[sflag:s19] =	ssyncadd.s32 $0xFFFFF000  }
0x4d: {  	[spmem:s2] =	stream.indirect.scatter.add.f32 [tilespmem:s17], [sflag:$0x5], $0x20, s8, s16, $0xb8;
	[tilespmem:$0x13200] =	vst v63  }
0x4e: {  	s8 =	simm.s32 @!p0 $0x7  }
0x4f: {  	_ =	swait.ge @!p0 [sflag:s8], $0x1000  }
0x50: {  	[sflag:s8] =	ssyncset.done @!p0 $0x0  }
0x51: {  	[sflag:s8] =	ssyncadd.s32 @!p0 $0xFFFFF000;
	s8 =	sshra.s32 @!p0 s0, $0x2  }
0x52: {  	s9 =	simm.s32 @!p0 $0x80;
	s10 =	simm.s32 @!p0 $0x7400;
	s8 =	sadd.s32 @!p0 $0x300, s8  }
0x53: {  	[tilespmem:s10], [sflag:$0x3] =	stream.indirect.gather @!p0 [spmem:s3], $0x20, s8, s9, $0xb8;
	[tilespmem:$0x13200] =	vst v63  }
0x54: {  	s10 =	sadd.s32 $0xFFFFFFFE, s20;
	_ =	swait.ge [sflag:s22], $0x1000  }
0x55: {  	p0 =	sge.u32 s10, s6;
	[sflag:s22] =	ssyncset.done $0x0  }
0x56: {  	s9 =	sadd.s32 $0x2C80, s5;
	s8 =	simm.s32 @!p0 $0x8;
	[sflag:s22] =	ssyncadd.s32 $0xFFFFF000  }
0x57: {  	[spmem:s2] =	stream.indirect.scatter.add.f32 [tilespmem:s18], [sflag:$0x6], $0x20, s9, s16, $0xb8;
	[tilespmem:$0x13200] =	vst v63  }
0x58: {  	_ =	swait.ge @!p0 [sflag:s8], $0x1000  }
0x59: {  	[sflag:s8] =	ssyncset.done @!p0 $0x0  }
0x5a: {  	[sflag:s8] =	ssyncadd.s32 @!p0 $0xFFFFF000;
	s8 =	sshra.s32 @!p0 s0, $0x2  }
0x5b: {  	s10 =	simm.s32 @!p0 $0x8400;
	s9 =	simm.s32 @!p0 $0x80;
	s8 =	sadd.s32 @!p0 $0x380, s8  }
0x5c: {  	[tilespmem:s10], [sflag:$0x4] =	stream.indirect.gather @!p0 [spmem:s3], $0x20, s8, s9, $0xb8;
	[tilespmem:$0x13200] =	vst v63  }
0x5d: {  	s10 =	sadd.s32 $0xFFFFFFFF, s20;
	_ =	swait.ge [sflag:s26], $0x1000  }
0x5e: {  	p0 =	sge.u32 s10, s6;
	[sflag:s26] =	ssyncset.done $0x0  }
0x5f: {  	s9 =	sadd.s32 $0x2D00, s5;
	s8 =	simm.s32 @!p0 $0x5;
	[sflag:s26] =	ssyncadd.s32 $0xFFFFF000  }
0x60: {  	[spmem:s2] =	stream.indirect.scatter.add.f32 [tilespmem:s21], [sflag:$0x7], $0x20, s9, s16, $0xb8;
	[tilespmem:$0x13200] =	vst v63  }
0x61: {  	_ =	swait.ge @!p0 [sflag:s8], $0x1000  }
0x62: {  	[sflag:s8] =	ssyncset.done @!p0 $0x0  }
0x63: {  	[sflag:s8] =	ssyncadd.s32 @!p0 $0xFFFFF000;
	s8 =	sshra.s32 @!p0 s0, $0x2  }
0x64: {  	s10 =	simm.s32 @!p0 $0x5400;
	s9 =	simm.s32 @!p0 $0x80;
	s8 =	sadd.s32 @!p0 $0x400, s8  }
0x65: {  	[tilespmem:s10], [sflag:$0x1] =	stream.indirect.gather @!p0 [spmem:s3], $0x20, s8, s9, $0xb8;
	[tilespmem:$0x13200] =	vst v63  }
0x66: {  	_ =	swait.ge [sflag:s31], $0x1000  }
0x67: {  	[sflag:s31] =	ssyncset.done $0x0  }
0x68: {  	s5 =	sadd.s32 $0x2D80, s5;
	p0 =	sge.u32 s20, s6;
	[sflag:s31] =	ssyncadd.s32 $0xFFFFF000  }
0x69: {  	[spmem:s2] =	stream.indirect.scatter.add.f32 [tilespmem:s25], [sflag:$0x8], $0x20, s5, s16, $0xb8;
	[tilespmem:$0x13200] =	vst v63  }
0x6a: {  	s5 =	simm.s32 @!p0 $0x6  }
0x6b: {  	s8 =	sshra.s32 @!p0 s0, $0x2;
	s9 =	simm.s32 @!p0 $0x6400;
	_ =	swait.ge @!p0 [sflag:s5], $0x1000  }
0x6c: {  	s0 =	sadd.s32 $0x800, s0;
	[sflag:s5] =	ssyncset.done @!p0 $0x0;
	s10 =	rddreg [dreg:$0x4]  }
0x6d: {  	[sflag:s5] =	ssyncadd.s32 @!p0 $0xFFFFF000;
	s5 =	sadd.s32 @!p0 $0x480, s8;
	s8 =	simm.s32 @!p0 $0x80  }
0x6e: {  	[tilespmem:s9], [sflag:$0x2] =	stream.indirect.gather @!p0 [spmem:s3], $0x20, s5, s8, $0xb8;
	[tilespmem:$0x13200] =	vst v63  }
0x6f: {  	p0 =	sne.s32 s10, s0  }
.Ltmp0:
0x70: {  	_ = 	snop;
	(pc) =	sbr.rel @p0 .LBB2_2-.Ltmp0, $2  }
0x71: {  	_ =	sdelay $0x2  }
0x72: {  	s20 =	sadd.s32 $0x4, s20  }
0x73: {  	_ =	swait.ge [sflag:s19], $0x1000  }
0x74: {  	s5 =	sshra.s32 s0, $0x2;
	s10 =	sadd.s32 $0xFFFFFFFD, s20;
	[sflag:s19] =	ssyncset.done $0x0  }
0x75: {  	s8 =	sadd.s32 $0x2C00, s5;
	p0 =	sge.u32 s10, s6;
	[sflag:s19] =	ssyncadd.s32 $0xFFFFF000  }
0x76: {  	[spmem:s2] =	stream.indirect.scatter.add.f32 [tilespmem:s17], [sflag:$0x5], $0x20, s8, s16, $0xb8;
	[tilespmem:$0x13200] =	vst v63  }
0x77: {  	s8 =	simm.s32 @!p0 $0x7  }
0x78: {  	_ =	swait.ge @!p0 [sflag:s8], $0x1000  }
0x79: {  	[sflag:s8] =	ssyncset.done @!p0 $0x0  }
0x7a: {  	[sflag:s8] =	ssyncadd.s32 @!p0 $0xFFFFF000;
	s8 =	sshra.s32 @!p0 s0, $0x2  }
0x7b: {  	s9 =	simm.s32 @!p0 $0x80;
	s10 =	simm.s32 @!p0 $0x7400;
	s8 =	sadd.s32 @!p0 $0x300, s8  }
0x7c: {  	[tilespmem:s10], [sflag:$0x3] =	stream.indirect.gather @!p0 [spmem:s3], $0x20, s8, s9, $0xb8;
	[tilespmem:$0x13200] =	vst v63  }
0x7d: {  	s10 =	sadd.s32 $0xFFFFFFFE, s20;
	_ =	swait.ge [sflag:s22], $0x1000  }
0x7e: {  	p0 =	sge.u32 s10, s6;
	[sflag:s22] =	ssyncset.done $0x0  }
0x7f: {  	s9 =	sadd.s32 $0x2C80, s5;
	s8 =	simm.s32 @!p0 $0x8;
	[sflag:s22] =	ssyncadd.s32 $0xFFFFF000  }
0x80: {  	[spmem:s2] =	stream.indirect.scatter.add.f32 [tilespmem:s18], [sflag:$0x6], $0x20, s9, s16, $0xb8;
	[tilespmem:$0x13200] =	vst v63  }
0x81: {  	_ =	swait.ge @!p0 [sflag:s8], $0x1000  }
0x82: {  	[sflag:s8] =	ssyncset.done @!p0 $0x0  }
0x83: {  	[sflag:s8] =	ssyncadd.s32 @!p0 $0xFFFFF000;
	s8 =	sshra.s32 @!p0 s0, $0x2  }
0x84: {  	s10 =	simm.s32 @!p0 $0x8400;
	s9 =	simm.s32 @!p0 $0x80;
	s8 =	sadd.s32 @!p0 $0x380, s8  }
0x85: {  	[tilespmem:s10], [sflag:$0x4] =	stream.indirect.gather @!p0 [spmem:s3], $0x20, s8, s9, $0xb8;
	[tilespmem:$0x13200] =	vst v63  }
0x86: {  	s10 =	sadd.s32 $0xFFFFFFFF, s20;
	_ =	swait.ge [sflag:s26], $0x1000  }
0x87: {  	p0 =	sge.u32 s10, s6;
	[sflag:s26] =	ssyncset.done $0x0  }
0x88: {  	s9 =	sadd.s32 $0x2D00, s5;
	s8 =	simm.s32 @!p0 $0x5;
	[sflag:s26] =	ssyncadd.s32 $0xFFFFF000  }
0x89: {  	[spmem:s2] =	stream.indirect.scatter.add.f32 [tilespmem:s21], [sflag:$0x7], $0x20, s9, s16, $0xb8;
	[tilespmem:$0x13200] =	vst v63  }
0x8a: {  	_ =	swait.ge @!p0 [sflag:s8], $0x1000  }
0x8b: {  	[sflag:s8] =	ssyncset.done @!p0 $0x0  }
0x8c: {  	[sflag:s8] =	ssyncadd.s32 @!p0 $0xFFFFF000;
	s8 =	sshra.s32 @!p0 s0, $0x2  }
0x8d: {  	s10 =	simm.s32 @!p0 $0x5400;
	s9 =	simm.s32 @!p0 $0x80;
	s8 =	sadd.s32 @!p0 $0x400, s8  }
0x8e: {  	[tilespmem:s10], [sflag:$0x1] =	stream.indirect.gather @!p0 [spmem:s3], $0x20, s8, s9, $0xb8;
	[tilespmem:$0x13200] =	vst v63  }
0x8f: {  	_ =	swait.ge [sflag:s31], $0x1000  }
0x90: {  	[sflag:s31] =	ssyncset.done $0x0  }
0x91: {  	s5 =	sadd.s32 $0x2D80, s5;
	p0 =	sge.u32 s20, s6;
	[sflag:s31] =	ssyncadd.s32 $0xFFFFF000  }
0x92: {  	[spmem:s2] =	stream.indirect.scatter.add.f32 [tilespmem:s25], [sflag:$0x8], $0x20, s5, s16, $0xb8;
	[tilespmem:$0x13200] =	vst v63  }
0x93: {  	s5 =	simm.s32 @!p0 $0x6  }
0x94: {  	_ =	swait.ge @!p0 [sflag:s5], $0x1000  }
0x95: {  	s0 =	sshra.s32 @!p0 s0, $0x2;
	s8 =	simm.s32 @!p0 $0x6400;
	[sflag:s5] =	ssyncset.done @!p0 $0x0  }
0x96: {  	s0 =	sadd.s32 @!p0 $0x480, s0;
	[sflag:s5] =	ssyncadd.s32 @!p0 $0xFFFFF000;
	s5 =	simm.s32 @!p0 $0x80  }
0x97: {  	[tilespmem:s8], [sflag:$0x2] =	stream.indirect.gather @!p0 [spmem:s3], $0x20, s0, s5, $0xb8;
	[tilespmem:$0x13200] =	vst v63  }
0x98: {  	_ =	swait.ge [sflag:s29], $0x1000  }
0x99: {  	[sflag:s29] =	ssyncset.done $0x0  }
0x9a: {  	[sflag:s29] =	ssyncadd.s32 $0xFFFFF000  }
0x9b: {  	_ =	swait.ge [sflag:s1], $0x1000  }
0x9c: {  	[sflag:s1] =	ssyncset.done $0x0  }
0x9d: {  	[sflag:s1] =	ssyncadd.s32 $0xFFFFF000  }
0x9e: {  	_ =	swait.ge [sflag:s23], $0x1000  }
0x9f: {  	[sflag:s23] =	ssyncset.done $0x0  }
0xa0: {  	[sflag:s23] =	ssyncadd.s32 $0xFFFFF000  }
0xa1: {  	_ =	swait.ge [sflag:s24], $0x1000  }
0xa2: {  	s30 =	sadd.s32 $0x1, s30;
	[sflag:s24] =	ssyncset.done $0x0  }
0xa3: {  	p0 =	sne.s32 s30, s12;
	[sflag:s24] =	ssyncadd.s32 $0xFFFFF000  }
.Ltmp1:
0xa4: {  	[bflag:$0x0] =	sbarrier.arrive $0xFFFF;
	(pc) =	sbr.rel @p0 .LBB2_1-.Ltmp1, $4  }
0xa5: {  	[hbm:s11], [sflag:s7] =	dma.local [spmem:s13], $0x9E0  }
0xa6: {  	_ =	swait.ge [sflag:s28], $0x9E0  }
0xa7: {  	[sflag:s28] =	ssyncset.done $0x0  }
0xa8: {  	[sflag:s28] =	ssyncadd.s32 $0xFFFFF620  }
0xa9: {  	_ =	sfence.sel $0x180000  }
0xaa: {  	[bflag:$0x0] =	sbarrier.arrive $0xFFFF  }
0xab: {  	_ =	strace $0x9000004A  }
0xac: {  	s0 =	stileid.u32;
	[bflag:$0x2] =	sbarrier.arrive $0xFFFF  }
0xad: {  	p0 =	sne.s32 s0, $0x0;
	s0 =	rddreg [dreg:$0x3]  }
0xae: {  	s0 =	sadd.s32 @!p0 $0x100000, s0  }
0xaf: {  	[sflag:s0] =	ssyncadd.tile.s32 @!p0 $0x1;
	_ =	shalt  }
.Lfunc_end2:
_tile_overlayer_lowered:
.L_overlay_start_2:
0xb0: {  	(tag) =	ssettag $0x2  }
0xb1: {  	s0 =	rddreg [dreg:$0x0];
	s2 =	stileid.u32  }
0xb2: {  	s1 =	rddreg [dreg:$0x1];
	p0 =	sne.s32 s2, $0x0  }
0xb3: {  	s3 =	rddreg [dreg:$0x2];
	[bflag:$0x3] =	sbarrier.arrive $0xFFFF;
	s2 =	simm.s32 @!p0 $0x1C09  }
0xb4: {  	[timem:s3], [sflag:s2] =	dma.local @!p0 [hbm:s0], s1  }
0xb5: {  	s0 =	simm.s32 @!p0 $0x9  }
0xb6: {  	_ =	swait.ge @!p0 [sflag:s0], s1  }
0xb7: {  	s1 =	ssub.s32 @!p0 $0x0, s1;
	[sflag:s0] =	ssyncset.done @!p0 $0x0  }
0xb8: {  	[sflag:s0] =	ssyncadd.s32 @!p0 s1  }
0xb9: {  	[bflag:$0x3] =	sbarrier.arrive $0xFFFF  }
0xba: {  	_ =	shalt  }

// kernel: kernel.17.cloned.1.call-start
scs
__scs_entry_jumppad:
0x0: {  	(pc) =	sbr.rel $0x88, $3  }
0x1: {  	(tag) =	ssettag $0x0;
	lr =	simm.s32 $0x1  }
0x2: {  	[smem:$0x3F97] =	sst lr;
	_ =	strace $0xD0000000  }
0x3: {  	_ = 	snop  }
0x4: {  	_ = 	snop  }
0x5: {  	_ = 	snop  }
0x6: {  	_ = 	snop  }
0x7: {  	_ = 	snop  }
__scs_overlays_trampoline_lowered:
0x8: {  	[smem:$0x3FA6] =	sst s0  }
0x9: {  	[smem:$0x3FA7] =	sst s1  }
0xa: {  	[smem:$0x3FA8] =	sst s2  }
0xb: {  	[smem:$0x3FA9] =	sst s3  }
0xc: {  	[smem:$0x3FAA] =	sst s4  }
0xd: {  	[smem:$0x3FAB] =	sst s5  }
0xe: {  	[smem:$0x3FAC] =	sst s6  }
0xf: {  	[smem:$0x3FAD] =	sst s7  }
0x10: {  	[smem:$0x3FAE] =	sst s8  }
0x11: {  	[smem:$0x3FAF] =	sst s9;
	s0 =	simm.s32 @!p0 $0x0  }
0x12: {  	s1 =	sld [smem:$0x3F95];
	s0 =	simm.s32 @p0 $0x1  }
0x13: {  	[smem:$0x3FB0] =	sst s0;
	s0 =	simm.s32 @!p1 $0x0  }
0x14: {  	s2 =	sld [smem:$0x3F94];
	s0 =	simm.s32 @p1 $0x1  }
0x15: {  	[smem:$0x3FB1] =	sst s0;
	s0 =	simm.s32 @!p2 $0x0  }
0x16: {  	s3 =	sld [smem:$0x3FDB];
	s0 =	simm.s32 @p2 $0x1  }
0x17: {  	s4 =	simm.s32 $0x1BF5;
	[smem:$0x3FB3] =	sst s0  }
0x18: {  	s0 =	sld [smem:$0x3F96];
	_ =	swait.ge [sflag:s4], $0x0  }
0x19: {  	s7 =	sld [smem:$0x3F97]  }
0x1a: {  	s8 =	sadd.s32 $0xFFFFE003, lr  }
0x1b: {  	s9 =	sadd.s32 $0xFFFFFEF7, lr;
	s5 =	simm.s32 $0xFFFFFFFF;
	p2 =	slt.u32 s8, $0xFFFFF086  }
0x1c: {  	p1 =	slt.u32 s9, $0xF7A;
	s5 =	simm.s32 @!p2 $0x0  }
0x1d: {  	s5 =	simm.s32 @p1 $0x1;
	p0 =	seq.s32 s7, s2  }
0x1e: {  	s7 =	smul.u32 @!p0 $0xF7A, s2;
	p2 =	seq.s32 @!p0 s5, $0x0  }
0x1f: {  	s9 =	smul.u32 $0xF7A, s1;
	s8 =	simm.s32 @!p0 $0x1BF5;
	p2 =	por !p2, p0  }
0x20: {  	[sflag:s8] =	ssyncset.s32 @!p0 $0xFFFFF086;
	s6 =	sadd.s32 @!p0 s3, s7;
	s7 =	simm.s32 @!p0 $0x108  }
0x21: {  	s3 =	sadd.s32 s3, s9;
	s6 =	sadd.s32 @!p0 $0x88, s6;
	s7 =	simm.s32 @p2 $0x1082  }
0x22: {  	[simem:s7], [sflag:s8] =	dma.local @!p0 [hbm:s6], $0xF7A  }
0x23: {  	s9 =	sor.u32 $0xD0000000, s2;
	s6 =	simm.s32 $0x108;
	_ =	swait.ge @!p0 [sflag:s8], $0x0  }
0x24: {  	s3 =	sadd.s32 $0x88, s3;
	s6 =	simm.s32 @!p1 $0x1082;
	[sflag:s4] =	ssyncset.s32 $0xFFFFF086  }
0x25: {  	[simem:s6], [sflag:s4] =	dma.local [hbm:s3], $0xF7A  }
0x26: {  	[smem:$0x3F97] =	sst s1;
	(tag) =	ssettag s2;
	_ =	strace s9  }
0x27: {  	s1 =	sld [smem:$0x3FA7]  }
0x28: {  	s2 =	sld [smem:$0x3FA8]  }
0x29: {  	s4 =	sld [smem:$0x3FAA]  }
0x2a: {  	p0 =	seq.s32 s5, $0x0;
	s5 =	sld [smem:$0x3FAB]  }
0x2b: {  	s6 =	sld [smem:$0x3FAC]  }
0x2c: {  	s7 =	sld [smem:$0x3FAD]  }
0x2d: {  	s3 =	simm.s32 $0x108;
	s8 =	sld [smem:$0x3FAE]  }
0x2e: {  	s3 =	simm.s32 @!p0 $0x1082;
	s9 =	sld [smem:$0x3FAF]  }
0x2f: {  	lr =	sadd.s32 s0, s3;
	s0 =	sld [smem:$0x3FA6]  }
0x30: {  	s3 =	sld [smem:$0x3FA9]  }
0x31: {  	[smem:$0x3FB2] =	sst s10  }
0x32: {  	s10 =	sld [smem:$0x3FB0];
	_ =	sdelay $0x3  }
0x33: {  	p0 =	seq.s32 s10, $0x1;
	s10 =	sld [smem:$0x3FB2];
	_ =	sdelay $0x3  }
0x34: {  	[smem:$0x3FB2] =	sst s10  }
0x35: {  	s10 =	sld [smem:$0x3FB1];
	_ =	sdelay $0x3  }
0x36: {  	p1 =	seq.s32 s10, $0x1;
	s10 =	sld [smem:$0x3FB2];
	_ =	sdelay $0x3  }
0x37: {  	[smem:$0x3FB2] =	sst s10  }
0x38: {  	s10 =	sld [smem:$0x3FB3]  }
0x39: {  	_ = 	snop;
	(pc) =	sbr.ind lr, $3  }
0x3a: {  	_ = 	snop  }
0x3b: {  	_ = 	snop  }
0x3c: {  	p2 =	seq.s32 s10, $0x1;
	s10 =	sld [smem:$0x3FB2]  }
0x3d: {  	_ =	shalt  }
0x3e: {  	_ =	shalt  }
0x3f: {  	_ =	shalt  }
0x40: {  	_ =	shalt  }
0x41: {  	_ =	shalt  }
0x42: {  	_ =	shalt  }
0x43: {  	_ =	shalt  }
0x44: {  	_ =	shalt  }
0x45: {  	_ =	shalt  }
0x46: {  	_ =	shalt  }
0x47: {  	_ =	shalt  }
0x48: {  	_ =	shalt  }
0x49: {  	_ =	shalt  }
0x4a: {  	_ =	shalt  }
0x4b: {  	_ =	shalt  }
0x4c: {  	_ =	shalt  }
0x4d: {  	_ =	shalt  }
0x4e: {  	_ =	shalt  }
0x4f: {  	_ =	shalt  }
0x50: {  	_ =	shalt  }
0x51: {  	_ =	shalt  }
0x52: {  	_ =	shalt  }
0x53: {  	_ =	shalt  }
0x54: {  	_ =	shalt  }
0x55: {  	_ =	shalt  }
0x56: {  	_ =	shalt  }
0x57: {  	_ =	shalt  }
0x58: {  	_ =	shalt  }
0x59: {  	_ =	shalt  }
0x5a: {  	_ =	shalt  }
0x5b: {  	_ =	shalt  }
0x5c: {  	_ =	shalt  }
0x5d: {  	_ =	shalt  }
0x5e: {  	_ =	shalt  }
0x5f: {  	_ =	shalt  }
0x60: {  	_ =	shalt  }
0x61: {  	_ =	shalt  }
0x62: {  	_ =	shalt  }
0x63: {  	_ =	shalt  }
0x64: {  	_ =	shalt  }
0x65: {  	_ =	shalt  }
0x66: {  	_ =	shalt  }
0x67: {  	_ =	shalt  }
0x68: {  	_ =	shalt  }
0x69: {  	_ =	shalt  }
0x6a: {  	_ =	shalt  }
0x6b: {  	_ =	shalt  }
0x6c: {  	_ =	shalt  }
0x6d: {  	_ =	shalt  }
0x6e: {  	_ =	shalt  }
0x6f: {  	_ =	shalt  }
0x70: {  	_ =	shalt  }
0x71: {  	_ =	shalt  }
0x72: {  	_ =	shalt  }
0x73: {  	_ =	shalt  }
0x74: {  	_ =	shalt  }
0x75: {  	_ =	shalt  }
0x76: {  	_ =	shalt  }
0x77: {  	_ =	shalt  }
0x78: {  	_ =	shalt  }
0x79: {  	_ =	shalt  }
0x7a: {  	_ =	shalt  }
0x7b: {  	_ =	shalt  }
0x7c: {  	_ =	shalt  }
0x7d: {  	_ =	shalt  }
0x7e: {  	_ =	shalt  }
0x7f: {  	_ =	shalt  }
0x80: {  	_ =	shalt  }
0x81: {  	_ =	shalt  }
0x82: {  	_ =	shalt  }
0x83: {  	_ =	shalt  }
0x84: {  	_ =	shalt  }
0x85: {  	_ =	shalt  }
0x86: {  	_ =	shalt  }
0x87: {  	_ =	shalt  }
.Lfunc_end0:
.L_simem_size_0:
called_computation.2_lowered:
.L_overlay_start_0:
0x88: {  	s2 =	sld [smem:$0x3FD9]  }
0x89: {  	s3 =	sld [smem:$0x3FFE];
	_ =	sdelay $0x1  }
0x8a: {  	s1 =	srdreg.scid  }
0x8b: {  	s0 =	sand.u32 $0x1, s1  }
0x8c: {  	s16 =	sshll.u32 s0, $0xA;
	s2 =	sadd.s32 s3, s2  }
0x8d: {  	s2 =	sadd.s32 s2, s16  }
0x8e: {  	[smem:$0x3FBE] =	sst s2  }
0x8f: {  	_ = 	snop  }
0x90: {  	(tm) =	ssettm $0x1  }
0x91: {  	s17 =	sld [smem:$0x3FFB];
	_ =	sdelay $0x3  }
0x92: {  	_ =	strace s17  }
0x93: {  	s2 =	sld [smem:$0x3FFC];
	_ =	sdelay $0x3  }
0x94: {  	_ =	strace s2  }
0x95: {  	s2 =	sld [smem:$0x3FFD];
	_ =	sdelay $0x3  }
0x96: {  	_ =	strace s2  }
0x97: {  	_ =	strace $0x8FFFFFFF  }
0x98: {  	s18 =	sld [smem:$0x3FDB];
	_ =	sdelay $0x1  }
0x99: {  	s19 =	simm.s32 $_scs_section_size  }
0x9a: {  	s4 =	simm.s32 $_size__tile_overlayer_lowered;
	s5 =	simm.s32 $_tile_overlayer_lowered  }
0x9b: {  	s22 =	simm.s32 $0x1BFF;
	s21 =	sshll.u32 s5, $0x1;
	s2 =	sadd.s32 s19, s18  }
0x9c: {  	s6 =	simm.s32 $0x0;
	s20 =	sshll.u32 s4, $0x1;
	s4 =	sadd.s32 s21, s2  }
0x9d: {  	[timem:s6], [sflag:s22] =	dma.local [hbm:s4], s20  }
0x9e: {  	_ =	swait.ge [sflag:s22], s20  }
0x9f: {  	s3 =	ssub.s32 $0x0, s20;
	[sflag:s22] =	ssyncset.done $0x0  }
0xa0: {  	[sflag:s22] =	ssyncadd.s32 s3;
	_ =	sdelay $0x1  }
0xa1: {  	s23 =	simm.s32 $0x1B8B  }
0xa2: {  	_ =	swait.ge [sflag:s23], $0x1  }
0xa3: {  	[sflag:s23] =	ssyncset.done $0x0  }
0xa4: {  	s25 =	simm.s32 $0x1B8E;
	s24 =	sld [smem:$0x3FFE];
	[sflag:s23] =	ssyncadd.s32 $0xFFFFFFFF  }
0xa5: {  	s26 =	simm.s32 $execute0_lowered;
	[smem:$0x3FD2] =	sst s25  }
0xa6: {  	s4 =	sshll.u32 s26, $0x1;
	_ =	strace $0x8000004C;
	[dreg:$0x1] =	wrdreg $0xFFFFFFFF  }
0xa7: {  	s28 =	simm.s32 $_size_execute0_lowered;
	s2 =	sadd.s32 s2, s4;
	[dreg:$0x0] =	wrdreg $0x0  }
0xa8: {  	s4 =	sshll.u32 s28, $0x1;
	[dreg:$0x2] =	wrdreg s2  }
0xa9: {  	[dreg:$0x3] =	wrdreg s4  }
0xaa: {  	[dreg:$0x4] =	wrdreg $0xC0  }
0xab: {  	_ =	task [dreg:s6], $0x5FFFF  }
0xac: {  	[dreg:$0x1] =	wrdreg $0xFFFFFFFF  }
0xad: {  	[dreg:$0x0] =	wrdreg $0x60  }
0xae: {  	[dreg:$0x2] =	wrdreg s24  }
0xaf: {  	[dreg:$0x3] =	wrdreg $0x94000  }
0xb0: {  	[dreg:$0x4] =	wrdreg $0xE3000  }
0xb1: {  	[dreg:$0x5] =	wrdreg $0x9  }
0xb2: {  	_ =	task.clear_ibuf [dreg:s6], $0x6FFFF;
	_ =	strace $0x9000004C  }
0xb3: {  	s29 =	simm.s32 $0x9;
	_ =	strace $0x8000004E  }
0xb4: {  	_ =	swait.ge [sflag:s29], $0x1  }
0xb5: {  	[sflag:s29] =	ssyncadd.s32 $0xFFFFFFFF  }
0xb6: {  	_ =	strace $0x9000004E  }
0xb7: {  	_ =	sfence  }
0xb8: {  	s30 =	sld [smem:$0x0];
	_ =	sdelay $0x2  }
0xb9: {  	s31 =	sshll.u32 s1, $0xD;
	s1 =	sshrl.u32 s1, $0x2  }
0xba: {  	s3 =	sand.u32 $0x4000, s31;
	s1 =	sadd.s32 s1, s30  }
0xbb: {  	s0 =	sor.u32 s3, s0;
	s1 =	sshll.u32 s1, $0x11  }
0xbc: {  	s0 =	sor.u32 s1, s0  }
0xbd: {  	s0 =	sadd.s32 $0x8F2B, s0  }
0xbe: {  	[sflag:s0] =	ssyncadd.remote.s32 $0x1  }
0xbf: {  	_ =	sfence.sel $0xFFFF  }
0xc0: {  	[dreg:$0x0] =	wrdreg $0xFFFFFFFF;
	(pc) =	sbr.abs _section_cstart, $3  }
0xc1: {  	[dreg:$0x1] =	wrdreg $0xFFFFFFFF  }
0xc2: {  	_ =	task.clear_ibuf [dreg:s6], $0x2FFFF;
	_ =	strace $0x9FFFFFFF  }
0xc3: {  	(tm) =	ssettm $0x7FFFFFFF  }
tec
execute0_lowered:
.L_overlay_start_1:
0x0: {  	(tag) =	ssettag $0x1  }
0x1: {  	s0 =	rddreg [dreg:$0x0]  }
0x2: {  	s2 =	rddreg [dreg:$0x1]  }
0x3: {  	s3 =	rddreg [dreg:$0x2]  }
0x4: {  	s11 =	stileid.u32;
	s4 =	simm.s32 $0x0;
	s1 =	srdreg.scid  }
0x5: {  	s15 =	simm.s32 $0x2A00;
	s16 =	simm.s32 $0x80;
	s17 =	simm.s32 $0x5400  }
0x6: {  	s18 =	simm.s32 $0x6400;
	s29 =	simm.s32 $0x5;
	s31 =	simm.s32 $0x4  }
0x7: {  	s28 =	simm.s32 $0x9;
	s30 =	simm.s32 $0x0;
	s5 =	smul.u32 $0x4C, s11  }
0x8: {  	[smem:$0x7FF] =	sst s4;
	s1 =	sand.u32 $0x1, s1;
	s6 =	smul.u32 $0x54, s11  }
0x9: {  	s8 =	smul.u32 $0x4F00, s11;
	s20 =	sadd.s32 $0x20A00, s0;
	s22 =	sshll.u32 s11, $0x6  }
0xa: {  	p0 =	seq.s32 s1, $0x0;
	s19 =	smul.u32 $0x4F000, s1;
	_ =	strace $0x8000004D  }
0xb: {  	[dreg:$0x5] =	wrdreg s20;
	s1 =	ssub.s32 $0x2, s1;
	s5 =	sadd.s32 $0x540, s5  }
0xc: {  	s7 =	sshrl.u32 s8, $0x3;
	s21 =	sshrl.u32 s1, $0x1;
	s13 =	sadd.s32 s8, s2  }
0xd: {  	s14 =	sadd.s32 s8, s3;
	s5 =	smov.u32 @p0 s6;
	s9 =	sadd.s32 s7, s0  }
0xe: {  	s6 =	sadd.s32 s8, s19;
	s1 =	ssub.s32 s1, s21;
	s7 =	sor.u32 $0x1C09, s22  }
0xf: {  	s13 =	sshrl.u32 s13, $0x3;
	s14 =	sshrl.u32 s14, $0x3;
	s19 =	simm.s32 $0x1  }
0x10: {  	s21 =	simm.s32 $0x7400;
	s22 =	simm.s32 $0x2;
	s5 =	sshll.u32 s5, $0x4  }
0x11: {  	s6 =	sshrl.u32 s6, $0x3;
	s23 =	sadd.s32 $0x16C00, s9;
	s10 =	sadd.s32 s5, s0  }
0x12: {  	s0 =	sadd.s32 s6, s0;
	s6 =	simm.s32 $0x54;
	[dreg:$0x6] =	wrdreg s23  }
0x13: {  	s23 =	simm.s32 $0x7;
	s6 =	simm.s32 @!p0 $0x4C;
	s24 =	sadd.s32 $0x2800, s10  }
0x14: {  	s25 =	sadd.s32 $0xCA00, s10;
	s11 =	sadd.s32 $0x21400, s0;
	[dreg:$0x7] =	wrdreg s24  }
0x15: {  	s12 =	sshll.u32 s6, $0x9;
	[dreg:$0x8] =	wrdreg s25;
	s25 =	simm.s32 $0x8400  }
0x16: {  	s24 =	simm.s32 $0x8;
	s26 =	sadd.s32 $0xFFFFF000, s12;
	s12 =	smax.u32 s1, $0x1  }
0x17: {  	s1 =	simm.s32 $0x6;
	[dreg:$0x4] =	wrdreg s26;
	s26 =	simm.s32 $0x3  }
.LBB2_1:
0x18: {  	s0 =	rddreg [dreg:$0x5]  }
0x19: {  	[spmem:s13], [sflag:s7] =	dma.local [hbm:s0], $0x9E0  }
0x1a: {  	_ =	swait.ge [sflag:s28], $0x9E0  }
0x1b: {  	[sflag:s28] =	ssyncset.done $0x0  }
0x1c: {  	s5 =	rddreg [dreg:$0x6];
	[sflag:s28] =	ssyncadd.s32 $0xFFFFF620  }
0x1d: {  	[spmem:s14], [sflag:s7] =	dma.local [hbm:s5], $0x9E0  }
0x1e: {  	_ =	swait.ge [sflag:s28], $0x9E0  }
0x1f: {  	[sflag:s28] =	ssyncset.done $0x0  }
0x20: {  	s8 =	rddreg [dreg:$0x7];
	[sflag:s28] =	ssyncadd.s32 $0xFFFFF620  }
0x21: {  	[tilespmem:s4], [sflag:$0x9] =	stream.linear.gather [hbm4b:s8+s4], $0x2A00, $0x38;
	[tilespmem:$0x13200] =	vst v63  }
0x22: {  	_ =	swait.ge [sflag:s28], $0x2A00  }
0x23: {  	[sflag:s28] =	ssyncset.done $0x0  }
0x24: {  	s9 =	rddreg [dreg:$0x8];
	[sflag:s28] =	ssyncadd.s32 $0xFFFFD600  }
0x25: {  	[tilespmem:s15], [sflag:$0x9] =	stream.linear.gather [hbm4b:s9+s4], $0x2A00, $0x38;
	[tilespmem:$0x13200] =	vst v63  }
0x26: {  	_ =	swait.ge [sflag:s28], $0x2A00  }
0x27: {  	[sflag:s28] =	ssyncset.done $0x0  }
0x28: {  	[sflag:s28] =	ssyncadd.s32 $0xFFFFD600  }
0x29: {  	[bflag:$0x0] =	sbarrier.arrive $0xFFFF  }
0x2a: {  	[tilespmem:s17], [sflag:$0x1] =	stream.indirect.gather [spmem:s3], $0x20, s4, s16, $0xb8;
	[tilespmem:$0x13200] =	vst v63  }
0x2b: {  	_ = 	snop  }
0x2c: {  	[tilespmem:s18], [sflag:$0x2] =	stream.indirect.gather [spmem:s3], $0x20, s16, s16, $0xb8;
	[tilespmem:$0x13200] =	vst v63  }
0x2d: {  	_ =	swait.ge [sflag:s19], $0x1000  }
0x2e: {  	[sflag:s19] =	ssyncset.done $0x0  }
0x2f: {  	[sflag:s19] =	ssyncadd.s32 $0xFFFFF000  }
0x30: {  	[spmem:s2] =	stream.indirect.scatter.add.f32 [tilespmem:s17], [sflag:$0x5], $0x20, s15, s16, $0xb8;
	[tilespmem:$0x13200] =	vst v63  }
0x31: {  	s10 =	simm.s32 $0x100  }
0x32: {  	[tilespmem:s21], [sflag:$0x3] =	stream.indirect.gather [spmem:s3], $0x20, s10, s16, $0xb8;
	[tilespmem:$0x13200] =	vst v63  }
0x33: {  	_ =	swait.ge [sflag:s22], $0x1000  }
0x34: {  	[sflag:s22] =	ssyncset.done $0x0  }
0x35: {  	s20 =	simm.s32 $0x2A80;
	[sflag:s22] =	ssyncadd.s32 $0xFFFFF000  }
0x36: {  	[spmem:s2] =	stream.indirect.scatter.add.f32 [tilespmem:s18], [sflag:$0x6], $0x20, s20, s16, $0xb8;
	[tilespmem:$0x13200] =	vst v63  }
0x37: {  	s5 =	simm.s32 $0x180  }
0x38: {  	[tilespmem:s25], [sflag:$0x4] =	stream.indirect.gather [spmem:s3], $0x20, s5, s16, $0xb8;
	[tilespmem:$0x13200] =	vst v63  }
0x39: {  	_ =	swait.ge [sflag:s26], $0x1000  }
0x3a: {  	[sflag:s26] =	ssyncset.done $0x0  }
0x3b: {  	s8 =	simm.s32 $0x2B00;
	[sflag:s26] =	ssyncadd.s32 $0xFFFFF000  }
0x3c: {  	[spmem:s2] =	stream.indirect.scatter.add.f32 [tilespmem:s21], [sflag:$0x7], $0x20, s8, s16, $0xb8;
	[tilespmem:$0x13200] =	vst v63  }
0x3d: {  	_ =	swait.ge [sflag:s29], $0x1000  }
0x3e: {  	[sflag:s29] =	ssyncset.done $0x0  }
0x3f: {  	s9 =	simm.s32 $0x200;
	[sflag:s29] =	ssyncadd.s32 $0xFFFFF000  }
0x40: {  	[tilespmem:s17], [sflag:$0x1] =	stream.indirect.gather [spmem:s3], $0x20, s9, s16, $0xb8;
	[tilespmem:$0x13200] =	vst v63  }
0x41: {  	_ =	swait.ge [sflag:s31], $0x1000  }
0x42: {  	[sflag:s31] =	ssyncset.done $0x0  }
0x43: {  	s10 =	simm.s32 $0x2B80;
	[sflag:s31] =	ssyncadd.s32 $0xFFFFF000  }
0x44: {  	[spmem:s2] =	stream.indirect.scatter.add.f32 [tilespmem:s25], [sflag:$0x8], $0x20, s10, s16, $0xb8;
	[tilespmem:$0x13200] =	vst v63  }
0x45: {  	_ =	swait.ge [sflag:s1], $0x1000  }
0x46: {  	[sflag:s1] =	ssyncset.done $0x0  }
0x47: {  	s20 =	simm.s32 $0x280;
	[sflag:s1] =	ssyncadd.s32 $0xFFFFF000  }
0x48: {  	[tilespmem:s18], [sflag:$0x2] =	stream.indirect.gather [spmem:s3], $0x20, s20, s16, $0xb8;
	[tilespmem:$0x13200] =	vst v63  }
0x49: {  	s0 =	simm.s32 $0x0;
	s20 =	simm.s32 $0x9  }
.LBB2_2:
0x4a: {  	_ =	swait.ge [sflag:s19], $0x1000  }
0x4b: {  	s5 =	sshra.s32 s0, $0x2;
	s10 =	sadd.s32 $0xFFFFFFFD, s20;
	[sflag:s19] =	ssyncset.done $0x0  }
0x4c: {  	s8 =	sadd.s32 $0x2C00, s5;
	p0 =	sge.u32 s10, s6;
	[sflag:s19] =	ssyncadd.s32 $0xFFFFF000  }
0x4d: {  	[spmem:s2] =	stream.indirect.scatter.add.f32 [tilespmem:s17], [sflag:$0x5], $0x20, s8, s16, $0xb8;
	[tilespmem:$0x13200] =	vst v63  }
0x4e: {  	s8 =	simm.s32 @!p0 $0x7  }
0x4f: {  	_ =	swait.ge @!p0 [sflag:s8], $0x1000  }
0x50: {  	[sflag:s8] =	ssyncset.done @!p0 $0x0  }
0x51: {  	[sflag:s8] =	ssyncadd.s32 @!p0 $0xFFFFF000;
	s8 =	sshra.s32 @!p0 s0, $0x2  }
0x52: {  	s9 =	simm.s32 @!p0 $0x80;
	s10 =	simm.s32 @!p0 $0x7400;
	s8 =	sadd.s32 @!p0 $0x300, s8  }
0x53: {  	[tilespmem:s10], [sflag:$0x3] =	stream.indirect.gather @!p0 [spmem:s3], $0x20, s8, s9, $0xb8;
	[tilespmem:$0x13200] =	vst v63  }
0x54: {  	s10 =	sadd.s32 $0xFFFFFFFE, s20;
	_ =	swait.ge [sflag:s22], $0x1000  }
0x55: {  	p0 =	sge.u32 s10, s6;
	[sflag:s22] =	ssyncset.done $0x0  }
0x56: {  	s9 =	sadd.s32 $0x2C80, s5;
	s8 =	simm.s32 @!p0 $0x8;
	[sflag:s22] =	ssyncadd.s32 $0xFFFFF000  }
0x57: {  	[spmem:s2] =	stream.indirect.scatter.add.f32 [tilespmem:s18], [sflag:$0x6], $0x20, s9, s16, $0xb8;
	[tilespmem:$0x13200] =	vst v63  }
0x58: {  	_ =	swait.ge @!p0 [sflag:s8], $0x1000  }
0x59: {  	[sflag:s8] =	ssyncset.done @!p0 $0x0  }
0x5a: {  	[sflag:s8] =	ssyncadd.s32 @!p0 $0xFFFFF000;
	s8 =	sshra.s32 @!p0 s0, $0x2  }
0x5b: {  	s10 =	simm.s32 @!p0 $0x8400;
	s9 =	simm.s32 @!p0 $0x80;
	s8 =	sadd.s32 @!p0 $0x380, s8  }
0x5c: {  	[tilespmem:s10], [sflag:$0x4] =	stream.indirect.gather @!p0 [spmem:s3], $0x20, s8, s9, $0xb8;
	[tilespmem:$0x13200] =	vst v63  }
0x5d: {  	s10 =	sadd.s32 $0xFFFFFFFF, s20;
	_ =	swait.ge [sflag:s26], $0x1000  }
0x5e: {  	p0 =	sge.u32 s10, s6;
	[sflag:s26] =	ssyncset.done $0x0  }
0x5f: {  	s9 =	sadd.s32 $0x2D00, s5;
	s8 =	simm.s32 @!p0 $0x5;
	[sflag:s26] =	ssyncadd.s32 $0xFFFFF000  }
0x60: {  	[spmem:s2] =	stream.indirect.scatter.add.f32 [tilespmem:s21], [sflag:$0x7], $0x20, s9, s16, $0xb8;
	[tilespmem:$0x13200] =	vst v63  }
0x61: {  	_ =	swait.ge @!p0 [sflag:s8], $0x1000  }
0x62: {  	[sflag:s8] =	ssyncset.done @!p0 $0x0  }
0x63: {  	[sflag:s8] =	ssyncadd.s32 @!p0 $0xFFFFF000;
	s8 =	sshra.s32 @!p0 s0, $0x2  }
0x64: {  	s10 =	simm.s32 @!p0 $0x5400;
	s9 =	simm.s32 @!p0 $0x80;
	s8 =	sadd.s32 @!p0 $0x400, s8  }
0x65: {  	[tilespmem:s10], [sflag:$0x1] =	stream.indirect.gather @!p0 [spmem:s3], $0x20, s8, s9, $0xb8;
	[tilespmem:$0x13200] =	vst v63  }
0x66: {  	_ =	swait.ge [sflag:s31], $0x1000  }
0x67: {  	[sflag:s31] =	ssyncset.done $0x0  }
0x68: {  	s5 =	sadd.s32 $0x2D80, s5;
	p0 =	sge.u32 s20, s6;
	[sflag:s31] =	ssyncadd.s32 $0xFFFFF000  }
0x69: {  	[spmem:s2] =	stream.indirect.scatter.add.f32 [tilespmem:s25], [sflag:$0x8], $0x20, s5, s16, $0xb8;
	[tilespmem:$0x13200] =	vst v63  }
0x6a: {  	s5 =	simm.s32 @!p0 $0x6  }
0x6b: {  	s8 =	sshra.s32 @!p0 s0, $0x2;
	s9 =	simm.s32 @!p0 $0x6400;
	_ =	swait.ge @!p0 [sflag:s5], $0x1000  }
0x6c: {  	s0 =	sadd.s32 $0x800, s0;
	[sflag:s5] =	ssyncset.done @!p0 $0x0;
	s10 =	rddreg [dreg:$0x4]  }
0x6d: {  	[sflag:s5] =	ssyncadd.s32 @!p0 $0xFFFFF000;
	s5 =	sadd.s32 @!p0 $0x480, s8;
	s8 =	simm.s32 @!p0 $0x80  }
0x6e: {  	[tilespmem:s9], [sflag:$0x2] =	stream.indirect.gather @!p0 [spmem:s3], $0x20, s5, s8, $0xb8;
	[tilespmem:$0x13200] =	vst v63  }
0x6f: {  	p0 =	sne.s32 s10, s0  }
.Ltmp0:
0x70: {  	_ = 	snop;
	(pc) =	sbr.rel @p0 .LBB2_2-.Ltmp0, $2  }
0x71: {  	_ =	sdelay $0x2  }
0x72: {  	s20 =	sadd.s32 $0x4, s20  }
0x73: {  	_ =	swait.ge [sflag:s19], $0x1000  }
0x74: {  	s5 =	sshra.s32 s0, $0x2;
	s10 =	sadd.s32 $0xFFFFFFFD, s20;
	[sflag:s19] =	ssyncset.done $0x0  }
0x75: {  	s8 =	sadd.s32 $0x2C00, s5;
	p0 =	sge.u32 s10, s6;
	[sflag:s19] =	ssyncadd.s32 $0xFFFFF000  }
0x76: {  	[spmem:s2] =	stream.indirect.scatter.add.f32 [tilespmem:s17], [sflag:$0x5], $0x20, s8, s16, $0xb8;
	[tilespmem:$0x13200] =	vst v63  }
0x77: {  	s8 =	simm.s32 @!p0 $0x7  }
0x78: {  	_ =	swait.ge @!p0 [sflag:s8], $0x1000  }
0x79: {  	[sflag:s8] =	ssyncset.done @!p0 $0x0  }
0x7a: {  	[sflag:s8] =	ssyncadd.s32 @!p0 $0xFFFFF000;
	s8 =	sshra.s32 @!p0 s0, $0x2  }
0x7b: {  	s9 =	simm.s32 @!p0 $0x80;
	s10 =	simm.s32 @!p0 $0x7400;
	s8 =	sadd.s32 @!p0 $0x300, s8  }
0x7c: {  	[tilespmem:s10], [sflag:$0x3] =	stream.indirect.gather @!p0 [spmem:s3], $0x20, s8, s9, $0xb8;
	[tilespmem:$0x13200] =	vst v63  }
0x7d: {  	s10 =	sadd.s32 $0xFFFFFFFE, s20;
	_ =	swait.ge [sflag:s22], $0x1000  }
0x7e: {  	p0 =	sge.u32 s10, s6;
	[sflag:s22] =	ssyncset.done $0x0  }
0x7f: {  	s9 =	sadd.s32 $0x2C80, s5;
	s8 =	simm.s32 @!p0 $0x8;
	[sflag:s22] =	ssyncadd.s32 $0xFFFFF000  }
0x80: {  	[spmem:s2] =	stream.indirect.scatter.add.f32 [tilespmem:s18], [sflag:$0x6], $0x20, s9, s16, $0xb8;
	[tilespmem:$0x13200] =	vst v63  }
0x81: {  	_ =	swait.ge @!p0 [sflag:s8], $0x1000  }
0x82: {  	[sflag:s8] =	ssyncset.done @!p0 $0x0  }
0x83: {  	[sflag:s8] =	ssyncadd.s32 @!p0 $0xFFFFF000;
	s8 =	sshra.s32 @!p0 s0, $0x2  }
0x84: {  	s10 =	simm.s32 @!p0 $0x8400;
	s9 =	simm.s32 @!p0 $0x80;
	s8 =	sadd.s32 @!p0 $0x380, s8  }
0x85: {  	[tilespmem:s10], [sflag:$0x4] =	stream.indirect.gather @!p0 [spmem:s3], $0x20, s8, s9, $0xb8;
	[tilespmem:$0x13200] =	vst v63  }
0x86: {  	s10 =	sadd.s32 $0xFFFFFFFF, s20;
	_ =	swait.ge [sflag:s26], $0x1000  }
0x87: {  	p0 =	sge.u32 s10, s6;
	[sflag:s26] =	ssyncset.done $0x0  }
0x88: {  	s9 =	sadd.s32 $0x2D00, s5;
	s8 =	simm.s32 @!p0 $0x5;
	[sflag:s26] =	ssyncadd.s32 $0xFFFFF000  }
0x89: {  	[spmem:s2] =	stream.indirect.scatter.add.f32 [tilespmem:s21], [sflag:$0x7], $0x20, s9, s16, $0xb8;
	[tilespmem:$0x13200] =	vst v63  }
0x8a: {  	_ =	swait.ge @!p0 [sflag:s8], $0x1000  }
0x8b: {  	[sflag:s8] =	ssyncset.done @!p0 $0x0  }
0x8c: {  	[sflag:s8] =	ssyncadd.s32 @!p0 $0xFFFFF000;
	s8 =	sshra.s32 @!p0 s0, $0x2  }
0x8d: {  	s10 =	simm.s32 @!p0 $0x5400;
	s9 =	simm.s32 @!p0 $0x80;
	s8 =	sadd.s32 @!p0 $0x400, s8  }
0x8e: {  	[tilespmem:s10], [sflag:$0x1] =	stream.indirect.gather @!p0 [spmem:s3], $0x20, s8, s9, $0xb8;
	[tilespmem:$0x13200] =	vst v63  }
0x8f: {  	_ =	swait.ge [sflag:s31], $0x1000  }
0x90: {  	[sflag:s31] =	ssyncset.done $0x0  }
0x91: {  	s5 =	sadd.s32 $0x2D80, s5;
	p0 =	sge.u32 s20, s6;
	[sflag:s31] =	ssyncadd.s32 $0xFFFFF000  }
0x92: {  	[spmem:s2] =	stream.indirect.scatter.add.f32 [tilespmem:s25], [sflag:$0x8], $0x20, s5, s16, $0xb8;
	[tilespmem:$0x13200] =	vst v63  }
0x93: {  	s5 =	simm.s32 @!p0 $0x6  }
0x94: {  	_ =	swait.ge @!p0 [sflag:s5], $0x1000  }
0x95: {  	s0 =	sshra.s32 @!p0 s0, $0x2;
	s8 =	simm.s32 @!p0 $0x6400;
	[sflag:s5] =	ssyncset.done @!p0 $0x0  }
0x96: {  	s0 =	sadd.s32 @!p0 $0x480, s0;
	[sflag:s5] =	ssyncadd.s32 @!p0 $0xFFFFF000;
	s5 =	simm.s32 @!p0 $0x80  }
0x97: {  	[tilespmem:s8], [sflag:$0x2] =	stream.indirect.gather @!p0 [spmem:s3], $0x20, s0, s5, $0xb8;
	[tilespmem:$0x13200] =	vst v63  }
0x98: {  	_ =	swait.ge [sflag:s29], $0x1000  }
0x99: {  	[sflag:s29] =	ssyncset.done $0x0  }
0x9a: {  	[sflag:s29] =	ssyncadd.s32 $0xFFFFF000  }
0x9b: {  	_ =	swait.ge [sflag:s1], $0x1000  }
0x9c: {  	[sflag:s1] =	ssyncset.done $0x0  }
0x9d: {  	[sflag:s1] =	ssyncadd.s32 $0xFFFFF000  }
0x9e: {  	_ =	swait.ge [sflag:s23], $0x1000  }
0x9f: {  	[sflag:s23] =	ssyncset.done $0x0  }
0xa0: {  	[sflag:s23] =	ssyncadd.s32 $0xFFFFF000  }
0xa1: {  	_ =	swait.ge [sflag:s24], $0x1000  }
0xa2: {  	s30 =	sadd.s32 $0x1, s30;
	[sflag:s24] =	ssyncset.done $0x0  }
0xa3: {  	p0 =	sne.s32 s30, s12;
	[sflag:s24] =	ssyncadd.s32 $0xFFFFF000  }
.Ltmp1:
0xa4: {  	[bflag:$0x0] =	sbarrier.arrive $0xFFFF;
	(pc) =	sbr.rel @p0 .LBB2_1-.Ltmp1, $4  }
0xa5: {  	[hbm:s11], [sflag:s7] =	dma.local [spmem:s13], $0x9E0  }
0xa6: {  	_ =	swait.ge [sflag:s28], $0x9E0  }
0xa7: {  	[sflag:s28] =	ssyncset.done $0x0  }
0xa8: {  	[sflag:s28] =	ssyncadd.s32 $0xFFFFF620  }
0xa9: {  	_ =	sfence.sel $0x180000  }
0xaa: {  	[bflag:$0x0] =	sbarrier.arrive $0xFFFF  }
0xab: {  	_ =	strace $0x9000004D  }
0xac: {  	s0 =	stileid.u32;
	[bflag:$0x2] =	sbarrier.arrive $0xFFFF  }
0xad: {  	p0 =	sne.s32 s0, $0x0;
	s0 =	rddreg [dreg:$0x3]  }
0xae: {  	s0 =	sadd.s32 @!p0 $0x100000, s0  }
0xaf: {  	[sflag:s0] =	ssyncadd.tile.s32 @!p0 $0x1;
	_ =	shalt  }
.Lfunc_end2:
_tile_overlayer_lowered:
.L_overlay_start_2:
0xb0: {  	(tag) =	ssettag $0x2  }
0xb1: {  	s0 =	rddreg [dreg:$0x0];
	s2 =	stileid.u32  }
0xb2: {  	s1 =	rddreg [dreg:$0x1];
	p0 =	sne.s32 s2, $0x0  }
0xb3: {  	s3 =	rddreg [dreg:$0x2];
	[bflag:$0x3] =	sbarrier.arrive $0xFFFF;
	s2 =	simm.s32 @!p0 $0x1C09  }
0xb4: {  	[timem:s3], [sflag:s2] =	dma.local @!p0 [hbm:s0], s1  }
0xb5: {  	s0 =	simm.s32 @!p0 $0x9  }
0xb6: {  	_ =	swait.ge @!p0 [sflag:s0], s1  }
0xb7: {  	s1 =	ssub.s32 @!p0 $0x0, s1;
	[sflag:s0] =	ssyncset.done @!p0 $0x0  }
0xb8: {  	[sflag:s0] =	ssyncadd.s32 @!p0 s1  }
0xb9: {  	[bflag:$0x3] =	sbarrier.arrive $0xFFFF  }
0xba: {  	_ =	shalt  }

// kernel: kernel.20.cloned.1.call-start
scs
__scs_entry_jumppad:
0x0: {  	(pc) =	sbr.rel $0x88, $3  }
0x1: {  	(tag) =	ssettag $0x0;
	lr =	simm.s32 $0x1  }
0x2: {  	[smem:$0x3F97] =	sst lr;
	_ =	strace $0xD0000000  }
0x3: {  	_ = 	snop  }
0x4: {  	_ = 	snop  }
0x5: {  	_ = 	snop  }
0x6: {  	_ = 	snop  }
0x7: {  	_ = 	snop  }
__scs_overlays_trampoline_lowered:
0x8: {  	[smem:$0x3FA6] =	sst s0  }
0x9: {  	[smem:$0x3FA7] =	sst s1  }
0xa: {  	[smem:$0x3FA8] =	sst s2  }
0xb: {  	[smem:$0x3FA9] =	sst s3  }
0xc: {  	[smem:$0x3FAA] =	sst s4  }
0xd: {  	[smem:$0x3FAB] =	sst s5  }
0xe: {  	[smem:$0x3FAC] =	sst s6  }
0xf: {  	[smem:$0x3FAD] =	sst s7  }
0x10: {  	[smem:$0x3FAE] =	sst s8  }
0x11: {  	[smem:$0x3FAF] =	sst s9;
	s0 =	simm.s32 @!p0 $0x0  }
0x12: {  	s1 =	sld [smem:$0x3F95];
	s0 =	simm.s32 @p0 $0x1  }
0x13: {  	[smem:$0x3FB0] =	sst s0;
	s0 =	simm.s32 @!p1 $0x0  }
0x14: {  	s2 =	sld [smem:$0x3F94];
	s0 =	simm.s32 @p1 $0x1  }
0x15: {  	[smem:$0x3FB1] =	sst s0;
	s0 =	simm.s32 @!p2 $0x0  }
0x16: {  	s3 =	sld [smem:$0x3FDB];
	s0 =	simm.s32 @p2 $0x1  }
0x17: {  	s4 =	simm.s32 $0x1BF5;
	[smem:$0x3FB3] =	sst s0  }
0x18: {  	s0 =	sld [smem:$0x3F96];
	_ =	swait.ge [sflag:s4], $0x0  }
0x19: {  	s7 =	sld [smem:$0x3F97]  }
0x1a: {  	s8 =	sadd.s32 $0xFFFFE003, lr  }
0x1b: {  	s9 =	sadd.s32 $0xFFFFFEF7, lr;
	s5 =	simm.s32 $0xFFFFFFFF;
	p2 =	slt.u32 s8, $0xFFFFF086  }
0x1c: {  	p1 =	slt.u32 s9, $0xF7A;
	s5 =	simm.s32 @!p2 $0x0  }
0x1d: {  	s5 =	simm.s32 @p1 $0x1;
	p0 =	seq.s32 s7, s2  }
0x1e: {  	s7 =	smul.u32 @!p0 $0xF7A, s2;
	p2 =	seq.s32 @!p0 s5, $0x0  }
0x1f: {  	s9 =	smul.u32 $0xF7A, s1;
	s8 =	simm.s32 @!p0 $0x1BF5;
	p2 =	por !p2, p0  }
0x20: {  	[sflag:s8] =	ssyncset.s32 @!p0 $0xFFFFF086;
	s6 =	sadd.s32 @!p0 s3, s7;
	s7 =	simm.s32 @!p0 $0x108  }
0x21: {  	s3 =	sadd.s32 s3, s9;
	s6 =	sadd.s32 @!p0 $0x88, s6;
	s7 =	simm.s32 @p2 $0x1082  }
0x22: {  	[simem:s7], [sflag:s8] =	dma.local @!p0 [hbm:s6], $0xF7A  }
0x23: {  	s9 =	sor.u32 $0xD0000000, s2;
	s6 =	simm.s32 $0x108;
	_ =	swait.ge @!p0 [sflag:s8], $0x0  }
0x24: {  	s3 =	sadd.s32 $0x88, s3;
	s6 =	simm.s32 @!p1 $0x1082;
	[sflag:s4] =	ssyncset.s32 $0xFFFFF086  }
0x25: {  	[simem:s6], [sflag:s4] =	dma.local [hbm:s3], $0xF7A  }
0x26: {  	[smem:$0x3F97] =	sst s1;
	(tag) =	ssettag s2;
	_ =	strace s9  }
0x27: {  	s1 =	sld [smem:$0x3FA7]  }
0x28: {  	s2 =	sld [smem:$0x3FA8]  }
0x29: {  	s4 =	sld [smem:$0x3FAA]  }
0x2a: {  	p0 =	seq.s32 s5, $0x0;
	s5 =	sld [smem:$0x3FAB]  }
0x2b: {  	s6 =	sld [smem:$0x3FAC]  }
0x2c: {  	s7 =	sld [smem:$0x3FAD]  }
0x2d: {  	s3 =	simm.s32 $0x108;
	s8 =	sld [smem:$0x3FAE]  }
0x2e: {  	s3 =	simm.s32 @!p0 $0x1082;
	s9 =	sld [smem:$0x3FAF]  }
0x2f: {  	lr =	sadd.s32 s0, s3;
	s0 =	sld [smem:$0x3FA6]  }
0x30: {  	s3 =	sld [smem:$0x3FA9]  }
0x31: {  	[smem:$0x3FB2] =	sst s10  }
0x32: {  	s10 =	sld [smem:$0x3FB0];
	_ =	sdelay $0x3  }
0x33: {  	p0 =	seq.s32 s10, $0x1;
	s10 =	sld [smem:$0x3FB2];
	_ =	sdelay $0x3  }
0x34: {  	[smem:$0x3FB2] =	sst s10  }
0x35: {  	s10 =	sld [smem:$0x3FB1];
	_ =	sdelay $0x3  }
0x36: {  	p1 =	seq.s32 s10, $0x1;
	s10 =	sld [smem:$0x3FB2];
	_ =	sdelay $0x3  }
0x37: {  	[smem:$0x3FB2] =	sst s10  }
0x38: {  	s10 =	sld [smem:$0x3FB3]  }
0x39: {  	_ = 	snop;
	(pc) =	sbr.ind lr, $3  }
0x3a: {  	_ = 	snop  }
0x3b: {  	_ = 	snop  }
0x3c: {  	p2 =	seq.s32 s10, $0x1;
	s10 =	sld [smem:$0x3FB2]  }
0x3d: {  	_ =	shalt  }
0x3e: {  	_ =	shalt  }
0x3f: {  	_ =	shalt  }
0x40: {  	_ =	shalt  }
0x41: {  	_ =	shalt  }
0x42: {  	_ =	shalt  }
0x43: {  	_ =	shalt  }
0x44: {  	_ =	shalt  }
0x45: {  	_ =	shalt  }
0x46: {  	_ =	shalt  }
0x47: {  	_ =	shalt  }
0x48: {  	_ =	shalt  }
0x49: {  	_ =	shalt  }
0x4a: {  	_ =	shalt  }
0x4b: {  	_ =	shalt  }
0x4c: {  	_ =	shalt  }
0x4d: {  	_ =	shalt  }
0x4e: {  	_ =	shalt  }
0x4f: {  	_ =	shalt  }
0x50: {  	_ =	shalt  }
0x51: {  	_ =	shalt  }
0x52: {  	_ =	shalt  }
0x53: {  	_ =	shalt  }
0x54: {  	_ =	shalt  }
0x55: {  	_ =	shalt  }
0x56: {  	_ =	shalt  }
0x57: {  	_ =	shalt  }
0x58: {  	_ =	shalt  }
0x59: {  	_ =	shalt  }
0x5a: {  	_ =	shalt  }
0x5b: {  	_ =	shalt  }
0x5c: {  	_ =	shalt  }
0x5d: {  	_ =	shalt  }
0x5e: {  	_ =	shalt  }
0x5f: {  	_ =	shalt  }
0x60: {  	_ =	shalt  }
0x61: {  	_ =	shalt  }
0x62: {  	_ =	shalt  }
0x63: {  	_ =	shalt  }
0x64: {  	_ =	shalt  }
0x65: {  	_ =	shalt  }
0x66: {  	_ =	shalt  }
0x67: {  	_ =	shalt  }
0x68: {  	_ =	shalt  }
0x69: {  	_ =	shalt  }
0x6a: {  	_ =	shalt  }
0x6b: {  	_ =	shalt  }
0x6c: {  	_ =	shalt  }
0x6d: {  	_ =	shalt  }
0x6e: {  	_ =	shalt  }
0x6f: {  	_ =	shalt  }
0x70: {  	_ =	shalt  }
0x71: {  	_ =	shalt  }
0x72: {  	_ =	shalt  }
0x73: {  	_ =	shalt  }
0x74: {  	_ =	shalt  }
0x75: {  	_ =	shalt  }
0x76: {  	_ =	shalt  }
0x77: {  	_ =	shalt  }
0x78: {  	_ =	shalt  }
0x79: {  	_ =	shalt  }
0x7a: {  	_ =	shalt  }
0x7b: {  	_ =	shalt  }
0x7c: {  	_ =	shalt  }
0x7d: {  	_ =	shalt  }
0x7e: {  	_ =	shalt  }
0x7f: {  	_ =	shalt  }
0x80: {  	_ =	shalt  }
0x81: {  	_ =	shalt  }
0x82: {  	_ =	shalt  }
0x83: {  	_ =	shalt  }
0x84: {  	_ =	shalt  }
0x85: {  	_ =	shalt  }
0x86: {  	_ =	shalt  }
0x87: {  	_ =	shalt  }
.Lfunc_end0:
.L_simem_size_0:
called_computation.3_lowered:
.L_overlay_start_0:
0x88: {  	s2 =	sld [smem:$0x3FD9]  }
0x89: {  	s3 =	sld [smem:$0x3FFE];
	_ =	sdelay $0x1  }
0x8a: {  	s1 =	srdreg.scid  }
0x8b: {  	s0 =	sand.u32 $0x1, s1  }
0x8c: {  	s14 =	sshll.u32 s0, $0xA;
	s2 =	sadd.s32 s3, s2  }
0x8d: {  	s2 =	sadd.s32 s2, s14  }
0x8e: {  	[smem:$0x3FBE] =	sst s2  }
0x8f: {  	_ = 	snop  }
0x90: {  	s2 =	sld [smem:$0x3FD0];
	_ =	sdelay $0x2  }
0x91: {  	s15 =	simm.s32 $0xA;
	s4 =	simm.s32 $0x10  }
0x92: {  	[smem:s4], [sflag:s15] =	dma.local [hbm:s2], $0x1  }
0x93: {  	_ =	swait.eq [sflag:s15], $0x1  }
0x94: {  	[sflag:s15] =	ssyncset.done $0x0  }
0x95: {  	[sflag:s15] =	ssyncadd.s32 $0xFFFFFFFF  }
0x96: {  	s16 =	sld [smem:$0x11];
	(tm) =	ssettm $0x1  }
0x97: {  	s17 =	sld [smem:$0x3FFB];
	_ =	sdelay $0x3  }
0x98: {  	_ =	strace s17  }
0x99: {  	s3 =	sld [smem:$0x3FFC];
	_ =	sdelay $0x3  }
0x9a: {  	_ =	strace s3  }
0x9b: {  	s3 =	sld [smem:$0x3FFD];
	_ =	sdelay $0x3  }
0x9c: {  	_ =	strace s3  }
0x9d: {  	_ =	strace $0x8FFFFFFF  }
0x9e: {  	s18 =	sld [smem:$0x3FDB];
	_ =	sdelay $0x1  }
0x9f: {  	s19 =	simm.s32 $_scs_section_size  }
0xa0: {  	s5 =	simm.s32 $_size__tile_overlayer_lowered;
	s6 =	simm.s32 $_tile_overlayer_lowered  }
0xa1: {  	s22 =	simm.s32 $0x1BFF;
	s21 =	sshll.u32 s6, $0x1;
	s3 =	sadd.s32 s19, s18  }
0xa2: {  	s7 =	simm.s32 $0x0;
	s20 =	sshll.u32 s5, $0x1;
	s5 =	sadd.s32 s21, s3  }
0xa3: {  	[timem:s7], [sflag:s22] =	dma.local [hbm:s5], s20  }
0xa4: {  	_ =	swait.ge [sflag:s22], s20  }
0xa5: {  	s4 =	ssub.s32 $0x0, s20;
	[sflag:s22] =	ssyncset.done $0x0  }
0xa6: {  	[sflag:s22] =	ssyncadd.s32 s4;
	_ =	sdelay $0x1  }
0xa7: {  	s23 =	simm.s32 $0x1B8B  }
0xa8: {  	_ =	swait.ge [sflag:s23], $0x1  }
0xa9: {  	[sflag:s23] =	ssyncset.done $0x0  }
0xaa: {  	s25 =	simm.s32 $0x1B8E;
	s24 =	sld [smem:$0x3FFE];
	[sflag:s23] =	ssyncadd.s32 $0xFFFFFFFF  }
0xab: {  	s26 =	simm.s32 $execute0_lowered;
	[smem:$0x3FD2] =	sst s25  }
0xac: {  	s5 =	sshll.u32 s26, $0x1;
	_ =	strace $0x8000004F;
	[dreg:$0x1] =	wrdreg $0xFFFFFFFF  }
0xad: {  	s28 =	simm.s32 $_size_execute0_lowered;
	s3 =	sadd.s32 s3, s5;
	[dreg:$0x0] =	wrdreg $0x0  }
0xae: {  	s5 =	sshll.u32 s28, $0x1;
	[dreg:$0x2] =	wrdreg s3  }
0xaf: {  	[dreg:$0x3] =	wrdreg s5  }
0xb0: {  	[dreg:$0x4] =	wrdreg $0xC0  }
0xb1: {  	_ =	task [dreg:s7], $0x5FFFF  }
0xb2: {  	[dreg:$0x1] =	wrdreg $0xFFFFFFFF  }
0xb3: {  	[dreg:$0x0] =	wrdreg $0x60  }
0xb4: {  	[dreg:$0x2] =	wrdreg s24  }
0xb5: {  	[dreg:$0x3] =	wrdreg s16  }
0xb6: {  	[dreg:$0x4] =	wrdreg $0x6C000  }
0xb7: {  	[dreg:$0x5] =	wrdreg $0x7FC00  }
0xb8: {  	[dreg:$0x6] =	wrdreg $0x9  }
0xb9: {  	_ =	task.clear_ibuf [dreg:s7], $0x7FFFF;
	_ =	strace $0x9000004F  }
0xba: {  	s29 =	simm.s32 $0x9;
	_ =	strace $0x80000051  }
0xbb: {  	_ =	swait.ge [sflag:s29], $0x1  }
0xbc: {  	[sflag:s29] =	ssyncadd.s32 $0xFFFFFFFF  }
0xbd: {  	_ =	strace $0x90000051  }
0xbe: {  	_ =	sfence  }
0xbf: {  	s30 =	sld [smem:$0x0];
	_ =	sdelay $0x2  }
0xc0: {  	s31 =	sshll.u32 s1, $0xD;
	s1 =	sshrl.u32 s1, $0x2  }
0xc1: {  	s3 =	sand.u32 $0x4000, s31;
	s1 =	sadd.s32 s1, s30  }
0xc2: {  	s0 =	sor.u32 s3, s0;
	s1 =	sshll.u32 s1, $0x11  }
0xc3: {  	s0 =	sor.u32 s1, s0  }
0xc4: {  	s0 =	sadd.s32 $0x8F2B, s0  }
0xc5: {  	[sflag:s0] =	ssyncadd.remote.s32 $0x1  }
0xc6: {  	_ =	sfence.sel $0xFFFF  }
0xc7: {  	[dreg:$0x0] =	wrdreg $0xFFFFFFFF;
	(pc) =	sbr.abs _section_cstart, $3  }
0xc8: {  	[dreg:$0x1] =	wrdreg $0xFFFFFFFF  }
0xc9: {  	_ =	task.clear_ibuf [dreg:s7], $0x2FFFF;
	_ =	strace $0x9FFFFFFF  }
0xca: {  	(tm) =	ssettm $0x7FFFFFFF  }
0xcb: {  	_ =	shalt  }
tec
execute0_lowered:
.L_overlay_start_1:
0x0: {  	(tag) =	ssettag $0x1  }
0x1: {  	s0 =	rddreg [dreg:$0x0]  }
0x2: {  	s3 =	rddreg [dreg:$0x2]  }
0x3: {  	s4 =	rddreg [dreg:$0x3];
	s11 =	stileid.u32  }
0x4: {  	s5 =	simm.s32 $0x0;
	s2 =	srdreg.scid;
	s15 =	simm.s32 $0x2E00  }
0x5: {  	s16 =	simm.s32 $0x80;
	s17 =	simm.s32 $0x5C00;
	s18 =	simm.s32 $0x6000  }
0x6: {  	s19 =	simm.s32 $0x1;
	s29 =	simm.s32 $0x5;
	s1 =	smul.u32 $0x13C0, s11  }
0x7: {  	s31 =	simm.s32 $0x4;
	s28 =	simm.s32 $0x0;
	s6 =	smul.u32 $0x44, s11  }
0x8: {  	[smem:$0x7FF] =	sst s5;
	s2 =	sand.u32 $0x1, s2;
	s7 =	smul.u32 $0x5C, s11  }
0x9: {  	s23 =	sshll.u32 s11, $0x6;
	p0 =	seq.s32 s2, $0x0;
	s8 =	smul.u32 $0x13C00, s2  }
0xa: {  	_ =	strace $0x80000050;
	s2 =	ssub.s32 $0x2, s2;
	s6 =	sadd.s32 $0x5C0, s6  }
0xb: {  	s9 =	sshrl.u32 s1, $0x3;
	s22 =	sshrl.u32 s2, $0x1;
	s13 =	sadd.s32 s1, s3  }
0xc: {  	s6 =	smov.u32 @p0 s7;
	s9 =	sadd.s32 s9, s0;
	s20 =	sadd.s32 s1, s8  }
0xd: {  	s2 =	ssub.s32 s2, s22;
	s7 =	sor.u32 $0x1C09, s23;
	s1 =	sadd.s32 s1, s4  }
0xe: {  	s13 =	sshrl.u32 s13, $0x3;
	s22 =	simm.s32 $0x2;
	s23 =	simm.s32 $0x8  }
0xf: {  	s6 =	sshll.u32 s6, $0x4;
	s21 =	sshrl.u32 s20, $0x3;
	s24 =	sadd.s32 $0x16C00, s9  }
0x10: {  	s14 =	sshrl.u32 s1, $0x3;
	s1 =	simm.s32 $0x6;
	s20 =	simm.s32 $0x7  }
0x11: {  	s10 =	sadd.s32 s6, s0;
	s0 =	sadd.s32 s21, s0;
	s6 =	simm.s32 $0x5C  }
0x12: {  	[dreg:$0x6] =	wrdreg s24;
	s21 =	simm.s32 $0x6400;
	s24 =	simm.s32 $0x9  }
0x13: {  	s6 =	simm.s32 @!p0 $0x44;
	s25 =	sadd.s32 $0x2800, s10;
	s26 =	sadd.s32 $0xCA00, s10  }
0x14: {  	s11 =	sadd.s32 $0x19400, s0;
	[dreg:$0x7] =	wrdreg s25;
	s12 =	sshll.u32 s6, $0x9  }
0x15: {  	[dreg:$0x8] =	wrdreg s26;
	s25 =	simm.s32 $0x6800;
	s30 =	sadd.s32 $0xFFFFF000, s12  }
0x16: {  	s26 =	simm.s32 $0x3;
	s12 =	smax.u32 s2, $0x1;
	[dreg:$0x5] =	wrdreg s30  }
.LBB2_1:
0x17: {  	s0 =	rddreg [dreg:$0x1]  }
0x18: {  	[spmem:s13], [sflag:s7] =	dma.local [hbm:s0], $0x278  }
0x19: {  	_ =	swait.ge [sflag:s24], $0x278  }
0x1a: {  	[sflag:s24] =	ssyncset.done $0x0  }
0x1b: {  	s9 =	rddreg [dreg:$0x6];
	[sflag:s24] =	ssyncadd.s32 $0xFFFFFD88  }
0x1c: {  	[spmem:s14], [sflag:s7] =	dma.local [hbm:s9], $0x278  }
0x1d: {  	_ =	swait.ge [sflag:s24], $0x278  }
0x1e: {  	[sflag:s24] =	ssyncset.done $0x0  }
0x1f: {  	s10 =	rddreg [dreg:$0x7];
	[sflag:s24] =	ssyncadd.s32 $0xFFFFFD88  }
0x20: {  	[tilespmem:s5], [sflag:$0x9] =	stream.linear.gather [hbm4b:s10+s5], $0x2E00, $0x38;
	[tilespmem:$0x9380] =	vst v63  }
0x21: {  	_ =	swait.ge [sflag:s24], $0x2E00  }
0x22: {  	[sflag:s24] =	ssyncset.done $0x0  }
0x23: {  	s2 =	rddreg [dreg:$0x8];
	[sflag:s24] =	ssyncadd.s32 $0xFFFFD200  }
0x24: {  	[tilespmem:s15], [sflag:$0x9] =	stream.linear.gather [hbm4b:s2+s5], $0x2E00, $0x38;
	[tilespmem:$0x9380] =	vst v63  }
0x25: {  	_ =	swait.ge [sflag:s24], $0x2E00  }
0x26: {  	[sflag:s24] =	ssyncset.done $0x0  }
0x27: {  	[sflag:s24] =	ssyncadd.s32 $0xFFFFD200  }
0x28: {  	[bflag:$0x0] =	sbarrier.arrive $0xFFFF  }
0x29: {  	[tilespmem:s17], [sflag:$0x1] =	stream.indirect.gather [spmem:s4], $0x8, s5, s16, $0xb8;
	[tilespmem:$0x9380] =	vst v63  }
0x2a: {  	_ = 	snop  }
0x2b: {  	[tilespmem:s18], [sflag:$0x2] =	stream.indirect.gather [spmem:s4], $0x8, s16, s16, $0xb8;
	[tilespmem:$0x9380] =	vst v63  }
0x2c: {  	_ =	swait.ge [sflag:s19], $0x400  }
0x2d: {  	[sflag:s19] =	ssyncset.done $0x0  }
0x2e: {  	[sflag:s19] =	ssyncadd.s32 $0xFFFFFC00  }
0x2f: {  	[spmem:s3] =	stream.indirect.scatter.add.f32 [tilespmem:s17], [sflag:$0x5], $0x8, s15, s16, $0xb8;
	[tilespmem:$0x9380] =	vst v63  }
0x30: {  	s8 =	simm.s32 $0x100  }
0x31: {  	[tilespmem:s21], [sflag:$0x3] =	stream.indirect.gather [spmem:s4], $0x8, s8, s16, $0xb8;
	[tilespmem:$0x9380] =	vst v63  }
0x32: {  	_ =	swait.ge [sflag:s22], $0x400  }
0x33: {  	[sflag:s22] =	ssyncset.done $0x0  }
0x34: {  	s9 =	simm.s32 $0x2E80;
	[sflag:s22] =	ssyncadd.s32 $0xFFFFFC00  }
0x35: {  	[spmem:s3] =	stream.indirect.scatter.add.f32 [tilespmem:s18], [sflag:$0x6], $0x8, s9, s16, $0xb8;
	[tilespmem:$0x9380] =	vst v63  }
0x36: {  	s10 =	simm.s32 $0x180  }
0x37: {  	[tilespmem:s25], [sflag:$0x4] =	stream.indirect.gather [spmem:s4], $0x8, s10, s16, $0xb8;
	[tilespmem:$0x9380] =	vst v63  }
0x38: {  	_ =	swait.ge [sflag:s26], $0x400  }
0x39: {  	[sflag:s26] =	ssyncset.done $0x0  }
0x3a: {  	s2 =	simm.s32 $0x2F00;
	[sflag:s26] =	ssyncadd.s32 $0xFFFFFC00  }
0x3b: {  	[spmem:s3] =	stream.indirect.scatter.add.f32 [tilespmem:s21], [sflag:$0x7], $0x8, s2, s16, $0xb8;
	[tilespmem:$0x9380] =	vst v63  }
0x3c: {  	_ =	swait.ge [sflag:s29], $0x400  }
0x3d: {  	[sflag:s29] =	ssyncset.done $0x0  }
0x3e: {  	s8 =	simm.s32 $0x200;
	[sflag:s29] =	ssyncadd.s32 $0xFFFFFC00  }
0x3f: {  	[tilespmem:s17], [sflag:$0x1] =	stream.indirect.gather [spmem:s4], $0x8, s8, s16, $0xb8;
	[tilespmem:$0x9380] =	vst v63  }
0x40: {  	_ =	swait.ge [sflag:s31], $0x400  }
0x41: {  	[sflag:s31] =	ssyncset.done $0x0  }
0x42: {  	s9 =	simm.s32 $0x2F80;
	[sflag:s31] =	ssyncadd.s32 $0xFFFFFC00  }
0x43: {  	[spmem:s3] =	stream.indirect.scatter.add.f32 [tilespmem:s25], [sflag:$0x8], $0x8, s9, s16, $0xb8;
	[tilespmem:$0x9380] =	vst v63  }
0x44: {  	_ =	swait.ge [sflag:s1], $0x400  }
0x45: {  	s30 =	simm.s32 $0x0;
	[sflag:s1] =	ssyncset.done $0x0  }
0x46: {  	s0 =	simm.s32 $0x9;
	s10 =	simm.s32 $0x280;
	[sflag:s1] =	ssyncadd.s32 $0xFFFFFC00  }
0x47: {  	[tilespmem:s18], [sflag:$0x2] =	stream.indirect.gather [spmem:s4], $0x8, s10, s16, $0xb8;
	[tilespmem:$0x9380] =	vst v63  }
.LBB2_2:
0x48: {  	_ =	swait.ge [sflag:s19], $0x400  }
0x49: {  	s2 =	sshra.s32 s30, $0x2;
	s10 =	sadd.s32 $0xFFFFFFFD, s0;
	[sflag:s19] =	ssyncset.done $0x0  }
0x4a: {  	s8 =	sadd.s32 $0x3000, s2;
	p0 =	sge.u32 s10, s6;
	[sflag:s19] =	ssyncadd.s32 $0xFFFFFC00  }
0x4b: {  	[spmem:s3] =	stream.indirect.scatter.add.f32 [tilespmem:s17], [sflag:$0x5], $0x8, s8, s16, $0xb8;
	[tilespmem:$0x9380] =	vst v63  }
0x4c: {  	s8 =	simm.s32 @!p0 $0x7  }
0x4d: {  	_ =	swait.ge @!p0 [sflag:s8], $0x400  }
0x4e: {  	[sflag:s8] =	ssyncset.done @!p0 $0x0  }
0x4f: {  	[sflag:s8] =	ssyncadd.s32 @!p0 $0xFFFFFC00;
	s8 =	sshra.s32 @!p0 s30, $0x2  }
0x50: {  	s9 =	simm.s32 @!p0 $0x80;
	s10 =	simm.s32 @!p0 $0x6400;
	s8 =	sadd.s32 @!p0 $0x300, s8  }
0x51: {  	[tilespmem:s10], [sflag:$0x3] =	stream.indirect.gather @!p0 [spmem:s4], $0x8, s8, s9, $0xb8;
	[tilespmem:$0x9380] =	vst v63  }
0x52: {  	s10 =	sadd.s32 $0xFFFFFFFE, s0;
	_ =	swait.ge [sflag:s22], $0x400  }
0x53: {  	p0 =	sge.u32 s10, s6;
	[sflag:s22] =	ssyncset.done $0x0  }
0x54: {  	s9 =	sadd.s32 $0x3080, s2;
	s8 =	simm.s32 @!p0 $0x8;
	[sflag:s22] =	ssyncadd.s32 $0xFFFFFC00  }
0x55: {  	[spmem:s3] =	stream.indirect.scatter.add.f32 [tilespmem:s18], [sflag:$0x6], $0x8, s9, s16, $0xb8;
	[tilespmem:$0x9380] =	vst v63  }
0x56: {  	_ =	swait.ge @!p0 [sflag:s8], $0x400  }
0x57: {  	[sflag:s8] =	ssyncset.done @!p0 $0x0  }
0x58: {  	[sflag:s8] =	ssyncadd.s32 @!p0 $0xFFFFFC00;
	s8 =	sshra.s32 @!p0 s30, $0x2  }
0x59: {  	s10 =	simm.s32 @!p0 $0x6800;
	s9 =	simm.s32 @!p0 $0x80;
	s8 =	sadd.s32 @!p0 $0x380, s8  }
0x5a: {  	[tilespmem:s10], [sflag:$0x4] =	stream.indirect.gather @!p0 [spmem:s4], $0x8, s8, s9, $0xb8;
	[tilespmem:$0x9380] =	vst v63  }
0x5b: {  	s10 =	sadd.s32 $0xFFFFFFFF, s0;
	_ =	swait.ge [sflag:s26], $0x400  }
0x5c: {  	p0 =	sge.u32 s10, s6;
	[sflag:s26] =	ssyncset.done $0x0  }
0x5d: {  	s9 =	sadd.s32 $0x3100, s2;
	s8 =	simm.s32 @!p0 $0x5;
	[sflag:s26] =	ssyncadd.s32 $0xFFFFFC00  }
0x5e: {  	[spmem:s3] =	stream.indirect.scatter.add.f32 [tilespmem:s21], [sflag:$0x7], $0x8, s9, s16, $0xb8;
	[tilespmem:$0x9380] =	vst v63  }
0x5f: {  	_ =	swait.ge @!p0 [sflag:s8], $0x400  }
0x60: {  	[sflag:s8] =	ssyncset.done @!p0 $0x0  }
0x61: {  	[sflag:s8] =	ssyncadd.s32 @!p0 $0xFFFFFC00;
	s8 =	sshra.s32 @!p0 s30, $0x2  }
0x62: {  	s10 =	simm.s32 @!p0 $0x5C00;
	s9 =	simm.s32 @!p0 $0x80;
	s8 =	sadd.s32 @!p0 $0x400, s8  }
0x63: {  	[tilespmem:s10], [sflag:$0x1] =	stream.indirect.gather @!p0 [spmem:s4], $0x8, s8, s9, $0xb8;
	[tilespmem:$0x9380] =	vst v63  }
0x64: {  	_ =	swait.ge [sflag:s31], $0x400  }
0x65: {  	[sflag:s31] =	ssyncset.done $0x0  }
0x66: {  	s2 =	sadd.s32 $0x3180, s2;
	p0 =	sge.u32 s0, s6;
	[sflag:s31] =	ssyncadd.s32 $0xFFFFFC00  }
0x67: {  	[spmem:s3] =	stream.indirect.scatter.add.f32 [tilespmem:s25], [sflag:$0x8], $0x8, s2, s16, $0xb8;
	[tilespmem:$0x9380] =	vst v63  }
0x68: {  	s2 =	simm.s32 @!p0 $0x6  }
0x69: {  	s8 =	sshra.s32 @!p0 s30, $0x2;
	s9 =	simm.s32 @!p0 $0x6000;
	_ =	swait.ge @!p0 [sflag:s2], $0x400  }
0x6a: {  	s30 =	sadd.s32 $0x800, s30;
	[sflag:s2] =	ssyncset.done @!p0 $0x0;
	s10 =	rddreg [dreg:$0x5]  }
0x6b: {  	[sflag:s2] =	ssyncadd.s32 @!p0 $0xFFFFFC00;
	s2 =	sadd.s32 @!p0 $0x480, s8;
	s8 =	simm.s32 @!p0 $0x80  }
0x6c: {  	[tilespmem:s9], [sflag:$0x2] =	stream.indirect.gather @!p0 [spmem:s4], $0x8, s2, s8, $0xb8;
	[tilespmem:$0x9380] =	vst v63  }
0x6d: {  	p0 =	sne.s32 s10, s30  }
.Ltmp0:
0x6e: {  	_ = 	snop;
	(pc) =	sbr.rel @p0 .LBB2_2-.Ltmp0, $2  }
0x6f: {  	_ =	sdelay $0x2  }
0x70: {  	s0 =	sadd.s32 $0x4, s0  }
0x71: {  	_ =	swait.ge [sflag:s19], $0x400  }
0x72: {  	s2 =	sshra.s32 s30, $0x2;
	s10 =	sadd.s32 $0xFFFFFFFD, s0;
	[sflag:s19] =	ssyncset.done $0x0  }
0x73: {  	s8 =	sadd.s32 $0x3000, s2;
	p0 =	sge.u32 s10, s6;
	[sflag:s19] =	ssyncadd.s32 $0xFFFFFC00  }
0x74: {  	[spmem:s3] =	stream.indirect.scatter.add.f32 [tilespmem:s17], [sflag:$0x5], $0x8, s8, s16, $0xb8;
	[tilespmem:$0x9380] =	vst v63  }
0x75: {  	s8 =	simm.s32 @!p0 $0x7  }
0x76: {  	_ =	swait.ge @!p0 [sflag:s8], $0x400  }
0x77: {  	[sflag:s8] =	ssyncset.done @!p0 $0x0  }
0x78: {  	[sflag:s8] =	ssyncadd.s32 @!p0 $0xFFFFFC00;
	s8 =	sshra.s32 @!p0 s30, $0x2  }
0x79: {  	s9 =	simm.s32 @!p0 $0x80;
	s10 =	simm.s32 @!p0 $0x6400;
	s8 =	sadd.s32 @!p0 $0x300, s8  }
0x7a: {  	[tilespmem:s10], [sflag:$0x3] =	stream.indirect.gather @!p0 [spmem:s4], $0x8, s8, s9, $0xb8;
	[tilespmem:$0x9380] =	vst v63  }
0x7b: {  	s10 =	sadd.s32 $0xFFFFFFFE, s0;
	_ =	swait.ge [sflag:s22], $0x400  }
0x7c: {  	p0 =	sge.u32 s10, s6;
	[sflag:s22] =	ssyncset.done $0x0  }
0x7d: {  	s9 =	sadd.s32 $0x3080, s2;
	s8 =	simm.s32 @!p0 $0x8;
	[sflag:s22] =	ssyncadd.s32 $0xFFFFFC00  }
0x7e: {  	[spmem:s3] =	stream.indirect.scatter.add.f32 [tilespmem:s18], [sflag:$0x6], $0x8, s9, s16, $0xb8;
	[tilespmem:$0x9380] =	vst v63  }
0x7f: {  	_ =	swait.ge @!p0 [sflag:s8], $0x400  }
0x80: {  	[sflag:s8] =	ssyncset.done @!p0 $0x0  }
0x81: {  	[sflag:s8] =	ssyncadd.s32 @!p0 $0xFFFFFC00;
	s8 =	sshra.s32 @!p0 s30, $0x2  }
0x82: {  	s10 =	simm.s32 @!p0 $0x6800;
	s9 =	simm.s32 @!p0 $0x80;
	s8 =	sadd.s32 @!p0 $0x380, s8  }
0x83: {  	[tilespmem:s10], [sflag:$0x4] =	stream.indirect.gather @!p0 [spmem:s4], $0x8, s8, s9, $0xb8;
	[tilespmem:$0x9380] =	vst v63  }
0x84: {  	s10 =	sadd.s32 $0xFFFFFFFF, s0;
	_ =	swait.ge [sflag:s26], $0x400  }
0x85: {  	p0 =	sge.u32 s10, s6;
	[sflag:s26] =	ssyncset.done $0x0  }
0x86: {  	s9 =	sadd.s32 $0x3100, s2;
	s8 =	simm.s32 @!p0 $0x5;
	[sflag:s26] =	ssyncadd.s32 $0xFFFFFC00  }
0x87: {  	[spmem:s3] =	stream.indirect.scatter.add.f32 [tilespmem:s21], [sflag:$0x7], $0x8, s9, s16, $0xb8;
	[tilespmem:$0x9380] =	vst v63  }
0x88: {  	_ =	swait.ge @!p0 [sflag:s8], $0x400  }
0x89: {  	[sflag:s8] =	ssyncset.done @!p0 $0x0  }
0x8a: {  	[sflag:s8] =	ssyncadd.s32 @!p0 $0xFFFFFC00;
	s8 =	sshra.s32 @!p0 s30, $0x2  }
0x8b: {  	s10 =	simm.s32 @!p0 $0x5C00;
	s9 =	simm.s32 @!p0 $0x80;
	s8 =	sadd.s32 @!p0 $0x400, s8  }
0x8c: {  	[tilespmem:s10], [sflag:$0x1] =	stream.indirect.gather @!p0 [spmem:s4], $0x8, s8, s9, $0xb8;
	[tilespmem:$0x9380] =	vst v63  }
0x8d: {  	_ =	swait.ge [sflag:s31], $0x400  }
0x8e: {  	p0 =	sge.u32 s0, s6;
	[sflag:s31] =	ssyncset.done $0x0  }
0x8f: {  	s2 =	sadd.s32 $0x3180, s2;
	s0 =	simm.s32 @!p0 $0x6;
	[sflag:s31] =	ssyncadd.s32 $0xFFFFFC00  }
0x90: {  	[spmem:s3] =	stream.indirect.scatter.add.f32 [tilespmem:s25], [sflag:$0x8], $0x8, s2, s16, $0xb8;
	[tilespmem:$0x9380] =	vst v63  }
0x91: {  	_ =	swait.ge @!p0 [sflag:s0], $0x400  }
0x92: {  	[sflag:s0] =	ssyncset.done @!p0 $0x0  }
0x93: {  	[sflag:s0] =	ssyncadd.s32 @!p0 $0xFFFFFC00;
	s0 =	sshra.s32 @!p0 s30, $0x2  }
0x94: {  	s8 =	simm.s32 @!p0 $0x6000;
	s2 =	simm.s32 @!p0 $0x80;
	s0 =	sadd.s32 @!p0 $0x480, s0  }
0x95: {  	[tilespmem:s8], [sflag:$0x2] =	stream.indirect.gather @!p0 [spmem:s4], $0x8, s0, s2, $0xb8;
	[tilespmem:$0x9380] =	vst v63  }
0x96: {  	_ =	swait.ge [sflag:s29], $0x400  }
0x97: {  	[sflag:s29] =	ssyncset.done $0x0  }
0x98: {  	[sflag:s29] =	ssyncadd.s32 $0xFFFFFC00  }
0x99: {  	_ =	swait.ge [sflag:s1], $0x400  }
0x9a: {  	[sflag:s1] =	ssyncset.done $0x0  }
0x9b: {  	[sflag:s1] =	ssyncadd.s32 $0xFFFFFC00  }
0x9c: {  	_ =	swait.ge [sflag:s20], $0x400  }
0x9d: {  	[sflag:s20] =	ssyncset.done $0x0  }
0x9e: {  	[sflag:s20] =	ssyncadd.s32 $0xFFFFFC00  }
0x9f: {  	_ =	swait.ge [sflag:s23], $0x400  }
0xa0: {  	s28 =	sadd.s32 $0x1, s28;
	[sflag:s23] =	ssyncset.done $0x0  }
0xa1: {  	p0 =	sne.s32 s28, s12;
	[sflag:s23] =	ssyncadd.s32 $0xFFFFFC00  }
.Ltmp1:
0xa2: {  	[bflag:$0x0] =	sbarrier.arrive $0xFFFF;
	(pc) =	sbr.rel @p0 .LBB2_1-.Ltmp1, $4  }
0xa3: {  	[hbm:s11], [sflag:s7] =	dma.local [spmem:s13], $0x278  }
0xa4: {  	_ =	swait.ge [sflag:s24], $0x278  }
0xa5: {  	[sflag:s24] =	ssyncset.done $0x0  }
0xa6: {  	[sflag:s24] =	ssyncadd.s32 $0xFFFFFD88  }
0xa7: {  	_ =	sfence.sel $0x180000  }
0xa8: {  	[bflag:$0x0] =	sbarrier.arrive $0xFFFF  }
0xa9: {  	_ =	strace $0x90000050  }
0xaa: {  	s0 =	stileid.u32;
	[bflag:$0x2] =	sbarrier.arrive $0xFFFF  }
0xab: {  	p0 =	sne.s32 s0, $0x0;
	s0 =	rddreg [dreg:$0x4]  }
0xac: {  	s0 =	sadd.s32 @!p0 $0x100000, s0  }
0xad: {  	[sflag:s0] =	ssyncadd.tile.s32 @!p0 $0x1;
	_ =	shalt  }
.Lfunc_end2:
_tile_overlayer_lowered:
.L_overlay_start_2:
0xae: {  	(tag) =	ssettag $0x2  }
0xaf: {  	s0 =	rddreg [dreg:$0x0];
	s2 =	stileid.u32  }
0xb0: {  	s1 =	rddreg [dreg:$0x1];
	p0 =	sne.s32 s2, $0x0  }
0xb1: {  	s3 =	rddreg [dreg:$0x2];
	[bflag:$0x3] =	sbarrier.arrive $0xFFFF;
	s2 =	simm.s32 @!p0 $0x1C09  }
0xb2: {  	[timem:s3], [sflag:s2] =	dma.local @!p0 [hbm:s0], s1  }
0xb3: {  	s0 =	simm.s32 @!p0 $0x9  }
0xb4: {  	_ =	swait.ge @!p0 [sflag:s0], s1  }
0xb5: {  	s1 =	ssub.s32 @!p0 $0x0, s1;
	[sflag:s0] =	ssyncset.done @!p0 $0x0  }
0xb6: {  	[sflag:s0] =	ssyncadd.s32 @!p0 s1  }
0xb7: {  	[bflag:$0x3] =	sbarrier.arrive $0xFFFF  }
0xb8: {  	_ =	shalt  }

</sc_bundles>
